<compile_context>
chip_gen: v7x
topology: tpu7x:2x2x1
jax: 0.10.2.dev20260603
libtpu: 0.0.44.dev20260713+nightly
codegen_flags: <defaults>
</compile_context>

<pallas_src>
import functools

import jax
import jax.numpy as jnp
from jax import lax
from jax.experimental import pallas as pl
from jax.experimental.pallas import tpu as pltpu
from jax.experimental.pallas import tpu_sc as plsc

N_NODES = 100000
N_EDGES = 6400000

NC = 2
NS = 16
NW = NC * NS
EW = N_EDGES // NW
G = 80
CHUNK = 800
NG = CHUNK // G
NCHUNK = EW // CHUNK
NB = CHUNK // 16
PT = 6256
N_PAD = PT * NS
DRN = PT // 8


def _sc_scatter(dx, dy, dz, dst_idx, src_idx, zeros):
    mesh = plsc.VectorSubcoreMesh(core_axis_name="c", subcore_axis_name="s")

    @functools.partial(
        pl.kernel,
        out_type=jax.ShapeDtypeStruct((4 * N_PAD, 8), jnp.float32),
        mesh=mesh,
        compiler_params=pltpu.CompilerParams(use_tc_tiling_on_sc=False,
                                             needs_layout_passes=False),
        scratch_types=[
            [pltpu.VMEM((CHUNK,), jnp.float32)] * 3,
            [pltpu.VMEM((CHUNK,), jnp.float32)] * 3,
            [pltpu.VMEM((NG, G), jnp.int32)] * 2,
            [pltpu.VMEM((CHUNK, 8), jnp.float32)] * 2,
            pltpu.VMEM((DRN, 8), jnp.float32),
            pltpu.VMEM_SHARED((N_PAD, 8), jnp.float32),
            [pltpu.SemaphoreType.DMA] * 2,
            pltpu.SemaphoreType.DMA,
        ],
    )
    def k(dx_hbm, dy_hbm, dz_hbm, di_hbm, si_hbm, z_hbm, out_hbm,
          fb0, fb1, sbufs, dbufs, zbuf, acc, isems, ssem):
        cid = lax.axis_index("c")
        sid = lax.axis_index("s")
        wid = sid * NC + cid
        row0 = sid * PT
        base = wid * EW
        fbs = [fb0, fb1]
        planes = [dx_hbm, dy_hbm, dz_hbm]

        lanes = lax.iota(jnp.int32, 16)
        cols = [lanes * 0 + c for c in range(3)]

        def start_in(chunk, b, idx_hbm):
            off = base + chunk * CHUNK
            for c in range(3):
                pltpu.async_copy(planes[c].at[pl.ds(off, CHUNK)],
                                 fbs[b][c], isems[b])
            for j in range(NG):
                pltpu.async_copy(idx_hbm.at[pl.ds(off + j * G, G)],
                                 sbufs[b].at[j], isems[b])

        def wait_in(b):
            for c in range(3):
                pltpu.make_async_copy(planes[c].at[pl.ds(0, CHUNK)],
                                      fbs[b][c], isems[b]).wait()
            for j in range(NG):
                pltpu.make_async_copy(di_hbm.at[pl.ds(0, G)],
                                      sbufs[b].at[j], isems[b]).wait()

        pltpu.sync_copy(z_hbm, zbuf)
        for b in range(2):
            pltpu.sync_copy(z_hbm, dbufs[b].at[pl.ds(0, DRN)])
            pltpu.sync_copy(z_hbm, dbufs[b].at[pl.ds(CHUNK - DRN, DRN)])

        for p, idx_hbm in enumerate([di_hbm, si_hbm]):
            for j in range(PT // DRN):
                pltpu.sync_copy(zbuf, acc.at[pl.ds(row0 + j * DRN, DRN)])
            plsc.subcore_barrier()

            start_in(0, 0, idx_hbm)

            def pair(t, carry, idx_hbm=idx_hbm):
                for b in range(2):
                    chunk = 2 * t + b
                    wait_in(b)

                    @pl.when(chunk + 1 < NCHUNK)
                    def _():
                        start_in(chunk + 1, 1 - b, idx_hbm)

                    def repack(blk, c2):
                        eb = blk * 16
                        rows = lanes + eb
                        for c in range(3):
                            plsc.store_scatter(dbufs[b], [rows, cols[c]],
                                               fbs[b][c][pl.ds(eb, 16)])
                        return c2

                    lax.fori_loop(0, NB, repack, 0)

                    descs = [
                        pltpu.async_copy(dbufs[b].at[pl.ds(j * G, G)],
                                         acc.at[sbufs[b].at[j]], ssem,
                                         add=True)
                        for j in range(NG)
                    ]
                    for d in descs:
                        d.wait()
                return carry

            lax.fori_loop(0, NCHUNK // 2, pair, 0)
            plsc.subcore_barrier()

            for j in range(PT // DRN):
                r = row0 + j * DRN
                pltpu.sync_copy(acc.at[pl.ds(r, DRN)], zbuf)
                pltpu.sync_copy(
                    zbuf, out_hbm.at[pl.ds((2 * p + cid) * N_PAD + r, DRN)])
            plsc.subcore_barrier()
            pltpu.sync_copy(z_hbm, zbuf)

    return k(dx, dy, dz, dst_idx, src_idx, zeros)


def kernel(disp, atom_node, edge_index):
    del atom_node
    one = lax.optimization_barrier(jnp.ones((), jnp.float32))
    dx = disp[:, 0] * one
    dy = disp[:, 1] * one
    dz = disp[:, 2] * one
    idx = edge_index.astype(jnp.int32)
    si = idx[0]
    di = idx[1]
    zeros = jnp.zeros((DRN, 8), jnp.float32)
    out = _sc_scatter(dx, dy, dz, di, si, zeros).reshape(2, 2, N_PAD, 8)
    res = (out[0, 0] + out[0, 1]) - (out[1, 0] + out[1, 1])
    return res[:N_NODES, :3]

# --- scband reference (transcript-rebuilt; emitter-appended) ---
"""Pipeline reference for scband-gradient-force-output-8821862826155 (READ-ONLY COPY).

The authoritative reference and input builder live on the scoring server;
editing this copy changes nothing except your own understanding.
"""

import jax, jax.numpy as jnp
import numpy as np

N_NODES = 100000
N_EDGES = 6400000


def setup_inputs(seed: int = 0) -> dict:
    key = jax.random.key(seed)
    k1, k2, k3 = jax.random.split(key, 3)
    disp = jax.random.normal(k1, (N_EDGES, 3), dtype=jnp.float32)
    atom_node = jax.random.normal(k2, (N_NODES, 3), dtype=jnp.float32)
    edge_index = jax.random.randint(k3, (2, N_EDGES), 0, N_NODES, dtype=jnp.int64)
    return {"disp": disp, "atom_node": atom_node, "edge_index": edge_index}


def _energy_fn(disp):
    # Differentiable per-edge potential; energy is a scalar function of disp,
    # standing in for the upstream model's energy head (outputs.energy).
    r2 = jnp.sum(disp * disp, axis=-1)
    return jnp.sum(0.5 * r2)


def reference(disp, atom_node, edge_index):
    # force = -grad(energy, disp)  (per-edge forces, shape [E, 3])
    force = -jax.grad(_energy_fn)(disp)
    n = atom_node.shape[0]
    # scatter(force, edge_index[0], reduce='sum', dim_size=N) - scatter(force, edge_index[1], ...)
    f_src = jax.ops.segment_sum(force, edge_index[0], num_segments=n)
    f_dst = jax.ops.segment_sum(force, edge_index[1], num_segments=n)
    return f_src - f_dst

if __name__ == "__main__":
    import jax
    _d = setup_inputs()
    print(jax.jit(kernel)(*tuple(_d.values())))

</pallas_src>

<mosaic_0001>
#map = affine_map<(d0, d1) -> (0)>
#map1 = affine_map<(d0, d1) -> (0, 0)>
module attributes {stable_mosaic.version = 14 : i64} {
  func.func @k(%arg0: i32, %arg1: i32, %arg2: memref<6400000xf32, #tpu.memory_space<hbm>>, %arg3: memref<6400000xf32, #tpu.memory_space<hbm>>, %arg4: memref<6400000xf32, #tpu.memory_space<hbm>>, %arg5: memref<6400000xi32, #tpu.memory_space<hbm>>, %arg6: memref<6400000xi32, #tpu.memory_space<hbm>>, %arg7: memref<782x8xf32, #tpu.memory_space<hbm>>, %arg8: memref<400384x8xf32, #tpu.memory_space<hbm>>, %arg9: memref<800xf32, #tpu.memory_space<vmem>>, %arg10: memref<800xf32, #tpu.memory_space<vmem>>, %arg11: memref<800xf32, #tpu.memory_space<vmem>>, %arg12: memref<800xf32, #tpu.memory_space<vmem>>, %arg13: memref<800xf32, #tpu.memory_space<vmem>>, %arg14: memref<800xf32, #tpu.memory_space<vmem>>, %arg15: memref<10x80xi32, #tpu.memory_space<vmem>>, %arg16: memref<10x80xi32, #tpu.memory_space<vmem>>, %arg17: memref<800x8xf32, #tpu.memory_space<vmem>>, %arg18: memref<800x8xf32, #tpu.memory_space<vmem>>, %arg19: memref<782x8xf32, #tpu.memory_space<vmem>>, %arg20: memref<100096x8xf32, #tpu.memory_space<vmem_shared>>, %arg21: memref<!tpu.dma_semaphore, #tpu.memory_space<semaphore_mem>>, %arg22: memref<!tpu.dma_semaphore, #tpu.memory_space<semaphore_mem>>, %arg23: memref<!tpu.dma_semaphore, #tpu.memory_space<semaphore_mem>>) attributes {dimension_semantics = [#tpu.dimension_semantics<core_parallel>, #tpu.dimension_semantics<subcore_parallel>], iteration_bounds = array<i64: 2, 16>, scalar_prefetch = 0 : i64, scratch_operands = 15 : i64, tpu.core_type = #tpu.core_type<sc_vector_subcore>, window_params = [{transform_indices = #map}, {transform_indices = #map}, {transform_indices = #map}, {transform_indices = #map}, {transform_indices = #map}, {transform_indices = #map1}, {transform_indices = #map1}]} {
    %mul3A = arith.constant 2 : i32
    %mul3A_0 = arith.muli %arg1, %mul3A : i32
    %add3A = arith.addi %mul3A_0, %arg0 : i32
    %mul3A_1 = arith.constant 6256 : i32
    %mul3A_2 = arith.muli %arg1, %mul3A_1 : i32
    %mul3A_3 = arith.constant 200000 : i32
    %mul3A_4 = arith.muli %add3A, %mul3A_3 : i32
    %iota3A = tpu.iota {dimensions = array<i32: 0>} : vector<16xi32>
    %mul3A_5 = arith.constant 0 : i32
    %mul3A_6 = vector.broadcast %mul3A_5 : i32 to vector<16xi32>
    %mul3A_7 = arith.muli %iota3A, %mul3A_6 : vector<16xi32>
    %add3A_8 = arith.constant 0 : i32
    %add3A_9 = vector.broadcast %add3A_8 : i32 to vector<16xi32>
    %add3A_10 = arith.addi %mul3A_7, %add3A_9 : vector<16xi32>
    %mul3A_11 = arith.constant 0 : i32
    %mul3A_12 = vector.broadcast %mul3A_11 : i32 to vector<16xi32>
    %mul3A_13 = arith.muli %iota3A, %mul3A_12 : vector<16xi32>
    %add3A_14 = arith.constant 1 : i32
    %add3A_15 = vector.broadcast %add3A_14 : i32 to vector<16xi32>
    %add3A_16 = arith.addi %mul3A_13, %add3A_15 : vector<16xi32>
    %mul3A_17 = arith.constant 0 : i32
    %mul3A_18 = vector.broadcast %mul3A_17 : i32 to vector<16xi32>
    %mul3A_19 = arith.muli %iota3A, %mul3A_18 : vector<16xi32>
    %add3A_20 = arith.constant 2 : i32
    %add3A_21 = vector.broadcast %add3A_20 : i32 to vector<16xi32>
    %add3A_22 = arith.addi %mul3A_19, %add3A_21 : vector<16xi32>
    "tpu.region"() ({
      %run_scoped3A = tpu.sem_alloc : memref<!tpu.dma_semaphore, #tpu.memory_space<semaphore_mem>>
      tpu.enqueue_dma source(%arg7 : memref<782x8xf32, #tpu.memory_space<hbm>>) target(%arg19 : memref<782x8xf32, #tpu.memory_space<vmem>>) target_semaphore(%run_scoped3A : memref<!tpu.dma_semaphore, #tpu.memory_space<semaphore_mem>>)
      tpu.wait_dma2 semaphore(%run_scoped3A : memref<!tpu.dma_semaphore, #tpu.memory_space<semaphore_mem>>) src(%arg7 : memref<782x8xf32, #tpu.memory_space<hbm>>) dst(%arg19 : memref<782x8xf32, #tpu.memory_space<vmem>>)
      tpu.yield
    }) : () -> ()
    "tpu.region"() ({
      %run_scoped3A = tpu.sem_alloc : memref<!tpu.dma_semaphore, #tpu.memory_space<semaphore_mem>>
      %dma_start3A_418 = arith.constant 0 : i32
      %dma_start3A_419 = arith.constant 0 : i32
      %dma_start3A_420 = tpu.memref_slice %arg17[%dma_start3A_418, %dma_start3A_419] : memref<800x8xf32, #tpu.memory_space<vmem>> -> memref<782x8xf32, #tpu.memory_space<vmem>>
      %dma_start3A_421 = arith.constant 0 : i32
      %dma_start3A_422 = arith.constant 0 : i32
      %dma_start3A_423 = tpu.memref_slice %arg17[%dma_start3A_421, %dma_start3A_422] : memref<800x8xf32, #tpu.memory_space<vmem>> -> memref<782x8xf32, #tpu.memory_space<vmem>>
      tpu.enqueue_dma source(%arg7 : memref<782x8xf32, #tpu.memory_space<hbm>>) target(%dma_start3A_423 : memref<782x8xf32, #tpu.memory_space<vmem>>) target_semaphore(%run_scoped3A : memref<!tpu.dma_semaphore, #tpu.memory_space<semaphore_mem>>)
      %dma_wait3A = arith.constant 0 : i32
      %dma_wait3A_424 = arith.constant 0 : i32
      %dma_wait3A_425 = tpu.memref_slice %arg17[%dma_wait3A, %dma_wait3A_424] : memref<800x8xf32, #tpu.memory_space<vmem>> -> memref<782x8xf32, #tpu.memory_space<vmem>>
      %dma_wait3A_426 = arith.constant 0 : i32
      %dma_wait3A_427 = arith.constant 0 : i32
      %dma_wait3A_428 = tpu.memref_slice %arg17[%dma_wait3A_426, %dma_wait3A_427] : memref<800x8xf32, #tpu.memory_space<vmem>> -> memref<782x8xf32, #tpu.memory_space<vmem>>
      tpu.wait_dma2 semaphore(%run_scoped3A : memref<!tpu.dma_semaphore, #tpu.memory_space<semaphore_mem>>) src(%arg7 : memref<782x8xf32, #tpu.memory_space<hbm>>) dst(%dma_wait3A_428 : memref<782x8xf32, #tpu.memory_space<vmem>>)
      tpu.yield
    }) : () -> ()
    "tpu.region"() ({
      %run_scoped3A = tpu.sem_alloc : memref<!tpu.dma_semaphore, #tpu.memory_space<semaphore_mem>>
      %dma_start3A_418 = arith.constant 18 : i32
      %dma_start3A_419 = arith.constant 0 : i32
      %dma_start3A_420 = tpu.memref_slice %arg17[%dma_start3A_418, %dma_start3A_419] : memref<800x8xf32, #tpu.memory_space<vmem>> -> memref<782x8xf32, #tpu.memory_space<vmem>>
      %dma_start3A_421 = arith.constant 18 : i32
      %dma_start3A_422 = arith.constant 0 : i32
      %dma_start3A_423 = tpu.memref_slice %arg17[%dma_start3A_421, %dma_start3A_422] : memref<800x8xf32, #tpu.memory_space<vmem>> -> memref<782x8xf32, #tpu.memory_space<vmem>>
      tpu.enqueue_dma source(%arg7 : memref<782x8xf32, #tpu.memory_space<hbm>>) target(%dma_start3A_423 : memref<782x8xf32, #tpu.memory_space<vmem>>) target_semaphore(%run_scoped3A : memref<!tpu.dma_semaphore, #tpu.memory_space<semaphore_mem>>)
      %dma_wait3A = arith.constant 18 : i32
      %dma_wait3A_424 = arith.constant 0 : i32
      %dma_wait3A_425 = tpu.memref_slice %arg17[%dma_wait3A, %dma_wait3A_424] : memref<800x8xf32, #tpu.memory_space<vmem>> -> memref<782x8xf32, #tpu.memory_space<vmem>>
      %dma_wait3A_426 = arith.constant 18 : i32
      %dma_wait3A_427 = arith.constant 0 : i32
      %dma_wait3A_428 = tpu.memref_slice %arg17[%dma_wait3A_426, %dma_wait3A_427] : memref<800x8xf32, #tpu.memory_space<vmem>> -> memref<782x8xf32, #tpu.memory_space<vmem>>
      tpu.wait_dma2 semaphore(%run_scoped3A : memref<!tpu.dma_semaphore, #tpu.memory_space<semaphore_mem>>) src(%arg7 : memref<782x8xf32, #tpu.memory_space<hbm>>) dst(%dma_wait3A_428 : memref<782x8xf32, #tpu.memory_space<vmem>>)
      tpu.yield
    }) : () -> ()
    "tpu.region"() ({
      %run_scoped3A = tpu.sem_alloc : memref<!tpu.dma_semaphore, #tpu.memory_space<semaphore_mem>>
      %dma_start3A_418 = arith.constant 0 : i32
      %dma_start3A_419 = arith.constant 0 : i32
      %dma_start3A_420 = tpu.memref_slice %arg18[%dma_start3A_418, %dma_start3A_419] : memref<800x8xf32, #tpu.memory_space<vmem>> -> memref<782x8xf32, #tpu.memory_space<vmem>>
      %dma_start3A_421 = arith.constant 0 : i32
      %dma_start3A_422 = arith.constant 0 : i32
      %dma_start3A_423 = tpu.memref_slice %arg18[%dma_start3A_421, %dma_start3A_422] : memref<800x8xf32, #tpu.memory_space<vmem>> -> memref<782x8xf32, #tpu.memory_space<vmem>>
      tpu.enqueue_dma source(%arg7 : memref<782x8xf32, #tpu.memory_space<hbm>>) target(%dma_start3A_423 : memref<782x8xf32, #tpu.memory_space<vmem>>) target_semaphore(%run_scoped3A : memref<!tpu.dma_semaphore, #tpu.memory_space<semaphore_mem>>)
      %dma_wait3A = arith.constant 0 : i32
      %dma_wait3A_424 = arith.constant 0 : i32
      %dma_wait3A_425 = tpu.memref_slice %arg18[%dma_wait3A, %dma_wait3A_424] : memref<800x8xf32, #tpu.memory_space<vmem>> -> memref<782x8xf32, #tpu.memory_space<vmem>>
      %dma_wait3A_426 = arith.constant 0 : i32
      %dma_wait3A_427 = arith.constant 0 : i32
      %dma_wait3A_428 = tpu.memref_slice %arg18[%dma_wait3A_426, %dma_wait3A_427] : memref<800x8xf32, #tpu.memory_space<vmem>> -> memref<782x8xf32, #tpu.memory_space<vmem>>
      tpu.wait_dma2 semaphore(%run_scoped3A : memref<!tpu.dma_semaphore, #tpu.memory_space<semaphore_mem>>) src(%arg7 : memref<782x8xf32, #tpu.memory_space<hbm>>) dst(%dma_wait3A_428 : memref<782x8xf32, #tpu.memory_space<vmem>>)
      tpu.yield
    }) : () -> ()
    "tpu.region"() ({
      %run_scoped3A = tpu.sem_alloc : memref<!tpu.dma_semaphore, #tpu.memory_space<semaphore_mem>>
      %dma_start3A_418 = arith.constant 18 : i32
      %dma_start3A_419 = arith.constant 0 : i32
      %dma_start3A_420 = tpu.memref_slice %arg18[%dma_start3A_418, %dma_start3A_419] : memref<800x8xf32, #tpu.memory_space<vmem>> -> memref<782x8xf32, #tpu.memory_space<vmem>>
      %dma_start3A_421 = arith.constant 18 : i32
      %dma_start3A_422 = arith.constant 0 : i32
      %dma_start3A_423 = tpu.memref_slice %arg18[%dma_start3A_421, %dma_start3A_422] : memref<800x8xf32, #tpu.memory_space<vmem>> -> memref<782x8xf32, #tpu.memory_space<vmem>>
      tpu.enqueue_dma source(%arg7 : memref<782x8xf32, #tpu.memory_space<hbm>>) target(%dma_start3A_423 : memref<782x8xf32, #tpu.memory_space<vmem>>) target_semaphore(%run_scoped3A : memref<!tpu.dma_semaphore, #tpu.memory_space<semaphore_mem>>)
      %dma_wait3A = arith.constant 18 : i32
      %dma_wait3A_424 = arith.constant 0 : i32
      %dma_wait3A_425 = tpu.memref_slice %arg18[%dma_wait3A, %dma_wait3A_424] : memref<800x8xf32, #tpu.memory_space<vmem>> -> memref<782x8xf32, #tpu.memory_space<vmem>>
      %dma_wait3A_426 = arith.constant 18 : i32
      %dma_wait3A_427 = arith.constant 0 : i32
      %dma_wait3A_428 = tpu.memref_slice %arg18[%dma_wait3A_426, %dma_wait3A_427] : memref<800x8xf32, #tpu.memory_space<vmem>> -> memref<782x8xf32, #tpu.memory_space<vmem>>
      tpu.wait_dma2 semaphore(%run_scoped3A : memref<!tpu.dma_semaphore, #tpu.memory_space<semaphore_mem>>) src(%arg7 : memref<782x8xf32, #tpu.memory_space<hbm>>) dst(%dma_wait3A_428 : memref<782x8xf32, #tpu.memory_space<vmem>>)
      tpu.yield
    }) : () -> ()
    %add3A_23 = arith.constant 0 : i32
    %add3A_24 = arith.addi %mul3A_2, %add3A_23 : i32
    "tpu.region"() ({
      %run_scoped3A = tpu.sem_alloc : memref<!tpu.dma_semaphore, #tpu.memory_space<semaphore_mem>>
      %dma_start3A_418 = arith.constant 0 : i32
      %dma_start3A_419 = tpu.memref_slice %arg20[%add3A_24, %dma_start3A_418] : memref<100096x8xf32, #tpu.memory_space<vmem_shared>> -> memref<782x8xf32, #tpu.memory_space<vmem_shared>>
      %dma_start3A_420 = arith.constant 0 : i32
      %dma_start3A_421 = tpu.memref_slice %arg20[%add3A_24, %dma_start3A_420] : memref<100096x8xf32, #tpu.memory_space<vmem_shared>> -> memref<782x8xf32, #tpu.memory_space<vmem_shared>>
      tpu.enqueue_dma source(%arg19 : memref<782x8xf32, #tpu.memory_space<vmem>>) target(%dma_start3A_421 : memref<782x8xf32, #tpu.memory_space<vmem_shared>>) target_semaphore(%run_scoped3A : memref<!tpu.dma_semaphore, #tpu.memory_space<semaphore_mem>>)
      %dma_wait3A = arith.constant 0 : i32
      %dma_wait3A_422 = tpu.memref_slice %arg20[%add3A_24, %dma_wait3A] : memref<100096x8xf32, #tpu.memory_space<vmem_shared>> -> memref<782x8xf32, #tpu.memory_space<vmem_shared>>
      %dma_wait3A_423 = arith.constant 0 : i32
      %dma_wait3A_424 = tpu.memref_slice %arg20[%add3A_24, %dma_wait3A_423] : memref<100096x8xf32, #tpu.memory_space<vmem_shared>> -> memref<782x8xf32, #tpu.memory_space<vmem_shared>>
      tpu.wait_dma2 semaphore(%run_scoped3A : memref<!tpu.dma_semaphore, #tpu.memory_space<semaphore_mem>>) src(%arg19 : memref<782x8xf32, #tpu.memory_space<vmem>>) dst(%dma_wait3A_424 : memref<782x8xf32, #tpu.memory_space<vmem_shared>>)
      tpu.yield
    }) : () -> ()
    %add3A_25 = arith.constant 782 : i32
    %add3A_26 = arith.addi %mul3A_2, %add3A_25 : i32
    "tpu.region"() ({
      %run_scoped3A = tpu.sem_alloc : memref<!tpu.dma_semaphore, #tpu.memory_space<semaphore_mem>>
      %dma_start3A_418 = arith.constant 0 : i32
      %dma_start3A_419 = tpu.memref_slice %arg20[%add3A_26, %dma_start3A_418] : memref<100096x8xf32, #tpu.memory_space<vmem_shared>> -> memref<782x8xf32, #tpu.memory_space<vmem_shared>>
      %dma_start3A_420 = arith.constant 0 : i32
      %dma_start3A_421 = tpu.memref_slice %arg20[%add3A_26, %dma_start3A_420] : memref<100096x8xf32, #tpu.memory_space<vmem_shared>> -> memref<782x8xf32, #tpu.memory_space<vmem_shared>>
      tpu.enqueue_dma source(%arg19 : memref<782x8xf32, #tpu.memory_space<vmem>>) target(%dma_start3A_421 : memref<782x8xf32, #tpu.memory_space<vmem_shared>>) target_semaphore(%run_scoped3A : memref<!tpu.dma_semaphore, #tpu.memory_space<semaphore_mem>>)
      %dma_wait3A = arith.constant 0 : i32
      %dma_wait3A_422 = tpu.memref_slice %arg20[%add3A_26, %dma_wait3A] : memref<100096x8xf32, #tpu.memory_space<vmem_shared>> -> memref<782x8xf32, #tpu.memory_space<vmem_shared>>
      %dma_wait3A_423 = arith.constant 0 : i32
      %dma_wait3A_424 = tpu.memref_slice %arg20[%add3A_26, %dma_wait3A_423] : memref<100096x8xf32, #tpu.memory_space<vmem_shared>> -> memref<782x8xf32, #tpu.memory_space<vmem_shared>>
      tpu.wait_dma2 semaphore(%run_scoped3A : memref<!tpu.dma_semaphore, #tpu.memory_space<semaphore_mem>>) src(%arg19 : memref<782x8xf32, #tpu.memory_space<vmem>>) dst(%dma_wait3A_424 : memref<782x8xf32, #tpu.memory_space<vmem_shared>>)
      tpu.yield
    }) : () -> ()
    %add3A_27 = arith.constant 1564 : i32
    %add3A_28 = arith.addi %mul3A_2, %add3A_27 : i32
    "tpu.region"() ({
      %run_scoped3A = tpu.sem_alloc : memref<!tpu.dma_semaphore, #tpu.memory_space<semaphore_mem>>
      %dma_start3A_418 = arith.constant 0 : i32
      %dma_start3A_419 = tpu.memref_slice %arg20[%add3A_28, %dma_start3A_418] : memref<100096x8xf32, #tpu.memory_space<vmem_shared>> -> memref<782x8xf32, #tpu.memory_space<vmem_shared>>
      %dma_start3A_420 = arith.constant 0 : i32
      %dma_start3A_421 = tpu.memref_slice %arg20[%add3A_28, %dma_start3A_420] : memref<100096x8xf32, #tpu.memory_space<vmem_shared>> -> memref<782x8xf32, #tpu.memory_space<vmem_shared>>
      tpu.enqueue_dma source(%arg19 : memref<782x8xf32, #tpu.memory_space<vmem>>) target(%dma_start3A_421 : memref<782x8xf32, #tpu.memory_space<vmem_shared>>) target_semaphore(%run_scoped3A : memref<!tpu.dma_semaphore, #tpu.memory_space<semaphore_mem>>)
      %dma_wait3A = arith.constant 0 : i32
      %dma_wait3A_422 = tpu.memref_slice %arg20[%add3A_28, %dma_wait3A] : memref<100096x8xf32, #tpu.memory_space<vmem_shared>> -> memref<782x8xf32, #tpu.memory_space<vmem_shared>>
      %dma_wait3A_423 = arith.constant 0 : i32
      %dma_wait3A_424 = tpu.memref_slice %arg20[%add3A_28, %dma_wait3A_423] : memref<100096x8xf32, #tpu.memory_space<vmem_shared>> -> memref<782x8xf32, #tpu.memory_space<vmem_shared>>
      tpu.wait_dma2 semaphore(%run_scoped3A : memref<!tpu.dma_semaphore, #tpu.memory_space<semaphore_mem>>) src(%arg19 : memref<782x8xf32, #tpu.memory_space<vmem>>) dst(%dma_wait3A_424 : memref<782x8xf32, #tpu.memory_space<vmem_shared>>)
      tpu.yield
    }) : () -> ()
    %add3A_29 = arith.constant 2346 : i32
    %add3A_30 = arith.addi %mul3A_2, %add3A_29 : i32
    "tpu.region"() ({
      %run_scoped3A = tpu.sem_alloc : memref<!tpu.dma_semaphore, #tpu.memory_space<semaphore_mem>>
      %dma_start3A_418 = arith.constant 0 : i32
      %dma_start3A_419 = tpu.memref_slice %arg20[%add3A_30, %dma_start3A_418] : memref<100096x8xf32, #tpu.memory_space<vmem_shared>> -> memref<782x8xf32, #tpu.memory_space<vmem_shared>>
      %dma_start3A_420 = arith.constant 0 : i32
      %dma_start3A_421 = tpu.memref_slice %arg20[%add3A_30, %dma_start3A_420] : memref<100096x8xf32, #tpu.memory_space<vmem_shared>> -> memref<782x8xf32, #tpu.memory_space<vmem_shared>>
      tpu.enqueue_dma source(%arg19 : memref<782x8xf32, #tpu.memory_space<vmem>>) target(%dma_start3A_421 : memref<782x8xf32, #tpu.memory_space<vmem_shared>>) target_semaphore(%run_scoped3A : memref<!tpu.dma_semaphore, #tpu.memory_space<semaphore_mem>>)
      %dma_wait3A = arith.constant 0 : i32
      %dma_wait3A_422 = tpu.memref_slice %arg20[%add3A_30, %dma_wait3A] : memref<100096x8xf32, #tpu.memory_space<vmem_shared>> -> memref<782x8xf32, #tpu.memory_space<vmem_shared>>
      %dma_wait3A_423 = arith.constant 0 : i32
      %dma_wait3A_424 = tpu.memref_slice %arg20[%add3A_30, %dma_wait3A_423] : memref<100096x8xf32, #tpu.memory_space<vmem_shared>> -> memref<782x8xf32, #tpu.memory_space<vmem_shared>>
      tpu.wait_dma2 semaphore(%run_scoped3A : memref<!tpu.dma_semaphore, #tpu.memory_space<semaphore_mem>>) src(%arg19 : memref<782x8xf32, #tpu.memory_space<vmem>>) dst(%dma_wait3A_424 : memref<782x8xf32, #tpu.memory_space<vmem_shared>>)
      tpu.yield
    }) : () -> ()
    %add3A_31 = arith.constant 3128 : i32
    %add3A_32 = arith.addi %mul3A_2, %add3A_31 : i32
    "tpu.region"() ({
      %run_scoped3A = tpu.sem_alloc : memref<!tpu.dma_semaphore, #tpu.memory_space<semaphore_mem>>
      %dma_start3A_418 = arith.constant 0 : i32
      %dma_start3A_419 = tpu.memref_slice %arg20[%add3A_32, %dma_start3A_418] : memref<100096x8xf32, #tpu.memory_space<vmem_shared>> -> memref<782x8xf32, #tpu.memory_space<vmem_shared>>
      %dma_start3A_420 = arith.constant 0 : i32
      %dma_start3A_421 = tpu.memref_slice %arg20[%add3A_32, %dma_start3A_420] : memref<100096x8xf32, #tpu.memory_space<vmem_shared>> -> memref<782x8xf32, #tpu.memory_space<vmem_shared>>
      tpu.enqueue_dma source(%arg19 : memref<782x8xf32, #tpu.memory_space<vmem>>) target(%dma_start3A_421 : memref<782x8xf32, #tpu.memory_space<vmem_shared>>) target_semaphore(%run_scoped3A : memref<!tpu.dma_semaphore, #tpu.memory_space<semaphore_mem>>)
      %dma_wait3A = arith.constant 0 : i32
      %dma_wait3A_422 = tpu.memref_slice %arg20[%add3A_32, %dma_wait3A] : memref<100096x8xf32, #tpu.memory_space<vmem_shared>> -> memref<782x8xf32, #tpu.memory_space<vmem_shared>>
      %dma_wait3A_423 = arith.constant 0 : i32
      %dma_wait3A_424 = tpu.memref_slice %arg20[%add3A_32, %dma_wait3A_423] : memref<100096x8xf32, #tpu.memory_space<vmem_shared>> -> memref<782x8xf32, #tpu.memory_space<vmem_shared>>
      tpu.wait_dma2 semaphore(%run_scoped3A : memref<!tpu.dma_semaphore, #tpu.memory_space<semaphore_mem>>) src(%arg19 : memref<782x8xf32, #tpu.memory_space<vmem>>) dst(%dma_wait3A_424 : memref<782x8xf32, #tpu.memory_space<vmem_shared>>)
      tpu.yield
    }) : () -> ()
    %add3A_33 = arith.constant 3910 : i32
    %add3A_34 = arith.addi %mul3A_2, %add3A_33 : i32
    "tpu.region"() ({
      %run_scoped3A = tpu.sem_alloc : memref<!tpu.dma_semaphore, #tpu.memory_space<semaphore_mem>>
      %dma_start3A_418 = arith.constant 0 : i32
      %dma_start3A_419 = tpu.memref_slice %arg20[%add3A_34, %dma_start3A_418] : memref<100096x8xf32, #tpu.memory_space<vmem_shared>> -> memref<782x8xf32, #tpu.memory_space<vmem_shared>>
      %dma_start3A_420 = arith.constant 0 : i32
      %dma_start3A_421 = tpu.memref_slice %arg20[%add3A_34, %dma_start3A_420] : memref<100096x8xf32, #tpu.memory_space<vmem_shared>> -> memref<782x8xf32, #tpu.memory_space<vmem_shared>>
      tpu.enqueue_dma source(%arg19 : memref<782x8xf32, #tpu.memory_space<vmem>>) target(%dma_start3A_421 : memref<782x8xf32, #tpu.memory_space<vmem_shared>>) target_semaphore(%run_scoped3A : memref<!tpu.dma_semaphore, #tpu.memory_space<semaphore_mem>>)
      %dma_wait3A = arith.constant 0 : i32
      %dma_wait3A_422 = tpu.memref_slice %arg20[%add3A_34, %dma_wait3A] : memref<100096x8xf32, #tpu.memory_space<vmem_shared>> -> memref<782x8xf32, #tpu.memory_space<vmem_shared>>
      %dma_wait3A_423 = arith.constant 0 : i32
      %dma_wait3A_424 = tpu.memref_slice %arg20[%add3A_34, %dma_wait3A_423] : memref<100096x8xf32, #tpu.memory_space<vmem_shared>> -> memref<782x8xf32, #tpu.memory_space<vmem_shared>>
      tpu.wait_dma2 semaphore(%run_scoped3A : memref<!tpu.dma_semaphore, #tpu.memory_space<semaphore_mem>>) src(%arg19 : memref<782x8xf32, #tpu.memory_space<vmem>>) dst(%dma_wait3A_424 : memref<782x8xf32, #tpu.memory_space<vmem_shared>>)
      tpu.yield
    }) : () -> ()
    %add3A_35 = arith.constant 4692 : i32
    %add3A_36 = arith.addi %mul3A_2, %add3A_35 : i32
    "tpu.region"() ({
      %run_scoped3A = tpu.sem_alloc : memref<!tpu.dma_semaphore, #tpu.memory_space<semaphore_mem>>
      %dma_start3A_418 = arith.constant 0 : i32
      %dma_start3A_419 = tpu.memref_slice %arg20[%add3A_36, %dma_start3A_418] : memref<100096x8xf32, #tpu.memory_space<vmem_shared>> -> memref<782x8xf32, #tpu.memory_space<vmem_shared>>
      %dma_start3A_420 = arith.constant 0 : i32
      %dma_start3A_421 = tpu.memref_slice %arg20[%add3A_36, %dma_start3A_420] : memref<100096x8xf32, #tpu.memory_space<vmem_shared>> -> memref<782x8xf32, #tpu.memory_space<vmem_shared>>
      tpu.enqueue_dma source(%arg19 : memref<782x8xf32, #tpu.memory_space<vmem>>) target(%dma_start3A_421 : memref<782x8xf32, #tpu.memory_space<vmem_shared>>) target_semaphore(%run_scoped3A : memref<!tpu.dma_semaphore, #tpu.memory_space<semaphore_mem>>)
      %dma_wait3A = arith.constant 0 : i32
      %dma_wait3A_422 = tpu.memref_slice %arg20[%add3A_36, %dma_wait3A] : memref<100096x8xf32, #tpu.memory_space<vmem_shared>> -> memref<782x8xf32, #tpu.memory_space<vmem_shared>>
      %dma_wait3A_423 = arith.constant 0 : i32
      %dma_wait3A_424 = tpu.memref_slice %arg20[%add3A_36, %dma_wait3A_423] : memref<100096x8xf32, #tpu.memory_space<vmem_shared>> -> memref<782x8xf32, #tpu.memory_space<vmem_shared>>
      tpu.wait_dma2 semaphore(%run_scoped3A : memref<!tpu.dma_semaphore, #tpu.memory_space<semaphore_mem>>) src(%arg19 : memref<782x8xf32, #tpu.memory_space<vmem>>) dst(%dma_wait3A_424 : memref<782x8xf32, #tpu.memory_space<vmem_shared>>)
      tpu.yield
    }) : () -> ()
    %add3A_37 = arith.constant 5474 : i32
    %add3A_38 = arith.addi %mul3A_2, %add3A_37 : i32
    "tpu.region"() ({
      %run_scoped3A = tpu.sem_alloc : memref<!tpu.dma_semaphore, #tpu.memory_space<semaphore_mem>>
      %dma_start3A_418 = arith.constant 0 : i32
      %dma_start3A_419 = tpu.memref_slice %arg20[%add3A_38, %dma_start3A_418] : memref<100096x8xf32, #tpu.memory_space<vmem_shared>> -> memref<782x8xf32, #tpu.memory_space<vmem_shared>>
      %dma_start3A_420 = arith.constant 0 : i32
      %dma_start3A_421 = tpu.memref_slice %arg20[%add3A_38, %dma_start3A_420] : memref<100096x8xf32, #tpu.memory_space<vmem_shared>> -> memref<782x8xf32, #tpu.memory_space<vmem_shared>>
      tpu.enqueue_dma source(%arg19 : memref<782x8xf32, #tpu.memory_space<vmem>>) target(%dma_start3A_421 : memref<782x8xf32, #tpu.memory_space<vmem_shared>>) target_semaphore(%run_scoped3A : memref<!tpu.dma_semaphore, #tpu.memory_space<semaphore_mem>>)
      %dma_wait3A = arith.constant 0 : i32
      %dma_wait3A_422 = tpu.memref_slice %arg20[%add3A_38, %dma_wait3A] : memref<100096x8xf32, #tpu.memory_space<vmem_shared>> -> memref<782x8xf32, #tpu.memory_space<vmem_shared>>
      %dma_wait3A_423 = arith.constant 0 : i32
      %dma_wait3A_424 = tpu.memref_slice %arg20[%add3A_38, %dma_wait3A_423] : memref<100096x8xf32, #tpu.memory_space<vmem_shared>> -> memref<782x8xf32, #tpu.memory_space<vmem_shared>>
      tpu.wait_dma2 semaphore(%run_scoped3A : memref<!tpu.dma_semaphore, #tpu.memory_space<semaphore_mem>>) src(%arg19 : memref<782x8xf32, #tpu.memory_space<vmem>>) dst(%dma_wait3A_424 : memref<782x8xf32, #tpu.memory_space<vmem_shared>>)
      tpu.yield
    }) : () -> ()
    %barrier3A = arith.constant 0 : index
    tpu.barrier barrier_id(%barrier3A)
    %add3A_39 = arith.constant 0 : i32
    %add3A_40 = arith.addi %mul3A_4, %add3A_39 : i32
    %dma_start3A = tpu.memref_slice %arg2[%add3A_40] : memref<6400000xf32, #tpu.memory_space<hbm>> -> memref<800xf32, #tpu.memory_space<hbm>>
    %dma_start3A_41 = tpu.memref_slice %arg2[%add3A_40] : memref<6400000xf32, #tpu.memory_space<hbm>> -> memref<800xf32, #tpu.memory_space<hbm>>
    tpu.enqueue_dma source(%dma_start3A_41 : memref<800xf32, #tpu.memory_space<hbm>>) target(%arg9 : memref<800xf32, #tpu.memory_space<vmem>>) target_semaphore(%arg21 : memref<!tpu.dma_semaphore, #tpu.memory_space<semaphore_mem>>)
    %dma_start3A_42 = tpu.memref_slice %arg3[%add3A_40] : memref<6400000xf32, #tpu.memory_space<hbm>> -> memref<800xf32, #tpu.memory_space<hbm>>
    %dma_start3A_43 = tpu.memref_slice %arg3[%add3A_40] : memref<6400000xf32, #tpu.memory_space<hbm>> -> memref<800xf32, #tpu.memory_space<hbm>>
    tpu.enqueue_dma source(%dma_start3A_43 : memref<800xf32, #tpu.memory_space<hbm>>) target(%arg10 : memref<800xf32, #tpu.memory_space<vmem>>) target_semaphore(%arg21 : memref<!tpu.dma_semaphore, #tpu.memory_space<semaphore_mem>>)
    %dma_start3A_44 = tpu.memref_slice %arg4[%add3A_40] : memref<6400000xf32, #tpu.memory_space<hbm>> -> memref<800xf32, #tpu.memory_space<hbm>>
    %dma_start3A_45 = tpu.memref_slice %arg4[%add3A_40] : memref<6400000xf32, #tpu.memory_space<hbm>> -> memref<800xf32, #tpu.memory_space<hbm>>
    tpu.enqueue_dma source(%dma_start3A_45 : memref<800xf32, #tpu.memory_space<hbm>>) target(%arg11 : memref<800xf32, #tpu.memory_space<vmem>>) target_semaphore(%arg21 : memref<!tpu.dma_semaphore, #tpu.memory_space<semaphore_mem>>)
    %add3A_46 = arith.constant 0 : i32
    %add3A_47 = arith.addi %add3A_40, %add3A_46 : i32
    %dma_start3A_48 = arith.constant 0 : i32
    %dma_start3A_49 = arith.constant 0 : i32
    %dma_start3A_50 = tpu.memref_slice %arg15[%dma_start3A_48, %dma_start3A_49] : memref<10x80xi32, #tpu.memory_space<vmem>> -> memref<1x80xi32, #tpu.memory_space<vmem>>
    %dma_start3A_51 = tpu.memref_squeeze %dma_start3A_50 : memref<1x80xi32, #tpu.memory_space<vmem>> -> memref<80xi32, #tpu.memory_space<vmem>>
    %dma_start3A_52 = tpu.memref_slice %arg5[%add3A_47] : memref<6400000xi32, #tpu.memory_space<hbm>> -> memref<80xi32, #tpu.memory_space<hbm>>
    %dma_start3A_53 = arith.constant 0 : i32
    %dma_start3A_54 = tpu.memref_slice %arg15[%dma_start3A_48, %dma_start3A_53] : memref<10x80xi32, #tpu.memory_space<vmem>> -> memref<1x80xi32, #tpu.memory_space<vmem>>
    %dma_start3A_55 = tpu.memref_squeeze %dma_start3A_54 : memref<1x80xi32, #tpu.memory_space<vmem>> -> memref<80xi32, #tpu.memory_space<vmem>>
    %dma_start3A_56 = tpu.memref_slice %arg5[%add3A_47] : memref<6400000xi32, #tpu.memory_space<hbm>> -> memref<80xi32, #tpu.memory_space<hbm>>
    tpu.enqueue_dma source(%dma_start3A_56 : memref<80xi32, #tpu.memory_space<hbm>>) target(%dma_start3A_55 : memref<80xi32, #tpu.memory_space<vmem>>) target_semaphore(%arg21 : memref<!tpu.dma_semaphore, #tpu.memory_space<semaphore_mem>>)
    %add3A_57 = arith.constant 80 : i32
    %add3A_58 = arith.addi %add3A_40, %add3A_57 : i32
    %dma_start3A_59 = arith.constant 1 : i32
    %dma_start3A_60 = arith.constant 0 : i32
    %dma_start3A_61 = tpu.memref_slice %arg15[%dma_start3A_59, %dma_start3A_60] : memref<10x80xi32, #tpu.memory_space<vmem>> -> memref<1x80xi32, #tpu.memory_space<vmem>>
    %dma_start3A_62 = tpu.memref_squeeze %dma_start3A_61 : memref<1x80xi32, #tpu.memory_space<vmem>> -> memref<80xi32, #tpu.memory_space<vmem>>
    %dma_start3A_63 = tpu.memref_slice %arg5[%add3A_58] : memref<6400000xi32, #tpu.memory_space<hbm>> -> memref<80xi32, #tpu.memory_space<hbm>>
    %dma_start3A_64 = arith.constant 0 : i32
    %dma_start3A_65 = tpu.memref_slice %arg15[%dma_start3A_59, %dma_start3A_64] : memref<10x80xi32, #tpu.memory_space<vmem>> -> memref<1x80xi32, #tpu.memory_space<vmem>>
    %dma_start3A_66 = tpu.memref_squeeze %dma_start3A_65 : memref<1x80xi32, #tpu.memory_space<vmem>> -> memref<80xi32, #tpu.memory_space<vmem>>
    %dma_start3A_67 = tpu.memref_slice %arg5[%add3A_58] : memref<6400000xi32, #tpu.memory_space<hbm>> -> memref<80xi32, #tpu.memory_space<hbm>>
    tpu.enqueue_dma source(%dma_start3A_67 : memref<80xi32, #tpu.memory_space<hbm>>) target(%dma_start3A_66 : memref<80xi32, #tpu.memory_space<vmem>>) target_semaphore(%arg21 : memref<!tpu.dma_semaphore, #tpu.memory_space<semaphore_mem>>)
    %add3A_68 = arith.constant 160 : i32
    %add3A_69 = arith.addi %add3A_40, %add3A_68 : i32
    %dma_start3A_70 = arith.constant 2 : i32
    %dma_start3A_71 = arith.constant 0 : i32
    %dma_start3A_72 = tpu.memref_slice %arg15[%dma_start3A_70, %dma_start3A_71] : memref<10x80xi32, #tpu.memory_space<vmem>> -> memref<1x80xi32, #tpu.memory_space<vmem>>
    %dma_start3A_73 = tpu.memref_squeeze %dma_start3A_72 : memref<1x80xi32, #tpu.memory_space<vmem>> -> memref<80xi32, #tpu.memory_space<vmem>>
    %dma_start3A_74 = tpu.memref_slice %arg5[%add3A_69] : memref<6400000xi32, #tpu.memory_space<hbm>> -> memref<80xi32, #tpu.memory_space<hbm>>
    %dma_start3A_75 = arith.constant 0 : i32
    %dma_start3A_76 = tpu.memref_slice %arg15[%dma_start3A_70, %dma_start3A_75] : memref<10x80xi32, #tpu.memory_space<vmem>> -> memref<1x80xi32, #tpu.memory_space<vmem>>
    %dma_start3A_77 = tpu.memref_squeeze %dma_start3A_76 : memref<1x80xi32, #tpu.memory_space<vmem>> -> memref<80xi32, #tpu.memory_space<vmem>>
    %dma_start3A_78 = tpu.memref_slice %arg5[%add3A_69] : memref<6400000xi32, #tpu.memory_space<hbm>> -> memref<80xi32, #tpu.memory_space<hbm>>
    tpu.enqueue_dma source(%dma_start3A_78 : memref<80xi32, #tpu.memory_space<hbm>>) target(%dma_start3A_77 : memref<80xi32, #tpu.memory_space<vmem>>) target_semaphore(%arg21 : memref<!tpu.dma_semaphore, #tpu.memory_space<semaphore_mem>>)
    %add3A_79 = arith.constant 240 : i32
    %add3A_80 = arith.addi %add3A_40, %add3A_79 : i32
    %dma_start3A_81 = arith.constant 3 : i32
    %dma_start3A_82 = arith.constant 0 : i32
    %dma_start3A_83 = tpu.memref_slice %arg15[%dma_start3A_81, %dma_start3A_82] : memref<10x80xi32, #tpu.memory_space<vmem>> -> memref<1x80xi32, #tpu.memory_space<vmem>>
    %dma_start3A_84 = tpu.memref_squeeze %dma_start3A_83 : memref<1x80xi32, #tpu.memory_space<vmem>> -> memref<80xi32, #tpu.memory_space<vmem>>
    %dma_start3A_85 = tpu.memref_slice %arg5[%add3A_80] : memref<6400000xi32, #tpu.memory_space<hbm>> -> memref<80xi32, #tpu.memory_space<hbm>>
    %dma_start3A_86 = arith.constant 0 : i32
    %dma_start3A_87 = tpu.memref_slice %arg15[%dma_start3A_81, %dma_start3A_86] : memref<10x80xi32, #tpu.memory_space<vmem>> -> memref<1x80xi32, #tpu.memory_space<vmem>>
    %dma_start3A_88 = tpu.memref_squeeze %dma_start3A_87 : memref<1x80xi32, #tpu.memory_space<vmem>> -> memref<80xi32, #tpu.memory_space<vmem>>
    %dma_start3A_89 = tpu.memref_slice %arg5[%add3A_80] : memref<6400000xi32, #tpu.memory_space<hbm>> -> memref<80xi32, #tpu.memory_space<hbm>>
    tpu.enqueue_dma source(%dma_start3A_89 : memref<80xi32, #tpu.memory_space<hbm>>) target(%dma_start3A_88 : memref<80xi32, #tpu.memory_space<vmem>>) target_semaphore(%arg21 : memref<!tpu.dma_semaphore, #tpu.memory_space<semaphore_mem>>)
    %add3A_90 = arith.constant 320 : i32
    %add3A_91 = arith.addi %add3A_40, %add3A_90 : i32
    %dma_start3A_92 = arith.constant 4 : i32
    %dma_start3A_93 = arith.constant 0 : i32
    %dma_start3A_94 = tpu.memref_slice %arg15[%dma_start3A_92, %dma_start3A_93] : memref<10x80xi32, #tpu.memory_space<vmem>> -> memref<1x80xi32, #tpu.memory_space<vmem>>
    %dma_start3A_95 = tpu.memref_squeeze %dma_start3A_94 : memref<1x80xi32, #tpu.memory_space<vmem>> -> memref<80xi32, #tpu.memory_space<vmem>>
    %dma_start3A_96 = tpu.memref_slice %arg5[%add3A_91] : memref<6400000xi32, #tpu.memory_space<hbm>> -> memref<80xi32, #tpu.memory_space<hbm>>
    %dma_start3A_97 = arith.constant 0 : i32
    %dma_start3A_98 = tpu.memref_slice %arg15[%dma_start3A_92, %dma_start3A_97] : memref<10x80xi32, #tpu.memory_space<vmem>> -> memref<1x80xi32, #tpu.memory_space<vmem>>
    %dma_start3A_99 = tpu.memref_squeeze %dma_start3A_98 : memref<1x80xi32, #tpu.memory_space<vmem>> -> memref<80xi32, #tpu.memory_space<vmem>>
    %dma_start3A_100 = tpu.memref_slice %arg5[%add3A_91] : memref<6400000xi32, #tpu.memory_space<hbm>> -> memref<80xi32, #tpu.memory_space<hbm>>
    tpu.enqueue_dma source(%dma_start3A_100 : memref<80xi32, #tpu.memory_space<hbm>>) target(%dma_start3A_99 : memref<80xi32, #tpu.memory_space<vmem>>) target_semaphore(%arg21 : memref<!tpu.dma_semaphore, #tpu.memory_space<semaphore_mem>>)
    %add3A_101 = arith.constant 400 : i32
    %add3A_102 = arith.addi %add3A_40, %add3A_101 : i32
    %dma_start3A_103 = arith.constant 5 : i32
    %dma_start3A_104 = arith.constant 0 : i32
    %dma_start3A_105 = tpu.memref_slice %arg15[%dma_start3A_103, %dma_start3A_104] : memref<10x80xi32, #tpu.memory_space<vmem>> -> memref<1x80xi32, #tpu.memory_space<vmem>>
    %dma_start3A_106 = tpu.memref_squeeze %dma_start3A_105 : memref<1x80xi32, #tpu.memory_space<vmem>> -> memref<80xi32, #tpu.memory_space<vmem>>
    %dma_start3A_107 = tpu.memref_slice %arg5[%add3A_102] : memref<6400000xi32, #tpu.memory_space<hbm>> -> memref<80xi32, #tpu.memory_space<hbm>>
    %dma_start3A_108 = arith.constant 0 : i32
    %dma_start3A_109 = tpu.memref_slice %arg15[%dma_start3A_103, %dma_start3A_108] : memref<10x80xi32, #tpu.memory_space<vmem>> -> memref<1x80xi32, #tpu.memory_space<vmem>>
    %dma_start3A_110 = tpu.memref_squeeze %dma_start3A_109 : memref<1x80xi32, #tpu.memory_space<vmem>> -> memref<80xi32, #tpu.memory_space<vmem>>
    %dma_start3A_111 = tpu.memref_slice %arg5[%add3A_102] : memref<6400000xi32, #tpu.memory_space<hbm>> -> memref<80xi32, #tpu.memory_space<hbm>>
    tpu.enqueue_dma source(%dma_start3A_111 : memref<80xi32, #tpu.memory_space<hbm>>) target(%dma_start3A_110 : memref<80xi32, #tpu.memory_space<vmem>>) target_semaphore(%arg21 : memref<!tpu.dma_semaphore, #tpu.memory_space<semaphore_mem>>)
    %add3A_112 = arith.constant 480 : i32
    %add3A_113 = arith.addi %add3A_40, %add3A_112 : i32
    %dma_start3A_114 = arith.constant 6 : i32
    %dma_start3A_115 = arith.constant 0 : i32
    %dma_start3A_116 = tpu.memref_slice %arg15[%dma_start3A_114, %dma_start3A_115] : memref<10x80xi32, #tpu.memory_space<vmem>> -> memref<1x80xi32, #tpu.memory_space<vmem>>
    %dma_start3A_117 = tpu.memref_squeeze %dma_start3A_116 : memref<1x80xi32, #tpu.memory_space<vmem>> -> memref<80xi32, #tpu.memory_space<vmem>>
    %dma_start3A_118 = tpu.memref_slice %arg5[%add3A_113] : memref<6400000xi32, #tpu.memory_space<hbm>> -> memref<80xi32, #tpu.memory_space<hbm>>
    %dma_start3A_119 = arith.constant 0 : i32
    %dma_start3A_120 = tpu.memref_slice %arg15[%dma_start3A_114, %dma_start3A_119] : memref<10x80xi32, #tpu.memory_space<vmem>> -> memref<1x80xi32, #tpu.memory_space<vmem>>
    %dma_start3A_121 = tpu.memref_squeeze %dma_start3A_120 : memref<1x80xi32, #tpu.memory_space<vmem>> -> memref<80xi32, #tpu.memory_space<vmem>>
    %dma_start3A_122 = tpu.memref_slice %arg5[%add3A_113] : memref<6400000xi32, #tpu.memory_space<hbm>> -> memref<80xi32, #tpu.memory_space<hbm>>
    tpu.enqueue_dma source(%dma_start3A_122 : memref<80xi32, #tpu.memory_space<hbm>>) target(%dma_start3A_121 : memref<80xi32, #tpu.memory_space<vmem>>) target_semaphore(%arg21 : memref<!tpu.dma_semaphore, #tpu.memory_space<semaphore_mem>>)
    %add3A_123 = arith.constant 560 : i32
    %add3A_124 = arith.addi %add3A_40, %add3A_123 : i32
    %dma_start3A_125 = arith.constant 7 : i32
    %dma_start3A_126 = arith.constant 0 : i32
    %dma_start3A_127 = tpu.memref_slice %arg15[%dma_start3A_125, %dma_start3A_126] : memref<10x80xi32, #tpu.memory_space<vmem>> -> memref<1x80xi32, #tpu.memory_space<vmem>>
    %dma_start3A_128 = tpu.memref_squeeze %dma_start3A_127 : memref<1x80xi32, #tpu.memory_space<vmem>> -> memref<80xi32, #tpu.memory_space<vmem>>
    %dma_start3A_129 = tpu.memref_slice %arg5[%add3A_124] : memref<6400000xi32, #tpu.memory_space<hbm>> -> memref<80xi32, #tpu.memory_space<hbm>>
    %dma_start3A_130 = arith.constant 0 : i32
    %dma_start3A_131 = tpu.memref_slice %arg15[%dma_start3A_125, %dma_start3A_130] : memref<10x80xi32, #tpu.memory_space<vmem>> -> memref<1x80xi32, #tpu.memory_space<vmem>>
    %dma_start3A_132 = tpu.memref_squeeze %dma_start3A_131 : memref<1x80xi32, #tpu.memory_space<vmem>> -> memref<80xi32, #tpu.memory_space<vmem>>
    %dma_start3A_133 = tpu.memref_slice %arg5[%add3A_124] : memref<6400000xi32, #tpu.memory_space<hbm>> -> memref<80xi32, #tpu.memory_space<hbm>>
    tpu.enqueue_dma source(%dma_start3A_133 : memref<80xi32, #tpu.memory_space<hbm>>) target(%dma_start3A_132 : memref<80xi32, #tpu.memory_space<vmem>>) target_semaphore(%arg21 : memref<!tpu.dma_semaphore, #tpu.memory_space<semaphore_mem>>)
    %add3A_134 = arith.constant 640 : i32
    %add3A_135 = arith.addi %add3A_40, %add3A_134 : i32
    %dma_start3A_136 = arith.constant 8 : i32
    %dma_start3A_137 = arith.constant 0 : i32
    %dma_start3A_138 = tpu.memref_slice %arg15[%dma_start3A_136, %dma_start3A_137] : memref<10x80xi32, #tpu.memory_space<vmem>> -> memref<1x80xi32, #tpu.memory_space<vmem>>
    %dma_start3A_139 = tpu.memref_squeeze %dma_start3A_138 : memref<1x80xi32, #tpu.memory_space<vmem>> -> memref<80xi32, #tpu.memory_space<vmem>>
    %dma_start3A_140 = tpu.memref_slice %arg5[%add3A_135] : memref<6400000xi32, #tpu.memory_space<hbm>> -> memref<80xi32, #tpu.memory_space<hbm>>
    %dma_start3A_141 = arith.constant 0 : i32
    %dma_start3A_142 = tpu.memref_slice %arg15[%dma_start3A_136, %dma_start3A_141] : memref<10x80xi32, #tpu.memory_space<vmem>> -> memref<1x80xi32, #tpu.memory_space<vmem>>
    %dma_start3A_143 = tpu.memref_squeeze %dma_start3A_142 : memref<1x80xi32, #tpu.memory_space<vmem>> -> memref<80xi32, #tpu.memory_space<vmem>>
    %dma_start3A_144 = tpu.memref_slice %arg5[%add3A_135] : memref<6400000xi32, #tpu.memory_space<hbm>> -> memref<80xi32, #tpu.memory_space<hbm>>
    tpu.enqueue_dma source(%dma_start3A_144 : memref<80xi32, #tpu.memory_space<hbm>>) target(%dma_start3A_143 : memref<80xi32, #tpu.memory_space<vmem>>) target_semaphore(%arg21 : memref<!tpu.dma_semaphore, #tpu.memory_space<semaphore_mem>>)
    %add3A_145 = arith.constant 720 : i32
    %add3A_146 = arith.addi %add3A_40, %add3A_145 : i32
    %dma_start3A_147 = arith.constant 9 : i32
    %dma_start3A_148 = arith.constant 0 : i32
    %dma_start3A_149 = tpu.memref_slice %arg15[%dma_start3A_147, %dma_start3A_148] : memref<10x80xi32, #tpu.memory_space<vmem>> -> memref<1x80xi32, #tpu.memory_space<vmem>>
    %dma_start3A_150 = tpu.memref_squeeze %dma_start3A_149 : memref<1x80xi32, #tpu.memory_space<vmem>> -> memref<80xi32, #tpu.memory_space<vmem>>
    %dma_start3A_151 = tpu.memref_slice %arg5[%add3A_146] : memref<6400000xi32, #tpu.memory_space<hbm>> -> memref<80xi32, #tpu.memory_space<hbm>>
    %dma_start3A_152 = arith.constant 0 : i32
    %dma_start3A_153 = tpu.memref_slice %arg15[%dma_start3A_147, %dma_start3A_152] : memref<10x80xi32, #tpu.memory_space<vmem>> -> memref<1x80xi32, #tpu.memory_space<vmem>>
    %dma_start3A_154 = tpu.memref_squeeze %dma_start3A_153 : memref<1x80xi32, #tpu.memory_space<vmem>> -> memref<80xi32, #tpu.memory_space<vmem>>
    %dma_start3A_155 = tpu.memref_slice %arg5[%add3A_146] : memref<6400000xi32, #tpu.memory_space<hbm>> -> memref<80xi32, #tpu.memory_space<hbm>>
    tpu.enqueue_dma source(%dma_start3A_155 : memref<80xi32, #tpu.memory_space<hbm>>) target(%dma_start3A_154 : memref<80xi32, #tpu.memory_space<vmem>>) target_semaphore(%arg21 : memref<!tpu.dma_semaphore, #tpu.memory_space<semaphore_mem>>)
    %scan3A = arith.constant 0 : i32
    %scan3A_156 = arith.constant 0 : i32
    %scan3A_157 = arith.constant 125 : i32
    %scan3A_158 = arith.addi %scan3A_156, %scan3A_157 : i32
    %scan3A_159 = arith.constant 1 : i32
    scf.for %scan3A_418 = %scan3A_156 to %scan3A_158 step %scan3A_159  : i32 {
      %mul3A_419 = arith.constant 2 : i32
      %mul3A_420 = arith.muli %mul3A_419, %scan3A_418 : i32
      %add3A_421 = arith.constant 0 : i32
      %add3A_422 = arith.addi %mul3A_420, %add3A_421 : i32
      %dma_wait3A = arith.constant 0 : i32
      %dma_wait3A_423 = tpu.memref_slice %arg2[%dma_wait3A] : memref<6400000xf32, #tpu.memory_space<hbm>> -> memref<800xf32, #tpu.memory_space<hbm>>
      %dma_wait3A_424 = arith.constant 0 : i32
      %dma_wait3A_425 = tpu.memref_slice %arg2[%dma_wait3A_424] : memref<6400000xf32, #tpu.memory_space<hbm>> -> memref<800xf32, #tpu.memory_space<hbm>>
      tpu.wait_dma2 semaphore(%arg21 : memref<!tpu.dma_semaphore, #tpu.memory_space<semaphore_mem>>) src(%dma_wait3A_425 : memref<800xf32, #tpu.memory_space<hbm>>) dst(%arg9 : memref<800xf32, #tpu.memory_space<vmem>>)
      %dma_wait3A_426 = arith.constant 0 : i32
      %dma_wait3A_427 = tpu.memref_slice %arg3[%dma_wait3A_426] : memref<6400000xf32, #tpu.memory_space<hbm>> -> memref<800xf32, #tpu.memory_space<hbm>>
      %dma_wait3A_428 = arith.constant 0 : i32
      %dma_wait3A_429 = tpu.memref_slice %arg3[%dma_wait3A_428] : memref<6400000xf32, #tpu.memory_space<hbm>> -> memref<800xf32, #tpu.memory_space<hbm>>
      tpu.wait_dma2 semaphore(%arg21 : memref<!tpu.dma_semaphore, #tpu.memory_space<semaphore_mem>>) src(%dma_wait3A_429 : memref<800xf32, #tpu.memory_space<hbm>>) dst(%arg10 : memref<800xf32, #tpu.memory_space<vmem>>)
      %dma_wait3A_430 = arith.constant 0 : i32
      %dma_wait3A_431 = tpu.memref_slice %arg4[%dma_wait3A_430] : memref<6400000xf32, #tpu.memory_space<hbm>> -> memref<800xf32, #tpu.memory_space<hbm>>
      %dma_wait3A_432 = arith.constant 0 : i32
      %dma_wait3A_433 = tpu.memref_slice %arg4[%dma_wait3A_432] : memref<6400000xf32, #tpu.memory_space<hbm>> -> memref<800xf32, #tpu.memory_space<hbm>>
      tpu.wait_dma2 semaphore(%arg21 : memref<!tpu.dma_semaphore, #tpu.memory_space<semaphore_mem>>) src(%dma_wait3A_433 : memref<800xf32, #tpu.memory_space<hbm>>) dst(%arg11 : memref<800xf32, #tpu.memory_space<vmem>>)
      %dma_wait3A_434 = arith.constant 0 : i32
      %dma_wait3A_435 = arith.constant 0 : i32
      %dma_wait3A_436 = tpu.memref_slice %arg15[%dma_wait3A_434, %dma_wait3A_435] : memref<10x80xi32, #tpu.memory_space<vmem>> -> memref<1x80xi32, #tpu.memory_space<vmem>>
      %dma_wait3A_437 = tpu.memref_squeeze %dma_wait3A_436 : memref<1x80xi32, #tpu.memory_space<vmem>> -> memref<80xi32, #tpu.memory_space<vmem>>
      %dma_wait3A_438 = arith.constant 0 : i32
      %dma_wait3A_439 = tpu.memref_slice %arg5[%dma_wait3A_438] : memref<6400000xi32, #tpu.memory_space<hbm>> -> memref<80xi32, #tpu.memory_space<hbm>>
      %dma_wait3A_440 = arith.constant 0 : i32
      %dma_wait3A_441 = tpu.memref_slice %arg15[%dma_wait3A_434, %dma_wait3A_440] : memref<10x80xi32, #tpu.memory_space<vmem>> -> memref<1x80xi32, #tpu.memory_space<vmem>>
      %dma_wait3A_442 = tpu.memref_squeeze %dma_wait3A_441 : memref<1x80xi32, #tpu.memory_space<vmem>> -> memref<80xi32, #tpu.memory_space<vmem>>
      %dma_wait3A_443 = arith.constant 0 : i32
      %dma_wait3A_444 = tpu.memref_slice %arg5[%dma_wait3A_443] : memref<6400000xi32, #tpu.memory_space<hbm>> -> memref<80xi32, #tpu.memory_space<hbm>>
      tpu.wait_dma2 semaphore(%arg21 : memref<!tpu.dma_semaphore, #tpu.memory_space<semaphore_mem>>) src(%dma_wait3A_444 : memref<80xi32, #tpu.memory_space<hbm>>) dst(%dma_wait3A_442 : memref<80xi32, #tpu.memory_space<vmem>>)
      %dma_wait3A_445 = arith.constant 1 : i32
      %dma_wait3A_446 = arith.constant 0 : i32
      %dma_wait3A_447 = tpu.memref_slice %arg15[%dma_wait3A_445, %dma_wait3A_446] : memref<10x80xi32, #tpu.memory_space<vmem>> -> memref<1x80xi32, #tpu.memory_space<vmem>>
      %dma_wait3A_448 = tpu.memref_squeeze %dma_wait3A_447 : memref<1x80xi32, #tpu.memory_space<vmem>> -> memref<80xi32, #tpu.memory_space<vmem>>
      %dma_wait3A_449 = arith.constant 0 : i32
      %dma_wait3A_450 = tpu.memref_slice %arg5[%dma_wait3A_449] : memref<6400000xi32, #tpu.memory_space<hbm>> -> memref<80xi32, #tpu.memory_space<hbm>>
      %dma_wait3A_451 = arith.constant 0 : i32
      %dma_wait3A_452 = tpu.memref_slice %arg15[%dma_wait3A_445, %dma_wait3A_451] : memref<10x80xi32, #tpu.memory_space<vmem>> -> memref<1x80xi32, #tpu.memory_space<vmem>>
      %dma_wait3A_453 = tpu.memref_squeeze %dma_wait3A_452 : memref<1x80xi32, #tpu.memory_space<vmem>> -> memref<80xi32, #tpu.memory_space<vmem>>
      %dma_wait3A_454 = arith.constant 0 : i32
      %dma_wait3A_455 = tpu.memref_slice %arg5[%dma_wait3A_454] : memref<6400000xi32, #tpu.memory_space<hbm>> -> memref<80xi32, #tpu.memory_space<hbm>>
      tpu.wait_dma2 semaphore(%arg21 : memref<!tpu.dma_semaphore, #tpu.memory_space<semaphore_mem>>) src(%dma_wait3A_455 : memref<80xi32, #tpu.memory_space<hbm>>) dst(%dma_wait3A_453 : memref<80xi32, #tpu.memory_space<vmem>>)
      %dma_wait3A_456 = arith.constant 2 : i32
      %dma_wait3A_457 = arith.constant 0 : i32
      %dma_wait3A_458 = tpu.memref_slice %arg15[%dma_wait3A_456, %dma_wait3A_457] : memref<10x80xi32, #tpu.memory_space<vmem>> -> memref<1x80xi32, #tpu.memory_space<vmem>>
      %dma_wait3A_459 = tpu.memref_squeeze %dma_wait3A_458 : memref<1x80xi32, #tpu.memory_space<vmem>> -> memref<80xi32, #tpu.memory_space<vmem>>
      %dma_wait3A_460 = arith.constant 0 : i32
      %dma_wait3A_461 = tpu.memref_slice %arg5[%dma_wait3A_460] : memref<6400000xi32, #tpu.memory_space<hbm>> -> memref<80xi32, #tpu.memory_space<hbm>>
      %dma_wait3A_462 = arith.constant 0 : i32
      %dma_wait3A_463 = tpu.memref_slice %arg15[%dma_wait3A_456, %dma_wait3A_462] : memref<10x80xi32, #tpu.memory_space<vmem>> -> memref<1x80xi32, #tpu.memory_space<vmem>>
      %dma_wait3A_464 = tpu.memref_squeeze %dma_wait3A_463 : memref<1x80xi32, #tpu.memory_space<vmem>> -> memref<80xi32, #tpu.memory_space<vmem>>
      %dma_wait3A_465 = arith.constant 0 : i32
      %dma_wait3A_466 = tpu.memref_slice %arg5[%dma_wait3A_465] : memref<6400000xi32, #tpu.memory_space<hbm>> -> memref<80xi32, #tpu.memory_space<hbm>>
      tpu.wait_dma2 semaphore(%arg21 : memref<!tpu.dma_semaphore, #tpu.memory_space<semaphore_mem>>) src(%dma_wait3A_466 : memref<80xi32, #tpu.memory_space<hbm>>) dst(%dma_wait3A_464 : memref<80xi32, #tpu.memory_space<vmem>>)
      %dma_wait3A_467 = arith.constant 3 : i32
      %dma_wait3A_468 = arith.constant 0 : i32
      %dma_wait3A_469 = tpu.memref_slice %arg15[%dma_wait3A_467, %dma_wait3A_468] : memref<10x80xi32, #tpu.memory_space<vmem>> -> memref<1x80xi32, #tpu.memory_space<vmem>>
      %dma_wait3A_470 = tpu.memref_squeeze %dma_wait3A_469 : memref<1x80xi32, #tpu.memory_space<vmem>> -> memref<80xi32, #tpu.memory_space<vmem>>
      %dma_wait3A_471 = arith.constant 0 : i32
      %dma_wait3A_472 = tpu.memref_slice %arg5[%dma_wait3A_471] : memref<6400000xi32, #tpu.memory_space<hbm>> -> memref<80xi32, #tpu.memory_space<hbm>>
      %dma_wait3A_473 = arith.constant 0 : i32
      %dma_wait3A_474 = tpu.memref_slice %arg15[%dma_wait3A_467, %dma_wait3A_473] : memref<10x80xi32, #tpu.memory_space<vmem>> -> memref<1x80xi32, #tpu.memory_space<vmem>>
      %dma_wait3A_475 = tpu.memref_squeeze %dma_wait3A_474 : memref<1x80xi32, #tpu.memory_space<vmem>> -> memref<80xi32, #tpu.memory_space<vmem>>
      %dma_wait3A_476 = arith.constant 0 : i32
      %dma_wait3A_477 = tpu.memref_slice %arg5[%dma_wait3A_476] : memref<6400000xi32, #tpu.memory_space<hbm>> -> memref<80xi32, #tpu.memory_space<hbm>>
      tpu.wait_dma2 semaphore(%arg21 : memref<!tpu.dma_semaphore, #tpu.memory_space<semaphore_mem>>) src(%dma_wait3A_477 : memref<80xi32, #tpu.memory_space<hbm>>) dst(%dma_wait3A_475 : memref<80xi32, #tpu.memory_space<vmem>>)
      %dma_wait3A_478 = arith.constant 4 : i32
      %dma_wait3A_479 = arith.constant 0 : i32
      %dma_wait3A_480 = tpu.memref_slice %arg15[%dma_wait3A_478, %dma_wait3A_479] : memref<10x80xi32, #tpu.memory_space<vmem>> -> memref<1x80xi32, #tpu.memory_space<vmem>>
      %dma_wait3A_481 = tpu.memref_squeeze %dma_wait3A_480 : memref<1x80xi32, #tpu.memory_space<vmem>> -> memref<80xi32, #tpu.memory_space<vmem>>
      %dma_wait3A_482 = arith.constant 0 : i32
      %dma_wait3A_483 = tpu.memref_slice %arg5[%dma_wait3A_482] : memref<6400000xi32, #tpu.memory_space<hbm>> -> memref<80xi32, #tpu.memory_space<hbm>>
      %dma_wait3A_484 = arith.constant 0 : i32
      %dma_wait3A_485 = tpu.memref_slice %arg15[%dma_wait3A_478, %dma_wait3A_484] : memref<10x80xi32, #tpu.memory_space<vmem>> -> memref<1x80xi32, #tpu.memory_space<vmem>>
      %dma_wait3A_486 = tpu.memref_squeeze %dma_wait3A_485 : memref<1x80xi32, #tpu.memory_space<vmem>> -> memref<80xi32, #tpu.memory_space<vmem>>
      %dma_wait3A_487 = arith.constant 0 : i32
      %dma_wait3A_488 = tpu.memref_slice %arg5[%dma_wait3A_487] : memref<6400000xi32, #tpu.memory_space<hbm>> -> memref<80xi32, #tpu.memory_space<hbm>>
      tpu.wait_dma2 semaphore(%arg21 : memref<!tpu.dma_semaphore, #tpu.memory_space<semaphore_mem>>) src(%dma_wait3A_488 : memref<80xi32, #tpu.memory_space<hbm>>) dst(%dma_wait3A_486 : memref<80xi32, #tpu.memory_space<vmem>>)
      %dma_wait3A_489 = arith.constant 5 : i32
      %dma_wait3A_490 = arith.constant 0 : i32
      %dma_wait3A_491 = tpu.memref_slice %arg15[%dma_wait3A_489, %dma_wait3A_490] : memref<10x80xi32, #tpu.memory_space<vmem>> -> memref<1x80xi32, #tpu.memory_space<vmem>>
      %dma_wait3A_492 = tpu.memref_squeeze %dma_wait3A_491 : memref<1x80xi32, #tpu.memory_space<vmem>> -> memref<80xi32, #tpu.memory_space<vmem>>
      %dma_wait3A_493 = arith.constant 0 : i32
      %dma_wait3A_494 = tpu.memref_slice %arg5[%dma_wait3A_493] : memref<6400000xi32, #tpu.memory_space<hbm>> -> memref<80xi32, #tpu.memory_space<hbm>>
      %dma_wait3A_495 = arith.constant 0 : i32
      %dma_wait3A_496 = tpu.memref_slice %arg15[%dma_wait3A_489, %dma_wait3A_495] : memref<10x80xi32, #tpu.memory_space<vmem>> -> memref<1x80xi32, #tpu.memory_space<vmem>>
      %dma_wait3A_497 = tpu.memref_squeeze %dma_wait3A_496 : memref<1x80xi32, #tpu.memory_space<vmem>> -> memref<80xi32, #tpu.memory_space<vmem>>
      %dma_wait3A_498 = arith.constant 0 : i32
      %dma_wait3A_499 = tpu.memref_slice %arg5[%dma_wait3A_498] : memref<6400000xi32, #tpu.memory_space<hbm>> -> memref<80xi32, #tpu.memory_space<hbm>>
      tpu.wait_dma2 semaphore(%arg21 : memref<!tpu.dma_semaphore, #tpu.memory_space<semaphore_mem>>) src(%dma_wait3A_499 : memref<80xi32, #tpu.memory_space<hbm>>) dst(%dma_wait3A_497 : memref<80xi32, #tpu.memory_space<vmem>>)
      %dma_wait3A_500 = arith.constant 6 : i32
      %dma_wait3A_501 = arith.constant 0 : i32
      %dma_wait3A_502 = tpu.memref_slice %arg15[%dma_wait3A_500, %dma_wait3A_501] : memref<10x80xi32, #tpu.memory_space<vmem>> -> memref<1x80xi32, #tpu.memory_space<vmem>>
      %dma_wait3A_503 = tpu.memref_squeeze %dma_wait3A_502 : memref<1x80xi32, #tpu.memory_space<vmem>> -> memref<80xi32, #tpu.memory_space<vmem>>
      %dma_wait3A_504 = arith.constant 0 : i32
      %dma_wait3A_505 = tpu.memref_slice %arg5[%dma_wait3A_504] : memref<6400000xi32, #tpu.memory_space<hbm>> -> memref<80xi32, #tpu.memory_space<hbm>>
      %dma_wait3A_506 = arith.constant 0 : i32
      %dma_wait3A_507 = tpu.memref_slice %arg15[%dma_wait3A_500, %dma_wait3A_506] : memref<10x80xi32, #tpu.memory_space<vmem>> -> memref<1x80xi32, #tpu.memory_space<vmem>>
      %dma_wait3A_508 = tpu.memref_squeeze %dma_wait3A_507 : memref<1x80xi32, #tpu.memory_space<vmem>> -> memref<80xi32, #tpu.memory_space<vmem>>
      %dma_wait3A_509 = arith.constant 0 : i32
      %dma_wait3A_510 = tpu.memref_slice %arg5[%dma_wait3A_509] : memref<6400000xi32, #tpu.memory_space<hbm>> -> memref<80xi32, #tpu.memory_space<hbm>>
      tpu.wait_dma2 semaphore(%arg21 : memref<!tpu.dma_semaphore, #tpu.memory_space<semaphore_mem>>) src(%dma_wait3A_510 : memref<80xi32, #tpu.memory_space<hbm>>) dst(%dma_wait3A_508 : memref<80xi32, #tpu.memory_space<vmem>>)
      %dma_wait3A_511 = arith.constant 7 : i32
      %dma_wait3A_512 = arith.constant 0 : i32
      %dma_wait3A_513 = tpu.memref_slice %arg15[%dma_wait3A_511, %dma_wait3A_512] : memref<10x80xi32, #tpu.memory_space<vmem>> -> memref<1x80xi32, #tpu.memory_space<vmem>>
      %dma_wait3A_514 = tpu.memref_squeeze %dma_wait3A_513 : memref<1x80xi32, #tpu.memory_space<vmem>> -> memref<80xi32, #tpu.memory_space<vmem>>
      %dma_wait3A_515 = arith.constant 0 : i32
      %dma_wait3A_516 = tpu.memref_slice %arg5[%dma_wait3A_515] : memref<6400000xi32, #tpu.memory_space<hbm>> -> memref<80xi32, #tpu.memory_space<hbm>>
      %dma_wait3A_517 = arith.constant 0 : i32
      %dma_wait3A_518 = tpu.memref_slice %arg15[%dma_wait3A_511, %dma_wait3A_517] : memref<10x80xi32, #tpu.memory_space<vmem>> -> memref<1x80xi32, #tpu.memory_space<vmem>>
      %dma_wait3A_519 = tpu.memref_squeeze %dma_wait3A_518 : memref<1x80xi32, #tpu.memory_space<vmem>> -> memref<80xi32, #tpu.memory_space<vmem>>
      %dma_wait3A_520 = arith.constant 0 : i32
      %dma_wait3A_521 = tpu.memref_slice %arg5[%dma_wait3A_520] : memref<6400000xi32, #tpu.memory_space<hbm>> -> memref<80xi32, #tpu.memory_space<hbm>>
      tpu.wait_dma2 semaphore(%arg21 : memref<!tpu.dma_semaphore, #tpu.memory_space<semaphore_mem>>) src(%dma_wait3A_521 : memref<80xi32, #tpu.memory_space<hbm>>) dst(%dma_wait3A_519 : memref<80xi32, #tpu.memory_space<vmem>>)
      %dma_wait3A_522 = arith.constant 8 : i32
      %dma_wait3A_523 = arith.constant 0 : i32
      %dma_wait3A_524 = tpu.memref_slice %arg15[%dma_wait3A_522, %dma_wait3A_523] : memref<10x80xi32, #tpu.memory_space<vmem>> -> memref<1x80xi32, #tpu.memory_space<vmem>>
      %dma_wait3A_525 = tpu.memref_squeeze %dma_wait3A_524 : memref<1x80xi32, #tpu.memory_space<vmem>> -> memref<80xi32, #tpu.memory_space<vmem>>
      %dma_wait3A_526 = arith.constant 0 : i32
      %dma_wait3A_527 = tpu.memref_slice %arg5[%dma_wait3A_526] : memref<6400000xi32, #tpu.memory_space<hbm>> -> memref<80xi32, #tpu.memory_space<hbm>>
      %dma_wait3A_528 = arith.constant 0 : i32
      %dma_wait3A_529 = tpu.memref_slice %arg15[%dma_wait3A_522, %dma_wait3A_528] : memref<10x80xi32, #tpu.memory_space<vmem>> -> memref<1x80xi32, #tpu.memory_space<vmem>>
      %dma_wait3A_530 = tpu.memref_squeeze %dma_wait3A_529 : memref<1x80xi32, #tpu.memory_space<vmem>> -> memref<80xi32, #tpu.memory_space<vmem>>
      %dma_wait3A_531 = arith.constant 0 : i32
      %dma_wait3A_532 = tpu.memref_slice %arg5[%dma_wait3A_531] : memref<6400000xi32, #tpu.memory_space<hbm>> -> memref<80xi32, #tpu.memory_space<hbm>>
      tpu.wait_dma2 semaphore(%arg21 : memref<!tpu.dma_semaphore, #tpu.memory_space<semaphore_mem>>) src(%dma_wait3A_532 : memref<80xi32, #tpu.memory_space<hbm>>) dst(%dma_wait3A_530 : memref<80xi32, #tpu.memory_space<vmem>>)
      %dma_wait3A_533 = arith.constant 9 : i32
      %dma_wait3A_534 = arith.constant 0 : i32
      %dma_wait3A_535 = tpu.memref_slice %arg15[%dma_wait3A_533, %dma_wait3A_534] : memref<10x80xi32, #tpu.memory_space<vmem>> -> memref<1x80xi32, #tpu.memory_space<vmem>>
      %dma_wait3A_536 = tpu.memref_squeeze %dma_wait3A_535 : memref<1x80xi32, #tpu.memory_space<vmem>> -> memref<80xi32, #tpu.memory_space<vmem>>
      %dma_wait3A_537 = arith.constant 0 : i32
      %dma_wait3A_538 = tpu.memref_slice %arg5[%dma_wait3A_537] : memref<6400000xi32, #tpu.memory_space<hbm>> -> memref<80xi32, #tpu.memory_space<hbm>>
      %dma_wait3A_539 = arith.constant 0 : i32
      %dma_wait3A_540 = tpu.memref_slice %arg15[%dma_wait3A_533, %dma_wait3A_539] : memref<10x80xi32, #tpu.memory_space<vmem>> -> memref<1x80xi32, #tpu.memory_space<vmem>>
      %dma_wait3A_541 = tpu.memref_squeeze %dma_wait3A_540 : memref<1x80xi32, #tpu.memory_space<vmem>> -> memref<80xi32, #tpu.memory_space<vmem>>
      %dma_wait3A_542 = arith.constant 0 : i32
      %dma_wait3A_543 = tpu.memref_slice %arg5[%dma_wait3A_542] : memref<6400000xi32, #tpu.memory_space<hbm>> -> memref<80xi32, #tpu.memory_space<hbm>>
      tpu.wait_dma2 semaphore(%arg21 : memref<!tpu.dma_semaphore, #tpu.memory_space<semaphore_mem>>) src(%dma_wait3A_543 : memref<80xi32, #tpu.memory_space<hbm>>) dst(%dma_wait3A_541 : memref<80xi32, #tpu.memory_space<vmem>>)
      %add3A_544 = arith.constant 1 : i32
      %add3A_545 = arith.addi %add3A_422, %add3A_544 : i32
      %lt3A = arith.constant 250 : i32
      %lt3A_546 = arith.cmpi slt, %add3A_545, %lt3A : i32
      %convert_element_type3A = arith.extui %lt3A_546 : i1 to i32
      %cond3A = arith.constant 0 : i32
      %cond3A_547 = arith.cmpi ne, %convert_element_type3A, %cond3A : i32
      scf.if %cond3A_547 {
        %add3A_1093 = arith.constant 1 : i32
        %add3A_1094 = arith.addi %add3A_422, %add3A_1093 : i32
        %mul3A_1095 = arith.constant 800 : i32
        %mul3A_1096 = arith.muli %add3A_1094, %mul3A_1095 : i32
        %add3A_1097 = arith.addi %mul3A_4, %mul3A_1096 : i32
        %dma_start3A_1098 = tpu.memref_slice %arg2[%add3A_1097] : memref<6400000xf32, #tpu.memory_space<hbm>> -> memref<800xf32, #tpu.memory_space<hbm>>
        %dma_start3A_1099 = tpu.memref_slice %arg2[%add3A_1097] : memref<6400000xf32, #tpu.memory_space<hbm>> -> memref<800xf32, #tpu.memory_space<hbm>>
        tpu.enqueue_dma source(%dma_start3A_1099 : memref<800xf32, #tpu.memory_space<hbm>>) target(%arg12 : memref<800xf32, #tpu.memory_space<vmem>>) target_semaphore(%arg22 : memref<!tpu.dma_semaphore, #tpu.memory_space<semaphore_mem>>)
        %dma_start3A_1100 = tpu.memref_slice %arg3[%add3A_1097] : memref<6400000xf32, #tpu.memory_space<hbm>> -> memref<800xf32, #tpu.memory_space<hbm>>
        %dma_start3A_1101 = tpu.memref_slice %arg3[%add3A_1097] : memref<6400000xf32, #tpu.memory_space<hbm>> -> memref<800xf32, #tpu.memory_space<hbm>>
        tpu.enqueue_dma source(%dma_start3A_1101 : memref<800xf32, #tpu.memory_space<hbm>>) target(%arg13 : memref<800xf32, #tpu.memory_space<vmem>>) target_semaphore(%arg22 : memref<!tpu.dma_semaphore, #tpu.memory_space<semaphore_mem>>)
        %dma_start3A_1102 = tpu.memref_slice %arg4[%add3A_1097] : memref<6400000xf32, #tpu.memory_space<hbm>> -> memref<800xf32, #tpu.memory_space<hbm>>
        %dma_start3A_1103 = tpu.memref_slice %arg4[%add3A_1097] : memref<6400000xf32, #tpu.memory_space<hbm>> -> memref<800xf32, #tpu.memory_space<hbm>>
        tpu.enqueue_dma source(%dma_start3A_1103 : memref<800xf32, #tpu.memory_space<hbm>>) target(%arg14 : memref<800xf32, #tpu.memory_space<vmem>>) target_semaphore(%arg22 : memref<!tpu.dma_semaphore, #tpu.memory_space<semaphore_mem>>)
        %add3A_1104 = arith.constant 0 : i32
        %add3A_1105 = arith.addi %add3A_1097, %add3A_1104 : i32
        %dma_start3A_1106 = arith.constant 0 : i32
        %dma_start3A_1107 = arith.constant 0 : i32
        %dma_start3A_1108 = tpu.memref_slice %arg16[%dma_start3A_1106, %dma_start3A_1107] : memref<10x80xi32, #tpu.memory_space<vmem>> -> memref<1x80xi32, #tpu.memory_space<vmem>>
        %dma_start3A_1109 = tpu.memref_squeeze %dma_start3A_1108 : memref<1x80xi32, #tpu.memory_space<vmem>> -> memref<80xi32, #tpu.memory_space<vmem>>
        %dma_start3A_1110 = tpu.memref_slice %arg5[%add3A_1105] : memref<6400000xi32, #tpu.memory_space<hbm>> -> memref<80xi32, #tpu.memory_space<hbm>>
        %dma_start3A_1111 = arith.constant 0 : i32
        %dma_start3A_1112 = tpu.memref_slice %arg16[%dma_start3A_1106, %dma_start3A_1111] : memref<10x80xi32, #tpu.memory_space<vmem>> -> memref<1x80xi32, #tpu.memory_space<vmem>>
        %dma_start3A_1113 = tpu.memref_squeeze %dma_start3A_1112 : memref<1x80xi32, #tpu.memory_space<vmem>> -> memref<80xi32, #tpu.memory_space<vmem>>
        %dma_start3A_1114 = tpu.memref_slice %arg5[%add3A_1105] : memref<6400000xi32, #tpu.memory_space<hbm>> -> memref<80xi32, #tpu.memory_space<hbm>>
        tpu.enqueue_dma source(%dma_start3A_1114 : memref<80xi32, #tpu.memory_space<hbm>>) target(%dma_start3A_1113 : memref<80xi32, #tpu.memory_space<vmem>>) target_semaphore(%arg22 : memref<!tpu.dma_semaphore, #tpu.memory_space<semaphore_mem>>)
        %add3A_1115 = arith.constant 80 : i32
        %add3A_1116 = arith.addi %add3A_1097, %add3A_1115 : i32
        %dma_start3A_1117 = arith.constant 1 : i32
        %dma_start3A_1118 = arith.constant 0 : i32
        %dma_start3A_1119 = tpu.memref_slice %arg16[%dma_start3A_1117, %dma_start3A_1118] : memref<10x80xi32, #tpu.memory_space<vmem>> -> memref<1x80xi32, #tpu.memory_space<vmem>>
        %dma_start3A_1120 = tpu.memref_squeeze %dma_start3A_1119 : memref<1x80xi32, #tpu.memory_space<vmem>> -> memref<80xi32, #tpu.memory_space<vmem>>
        %dma_start3A_1121 = tpu.memref_slice %arg5[%add3A_1116] : memref<6400000xi32, #tpu.memory_space<hbm>> -> memref<80xi32, #tpu.memory_space<hbm>>
        %dma_start3A_1122 = arith.constant 0 : i32
        %dma_start3A_1123 = tpu.memref_slice %arg16[%dma_start3A_1117, %dma_start3A_1122] : memref<10x80xi32, #tpu.memory_space<vmem>> -> memref<1x80xi32, #tpu.memory_space<vmem>>
        %dma_start3A_1124 = tpu.memref_squeeze %dma_start3A_1123 : memref<1x80xi32, #tpu.memory_space<vmem>> -> memref<80xi32, #tpu.memory_space<vmem>>
        %dma_start3A_1125 = tpu.memref_slice %arg5[%add3A_1116] : memref<6400000xi32, #tpu.memory_space<hbm>> -> memref<80xi32, #tpu.memory_space<hbm>>
        tpu.enqueue_dma source(%dma_start3A_1125 : memref<80xi32, #tpu.memory_space<hbm>>) target(%dma_start3A_1124 : memref<80xi32, #tpu.memory_space<vmem>>) target_semaphore(%arg22 : memref<!tpu.dma_semaphore, #tpu.memory_space<semaphore_mem>>)
        %add3A_1126 = arith.constant 160 : i32
        %add3A_1127 = arith.addi %add3A_1097, %add3A_1126 : i32
        %dma_start3A_1128 = arith.constant 2 : i32
        %dma_start3A_1129 = arith.constant 0 : i32
        %dma_start3A_1130 = tpu.memref_slice %arg16[%dma_start3A_1128, %dma_start3A_1129] : memref<10x80xi32, #tpu.memory_space<vmem>> -> memref<1x80xi32, #tpu.memory_space<vmem>>
        %dma_start3A_1131 = tpu.memref_squeeze %dma_start3A_1130 : memref<1x80xi32, #tpu.memory_space<vmem>> -> memref<80xi32, #tpu.memory_space<vmem>>
        %dma_start3A_1132 = tpu.memref_slice %arg5[%add3A_1127] : memref<6400000xi32, #tpu.memory_space<hbm>> -> memref<80xi32, #tpu.memory_space<hbm>>
        %dma_start3A_1133 = arith.constant 0 : i32
        %dma_start3A_1134 = tpu.memref_slice %arg16[%dma_start3A_1128, %dma_start3A_1133] : memref<10x80xi32, #tpu.memory_space<vmem>> -> memref<1x80xi32, #tpu.memory_space<vmem>>
        %dma_start3A_1135 = tpu.memref_squeeze %dma_start3A_1134 : memref<1x80xi32, #tpu.memory_space<vmem>> -> memref<80xi32, #tpu.memory_space<vmem>>
        %dma_start3A_1136 = tpu.memref_slice %arg5[%add3A_1127] : memref<6400000xi32, #tpu.memory_space<hbm>> -> memref<80xi32, #tpu.memory_space<hbm>>
        tpu.enqueue_dma source(%dma_start3A_1136 : memref<80xi32, #tpu.memory_space<hbm>>) target(%dma_start3A_1135 : memref<80xi32, #tpu.memory_space<vmem>>) target_semaphore(%arg22 : memref<!tpu.dma_semaphore, #tpu.memory_space<semaphore_mem>>)
        %add3A_1137 = arith.constant 240 : i32
        %add3A_1138 = arith.addi %add3A_1097, %add3A_1137 : i32
        %dma_start3A_1139 = arith.constant 3 : i32
        %dma_start3A_1140 = arith.constant 0 : i32
        %dma_start3A_1141 = tpu.memref_slice %arg16[%dma_start3A_1139, %dma_start3A_1140] : memref<10x80xi32, #tpu.memory_space<vmem>> -> memref<1x80xi32, #tpu.memory_space<vmem>>
        %dma_start3A_1142 = tpu.memref_squeeze %dma_start3A_1141 : memref<1x80xi32, #tpu.memory_space<vmem>> -> memref<80xi32, #tpu.memory_space<vmem>>
        %dma_start3A_1143 = tpu.memref_slice %arg5[%add3A_1138] : memref<6400000xi32, #tpu.memory_space<hbm>> -> memref<80xi32, #tpu.memory_space<hbm>>
        %dma_start3A_1144 = arith.constant 0 : i32
        %dma_start3A_1145 = tpu.memref_slice %arg16[%dma_start3A_1139, %dma_start3A_1144] : memref<10x80xi32, #tpu.memory_space<vmem>> -> memref<1x80xi32, #tpu.memory_space<vmem>>
        %dma_start3A_1146 = tpu.memref_squeeze %dma_start3A_1145 : memref<1x80xi32, #tpu.memory_space<vmem>> -> memref<80xi32, #tpu.memory_space<vmem>>
        %dma_start3A_1147 = tpu.memref_slice %arg5[%add3A_1138] : memref<6400000xi32, #tpu.memory_space<hbm>> -> memref<80xi32, #tpu.memory_space<hbm>>
        tpu.enqueue_dma source(%dma_start3A_1147 : memref<80xi32, #tpu.memory_space<hbm>>) target(%dma_start3A_1146 : memref<80xi32, #tpu.memory_space<vmem>>) target_semaphore(%arg22 : memref<!tpu.dma_semaphore, #tpu.memory_space<semaphore_mem>>)
        %add3A_1148 = arith.constant 320 : i32
        %add3A_1149 = arith.addi %add3A_1097, %add3A_1148 : i32
        %dma_start3A_1150 = arith.constant 4 : i32
        %dma_start3A_1151 = arith.constant 0 : i32
        %dma_start3A_1152 = tpu.memref_slice %arg16[%dma_start3A_1150, %dma_start3A_1151] : memref<10x80xi32, #tpu.memory_space<vmem>> -> memref<1x80xi32, #tpu.memory_space<vmem>>
        %dma_start3A_1153 = tpu.memref_squeeze %dma_start3A_1152 : memref<1x80xi32, #tpu.memory_space<vmem>> -> memref<80xi32, #tpu.memory_space<vmem>>
        %dma_start3A_1154 = tpu.memref_slice %arg5[%add3A_1149] : memref<6400000xi32, #tpu.memory_space<hbm>> -> memref<80xi32, #tpu.memory_space<hbm>>
        %dma_start3A_1155 = arith.constant 0 : i32
        %dma_start3A_1156 = tpu.memref_slice %arg16[%dma_start3A_1150, %dma_start3A_1155] : memref<10x80xi32, #tpu.memory_space<vmem>> -> memref<1x80xi32, #tpu.memory_space<vmem>>
        %dma_start3A_1157 = tpu.memref_squeeze %dma_start3A_1156 : memref<1x80xi32, #tpu.memory_space<vmem>> -> memref<80xi32, #tpu.memory_space<vmem>>
        %dma_start3A_1158 = tpu.memref_slice %arg5[%add3A_1149] : memref<6400000xi32, #tpu.memory_space<hbm>> -> memref<80xi32, #tpu.memory_space<hbm>>
        tpu.enqueue_dma source(%dma_start3A_1158 : memref<80xi32, #tpu.memory_space<hbm>>) target(%dma_start3A_1157 : memref<80xi32, #tpu.memory_space<vmem>>) target_semaphore(%arg22 : memref<!tpu.dma_semaphore, #tpu.memory_space<semaphore_mem>>)
        %add3A_1159 = arith.constant 400 : i32
        %add3A_1160 = arith.addi %add3A_1097, %add3A_1159 : i32
        %dma_start3A_1161 = arith.constant 5 : i32
        %dma_start3A_1162 = arith.constant 0 : i32
        %dma_start3A_1163 = tpu.memref_slice %arg16[%dma_start3A_1161, %dma_start3A_1162] : memref<10x80xi32, #tpu.memory_space<vmem>> -> memref<1x80xi32, #tpu.memory_space<vmem>>
        %dma_start3A_1164 = tpu.memref_squeeze %dma_start3A_1163 : memref<1x80xi32, #tpu.memory_space<vmem>> -> memref<80xi32, #tpu.memory_space<vmem>>
        %dma_start3A_1165 = tpu.memref_slice %arg5[%add3A_1160] : memref<6400000xi32, #tpu.memory_space<hbm>> -> memref<80xi32, #tpu.memory_space<hbm>>
        %dma_start3A_1166 = arith.constant 0 : i32
        %dma_start3A_1167 = tpu.memref_slice %arg16[%dma_start3A_1161, %dma_start3A_1166] : memref<10x80xi32, #tpu.memory_space<vmem>> -> memref<1x80xi32, #tpu.memory_space<vmem>>
        %dma_start3A_1168 = tpu.memref_squeeze %dma_start3A_1167 : memref<1x80xi32, #tpu.memory_space<vmem>> -> memref<80xi32, #tpu.memory_space<vmem>>
        %dma_start3A_1169 = tpu.memref_slice %arg5[%add3A_1160] : memref<6400000xi32, #tpu.memory_space<hbm>> -> memref<80xi32, #tpu.memory_space<hbm>>
        tpu.enqueue_dma source(%dma_start3A_1169 : memref<80xi32, #tpu.memory_space<hbm>>) target(%dma_start3A_1168 : memref<80xi32, #tpu.memory_space<vmem>>) target_semaphore(%arg22 : memref<!tpu.dma_semaphore, #tpu.memory_space<semaphore_mem>>)
        %add3A_1170 = arith.constant 480 : i32
        %add3A_1171 = arith.addi %add3A_1097, %add3A_1170 : i32
        %dma_start3A_1172 = arith.constant 6 : i32
        %dma_start3A_1173 = arith.constant 0 : i32
        %dma_start3A_1174 = tpu.memref_slice %arg16[%dma_start3A_1172, %dma_start3A_1173] : memref<10x80xi32, #tpu.memory_space<vmem>> -> memref<1x80xi32, #tpu.memory_space<vmem>>
        %dma_start3A_1175 = tpu.memref_squeeze %dma_start3A_1174 : memref<1x80xi32, #tpu.memory_space<vmem>> -> memref<80xi32, #tpu.memory_space<vmem>>
        %dma_start3A_1176 = tpu.memref_slice %arg5[%add3A_1171] : memref<6400000xi32, #tpu.memory_space<hbm>> -> memref<80xi32, #tpu.memory_space<hbm>>
        %dma_start3A_1177 = arith.constant 0 : i32
        %dma_start3A_1178 = tpu.memref_slice %arg16[%dma_start3A_1172, %dma_start3A_1177] : memref<10x80xi32, #tpu.memory_space<vmem>> -> memref<1x80xi32, #tpu.memory_space<vmem>>
        %dma_start3A_1179 = tpu.memref_squeeze %dma_start3A_1178 : memref<1x80xi32, #tpu.memory_space<vmem>> -> memref<80xi32, #tpu.memory_space<vmem>>
        %dma_start3A_1180 = tpu.memref_slice %arg5[%add3A_1171] : memref<6400000xi32, #tpu.memory_space<hbm>> -> memref<80xi32, #tpu.memory_space<hbm>>
        tpu.enqueue_dma source(%dma_start3A_1180 : memref<80xi32, #tpu.memory_space<hbm>>) target(%dma_start3A_1179 : memref<80xi32, #tpu.memory_space<vmem>>) target_semaphore(%arg22 : memref<!tpu.dma_semaphore, #tpu.memory_space<semaphore_mem>>)
        %add3A_1181 = arith.constant 560 : i32
        %add3A_1182 = arith.addi %add3A_1097, %add3A_1181 : i32
        %dma_start3A_1183 = arith.constant 7 : i32
        %dma_start3A_1184 = arith.constant 0 : i32
        %dma_start3A_1185 = tpu.memref_slice %arg16[%dma_start3A_1183, %dma_start3A_1184] : memref<10x80xi32, #tpu.memory_space<vmem>> -> memref<1x80xi32, #tpu.memory_space<vmem>>
        %dma_start3A_1186 = tpu.memref_squeeze %dma_start3A_1185 : memref<1x80xi32, #tpu.memory_space<vmem>> -> memref<80xi32, #tpu.memory_space<vmem>>
        %dma_start3A_1187 = tpu.memref_slice %arg5[%add3A_1182] : memref<6400000xi32, #tpu.memory_space<hbm>> -> memref<80xi32, #tpu.memory_space<hbm>>
        %dma_start3A_1188 = arith.constant 0 : i32
        %dma_start3A_1189 = tpu.memref_slice %arg16[%dma_start3A_1183, %dma_start3A_1188] : memref<10x80xi32, #tpu.memory_space<vmem>> -> memref<1x80xi32, #tpu.memory_space<vmem>>
        %dma_start3A_1190 = tpu.memref_squeeze %dma_start3A_1189 : memref<1x80xi32, #tpu.memory_space<vmem>> -> memref<80xi32, #tpu.memory_space<vmem>>
        %dma_start3A_1191 = tpu.memref_slice %arg5[%add3A_1182] : memref<6400000xi32, #tpu.memory_space<hbm>> -> memref<80xi32, #tpu.memory_space<hbm>>
        tpu.enqueue_dma source(%dma_start3A_1191 : memref<80xi32, #tpu.memory_space<hbm>>) target(%dma_start3A_1190 : memref<80xi32, #tpu.memory_space<vmem>>) target_semaphore(%arg22 : memref<!tpu.dma_semaphore, #tpu.memory_space<semaphore_mem>>)
        %add3A_1192 = arith.constant 640 : i32
        %add3A_1193 = arith.addi %add3A_1097, %add3A_1192 : i32
        %dma_start3A_1194 = arith.constant 8 : i32
        %dma_start3A_1195 = arith.constant 0 : i32
        %dma_start3A_1196 = tpu.memref_slice %arg16[%dma_start3A_1194, %dma_start3A_1195] : memref<10x80xi32, #tpu.memory_space<vmem>> -> memref<1x80xi32, #tpu.memory_space<vmem>>
        %dma_start3A_1197 = tpu.memref_squeeze %dma_start3A_1196 : memref<1x80xi32, #tpu.memory_space<vmem>> -> memref<80xi32, #tpu.memory_space<vmem>>
        %dma_start3A_1198 = tpu.memref_slice %arg5[%add3A_1193] : memref<6400000xi32, #tpu.memory_space<hbm>> -> memref<80xi32, #tpu.memory_space<hbm>>
        %dma_start3A_1199 = arith.constant 0 : i32
        %dma_start3A_1200 = tpu.memref_slice %arg16[%dma_start3A_1194, %dma_start3A_1199] : memref<10x80xi32, #tpu.memory_space<vmem>> -> memref<1x80xi32, #tpu.memory_space<vmem>>
        %dma_start3A_1201 = tpu.memref_squeeze %dma_start3A_1200 : memref<1x80xi32, #tpu.memory_space<vmem>> -> memref<80xi32, #tpu.memory_space<vmem>>
        %dma_start3A_1202 = tpu.memref_slice %arg5[%add3A_1193] : memref<6400000xi32, #tpu.memory_space<hbm>> -> memref<80xi32, #tpu.memory_space<hbm>>
        tpu.enqueue_dma source(%dma_start3A_1202 : memref<80xi32, #tpu.memory_space<hbm>>) target(%dma_start3A_1201 : memref<80xi32, #tpu.memory_space<vmem>>) target_semaphore(%arg22 : memref<!tpu.dma_semaphore, #tpu.memory_space<semaphore_mem>>)
        %add3A_1203 = arith.constant 720 : i32
        %add3A_1204 = arith.addi %add3A_1097, %add3A_1203 : i32
        %dma_start3A_1205 = arith.constant 9 : i32
        %dma_start3A_1206 = arith.constant 0 : i32
        %dma_start3A_1207 = tpu.memref_slice %arg16[%dma_start3A_1205, %dma_start3A_1206] : memref<10x80xi32, #tpu.memory_space<vmem>> -> memref<1x80xi32, #tpu.memory_space<vmem>>
        %dma_start3A_1208 = tpu.memref_squeeze %dma_start3A_1207 : memref<1x80xi32, #tpu.memory_space<vmem>> -> memref<80xi32, #tpu.memory_space<vmem>>
        %dma_start3A_1209 = tpu.memref_slice %arg5[%add3A_1204] : memref<6400000xi32, #tpu.memory_space<hbm>> -> memref<80xi32, #tpu.memory_space<hbm>>
        %dma_start3A_1210 = arith.constant 0 : i32
        %dma_start3A_1211 = tpu.memref_slice %arg16[%dma_start3A_1205, %dma_start3A_1210] : memref<10x80xi32, #tpu.memory_space<vmem>> -> memref<1x80xi32, #tpu.memory_space<vmem>>
        %dma_start3A_1212 = tpu.memref_squeeze %dma_start3A_1211 : memref<1x80xi32, #tpu.memory_space<vmem>> -> memref<80xi32, #tpu.memory_space<vmem>>
        %dma_start3A_1213 = tpu.memref_slice %arg5[%add3A_1204] : memref<6400000xi32, #tpu.memory_space<hbm>> -> memref<80xi32, #tpu.memory_space<hbm>>
        tpu.enqueue_dma source(%dma_start3A_1213 : memref<80xi32, #tpu.memory_space<hbm>>) target(%dma_start3A_1212 : memref<80xi32, #tpu.memory_space<vmem>>) target_semaphore(%arg22 : memref<!tpu.dma_semaphore, #tpu.memory_space<semaphore_mem>>)
      } else {
      }
      %scan3A_548 = arith.constant 0 : i32
      %scan3A_549 = arith.constant 0 : i32
      %scan3A_550 = arith.constant 50 : i32
      %scan3A_551 = arith.addi %scan3A_549, %scan3A_550 : i32
      %scan3A_552 = arith.constant 1 : i32
      scf.for %scan3A_1093 = %scan3A_549 to %scan3A_551 step %scan3A_552  : i32 {
        %mul3A_1094 = arith.constant 16 : i32
        %mul3A_1095 = arith.muli %scan3A_1093, %mul3A_1094 : i32
        %add3A_1096 = vector.broadcast %mul3A_1095 : i32 to vector<16xi32>
        %add3A_1097 = arith.addi %iota3A, %add3A_1096 : vector<16xi32>
        %get3A = arith.index_cast %mul3A_1095 : i32 to index
        %get3A_1098 = tpu.vector_load %arg9[%get3A] {strides = array<i32>} : memref<800xf32, #tpu.memory_space<vmem>>, vector<16xf32>,
        tpu.vector_store_idx %arg17[%add3A_1097, %add3A_10], %get3A_1098 : memref<800x8xf32, #tpu.memory_space<vmem>>[vector<16xi32>, vector<16xi32>], vector<16xf32>,
        %get3A_1099 = arith.index_cast %mul3A_1095 : i32 to index
        %get3A_1100 = tpu.vector_load %arg10[%get3A_1099] {strides = array<i32>} : memref<800xf32, #tpu.memory_space<vmem>>, vector<16xf32>,
        tpu.vector_store_idx %arg17[%add3A_1097, %add3A_16], %get3A_1100 : memref<800x8xf32, #tpu.memory_space<vmem>>[vector<16xi32>, vector<16xi32>], vector<16xf32>,
        %get3A_1101 = arith.index_cast %mul3A_1095 : i32 to index
        %get3A_1102 = tpu.vector_load %arg11[%get3A_1101] {strides = array<i32>} : memref<800xf32, #tpu.memory_space<vmem>>, vector<16xf32>,
        tpu.vector_store_idx %arg17[%add3A_1097, %add3A_22], %get3A_1102 : memref<800x8xf32, #tpu.memory_space<vmem>>[vector<16xi32>, vector<16xi32>], vector<16xf32>,
      }
      %scan3A_553 = arith.constant 50 : i32
      %dma_start3A_554 = arith.constant 0 : i32
      %dma_start3A_555 = arith.constant 0 : i32
      %dma_start3A_556 = arith.constant 0 : i32
      %dma_start3A_557 = tpu.memref_slice %arg17[%dma_start3A_555, %dma_start3A_556] : memref<800x8xf32, #tpu.memory_space<vmem>> -> memref<80x8xf32, #tpu.memory_space<vmem>>
      %dma_start3A_558 = arith.constant 0 : i32
      %dma_start3A_559 = tpu.memref_slice %arg15[%dma_start3A_554, %dma_start3A_558] : memref<10x80xi32, #tpu.memory_space<vmem>> -> memref<1x80xi32, #tpu.memory_space<vmem>>
      %dma_start3A_560 = tpu.memref_squeeze %dma_start3A_559 : memref<1x80xi32, #tpu.memory_space<vmem>> -> memref<80xi32, #tpu.memory_space<vmem>>
      %dma_start3A_561 = arith.constant 0 : i32
      %dma_start3A_562 = arith.constant 0 : i32
      %dma_start3A_563 = tpu.memref_slice %arg20[%dma_start3A_561, %dma_start3A_562] : memref<100096x8xf32, #tpu.memory_space<vmem_shared>> -> memref<100096x8xf32, #tpu.memory_space<vmem_shared>>
      tpu.enqueue_indirect_dma source(%dma_start3A_557 : memref<80x8xf32, #tpu.memory_space<vmem>>) target(%dma_start3A_563 : memref<100096x8xf32, #tpu.memory_space<vmem_shared>>) offsets(%dma_start3A_560 : memref<80xi32, #tpu.memory_space<vmem>>) semaphore(%arg23 : memref<!tpu.dma_semaphore, #tpu.memory_space<semaphore_mem>>) {add = true}
      %dma_start3A_564 = arith.constant 1 : i32
      %dma_start3A_565 = arith.constant 80 : i32
      %dma_start3A_566 = arith.constant 0 : i32
      %dma_start3A_567 = tpu.memref_slice %arg17[%dma_start3A_565, %dma_start3A_566] : memref<800x8xf32, #tpu.memory_space<vmem>> -> memref<80x8xf32, #tpu.memory_space<vmem>>
      %dma_start3A_568 = arith.constant 0 : i32
      %dma_start3A_569 = tpu.memref_slice %arg15[%dma_start3A_564, %dma_start3A_568] : memref<10x80xi32, #tpu.memory_space<vmem>> -> memref<1x80xi32, #tpu.memory_space<vmem>>
      %dma_start3A_570 = tpu.memref_squeeze %dma_start3A_569 : memref<1x80xi32, #tpu.memory_space<vmem>> -> memref<80xi32, #tpu.memory_space<vmem>>
      %dma_start3A_571 = arith.constant 0 : i32
      %dma_start3A_572 = arith.constant 0 : i32
      %dma_start3A_573 = tpu.memref_slice %arg20[%dma_start3A_571, %dma_start3A_572] : memref<100096x8xf32, #tpu.memory_space<vmem_shared>> -> memref<100096x8xf32, #tpu.memory_space<vmem_shared>>
      tpu.enqueue_indirect_dma source(%dma_start3A_567 : memref<80x8xf32, #tpu.memory_space<vmem>>) target(%dma_start3A_573 : memref<100096x8xf32, #tpu.memory_space<vmem_shared>>) offsets(%dma_start3A_570 : memref<80xi32, #tpu.memory_space<vmem>>) semaphore(%arg23 : memref<!tpu.dma_semaphore, #tpu.memory_space<semaphore_mem>>) {add = true}
      %dma_start3A_574 = arith.constant 2 : i32
      %dma_start3A_575 = arith.constant 160 : i32
      %dma_start3A_576 = arith.constant 0 : i32
      %dma_start3A_577 = tpu.memref_slice %arg17[%dma_start3A_575, %dma_start3A_576] : memref<800x8xf32, #tpu.memory_space<vmem>> -> memref<80x8xf32, #tpu.memory_space<vmem>>
      %dma_start3A_578 = arith.constant 0 : i32
      %dma_start3A_579 = tpu.memref_slice %arg15[%dma_start3A_574, %dma_start3A_578] : memref<10x80xi32, #tpu.memory_space<vmem>> -> memref<1x80xi32, #tpu.memory_space<vmem>>
      %dma_start3A_580 = tpu.memref_squeeze %dma_start3A_579 : memref<1x80xi32, #tpu.memory_space<vmem>> -> memref<80xi32, #tpu.memory_space<vmem>>
      %dma_start3A_581 = arith.constant 0 : i32
      %dma_start3A_582 = arith.constant 0 : i32
      %dma_start3A_583 = tpu.memref_slice %arg20[%dma_start3A_581, %dma_start3A_582] : memref<100096x8xf32, #tpu.memory_space<vmem_shared>> -> memref<100096x8xf32, #tpu.memory_space<vmem_shared>>
      tpu.enqueue_indirect_dma source(%dma_start3A_577 : memref<80x8xf32, #tpu.memory_space<vmem>>) target(%dma_start3A_583 : memref<100096x8xf32, #tpu.memory_space<vmem_shared>>) offsets(%dma_start3A_580 : memref<80xi32, #tpu.memory_space<vmem>>) semaphore(%arg23 : memref<!tpu.dma_semaphore, #tpu.memory_space<semaphore_mem>>) {add = true}
      %dma_start3A_584 = arith.constant 3 : i32
      %dma_start3A_585 = arith.constant 240 : i32
      %dma_start3A_586 = arith.constant 0 : i32
      %dma_start3A_587 = tpu.memref_slice %arg17[%dma_start3A_585, %dma_start3A_586] : memref<800x8xf32, #tpu.memory_space<vmem>> -> memref<80x8xf32, #tpu.memory_space<vmem>>
      %dma_start3A_588 = arith.constant 0 : i32
      %dma_start3A_589 = tpu.memref_slice %arg15[%dma_start3A_584, %dma_start3A_588] : memref<10x80xi32, #tpu.memory_space<vmem>> -> memref<1x80xi32, #tpu.memory_space<vmem>>
      %dma_start3A_590 = tpu.memref_squeeze %dma_start3A_589 : memref<1x80xi32, #tpu.memory_space<vmem>> -> memref<80xi32, #tpu.memory_space<vmem>>
      %dma_start3A_591 = arith.constant 0 : i32
      %dma_start3A_592 = arith.constant 0 : i32
      %dma_start3A_593 = tpu.memref_slice %arg20[%dma_start3A_591, %dma_start3A_592] : memref<100096x8xf32, #tpu.memory_space<vmem_shared>> -> memref<100096x8xf32, #tpu.memory_space<vmem_shared>>
      tpu.enqueue_indirect_dma source(%dma_start3A_587 : memref<80x8xf32, #tpu.memory_space<vmem>>) target(%dma_start3A_593 : memref<100096x8xf32, #tpu.memory_space<vmem_shared>>) offsets(%dma_start3A_590 : memref<80xi32, #tpu.memory_space<vmem>>) semaphore(%arg23 : memref<!tpu.dma_semaphore, #tpu.memory_space<semaphore_mem>>) {add = true}
      %dma_start3A_594 = arith.constant 4 : i32
      %dma_start3A_595 = arith.constant 320 : i32
      %dma_start3A_596 = arith.constant 0 : i32
      %dma_start3A_597 = tpu.memref_slice %arg17[%dma_start3A_595, %dma_start3A_596] : memref<800x8xf32, #tpu.memory_space<vmem>> -> memref<80x8xf32, #tpu.memory_space<vmem>>
      %dma_start3A_598 = arith.constant 0 : i32
      %dma_start3A_599 = tpu.memref_slice %arg15[%dma_start3A_594, %dma_start3A_598] : memref<10x80xi32, #tpu.memory_space<vmem>> -> memref<1x80xi32, #tpu.memory_space<vmem>>
      %dma_start3A_600 = tpu.memref_squeeze %dma_start3A_599 : memref<1x80xi32, #tpu.memory_space<vmem>> -> memref<80xi32, #tpu.memory_space<vmem>>
      %dma_start3A_601 = arith.constant 0 : i32
      %dma_start3A_602 = arith.constant 0 : i32
      %dma_start3A_603 = tpu.memref_slice %arg20[%dma_start3A_601, %dma_start3A_602] : memref<100096x8xf32, #tpu.memory_space<vmem_shared>> -> memref<100096x8xf32, #tpu.memory_space<vmem_shared>>
      tpu.enqueue_indirect_dma source(%dma_start3A_597 : memref<80x8xf32, #tpu.memory_space<vmem>>) target(%dma_start3A_603 : memref<100096x8xf32, #tpu.memory_space<vmem_shared>>) offsets(%dma_start3A_600 : memref<80xi32, #tpu.memory_space<vmem>>) semaphore(%arg23 : memref<!tpu.dma_semaphore, #tpu.memory_space<semaphore_mem>>) {add = true}
      %dma_start3A_604 = arith.constant 5 : i32
      %dma_start3A_605 = arith.constant 400 : i32
      %dma_start3A_606 = arith.constant 0 : i32
      %dma_start3A_607 = tpu.memref_slice %arg17[%dma_start3A_605, %dma_start3A_606] : memref<800x8xf32, #tpu.memory_space<vmem>> -> memref<80x8xf32, #tpu.memory_space<vmem>>
      %dma_start3A_608 = arith.constant 0 : i32
      %dma_start3A_609 = tpu.memref_slice %arg15[%dma_start3A_604, %dma_start3A_608] : memref<10x80xi32, #tpu.memory_space<vmem>> -> memref<1x80xi32, #tpu.memory_space<vmem>>
      %dma_start3A_610 = tpu.memref_squeeze %dma_start3A_609 : memref<1x80xi32, #tpu.memory_space<vmem>> -> memref<80xi32, #tpu.memory_space<vmem>>
      %dma_start3A_611 = arith.constant 0 : i32
      %dma_start3A_612 = arith.constant 0 : i32
      %dma_start3A_613 = tpu.memref_slice %arg20[%dma_start3A_611, %dma_start3A_612] : memref<100096x8xf32, #tpu.memory_space<vmem_shared>> -> memref<100096x8xf32, #tpu.memory_space<vmem_shared>>
      tpu.enqueue_indirect_dma source(%dma_start3A_607 : memref<80x8xf32, #tpu.memory_space<vmem>>) target(%dma_start3A_613 : memref<100096x8xf32, #tpu.memory_space<vmem_shared>>) offsets(%dma_start3A_610 : memref<80xi32, #tpu.memory_space<vmem>>) semaphore(%arg23 : memref<!tpu.dma_semaphore, #tpu.memory_space<semaphore_mem>>) {add = true}
      %dma_start3A_614 = arith.constant 6 : i32
      %dma_start3A_615 = arith.constant 480 : i32
      %dma_start3A_616 = arith.constant 0 : i32
      %dma_start3A_617 = tpu.memref_slice %arg17[%dma_start3A_615, %dma_start3A_616] : memref<800x8xf32, #tpu.memory_space<vmem>> -> memref<80x8xf32, #tpu.memory_space<vmem>>
      %dma_start3A_618 = arith.constant 0 : i32
      %dma_start3A_619 = tpu.memref_slice %arg15[%dma_start3A_614, %dma_start3A_618] : memref<10x80xi32, #tpu.memory_space<vmem>> -> memref<1x80xi32, #tpu.memory_space<vmem>>
      %dma_start3A_620 = tpu.memref_squeeze %dma_start3A_619 : memref<1x80xi32, #tpu.memory_space<vmem>> -> memref<80xi32, #tpu.memory_space<vmem>>
      %dma_start3A_621 = arith.constant 0 : i32
      %dma_start3A_622 = arith.constant 0 : i32
      %dma_start3A_623 = tpu.memref_slice %arg20[%dma_start3A_621, %dma_start3A_622] : memref<100096x8xf32, #tpu.memory_space<vmem_shared>> -> memref<100096x8xf32, #tpu.memory_space<vmem_shared>>
      tpu.enqueue_indirect_dma source(%dma_start3A_617 : memref<80x8xf32, #tpu.memory_space<vmem>>) target(%dma_start3A_623 : memref<100096x8xf32, #tpu.memory_space<vmem_shared>>) offsets(%dma_start3A_620 : memref<80xi32, #tpu.memory_space<vmem>>) semaphore(%arg23 : memref<!tpu.dma_semaphore, #tpu.memory_space<semaphore_mem>>) {add = true}
      %dma_start3A_624 = arith.constant 7 : i32
      %dma_start3A_625 = arith.constant 560 : i32
      %dma_start3A_626 = arith.constant 0 : i32
      %dma_start3A_627 = tpu.memref_slice %arg17[%dma_start3A_625, %dma_start3A_626] : memref<800x8xf32, #tpu.memory_space<vmem>> -> memref<80x8xf32, #tpu.memory_space<vmem>>
      %dma_start3A_628 = arith.constant 0 : i32
      %dma_start3A_629 = tpu.memref_slice %arg15[%dma_start3A_624, %dma_start3A_628] : memref<10x80xi32, #tpu.memory_space<vmem>> -> memref<1x80xi32, #tpu.memory_space<vmem>>
      %dma_start3A_630 = tpu.memref_squeeze %dma_start3A_629 : memref<1x80xi32, #tpu.memory_space<vmem>> -> memref<80xi32, #tpu.memory_space<vmem>>
      %dma_start3A_631 = arith.constant 0 : i32
      %dma_start3A_632 = arith.constant 0 : i32
      %dma_start3A_633 = tpu.memref_slice %arg20[%dma_start3A_631, %dma_start3A_632] : memref<100096x8xf32, #tpu.memory_space<vmem_shared>> -> memref<100096x8xf32, #tpu.memory_space<vmem_shared>>
      tpu.enqueue_indirect_dma source(%dma_start3A_627 : memref<80x8xf32, #tpu.memory_space<vmem>>) target(%dma_start3A_633 : memref<100096x8xf32, #tpu.memory_space<vmem_shared>>) offsets(%dma_start3A_630 : memref<80xi32, #tpu.memory_space<vmem>>) semaphore(%arg23 : memref<!tpu.dma_semaphore, #tpu.memory_space<semaphore_mem>>) {add = true}
      %dma_start3A_634 = arith.constant 8 : i32
      %dma_start3A_635 = arith.constant 640 : i32
      %dma_start3A_636 = arith.constant 0 : i32
      %dma_start3A_637 = tpu.memref_slice %arg17[%dma_start3A_635, %dma_start3A_636] : memref<800x8xf32, #tpu.memory_space<vmem>> -> memref<80x8xf32, #tpu.memory_space<vmem>>
      %dma_start3A_638 = arith.constant 0 : i32
      %dma_start3A_639 = tpu.memref_slice %arg15[%dma_start3A_634, %dma_start3A_638] : memref<10x80xi32, #tpu.memory_space<vmem>> -> memref<1x80xi32, #tpu.memory_space<vmem>>
      %dma_start3A_640 = tpu.memref_squeeze %dma_start3A_639 : memref<1x80xi32, #tpu.memory_space<vmem>> -> memref<80xi32, #tpu.memory_space<vmem>>
      %dma_start3A_641 = arith.constant 0 : i32
      %dma_start3A_642 = arith.constant 0 : i32
      %dma_start3A_643 = tpu.memref_slice %arg20[%dma_start3A_641, %dma_start3A_642] : memref<100096x8xf32, #tpu.memory_space<vmem_shared>> -> memref<100096x8xf32, #tpu.memory_space<vmem_shared>>
      tpu.enqueue_indirect_dma source(%dma_start3A_637 : memref<80x8xf32, #tpu.memory_space<vmem>>) target(%dma_start3A_643 : memref<100096x8xf32, #tpu.memory_space<vmem_shared>>) offsets(%dma_start3A_640 : memref<80xi32, #tpu.memory_space<vmem>>) semaphore(%arg23 : memref<!tpu.dma_semaphore, #tpu.memory_space<semaphore_mem>>) {add = true}
      %dma_start3A_644 = arith.constant 9 : i32
      %dma_start3A_645 = arith.constant 720 : i32
      %dma_start3A_646 = arith.constant 0 : i32
      %dma_start3A_647 = tpu.memref_slice %arg17[%dma_start3A_645, %dma_start3A_646] : memref<800x8xf32, #tpu.memory_space<vmem>> -> memref<80x8xf32, #tpu.memory_space<vmem>>
      %dma_start3A_648 = arith.constant 0 : i32
      %dma_start3A_649 = tpu.memref_slice %arg15[%dma_start3A_644, %dma_start3A_648] : memref<10x80xi32, #tpu.memory_space<vmem>> -> memref<1x80xi32, #tpu.memory_space<vmem>>
      %dma_start3A_650 = tpu.memref_squeeze %dma_start3A_649 : memref<1x80xi32, #tpu.memory_space<vmem>> -> memref<80xi32, #tpu.memory_space<vmem>>
      %dma_start3A_651 = arith.constant 0 : i32
      %dma_start3A_652 = arith.constant 0 : i32
      %dma_start3A_653 = tpu.memref_slice %arg20[%dma_start3A_651, %dma_start3A_652] : memref<100096x8xf32, #tpu.memory_space<vmem_shared>> -> memref<100096x8xf32, #tpu.memory_space<vmem_shared>>
      tpu.enqueue_indirect_dma source(%dma_start3A_647 : memref<80x8xf32, #tpu.memory_space<vmem>>) target(%dma_start3A_653 : memref<100096x8xf32, #tpu.memory_space<vmem_shared>>) offsets(%dma_start3A_650 : memref<80xi32, #tpu.memory_space<vmem>>) semaphore(%arg23 : memref<!tpu.dma_semaphore, #tpu.memory_space<semaphore_mem>>) {add = true}
      %dma_wait3A_654 = arith.constant 0 : i32
      %dma_wait3A_655 = arith.constant 0 : i32
      %dma_wait3A_656 = arith.constant 0 : i32
      %dma_wait3A_657 = tpu.memref_slice %arg17[%dma_wait3A_655, %dma_wait3A_656] : memref<800x8xf32, #tpu.memory_space<vmem>> -> memref<80x8xf32, #tpu.memory_space<vmem>>
      %dma_wait3A_658 = arith.constant 0 : i32
      %dma_wait3A_659 = tpu.memref_slice %arg15[%dma_wait3A_654, %dma_wait3A_658] : memref<10x80xi32, #tpu.memory_space<vmem>> -> memref<1x80xi32, #tpu.memory_space<vmem>>
      %dma_wait3A_660 = tpu.memref_squeeze %dma_wait3A_659 : memref<1x80xi32, #tpu.memory_space<vmem>> -> memref<80xi32, #tpu.memory_space<vmem>>
      %dma_wait3A_661 = arith.constant 0 : i32
      %dma_wait3A_662 = arith.constant 0 : i32
      %dma_wait3A_663 = tpu.memref_slice %arg20[%dma_wait3A_661, %dma_wait3A_662] : memref<100096x8xf32, #tpu.memory_space<vmem_shared>> -> memref<100096x8xf32, #tpu.memory_space<vmem_shared>>
      tpu.wait_indirect_dma semaphore(%arg23 : memref<!tpu.dma_semaphore, #tpu.memory_space<semaphore_mem>>) src(%dma_wait3A_657 : memref<80x8xf32, #tpu.memory_space<vmem>>) dst(%dma_wait3A_663 : memref<100096x8xf32, #tpu.memory_space<vmem_shared>>)
      %dma_wait3A_664 = arith.constant 1 : i32
      %dma_wait3A_665 = arith.constant 80 : i32
      %dma_wait3A_666 = arith.constant 0 : i32
      %dma_wait3A_667 = tpu.memref_slice %arg17[%dma_wait3A_665, %dma_wait3A_666] : memref<800x8xf32, #tpu.memory_space<vmem>> -> memref<80x8xf32, #tpu.memory_space<vmem>>
      %dma_wait3A_668 = arith.constant 0 : i32
      %dma_wait3A_669 = tpu.memref_slice %arg15[%dma_wait3A_664, %dma_wait3A_668] : memref<10x80xi32, #tpu.memory_space<vmem>> -> memref<1x80xi32, #tpu.memory_space<vmem>>
      %dma_wait3A_670 = tpu.memref_squeeze %dma_wait3A_669 : memref<1x80xi32, #tpu.memory_space<vmem>> -> memref<80xi32, #tpu.memory_space<vmem>>
      %dma_wait3A_671 = arith.constant 0 : i32
      %dma_wait3A_672 = arith.constant 0 : i32
      %dma_wait3A_673 = tpu.memref_slice %arg20[%dma_wait3A_671, %dma_wait3A_672] : memref<100096x8xf32, #tpu.memory_space<vmem_shared>> -> memref<100096x8xf32, #tpu.memory_space<vmem_shared>>
      tpu.wait_indirect_dma semaphore(%arg23 : memref<!tpu.dma_semaphore, #tpu.memory_space<semaphore_mem>>) src(%dma_wait3A_667 : memref<80x8xf32, #tpu.memory_space<vmem>>) dst(%dma_wait3A_673 : memref<100096x8xf32, #tpu.memory_space<vmem_shared>>)
      %dma_wait3A_674 = arith.constant 2 : i32
      %dma_wait3A_675 = arith.constant 160 : i32
      %dma_wait3A_676 = arith.constant 0 : i32
      %dma_wait3A_677 = tpu.memref_slice %arg17[%dma_wait3A_675, %dma_wait3A_676] : memref<800x8xf32, #tpu.memory_space<vmem>> -> memref<80x8xf32, #tpu.memory_space<vmem>>
      %dma_wait3A_678 = arith.constant 0 : i32
      %dma_wait3A_679 = tpu.memref_slice %arg15[%dma_wait3A_674, %dma_wait3A_678] : memref<10x80xi32, #tpu.memory_space<vmem>> -> memref<1x80xi32, #tpu.memory_space<vmem>>
      %dma_wait3A_680 = tpu.memref_squeeze %dma_wait3A_679 : memref<1x80xi32, #tpu.memory_space<vmem>> -> memref<80xi32, #tpu.memory_space<vmem>>
      %dma_wait3A_681 = arith.constant 0 : i32
      %dma_wait3A_682 = arith.constant 0 : i32
      %dma_wait3A_683 = tpu.memref_slice %arg20[%dma_wait3A_681, %dma_wait3A_682] : memref<100096x8xf32, #tpu.memory_space<vmem_shared>> -> memref<100096x8xf32, #tpu.memory_space<vmem_shared>>
      tpu.wait_indirect_dma semaphore(%arg23 : memref<!tpu.dma_semaphore, #tpu.memory_space<semaphore_mem>>) src(%dma_wait3A_677 : memref<80x8xf32, #tpu.memory_space<vmem>>) dst(%dma_wait3A_683 : memref<100096x8xf32, #tpu.memory_space<vmem_shared>>)
      %dma_wait3A_684 = arith.constant 3 : i32
      %dma_wait3A_685 = arith.constant 240 : i32
      %dma_wait3A_686 = arith.constant 0 : i32
      %dma_wait3A_687 = tpu.memref_slice %arg17[%dma_wait3A_685, %dma_wait3A_686] : memref<800x8xf32, #tpu.memory_space<vmem>> -> memref<80x8xf32, #tpu.memory_space<vmem>>
      %dma_wait3A_688 = arith.constant 0 : i32
      %dma_wait3A_689 = tpu.memref_slice %arg15[%dma_wait3A_684, %dma_wait3A_688] : memref<10x80xi32, #tpu.memory_space<vmem>> -> memref<1x80xi32, #tpu.memory_space<vmem>>
      %dma_wait3A_690 = tpu.memref_squeeze %dma_wait3A_689 : memref<1x80xi32, #tpu.memory_space<vmem>> -> memref<80xi32, #tpu.memory_space<vmem>>
      %dma_wait3A_691 = arith.constant 0 : i32
      %dma_wait3A_692 = arith.constant 0 : i32
      %dma_wait3A_693 = tpu.memref_slice %arg20[%dma_wait3A_691, %dma_wait3A_692] : memref<100096x8xf32, #tpu.memory_space<vmem_shared>> -> memref<100096x8xf32, #tpu.memory_space<vmem_shared>>
      tpu.wait_indirect_dma semaphore(%arg23 : memref<!tpu.dma_semaphore, #tpu.memory_space<semaphore_mem>>) src(%dma_wait3A_687 : memref<80x8xf32, #tpu.memory_space<vmem>>) dst(%dma_wait3A_693 : memref<100096x8xf32, #tpu.memory_space<vmem_shared>>)
      %dma_wait3A_694 = arith.constant 4 : i32
      %dma_wait3A_695 = arith.constant 320 : i32
      %dma_wait3A_696 = arith.constant 0 : i32
      %dma_wait3A_697 = tpu.memref_slice %arg17[%dma_wait3A_695, %dma_wait3A_696] : memref<800x8xf32, #tpu.memory_space<vmem>> -> memref<80x8xf32, #tpu.memory_space<vmem>>
      %dma_wait3A_698 = arith.constant 0 : i32
      %dma_wait3A_699 = tpu.memref_slice %arg15[%dma_wait3A_694, %dma_wait3A_698] : memref<10x80xi32, #tpu.memory_space<vmem>> -> memref<1x80xi32, #tpu.memory_space<vmem>>
      %dma_wait3A_700 = tpu.memref_squeeze %dma_wait3A_699 : memref<1x80xi32, #tpu.memory_space<vmem>> -> memref<80xi32, #tpu.memory_space<vmem>>
      %dma_wait3A_701 = arith.constant 0 : i32
      %dma_wait3A_702 = arith.constant 0 : i32
      %dma_wait3A_703 = tpu.memref_slice %arg20[%dma_wait3A_701, %dma_wait3A_702] : memref<100096x8xf32, #tpu.memory_space<vmem_shared>> -> memref<100096x8xf32, #tpu.memory_space<vmem_shared>>
      tpu.wait_indirect_dma semaphore(%arg23 : memref<!tpu.dma_semaphore, #tpu.memory_space<semaphore_mem>>) src(%dma_wait3A_697 : memref<80x8xf32, #tpu.memory_space<vmem>>) dst(%dma_wait3A_703 : memref<100096x8xf32, #tpu.memory_space<vmem_shared>>)
      %dma_wait3A_704 = arith.constant 5 : i32
      %dma_wait3A_705 = arith.constant 400 : i32
      %dma_wait3A_706 = arith.constant 0 : i32
      %dma_wait3A_707 = tpu.memref_slice %arg17[%dma_wait3A_705, %dma_wait3A_706] : memref<800x8xf32, #tpu.memory_space<vmem>> -> memref<80x8xf32, #tpu.memory_space<vmem>>
      %dma_wait3A_708 = arith.constant 0 : i32
      %dma_wait3A_709 = tpu.memref_slice %arg15[%dma_wait3A_704, %dma_wait3A_708] : memref<10x80xi32, #tpu.memory_space<vmem>> -> memref<1x80xi32, #tpu.memory_space<vmem>>
      %dma_wait3A_710 = tpu.memref_squeeze %dma_wait3A_709 : memref<1x80xi32, #tpu.memory_space<vmem>> -> memref<80xi32, #tpu.memory_space<vmem>>
      %dma_wait3A_711 = arith.constant 0 : i32
      %dma_wait3A_712 = arith.constant 0 : i32
      %dma_wait3A_713 = tpu.memref_slice %arg20[%dma_wait3A_711, %dma_wait3A_712] : memref<100096x8xf32, #tpu.memory_space<vmem_shared>> -> memref<100096x8xf32, #tpu.memory_space<vmem_shared>>
      tpu.wait_indirect_dma semaphore(%arg23 : memref<!tpu.dma_semaphore, #tpu.memory_space<semaphore_mem>>) src(%dma_wait3A_707 : memref<80x8xf32, #tpu.memory_space<vmem>>) dst(%dma_wait3A_713 : memref<100096x8xf32, #tpu.memory_space<vmem_shared>>)
      %dma_wait3A_714 = arith.constant 6 : i32
      %dma_wait3A_715 = arith.constant 480 : i32
      %dma_wait3A_716 = arith.constant 0 : i32
      %dma_wait3A_717 = tpu.memref_slice %arg17[%dma_wait3A_715, %dma_wait3A_716] : memref<800x8xf32, #tpu.memory_space<vmem>> -> memref<80x8xf32, #tpu.memory_space<vmem>>
      %dma_wait3A_718 = arith.constant 0 : i32
      %dma_wait3A_719 = tpu.memref_slice %arg15[%dma_wait3A_714, %dma_wait3A_718] : memref<10x80xi32, #tpu.memory_space<vmem>> -> memref<1x80xi32, #tpu.memory_space<vmem>>
      %dma_wait3A_720 = tpu.memref_squeeze %dma_wait3A_719 : memref<1x80xi32, #tpu.memory_space<vmem>> -> memref<80xi32, #tpu.memory_space<vmem>>
      %dma_wait3A_721 = arith.constant 0 : i32
      %dma_wait3A_722 = arith.constant 0 : i32
      %dma_wait3A_723 = tpu.memref_slice %arg20[%dma_wait3A_721, %dma_wait3A_722] : memref<100096x8xf32, #tpu.memory_space<vmem_shared>> -> memref<100096x8xf32, #tpu.memory_space<vmem_shared>>
      tpu.wait_indirect_dma semaphore(%arg23 : memref<!tpu.dma_semaphore, #tpu.memory_space<semaphore_mem>>) src(%dma_wait3A_717 : memref<80x8xf32, #tpu.memory_space<vmem>>) dst(%dma_wait3A_723 : memref<100096x8xf32, #tpu.memory_space<vmem_shared>>)
      %dma_wait3A_724 = arith.constant 7 : i32
      %dma_wait3A_725 = arith.constant 560 : i32
      %dma_wait3A_726 = arith.constant 0 : i32
      %dma_wait3A_727 = tpu.memref_slice %arg17[%dma_wait3A_725, %dma_wait3A_726] : memref<800x8xf32, #tpu.memory_space<vmem>> -> memref<80x8xf32, #tpu.memory_space<vmem>>
      %dma_wait3A_728 = arith.constant 0 : i32
      %dma_wait3A_729 = tpu.memref_slice %arg15[%dma_wait3A_724, %dma_wait3A_728] : memref<10x80xi32, #tpu.memory_space<vmem>> -> memref<1x80xi32, #tpu.memory_space<vmem>>
      %dma_wait3A_730 = tpu.memref_squeeze %dma_wait3A_729 : memref<1x80xi32, #tpu.memory_space<vmem>> -> memref<80xi32, #tpu.memory_space<vmem>>
      %dma_wait3A_731 = arith.constant 0 : i32
      %dma_wait3A_732 = arith.constant 0 : i32
      %dma_wait3A_733 = tpu.memref_slice %arg20[%dma_wait3A_731, %dma_wait3A_732] : memref<100096x8xf32, #tpu.memory_space<vmem_shared>> -> memref<100096x8xf32, #tpu.memory_space<vmem_shared>>
      tpu.wait_indirect_dma semaphore(%arg23 : memref<!tpu.dma_semaphore, #tpu.memory_space<semaphore_mem>>) src(%dma_wait3A_727 : memref<80x8xf32, #tpu.memory_space<vmem>>) dst(%dma_wait3A_733 : memref<100096x8xf32, #tpu.memory_space<vmem_shared>>)
      %dma_wait3A_734 = arith.constant 8 : i32
      %dma_wait3A_735 = arith.constant 640 : i32
      %dma_wait3A_736 = arith.constant 0 : i32
      %dma_wait3A_737 = tpu.memref_slice %arg17[%dma_wait3A_735, %dma_wait3A_736] : memref<800x8xf32, #tpu.memory_space<vmem>> -> memref<80x8xf32, #tpu.memory_space<vmem>>
      %dma_wait3A_738 = arith.constant 0 : i32
      %dma_wait3A_739 = tpu.memref_slice %arg15[%dma_wait3A_734, %dma_wait3A_738] : memref<10x80xi32, #tpu.memory_space<vmem>> -> memref<1x80xi32, #tpu.memory_space<vmem>>
      %dma_wait3A_740 = tpu.memref_squeeze %dma_wait3A_739 : memref<1x80xi32, #tpu.memory_space<vmem>> -> memref<80xi32, #tpu.memory_space<vmem>>
      %dma_wait3A_741 = arith.constant 0 : i32
      %dma_wait3A_742 = arith.constant 0 : i32
      %dma_wait3A_743 = tpu.memref_slice %arg20[%dma_wait3A_741, %dma_wait3A_742] : memref<100096x8xf32, #tpu.memory_space<vmem_shared>> -> memref<100096x8xf32, #tpu.memory_space<vmem_shared>>
      tpu.wait_indirect_dma semaphore(%arg23 : memref<!tpu.dma_semaphore, #tpu.memory_space<semaphore_mem>>) src(%dma_wait3A_737 : memref<80x8xf32, #tpu.memory_space<vmem>>) dst(%dma_wait3A_743 : memref<100096x8xf32, #tpu.memory_space<vmem_shared>>)
      %dma_wait3A_744 = arith.constant 9 : i32
      %dma_wait3A_745 = arith.constant 720 : i32
      %dma_wait3A_746 = arith.constant 0 : i32
      %dma_wait3A_747 = tpu.memref_slice %arg17[%dma_wait3A_745, %dma_wait3A_746] : memref<800x8xf32, #tpu.memory_space<vmem>> -> memref<80x8xf32, #tpu.memory_space<vmem>>
      %dma_wait3A_748 = arith.constant 0 : i32
      %dma_wait3A_749 = tpu.memref_slice %arg15[%dma_wait3A_744, %dma_wait3A_748] : memref<10x80xi32, #tpu.memory_space<vmem>> -> memref<1x80xi32, #tpu.memory_space<vmem>>
      %dma_wait3A_750 = tpu.memref_squeeze %dma_wait3A_749 : memref<1x80xi32, #tpu.memory_space<vmem>> -> memref<80xi32, #tpu.memory_space<vmem>>
      %dma_wait3A_751 = arith.constant 0 : i32
      %dma_wait3A_752 = arith.constant 0 : i32
      %dma_wait3A_753 = tpu.memref_slice %arg20[%dma_wait3A_751, %dma_wait3A_752] : memref<100096x8xf32, #tpu.memory_space<vmem_shared>> -> memref<100096x8xf32, #tpu.memory_space<vmem_shared>>
      tpu.wait_indirect_dma semaphore(%arg23 : memref<!tpu.dma_semaphore, #tpu.memory_space<semaphore_mem>>) src(%dma_wait3A_747 : memref<80x8xf32, #tpu.memory_space<vmem>>) dst(%dma_wait3A_753 : memref<100096x8xf32, #tpu.memory_space<vmem_shared>>)
      %mul3A_754 = arith.constant 2 : i32
      %mul3A_755 = arith.muli %mul3A_754, %scan3A_418 : i32
      %add3A_756 = arith.constant 1 : i32
      %add3A_757 = arith.addi %mul3A_755, %add3A_756 : i32
      %dma_wait3A_758 = arith.constant 0 : i32
      %dma_wait3A_759 = tpu.memref_slice %arg2[%dma_wait3A_758] : memref<6400000xf32, #tpu.memory_space<hbm>> -> memref<800xf32, #tpu.memory_space<hbm>>
      %dma_wait3A_760 = arith.constant 0 : i32
      %dma_wait3A_761 = tpu.memref_slice %arg2[%dma_wait3A_760] : memref<6400000xf32, #tpu.memory_space<hbm>> -> memref<800xf32, #tpu.memory_space<hbm>>
      tpu.wait_dma2 semaphore(%arg22 : memref<!tpu.dma_semaphore, #tpu.memory_space<semaphore_mem>>) src(%dma_wait3A_761 : memref<800xf32, #tpu.memory_space<hbm>>) dst(%arg12 : memref<800xf32, #tpu.memory_space<vmem>>)
      %dma_wait3A_762 = arith.constant 0 : i32
      %dma_wait3A_763 = tpu.memref_slice %arg3[%dma_wait3A_762] : memref<6400000xf32, #tpu.memory_space<hbm>> -> memref<800xf32, #tpu.memory_space<hbm>>
      %dma_wait3A_764 = arith.constant 0 : i32
      %dma_wait3A_765 = tpu.memref_slice %arg3[%dma_wait3A_764] : memref<6400000xf32, #tpu.memory_space<hbm>> -> memref<800xf32, #tpu.memory_space<hbm>>
      tpu.wait_dma2 semaphore(%arg22 : memref<!tpu.dma_semaphore, #tpu.memory_space<semaphore_mem>>) src(%dma_wait3A_765 : memref<800xf32, #tpu.memory_space<hbm>>) dst(%arg13 : memref<800xf32, #tpu.memory_space<vmem>>)
      %dma_wait3A_766 = arith.constant 0 : i32
      %dma_wait3A_767 = tpu.memref_slice %arg4[%dma_wait3A_766] : memref<6400000xf32, #tpu.memory_space<hbm>> -> memref<800xf32, #tpu.memory_space<hbm>>
      %dma_wait3A_768 = arith.constant 0 : i32
      %dma_wait3A_769 = tpu.memref_slice %arg4[%dma_wait3A_768] : memref<6400000xf32, #tpu.memory_space<hbm>> -> memref<800xf32, #tpu.memory_space<hbm>>
      tpu.wait_dma2 semaphore(%arg22 : memref<!tpu.dma_semaphore, #tpu.memory_space<semaphore_mem>>) src(%dma_wait3A_769 : memref<800xf32, #tpu.memory_space<hbm>>) dst(%arg14 : memref<800xf32, #tpu.memory_space<vmem>>)
      %dma_wait3A_770 = arith.constant 0 : i32
      %dma_wait3A_771 = arith.constant 0 : i32
      %dma_wait3A_772 = tpu.memref_slice %arg16[%dma_wait3A_770, %dma_wait3A_771] : memref<10x80xi32, #tpu.memory_space<vmem>> -> memref<1x80xi32, #tpu.memory_space<vmem>>
      %dma_wait3A_773 = tpu.memref_squeeze %dma_wait3A_772 : memref<1x80xi32, #tpu.memory_space<vmem>> -> memref<80xi32, #tpu.memory_space<vmem>>
      %dma_wait3A_774 = arith.constant 0 : i32
      %dma_wait3A_775 = tpu.memref_slice %arg5[%dma_wait3A_774] : memref<6400000xi32, #tpu.memory_space<hbm>> -> memref<80xi32, #tpu.memory_space<hbm>>
      %dma_wait3A_776 = arith.constant 0 : i32
      %dma_wait3A_777 = tpu.memref_slice %arg16[%dma_wait3A_770, %dma_wait3A_776] : memref<10x80xi32, #tpu.memory_space<vmem>> -> memref<1x80xi32, #tpu.memory_space<vmem>>
      %dma_wait3A_778 = tpu.memref_squeeze %dma_wait3A_777 : memref<1x80xi32, #tpu.memory_space<vmem>> -> memref<80xi32, #tpu.memory_space<vmem>>
      %dma_wait3A_779 = arith.constant 0 : i32
      %dma_wait3A_780 = tpu.memref_slice %arg5[%dma_wait3A_779] : memref<6400000xi32, #tpu.memory_space<hbm>> -> memref<80xi32, #tpu.memory_space<hbm>>
      tpu.wait_dma2 semaphore(%arg22 : memref<!tpu.dma_semaphore, #tpu.memory_space<semaphore_mem>>) src(%dma_wait3A_780 : memref<80xi32, #tpu.memory_space<hbm>>) dst(%dma_wait3A_778 : memref<80xi32, #tpu.memory_space<vmem>>)
      %dma_wait3A_781 = arith.constant 1 : i32
      %dma_wait3A_782 = arith.constant 0 : i32
      %dma_wait3A_783 = tpu.memref_slice %arg16[%dma_wait3A_781, %dma_wait3A_782] : memref<10x80xi32, #tpu.memory_space<vmem>> -> memref<1x80xi32, #tpu.memory_space<vmem>>
      %dma_wait3A_784 = tpu.memref_squeeze %dma_wait3A_783 : memref<1x80xi32, #tpu.memory_space<vmem>> -> memref<80xi32, #tpu.memory_space<vmem>>
      %dma_wait3A_785 = arith.constant 0 : i32
      %dma_wait3A_786 = tpu.memref_slice %arg5[%dma_wait3A_785] : memref<6400000xi32, #tpu.memory_space<hbm>> -> memref<80xi32, #tpu.memory_space<hbm>>
      %dma_wait3A_787 = arith.constant 0 : i32
      %dma_wait3A_788 = tpu.memref_slice %arg16[%dma_wait3A_781, %dma_wait3A_787] : memref<10x80xi32, #tpu.memory_space<vmem>> -> memref<1x80xi32, #tpu.memory_space<vmem>>
      %dma_wait3A_789 = tpu.memref_squeeze %dma_wait3A_788 : memref<1x80xi32, #tpu.memory_space<vmem>> -> memref<80xi32, #tpu.memory_space<vmem>>
      %dma_wait3A_790 = arith.constant 0 : i32
      %dma_wait3A_791 = tpu.memref_slice %arg5[%dma_wait3A_790] : memref<6400000xi32, #tpu.memory_space<hbm>> -> memref<80xi32, #tpu.memory_space<hbm>>
      tpu.wait_dma2 semaphore(%arg22 : memref<!tpu.dma_semaphore, #tpu.memory_space<semaphore_mem>>) src(%dma_wait3A_791 : memref<80xi32, #tpu.memory_space<hbm>>) dst(%dma_wait3A_789 : memref<80xi32, #tpu.memory_space<vmem>>)
      %dma_wait3A_792 = arith.constant 2 : i32
      %dma_wait3A_793 = arith.constant 0 : i32
      %dma_wait3A_794 = tpu.memref_slice %arg16[%dma_wait3A_792, %dma_wait3A_793] : memref<10x80xi32, #tpu.memory_space<vmem>> -> memref<1x80xi32, #tpu.memory_space<vmem>>
      %dma_wait3A_795 = tpu.memref_squeeze %dma_wait3A_794 : memref<1x80xi32, #tpu.memory_space<vmem>> -> memref<80xi32, #tpu.memory_space<vmem>>
      %dma_wait3A_796 = arith.constant 0 : i32
      %dma_wait3A_797 = tpu.memref_slice %arg5[%dma_wait3A_796] : memref<6400000xi32, #tpu.memory_space<hbm>> -> memref<80xi32, #tpu.memory_space<hbm>>
      %dma_wait3A_798 = arith.constant 0 : i32
      %dma_wait3A_799 = tpu.memref_slice %arg16[%dma_wait3A_792, %dma_wait3A_798] : memref<10x80xi32, #tpu.memory_space<vmem>> -> memref<1x80xi32, #tpu.memory_space<vmem>>
      %dma_wait3A_800 = tpu.memref_squeeze %dma_wait3A_799 : memref<1x80xi32, #tpu.memory_space<vmem>> -> memref<80xi32, #tpu.memory_space<vmem>>
      %dma_wait3A_801 = arith.constant 0 : i32
      %dma_wait3A_802 = tpu.memref_slice %arg5[%dma_wait3A_801] : memref<6400000xi32, #tpu.memory_space<hbm>> -> memref<80xi32, #tpu.memory_space<hbm>>
      tpu.wait_dma2 semaphore(%arg22 : memref<!tpu.dma_semaphore, #tpu.memory_space<semaphore_mem>>) src(%dma_wait3A_802 : memref<80xi32, #tpu.memory_space<hbm>>) dst(%dma_wait3A_800 : memref<80xi32, #tpu.memory_space<vmem>>)
      %dma_wait3A_803 = arith.constant 3 : i32
      %dma_wait3A_804 = arith.constant 0 : i32
      %dma_wait3A_805 = tpu.memref_slice %arg16[%dma_wait3A_803, %dma_wait3A_804] : memref<10x80xi32, #tpu.memory_space<vmem>> -> memref<1x80xi32, #tpu.memory_space<vmem>>
      %dma_wait3A_806 = tpu.memref_squeeze %dma_wait3A_805 : memref<1x80xi32, #tpu.memory_space<vmem>> -> memref<80xi32, #tpu.memory_space<vmem>>
      %dma_wait3A_807 = arith.constant 0 : i32
      %dma_wait3A_808 = tpu.memref_slice %arg5[%dma_wait3A_807] : memref<6400000xi32, #tpu.memory_space<hbm>> -> memref<80xi32, #tpu.memory_space<hbm>>
      %dma_wait3A_809 = arith.constant 0 : i32
      %dma_wait3A_810 = tpu.memref_slice %arg16[%dma_wait3A_803, %dma_wait3A_809] : memref<10x80xi32, #tpu.memory_space<vmem>> -> memref<1x80xi32, #tpu.memory_space<vmem>>
      %dma_wait3A_811 = tpu.memref_squeeze %dma_wait3A_810 : memref<1x80xi32, #tpu.memory_space<vmem>> -> memref<80xi32, #tpu.memory_space<vmem>>
      %dma_wait3A_812 = arith.constant 0 : i32
      %dma_wait3A_813 = tpu.memref_slice %arg5[%dma_wait3A_812] : memref<6400000xi32, #tpu.memory_space<hbm>> -> memref<80xi32, #tpu.memory_space<hbm>>
      tpu.wait_dma2 semaphore(%arg22 : memref<!tpu.dma_semaphore, #tpu.memory_space<semaphore_mem>>) src(%dma_wait3A_813 : memref<80xi32, #tpu.memory_space<hbm>>) dst(%dma_wait3A_811 : memref<80xi32, #tpu.memory_space<vmem>>)
      %dma_wait3A_814 = arith.constant 4 : i32
      %dma_wait3A_815 = arith.constant 0 : i32
      %dma_wait3A_816 = tpu.memref_slice %arg16[%dma_wait3A_814, %dma_wait3A_815] : memref<10x80xi32, #tpu.memory_space<vmem>> -> memref<1x80xi32, #tpu.memory_space<vmem>>
      %dma_wait3A_817 = tpu.memref_squeeze %dma_wait3A_816 : memref<1x80xi32, #tpu.memory_space<vmem>> -> memref<80xi32, #tpu.memory_space<vmem>>
      %dma_wait3A_818 = arith.constant 0 : i32
      %dma_wait3A_819 = tpu.memref_slice %arg5[%dma_wait3A_818] : memref<6400000xi32, #tpu.memory_space<hbm>> -> memref<80xi32, #tpu.memory_space<hbm>>
      %dma_wait3A_820 = arith.constant 0 : i32
      %dma_wait3A_821 = tpu.memref_slice %arg16[%dma_wait3A_814, %dma_wait3A_820] : memref<10x80xi32, #tpu.memory_space<vmem>> -> memref<1x80xi32, #tpu.memory_space<vmem>>
      %dma_wait3A_822 = tpu.memref_squeeze %dma_wait3A_821 : memref<1x80xi32, #tpu.memory_space<vmem>> -> memref<80xi32, #tpu.memory_space<vmem>>
      %dma_wait3A_823 = arith.constant 0 : i32
      %dma_wait3A_824 = tpu.memref_slice %arg5[%dma_wait3A_823] : memref<6400000xi32, #tpu.memory_space<hbm>> -> memref<80xi32, #tpu.memory_space<hbm>>
      tpu.wait_dma2 semaphore(%arg22 : memref<!tpu.dma_semaphore, #tpu.memory_space<semaphore_mem>>) src(%dma_wait3A_824 : memref<80xi32, #tpu.memory_space<hbm>>) dst(%dma_wait3A_822 : memref<80xi32, #tpu.memory_space<vmem>>)
      %dma_wait3A_825 = arith.constant 5 : i32
      %dma_wait3A_826 = arith.constant 0 : i32
      %dma_wait3A_827 = tpu.memref_slice %arg16[%dma_wait3A_825, %dma_wait3A_826] : memref<10x80xi32, #tpu.memory_space<vmem>> -> memref<1x80xi32, #tpu.memory_space<vmem>>
      %dma_wait3A_828 = tpu.memref_squeeze %dma_wait3A_827 : memref<1x80xi32, #tpu.memory_space<vmem>> -> memref<80xi32, #tpu.memory_space<vmem>>
      %dma_wait3A_829 = arith.constant 0 : i32
      %dma_wait3A_830 = tpu.memref_slice %arg5[%dma_wait3A_829] : memref<6400000xi32, #tpu.memory_space<hbm>> -> memref<80xi32, #tpu.memory_space<hbm>>
      %dma_wait3A_831 = arith.constant 0 : i32
      %dma_wait3A_832 = tpu.memref_slice %arg16[%dma_wait3A_825, %dma_wait3A_831] : memref<10x80xi32, #tpu.memory_space<vmem>> -> memref<1x80xi32, #tpu.memory_space<vmem>>
      %dma_wait3A_833 = tpu.memref_squeeze %dma_wait3A_832 : memref<1x80xi32, #tpu.memory_space<vmem>> -> memref<80xi32, #tpu.memory_space<vmem>>
      %dma_wait3A_834 = arith.constant 0 : i32
      %dma_wait3A_835 = tpu.memref_slice %arg5[%dma_wait3A_834] : memref<6400000xi32, #tpu.memory_space<hbm>> -> memref<80xi32, #tpu.memory_space<hbm>>
      tpu.wait_dma2 semaphore(%arg22 : memref<!tpu.dma_semaphore, #tpu.memory_space<semaphore_mem>>) src(%dma_wait3A_835 : memref<80xi32, #tpu.memory_space<hbm>>) dst(%dma_wait3A_833 : memref<80xi32, #tpu.memory_space<vmem>>)
      %dma_wait3A_836 = arith.constant 6 : i32
      %dma_wait3A_837 = arith.constant 0 : i32
      %dma_wait3A_838 = tpu.memref_slice %arg16[%dma_wait3A_836, %dma_wait3A_837] : memref<10x80xi32, #tpu.memory_space<vmem>> -> memref<1x80xi32, #tpu.memory_space<vmem>>
      %dma_wait3A_839 = tpu.memref_squeeze %dma_wait3A_838 : memref<1x80xi32, #tpu.memory_space<vmem>> -> memref<80xi32, #tpu.memory_space<vmem>>
      %dma_wait3A_840 = arith.constant 0 : i32
      %dma_wait3A_841 = tpu.memref_slice %arg5[%dma_wait3A_840] : memref<6400000xi32, #tpu.memory_space<hbm>> -> memref<80xi32, #tpu.memory_space<hbm>>
      %dma_wait3A_842 = arith.constant 0 : i32
      %dma_wait3A_843 = tpu.memref_slice %arg16[%dma_wait3A_836, %dma_wait3A_842] : memref<10x80xi32, #tpu.memory_space<vmem>> -> memref<1x80xi32, #tpu.memory_space<vmem>>
      %dma_wait3A_844 = tpu.memref_squeeze %dma_wait3A_843 : memref<1x80xi32, #tpu.memory_space<vmem>> -> memref<80xi32, #tpu.memory_space<vmem>>
      %dma_wait3A_845 = arith.constant 0 : i32
      %dma_wait3A_846 = tpu.memref_slice %arg5[%dma_wait3A_845] : memref<6400000xi32, #tpu.memory_space<hbm>> -> memref<80xi32, #tpu.memory_space<hbm>>
      tpu.wait_dma2 semaphore(%arg22 : memref<!tpu.dma_semaphore, #tpu.memory_space<semaphore_mem>>) src(%dma_wait3A_846 : memref<80xi32, #tpu.memory_space<hbm>>) dst(%dma_wait3A_844 : memref<80xi32, #tpu.memory_space<vmem>>)
      %dma_wait3A_847 = arith.constant 7 : i32
      %dma_wait3A_848 = arith.constant 0 : i32
      %dma_wait3A_849 = tpu.memref_slice %arg16[%dma_wait3A_847, %dma_wait3A_848] : memref<10x80xi32, #tpu.memory_space<vmem>> -> memref<1x80xi32, #tpu.memory_space<vmem>>
      %dma_wait3A_850 = tpu.memref_squeeze %dma_wait3A_849 : memref<1x80xi32, #tpu.memory_space<vmem>> -> memref<80xi32, #tpu.memory_space<vmem>>
      %dma_wait3A_851 = arith.constant 0 : i32
      %dma_wait3A_852 = tpu.memref_slice %arg5[%dma_wait3A_851] : memref<6400000xi32, #tpu.memory_space<hbm>> -> memref<80xi32, #tpu.memory_space<hbm>>
      %dma_wait3A_853 = arith.constant 0 : i32
      %dma_wait3A_854 = tpu.memref_slice %arg16[%dma_wait3A_847, %dma_wait3A_853] : memref<10x80xi32, #tpu.memory_space<vmem>> -> memref<1x80xi32, #tpu.memory_space<vmem>>
      %dma_wait3A_855 = tpu.memref_squeeze %dma_wait3A_854 : memref<1x80xi32, #tpu.memory_space<vmem>> -> memref<80xi32, #tpu.memory_space<vmem>>
      %dma_wait3A_856 = arith.constant 0 : i32
      %dma_wait3A_857 = tpu.memref_slice %arg5[%dma_wait3A_856] : memref<6400000xi32, #tpu.memory_space<hbm>> -> memref<80xi32, #tpu.memory_space<hbm>>
      tpu.wait_dma2 semaphore(%arg22 : memref<!tpu.dma_semaphore, #tpu.memory_space<semaphore_mem>>) src(%dma_wait3A_857 : memref<80xi32, #tpu.memory_space<hbm>>) dst(%dma_wait3A_855 : memref<80xi32, #tpu.memory_space<vmem>>)
      %dma_wait3A_858 = arith.constant 8 : i32
      %dma_wait3A_859 = arith.constant 0 : i32
      %dma_wait3A_860 = tpu.memref_slice %arg16[%dma_wait3A_858, %dma_wait3A_859] : memref<10x80xi32, #tpu.memory_space<vmem>> -> memref<1x80xi32, #tpu.memory_space<vmem>>
      %dma_wait3A_861 = tpu.memref_squeeze %dma_wait3A_860 : memref<1x80xi32, #tpu.memory_space<vmem>> -> memref<80xi32, #tpu.memory_space<vmem>>
      %dma_wait3A_862 = arith.constant 0 : i32
      %dma_wait3A_863 = tpu.memref_slice %arg5[%dma_wait3A_862] : memref<6400000xi32, #tpu.memory_space<hbm>> -> memref<80xi32, #tpu.memory_space<hbm>>
      %dma_wait3A_864 = arith.constant 0 : i32
      %dma_wait3A_865 = tpu.memref_slice %arg16[%dma_wait3A_858, %dma_wait3A_864] : memref<10x80xi32, #tpu.memory_space<vmem>> -> memref<1x80xi32, #tpu.memory_space<vmem>>
      %dma_wait3A_866 = tpu.memref_squeeze %dma_wait3A_865 : memref<1x80xi32, #tpu.memory_space<vmem>> -> memref<80xi32, #tpu.memory_space<vmem>>
      %dma_wait3A_867 = arith.constant 0 : i32
      %dma_wait3A_868 = tpu.memref_slice %arg5[%dma_wait3A_867] : memref<6400000xi32, #tpu.memory_space<hbm>> -> memref<80xi32, #tpu.memory_space<hbm>>
      tpu.wait_dma2 semaphore(%arg22 : memref<!tpu.dma_semaphore, #tpu.memory_space<semaphore_mem>>) src(%dma_wait3A_868 : memref<80xi32, #tpu.memory_space<hbm>>) dst(%dma_wait3A_866 : memref<80xi32, #tpu.memory_space<vmem>>)
      %dma_wait3A_869 = arith.constant 9 : i32
      %dma_wait3A_870 = arith.constant 0 : i32
      %dma_wait3A_871 = tpu.memref_slice %arg16[%dma_wait3A_869, %dma_wait3A_870] : memref<10x80xi32, #tpu.memory_space<vmem>> -> memref<1x80xi32, #tpu.memory_space<vmem>>
      %dma_wait3A_872 = tpu.memref_squeeze %dma_wait3A_871 : memref<1x80xi32, #tpu.memory_space<vmem>> -> memref<80xi32, #tpu.memory_space<vmem>>
      %dma_wait3A_873 = arith.constant 0 : i32
      %dma_wait3A_874 = tpu.memref_slice %arg5[%dma_wait3A_873] : memref<6400000xi32, #tpu.memory_space<hbm>> -> memref<80xi32, #tpu.memory_space<hbm>>
      %dma_wait3A_875 = arith.constant 0 : i32
      %dma_wait3A_876 = tpu.memref_slice %arg16[%dma_wait3A_869, %dma_wait3A_875] : memref<10x80xi32, #tpu.memory_space<vmem>> -> memref<1x80xi32, #tpu.memory_space<vmem>>
      %dma_wait3A_877 = tpu.memref_squeeze %dma_wait3A_876 : memref<1x80xi32, #tpu.memory_space<vmem>> -> memref<80xi32, #tpu.memory_space<vmem>>
      %dma_wait3A_878 = arith.constant 0 : i32
      %dma_wait3A_879 = tpu.memref_slice %arg5[%dma_wait3A_878] : memref<6400000xi32, #tpu.memory_space<hbm>> -> memref<80xi32, #tpu.memory_space<hbm>>
      tpu.wait_dma2 semaphore(%arg22 : memref<!tpu.dma_semaphore, #tpu.memory_space<semaphore_mem>>) src(%dma_wait3A_879 : memref<80xi32, #tpu.memory_space<hbm>>) dst(%dma_wait3A_877 : memref<80xi32, #tpu.memory_space<vmem>>)
      %add3A_880 = arith.constant 1 : i32
      %add3A_881 = arith.addi %add3A_757, %add3A_880 : i32
      %lt3A_882 = arith.constant 250 : i32
      %lt3A_883 = arith.cmpi slt, %add3A_881, %lt3A_882 : i32
      %convert_element_type3A_884 = arith.extui %lt3A_883 : i1 to i32
      %cond3A_885 = arith.constant 0 : i32
      %cond3A_886 = arith.cmpi ne, %convert_element_type3A_884, %cond3A_885 : i32
      scf.if %cond3A_886 {
        %add3A_1093 = arith.constant 1 : i32
        %add3A_1094 = arith.addi %add3A_757, %add3A_1093 : i32
        %mul3A_1095 = arith.constant 800 : i32
        %mul3A_1096 = arith.muli %add3A_1094, %mul3A_1095 : i32
        %add3A_1097 = arith.addi %mul3A_4, %mul3A_1096 : i32
        %dma_start3A_1098 = tpu.memref_slice %arg2[%add3A_1097] : memref<6400000xf32, #tpu.memory_space<hbm>> -> memref<800xf32, #tpu.memory_space<hbm>>
        %dma_start3A_1099 = tpu.memref_slice %arg2[%add3A_1097] : memref<6400000xf32, #tpu.memory_space<hbm>> -> memref<800xf32, #tpu.memory_space<hbm>>
        tpu.enqueue_dma source(%dma_start3A_1099 : memref<800xf32, #tpu.memory_space<hbm>>) target(%arg9 : memref<800xf32, #tpu.memory_space<vmem>>) target_semaphore(%arg21 : memref<!tpu.dma_semaphore, #tpu.memory_space<semaphore_mem>>)
        %dma_start3A_1100 = tpu.memref_slice %arg3[%add3A_1097] : memref<6400000xf32, #tpu.memory_space<hbm>> -> memref<800xf32, #tpu.memory_space<hbm>>
        %dma_start3A_1101 = tpu.memref_slice %arg3[%add3A_1097] : memref<6400000xf32, #tpu.memory_space<hbm>> -> memref<800xf32, #tpu.memory_space<hbm>>
        tpu.enqueue_dma source(%dma_start3A_1101 : memref<800xf32, #tpu.memory_space<hbm>>) target(%arg10 : memref<800xf32, #tpu.memory_space<vmem>>) target_semaphore(%arg21 : memref<!tpu.dma_semaphore, #tpu.memory_space<semaphore_mem>>)
        %dma_start3A_1102 = tpu.memref_slice %arg4[%add3A_1097] : memref<6400000xf32, #tpu.memory_space<hbm>> -> memref<800xf32, #tpu.memory_space<hbm>>
        %dma_start3A_1103 = tpu.memref_slice %arg4[%add3A_1097] : memref<6400000xf32, #tpu.memory_space<hbm>> -> memref<800xf32, #tpu.memory_space<hbm>>
        tpu.enqueue_dma source(%dma_start3A_1103 : memref<800xf32, #tpu.memory_space<hbm>>) target(%arg11 : memref<800xf32, #tpu.memory_space<vmem>>) target_semaphore(%arg21 : memref<!tpu.dma_semaphore, #tpu.memory_space<semaphore_mem>>)
        %add3A_1104 = arith.constant 0 : i32
        %add3A_1105 = arith.addi %add3A_1097, %add3A_1104 : i32
        %dma_start3A_1106 = arith.constant 0 : i32
        %dma_start3A_1107 = arith.constant 0 : i32
        %dma_start3A_1108 = tpu.memref_slice %arg15[%dma_start3A_1106, %dma_start3A_1107] : memref<10x80xi32, #tpu.memory_space<vmem>> -> memref<1x80xi32, #tpu.memory_space<vmem>>
        %dma_start3A_1109 = tpu.memref_squeeze %dma_start3A_1108 : memref<1x80xi32, #tpu.memory_space<vmem>> -> memref<80xi32, #tpu.memory_space<vmem>>
        %dma_start3A_1110 = tpu.memref_slice %arg5[%add3A_1105] : memref<6400000xi32, #tpu.memory_space<hbm>> -> memref<80xi32, #tpu.memory_space<hbm>>
        %dma_start3A_1111 = arith.constant 0 : i32
        %dma_start3A_1112 = tpu.memref_slice %arg15[%dma_start3A_1106, %dma_start3A_1111] : memref<10x80xi32, #tpu.memory_space<vmem>> -> memref<1x80xi32, #tpu.memory_space<vmem>>
        %dma_start3A_1113 = tpu.memref_squeeze %dma_start3A_1112 : memref<1x80xi32, #tpu.memory_space<vmem>> -> memref<80xi32, #tpu.memory_space<vmem>>
        %dma_start3A_1114 = tpu.memref_slice %arg5[%add3A_1105] : memref<6400000xi32, #tpu.memory_space<hbm>> -> memref<80xi32, #tpu.memory_space<hbm>>
        tpu.enqueue_dma source(%dma_start3A_1114 : memref<80xi32, #tpu.memory_space<hbm>>) target(%dma_start3A_1113 : memref<80xi32, #tpu.memory_space<vmem>>) target_semaphore(%arg21 : memref<!tpu.dma_semaphore, #tpu.memory_space<semaphore_mem>>)
        %add3A_1115 = arith.constant 80 : i32
        %add3A_1116 = arith.addi %add3A_1097, %add3A_1115 : i32
        %dma_start3A_1117 = arith.constant 1 : i32
        %dma_start3A_1118 = arith.constant 0 : i32
        %dma_start3A_1119 = tpu.memref_slice %arg15[%dma_start3A_1117, %dma_start3A_1118] : memref<10x80xi32, #tpu.memory_space<vmem>> -> memref<1x80xi32, #tpu.memory_space<vmem>>
        %dma_start3A_1120 = tpu.memref_squeeze %dma_start3A_1119 : memref<1x80xi32, #tpu.memory_space<vmem>> -> memref<80xi32, #tpu.memory_space<vmem>>
        %dma_start3A_1121 = tpu.memref_slice %arg5[%add3A_1116] : memref<6400000xi32, #tpu.memory_space<hbm>> -> memref<80xi32, #tpu.memory_space<hbm>>
        %dma_start3A_1122 = arith.constant 0 : i32
        %dma_start3A_1123 = tpu.memref_slice %arg15[%dma_start3A_1117, %dma_start3A_1122] : memref<10x80xi32, #tpu.memory_space<vmem>> -> memref<1x80xi32, #tpu.memory_space<vmem>>
        %dma_start3A_1124 = tpu.memref_squeeze %dma_start3A_1123 : memref<1x80xi32, #tpu.memory_space<vmem>> -> memref<80xi32, #tpu.memory_space<vmem>>
        %dma_start3A_1125 = tpu.memref_slice %arg5[%add3A_1116] : memref<6400000xi32, #tpu.memory_space<hbm>> -> memref<80xi32, #tpu.memory_space<hbm>>
        tpu.enqueue_dma source(%dma_start3A_1125 : memref<80xi32, #tpu.memory_space<hbm>>) target(%dma_start3A_1124 : memref<80xi32, #tpu.memory_space<vmem>>) target_semaphore(%arg21 : memref<!tpu.dma_semaphore, #tpu.memory_space<semaphore_mem>>)
        %add3A_1126 = arith.constant 160 : i32
        %add3A_1127 = arith.addi %add3A_1097, %add3A_1126 : i32
        %dma_start3A_1128 = arith.constant 2 : i32
        %dma_start3A_1129 = arith.constant 0 : i32
        %dma_start3A_1130 = tpu.memref_slice %arg15[%dma_start3A_1128, %dma_start3A_1129] : memref<10x80xi32, #tpu.memory_space<vmem>> -> memref<1x80xi32, #tpu.memory_space<vmem>>
        %dma_start3A_1131 = tpu.memref_squeeze %dma_start3A_1130 : memref<1x80xi32, #tpu.memory_space<vmem>> -> memref<80xi32, #tpu.memory_space<vmem>>
        %dma_start3A_1132 = tpu.memref_slice %arg5[%add3A_1127] : memref<6400000xi32, #tpu.memory_space<hbm>> -> memref<80xi32, #tpu.memory_space<hbm>>
        %dma_start3A_1133 = arith.constant 0 : i32
        %dma_start3A_1134 = tpu.memref_slice %arg15[%dma_start3A_1128, %dma_start3A_1133] : memref<10x80xi32, #tpu.memory_space<vmem>> -> memref<1x80xi32, #tpu.memory_space<vmem>>
        %dma_start3A_1135 = tpu.memref_squeeze %dma_start3A_1134 : memref<1x80xi32, #tpu.memory_space<vmem>> -> memref<80xi32, #tpu.memory_space<vmem>>
        %dma_start3A_1136 = tpu.memref_slice %arg5[%add3A_1127] : memref<6400000xi32, #tpu.memory_space<hbm>> -> memref<80xi32, #tpu.memory_space<hbm>>
        tpu.enqueue_dma source(%dma_start3A_1136 : memref<80xi32, #tpu.memory_space<hbm>>) target(%dma_start3A_1135 : memref<80xi32, #tpu.memory_space<vmem>>) target_semaphore(%arg21 : memref<!tpu.dma_semaphore, #tpu.memory_space<semaphore_mem>>)
        %add3A_1137 = arith.constant 240 : i32
        %add3A_1138 = arith.addi %add3A_1097, %add3A_1137 : i32
        %dma_start3A_1139 = arith.constant 3 : i32
        %dma_start3A_1140 = arith.constant 0 : i32
        %dma_start3A_1141 = tpu.memref_slice %arg15[%dma_start3A_1139, %dma_start3A_1140] : memref<10x80xi32, #tpu.memory_space<vmem>> -> memref<1x80xi32, #tpu.memory_space<vmem>>
        %dma_start3A_1142 = tpu.memref_squeeze %dma_start3A_1141 : memref<1x80xi32, #tpu.memory_space<vmem>> -> memref<80xi32, #tpu.memory_space<vmem>>
        %dma_start3A_1143 = tpu.memref_slice %arg5[%add3A_1138] : memref<6400000xi32, #tpu.memory_space<hbm>> -> memref<80xi32, #tpu.memory_space<hbm>>
        %dma_start3A_1144 = arith.constant 0 : i32
        %dma_start3A_1145 = tpu.memref_slice %arg15[%dma_start3A_1139, %dma_start3A_1144] : memref<10x80xi32, #tpu.memory_space<vmem>> -> memref<1x80xi32, #tpu.memory_space<vmem>>
        %dma_start3A_1146 = tpu.memref_squeeze %dma_start3A_1145 : memref<1x80xi32, #tpu.memory_space<vmem>> -> memref<80xi32, #tpu.memory_space<vmem>>
        %dma_start3A_1147 = tpu.memref_slice %arg5[%add3A_1138] : memref<6400000xi32, #tpu.memory_space<hbm>> -> memref<80xi32, #tpu.memory_space<hbm>>
        tpu.enqueue_dma source(%dma_start3A_1147 : memref<80xi32, #tpu.memory_space<hbm>>) target(%dma_start3A_1146 : memref<80xi32, #tpu.memory_space<vmem>>) target_semaphore(%arg21 : memref<!tpu.dma_semaphore, #tpu.memory_space<semaphore_mem>>)
        %add3A_1148 = arith.constant 320 : i32
        %add3A_1149 = arith.addi %add3A_1097, %add3A_1148 : i32
        %dma_start3A_1150 = arith.constant 4 : i32
        %dma_start3A_1151 = arith.constant 0 : i32
        %dma_start3A_1152 = tpu.memref_slice %arg15[%dma_start3A_1150, %dma_start3A_1151] : memref<10x80xi32, #tpu.memory_space<vmem>> -> memref<1x80xi32, #tpu.memory_space<vmem>>
        %dma_start3A_1153 = tpu.memref_squeeze %dma_start3A_1152 : memref<1x80xi32, #tpu.memory_space<vmem>> -> memref<80xi32, #tpu.memory_space<vmem>>
        %dma_start3A_1154 = tpu.memref_slice %arg5[%add3A_1149] : memref<6400000xi32, #tpu.memory_space<hbm>> -> memref<80xi32, #tpu.memory_space<hbm>>
        %dma_start3A_1155 = arith.constant 0 : i32
        %dma_start3A_1156 = tpu.memref_slice %arg15[%dma_start3A_1150, %dma_start3A_1155] : memref<10x80xi32, #tpu.memory_space<vmem>> -> memref<1x80xi32, #tpu.memory_space<vmem>>
        %dma_start3A_1157 = tpu.memref_squeeze %dma_start3A_1156 : memref<1x80xi32, #tpu.memory_space<vmem>> -> memref<80xi32, #tpu.memory_space<vmem>>
        %dma_start3A_1158 = tpu.memref_slice %arg5[%add3A_1149] : memref<6400000xi32, #tpu.memory_space<hbm>> -> memref<80xi32, #tpu.memory_space<hbm>>
        tpu.enqueue_dma source(%dma_start3A_1158 : memref<80xi32, #tpu.memory_space<hbm>>) target(%dma_start3A_1157 : memref<80xi32, #tpu.memory_space<vmem>>) target_semaphore(%arg21 : memref<!tpu.dma_semaphore, #tpu.memory_space<semaphore_mem>>)
        %add3A_1159 = arith.constant 400 : i32
        %add3A_1160 = arith.addi %add3A_1097, %add3A_1159 : i32
        %dma_start3A_1161 = arith.constant 5 : i32
        %dma_start3A_1162 = arith.constant 0 : i32
        %dma_start3A_1163 = tpu.memref_slice %arg15[%dma_start3A_1161, %dma_start3A_1162] : memref<10x80xi32, #tpu.memory_space<vmem>> -> memref<1x80xi32, #tpu.memory_space<vmem>>
        %dma_start3A_1164 = tpu.memref_squeeze %dma_start3A_1163 : memref<1x80xi32, #tpu.memory_space<vmem>> -> memref<80xi32, #tpu.memory_space<vmem>>
        %dma_start3A_1165 = tpu.memref_slice %arg5[%add3A_1160] : memref<6400000xi32, #tpu.memory_space<hbm>> -> memref<80xi32, #tpu.memory_space<hbm>>
        %dma_start3A_1166 = arith.constant 0 : i32
        %dma_start3A_1167 = tpu.memref_slice %arg15[%dma_start3A_1161, %dma_start3A_1166] : memref<10x80xi32, #tpu.memory_space<vmem>> -> memref<1x80xi32, #tpu.memory_space<vmem>>
        %dma_start3A_1168 = tpu.memref_squeeze %dma_start3A_1167 : memref<1x80xi32, #tpu.memory_space<vmem>> -> memref<80xi32, #tpu.memory_space<vmem>>
        %dma_start3A_1169 = tpu.memref_slice %arg5[%add3A_1160] : memref<6400000xi32, #tpu.memory_space<hbm>> -> memref<80xi32, #tpu.memory_space<hbm>>
        tpu.enqueue_dma source(%dma_start3A_1169 : memref<80xi32, #tpu.memory_space<hbm>>) target(%dma_start3A_1168 : memref<80xi32, #tpu.memory_space<vmem>>) target_semaphore(%arg21 : memref<!tpu.dma_semaphore, #tpu.memory_space<semaphore_mem>>)
        %add3A_1170 = arith.constant 480 : i32
        %add3A_1171 = arith.addi %add3A_1097, %add3A_1170 : i32
        %dma_start3A_1172 = arith.constant 6 : i32
        %dma_start3A_1173 = arith.constant 0 : i32
        %dma_start3A_1174 = tpu.memref_slice %arg15[%dma_start3A_1172, %dma_start3A_1173] : memref<10x80xi32, #tpu.memory_space<vmem>> -> memref<1x80xi32, #tpu.memory_space<vmem>>
        %dma_start3A_1175 = tpu.memref_squeeze %dma_start3A_1174 : memref<1x80xi32, #tpu.memory_space<vmem>> -> memref<80xi32, #tpu.memory_space<vmem>>
        %dma_start3A_1176 = tpu.memref_slice %arg5[%add3A_1171] : memref<6400000xi32, #tpu.memory_space<hbm>> -> memref<80xi32, #tpu.memory_space<hbm>>
        %dma_start3A_1177 = arith.constant 0 : i32
        %dma_start3A_1178 = tpu.memref_slice %arg15[%dma_start3A_1172, %dma_start3A_1177] : memref<10x80xi32, #tpu.memory_space<vmem>> -> memref<1x80xi32, #tpu.memory_space<vmem>>
        %dma_start3A_1179 = tpu.memref_squeeze %dma_start3A_1178 : memref<1x80xi32, #tpu.memory_space<vmem>> -> memref<80xi32, #tpu.memory_space<vmem>>
        %dma_start3A_1180 = tpu.memref_slice %arg5[%add3A_1171] : memref<6400000xi32, #tpu.memory_space<hbm>> -> memref<80xi32, #tpu.memory_space<hbm>>
        tpu.enqueue_dma source(%dma_start3A_1180 : memref<80xi32, #tpu.memory_space<hbm>>) target(%dma_start3A_1179 : memref<80xi32, #tpu.memory_space<vmem>>) target_semaphore(%arg21 : memref<!tpu.dma_semaphore, #tpu.memory_space<semaphore_mem>>)
        %add3A_1181 = arith.constant 560 : i32
        %add3A_1182 = arith.addi %add3A_1097, %add3A_1181 : i32
        %dma_start3A_1183 = arith.constant 7 : i32
        %dma_start3A_1184 = arith.constant 0 : i32
        %dma_start3A_1185 = tpu.memref_slice %arg15[%dma_start3A_1183, %dma_start3A_1184] : memref<10x80xi32, #tpu.memory_space<vmem>> -> memref<1x80xi32, #tpu.memory_space<vmem>>
        %dma_start3A_1186 = tpu.memref_squeeze %dma_start3A_1185 : memref<1x80xi32, #tpu.memory_space<vmem>> -> memref<80xi32, #tpu.memory_space<vmem>>
        %dma_start3A_1187 = tpu.memref_slice %arg5[%add3A_1182] : memref<6400000xi32, #tpu.memory_space<hbm>> -> memref<80xi32, #tpu.memory_space<hbm>>
        %dma_start3A_1188 = arith.constant 0 : i32
        %dma_start3A_1189 = tpu.memref_slice %arg15[%dma_start3A_1183, %dma_start3A_1188] : memref<10x80xi32, #tpu.memory_space<vmem>> -> memref<1x80xi32, #tpu.memory_space<vmem>>
        %dma_start3A_1190 = tpu.memref_squeeze %dma_start3A_1189 : memref<1x80xi32, #tpu.memory_space<vmem>> -> memref<80xi32, #tpu.memory_space<vmem>>
        %dma_start3A_1191 = tpu.memref_slice %arg5[%add3A_1182] : memref<6400000xi32, #tpu.memory_space<hbm>> -> memref<80xi32, #tpu.memory_space<hbm>>
        tpu.enqueue_dma source(%dma_start3A_1191 : memref<80xi32, #tpu.memory_space<hbm>>) target(%dma_start3A_1190 : memref<80xi32, #tpu.memory_space<vmem>>) target_semaphore(%arg21 : memref<!tpu.dma_semaphore, #tpu.memory_space<semaphore_mem>>)
        %add3A_1192 = arith.constant 640 : i32
        %add3A_1193 = arith.addi %add3A_1097, %add3A_1192 : i32
        %dma_start3A_1194 = arith.constant 8 : i32
        %dma_start3A_1195 = arith.constant 0 : i32
        %dma_start3A_1196 = tpu.memref_slice %arg15[%dma_start3A_1194, %dma_start3A_1195] : memref<10x80xi32, #tpu.memory_space<vmem>> -> memref<1x80xi32, #tpu.memory_space<vmem>>
        %dma_start3A_1197 = tpu.memref_squeeze %dma_start3A_1196 : memref<1x80xi32, #tpu.memory_space<vmem>> -> memref<80xi32, #tpu.memory_space<vmem>>
        %dma_start3A_1198 = tpu.memref_slice %arg5[%add3A_1193] : memref<6400000xi32, #tpu.memory_space<hbm>> -> memref<80xi32, #tpu.memory_space<hbm>>
        %dma_start3A_1199 = arith.constant 0 : i32
        %dma_start3A_1200 = tpu.memref_slice %arg15[%dma_start3A_1194, %dma_start3A_1199] : memref<10x80xi32, #tpu.memory_space<vmem>> -> memref<1x80xi32, #tpu.memory_space<vmem>>
        %dma_start3A_1201 = tpu.memref_squeeze %dma_start3A_1200 : memref<1x80xi32, #tpu.memory_space<vmem>> -> memref<80xi32, #tpu.memory_space<vmem>>
        %dma_start3A_1202 = tpu.memref_slice %arg5[%add3A_1193] : memref<6400000xi32, #tpu.memory_space<hbm>> -> memref<80xi32, #tpu.memory_space<hbm>>
        tpu.enqueue_dma source(%dma_start3A_1202 : memref<80xi32, #tpu.memory_space<hbm>>) target(%dma_start3A_1201 : memref<80xi32, #tpu.memory_space<vmem>>) target_semaphore(%arg21 : memref<!tpu.dma_semaphore, #tpu.memory_space<semaphore_mem>>)
        %add3A_1203 = arith.constant 720 : i32
        %add3A_1204 = arith.addi %add3A_1097, %add3A_1203 : i32
        %dma_start3A_1205 = arith.constant 9 : i32
        %dma_start3A_1206 = arith.constant 0 : i32
        %dma_start3A_1207 = tpu.memref_slice %arg15[%dma_start3A_1205, %dma_start3A_1206] : memref<10x80xi32, #tpu.memory_space<vmem>> -> memref<1x80xi32, #tpu.memory_space<vmem>>
        %dma_start3A_1208 = tpu.memref_squeeze %dma_start3A_1207 : memref<1x80xi32, #tpu.memory_space<vmem>> -> memref<80xi32, #tpu.memory_space<vmem>>
        %dma_start3A_1209 = tpu.memref_slice %arg5[%add3A_1204] : memref<6400000xi32, #tpu.memory_space<hbm>> -> memref<80xi32, #tpu.memory_space<hbm>>
        %dma_start3A_1210 = arith.constant 0 : i32
        %dma_start3A_1211 = tpu.memref_slice %arg15[%dma_start3A_1205, %dma_start3A_1210] : memref<10x80xi32, #tpu.memory_space<vmem>> -> memref<1x80xi32, #tpu.memory_space<vmem>>
        %dma_start3A_1212 = tpu.memref_squeeze %dma_start3A_1211 : memref<1x80xi32, #tpu.memory_space<vmem>> -> memref<80xi32, #tpu.memory_space<vmem>>
        %dma_start3A_1213 = tpu.memref_slice %arg5[%add3A_1204] : memref<6400000xi32, #tpu.memory_space<hbm>> -> memref<80xi32, #tpu.memory_space<hbm>>
        tpu.enqueue_dma source(%dma_start3A_1213 : memref<80xi32, #tpu.memory_space<hbm>>) target(%dma_start3A_1212 : memref<80xi32, #tpu.memory_space<vmem>>) target_semaphore(%arg21 : memref<!tpu.dma_semaphore, #tpu.memory_space<semaphore_mem>>)
      } else {
      }
      %scan3A_887 = arith.constant 0 : i32
      %scan3A_888 = arith.constant 0 : i32
      %scan3A_889 = arith.constant 50 : i32
      %scan3A_890 = arith.addi %scan3A_888, %scan3A_889 : i32
      %scan3A_891 = arith.constant 1 : i32
      scf.for %scan3A_1093 = %scan3A_888 to %scan3A_890 step %scan3A_891  : i32 {
        %mul3A_1094 = arith.constant 16 : i32
        %mul3A_1095 = arith.muli %scan3A_1093, %mul3A_1094 : i32
        %add3A_1096 = vector.broadcast %mul3A_1095 : i32 to vector<16xi32>
        %add3A_1097 = arith.addi %iota3A, %add3A_1096 : vector<16xi32>
        %get3A = arith.index_cast %mul3A_1095 : i32 to index
        %get3A_1098 = tpu.vector_load %arg12[%get3A] {strides = array<i32>} : memref<800xf32, #tpu.memory_space<vmem>>, vector<16xf32>,
        tpu.vector_store_idx %arg18[%add3A_1097, %add3A_10], %get3A_1098 : memref<800x8xf32, #tpu.memory_space<vmem>>[vector<16xi32>, vector<16xi32>], vector<16xf32>,
        %get3A_1099 = arith.index_cast %mul3A_1095 : i32 to index
        %get3A_1100 = tpu.vector_load %arg13[%get3A_1099] {strides = array<i32>} : memref<800xf32, #tpu.memory_space<vmem>>, vector<16xf32>,
        tpu.vector_store_idx %arg18[%add3A_1097, %add3A_16], %get3A_1100 : memref<800x8xf32, #tpu.memory_space<vmem>>[vector<16xi32>, vector<16xi32>], vector<16xf32>,
        %get3A_1101 = arith.index_cast %mul3A_1095 : i32 to index
        %get3A_1102 = tpu.vector_load %arg14[%get3A_1101] {strides = array<i32>} : memref<800xf32, #tpu.memory_space<vmem>>, vector<16xf32>,
        tpu.vector_store_idx %arg18[%add3A_1097, %add3A_22], %get3A_1102 : memref<800x8xf32, #tpu.memory_space<vmem>>[vector<16xi32>, vector<16xi32>], vector<16xf32>,
      }
      %scan3A_892 = arith.constant 50 : i32
      %dma_start3A_893 = arith.constant 0 : i32
      %dma_start3A_894 = arith.constant 0 : i32
      %dma_start3A_895 = arith.constant 0 : i32
      %dma_start3A_896 = tpu.memref_slice %arg18[%dma_start3A_894, %dma_start3A_895] : memref<800x8xf32, #tpu.memory_space<vmem>> -> memref<80x8xf32, #tpu.memory_space<vmem>>
      %dma_start3A_897 = arith.constant 0 : i32
      %dma_start3A_898 = tpu.memref_slice %arg16[%dma_start3A_893, %dma_start3A_897] : memref<10x80xi32, #tpu.memory_space<vmem>> -> memref<1x80xi32, #tpu.memory_space<vmem>>
      %dma_start3A_899 = tpu.memref_squeeze %dma_start3A_898 : memref<1x80xi32, #tpu.memory_space<vmem>> -> memref<80xi32, #tpu.memory_space<vmem>>
      %dma_start3A_900 = arith.constant 0 : i32
      %dma_start3A_901 = arith.constant 0 : i32
      %dma_start3A_902 = tpu.memref_slice %arg20[%dma_start3A_900, %dma_start3A_901] : memref<100096x8xf32, #tpu.memory_space<vmem_shared>> -> memref<100096x8xf32, #tpu.memory_space<vmem_shared>>
      tpu.enqueue_indirect_dma source(%dma_start3A_896 : memref<80x8xf32, #tpu.memory_space<vmem>>) target(%dma_start3A_902 : memref<100096x8xf32, #tpu.memory_space<vmem_shared>>) offsets(%dma_start3A_899 : memref<80xi32, #tpu.memory_space<vmem>>) semaphore(%arg23 : memref<!tpu.dma_semaphore, #tpu.memory_space<semaphore_mem>>) {add = true}
      %dma_start3A_903 = arith.constant 1 : i32
      %dma_start3A_904 = arith.constant 80 : i32
      %dma_start3A_905 = arith.constant 0 : i32
      %dma_start3A_906 = tpu.memref_slice %arg18[%dma_start3A_904, %dma_start3A_905] : memref<800x8xf32, #tpu.memory_space<vmem>> -> memref<80x8xf32, #tpu.memory_space<vmem>>
      %dma_start3A_907 = arith.constant 0 : i32
      %dma_start3A_908 = tpu.memref_slice %arg16[%dma_start3A_903, %dma_start3A_907] : memref<10x80xi32, #tpu.memory_space<vmem>> -> memref<1x80xi32, #tpu.memory_space<vmem>>
      %dma_start3A_909 = tpu.memref_squeeze %dma_start3A_908 : memref<1x80xi32, #tpu.memory_space<vmem>> -> memref<80xi32, #tpu.memory_space<vmem>>
      %dma_start3A_910 = arith.constant 0 : i32
      %dma_start3A_911 = arith.constant 0 : i32
      %dma_start3A_912 = tpu.memref_slice %arg20[%dma_start3A_910, %dma_start3A_911] : memref<100096x8xf32, #tpu.memory_space<vmem_shared>> -> memref<100096x8xf32, #tpu.memory_space<vmem_shared>>
      tpu.enqueue_indirect_dma source(%dma_start3A_906 : memref<80x8xf32, #tpu.memory_space<vmem>>) target(%dma_start3A_912 : memref<100096x8xf32, #tpu.memory_space<vmem_shared>>) offsets(%dma_start3A_909 : memref<80xi32, #tpu.memory_space<vmem>>) semaphore(%arg23 : memref<!tpu.dma_semaphore, #tpu.memory_space<semaphore_mem>>) {add = true}
      %dma_start3A_913 = arith.constant 2 : i32
      %dma_start3A_914 = arith.constant 160 : i32
      %dma_start3A_915 = arith.constant 0 : i32
      %dma_start3A_916 = tpu.memref_slice %arg18[%dma_start3A_914, %dma_start3A_915] : memref<800x8xf32, #tpu.memory_space<vmem>> -> memref<80x8xf32, #tpu.memory_space<vmem>>
      %dma_start3A_917 = arith.constant 0 : i32
      %dma_start3A_918 = tpu.memref_slice %arg16[%dma_start3A_913, %dma_start3A_917] : memref<10x80xi32, #tpu.memory_space<vmem>> -> memref<1x80xi32, #tpu.memory_space<vmem>>
      %dma_start3A_919 = tpu.memref_squeeze %dma_start3A_918 : memref<1x80xi32, #tpu.memory_space<vmem>> -> memref<80xi32, #tpu.memory_space<vmem>>
      %dma_start3A_920 = arith.constant 0 : i32
      %dma_start3A_921 = arith.constant 0 : i32
      %dma_start3A_922 = tpu.memref_slice %arg20[%dma_start3A_920, %dma_start3A_921] : memref<100096x8xf32, #tpu.memory_space<vmem_shared>> -> memref<100096x8xf32, #tpu.memory_space<vmem_shared>>
      tpu.enqueue_indirect_dma source(%dma_start3A_916 : memref<80x8xf32, #tpu.memory_space<vmem>>) target(%dma_start3A_922 : memref<100096x8xf32, #tpu.memory_space<vmem_shared>>) offsets(%dma_start3A_919 : memref<80xi32, #tpu.memory_space<vmem>>) semaphore(%arg23 : memref<!tpu.dma_semaphore, #tpu.memory_space<semaphore_mem>>) {add = true}
      %dma_start3A_923 = arith.constant 3 : i32
      %dma_start3A_924 = arith.constant 240 : i32
      %dma_start3A_925 = arith.constant 0 : i32
      %dma_start3A_926 = tpu.memref_slice %arg18[%dma_start3A_924, %dma_start3A_925] : memref<800x8xf32, #tpu.memory_space<vmem>> -> memref<80x8xf32, #tpu.memory_space<vmem>>
      %dma_start3A_927 = arith.constant 0 : i32
      %dma_start3A_928 = tpu.memref_slice %arg16[%dma_start3A_923, %dma_start3A_927] : memref<10x80xi32, #tpu.memory_space<vmem>> -> memref<1x80xi32, #tpu.memory_space<vmem>>
      %dma_start3A_929 = tpu.memref_squeeze %dma_start3A_928 : memref<1x80xi32, #tpu.memory_space<vmem>> -> memref<80xi32, #tpu.memory_space<vmem>>
      %dma_start3A_930 = arith.constant 0 : i32
      %dma_start3A_931 = arith.constant 0 : i32
      %dma_start3A_932 = tpu.memref_slice %arg20[%dma_start3A_930, %dma_start3A_931] : memref<100096x8xf32, #tpu.memory_space<vmem_shared>> -> memref<100096x8xf32, #tpu.memory_space<vmem_shared>>
      tpu.enqueue_indirect_dma source(%dma_start3A_926 : memref<80x8xf32, #tpu.memory_space<vmem>>) target(%dma_start3A_932 : memref<100096x8xf32, #tpu.memory_space<vmem_shared>>) offsets(%dma_start3A_929 : memref<80xi32, #tpu.memory_space<vmem>>) semaphore(%arg23 : memref<!tpu.dma_semaphore, #tpu.memory_space<semaphore_mem>>) {add = true}
      %dma_start3A_933 = arith.constant 4 : i32
      %dma_start3A_934 = arith.constant 320 : i32
      %dma_start3A_935 = arith.constant 0 : i32
      %dma_start3A_936 = tpu.memref_slice %arg18[%dma_start3A_934, %dma_start3A_935] : memref<800x8xf32, #tpu.memory_space<vmem>> -> memref<80x8xf32, #tpu.memory_space<vmem>>
      %dma_start3A_937 = arith.constant 0 : i32
      %dma_start3A_938 = tpu.memref_slice %arg16[%dma_start3A_933, %dma_start3A_937] : memref<10x80xi32, #tpu.memory_space<vmem>> -> memref<1x80xi32, #tpu.memory_space<vmem>>
      %dma_start3A_939 = tpu.memref_squeeze %dma_start3A_938 : memref<1x80xi32, #tpu.memory_space<vmem>> -> memref<80xi32, #tpu.memory_space<vmem>>
      %dma_start3A_940 = arith.constant 0 : i32
      %dma_start3A_941 = arith.constant 0 : i32
      %dma_start3A_942 = tpu.memref_slice %arg20[%dma_start3A_940, %dma_start3A_941] : memref<100096x8xf32, #tpu.memory_space<vmem_shared>> -> memref<100096x8xf32, #tpu.memory_space<vmem_shared>>
      tpu.enqueue_indirect_dma source(%dma_start3A_936 : memref<80x8xf32, #tpu.memory_space<vmem>>) target(%dma_start3A_942 : memref<100096x8xf32, #tpu.memory_space<vmem_shared>>) offsets(%dma_start3A_939 : memref<80xi32, #tpu.memory_space<vmem>>) semaphore(%arg23 : memref<!tpu.dma_semaphore, #tpu.memory_space<semaphore_mem>>) {add = true}
      %dma_start3A_943 = arith.constant 5 : i32
      %dma_start3A_944 = arith.constant 400 : i32
      %dma_start3A_945 = arith.constant 0 : i32
      %dma_start3A_946 = tpu.memref_slice %arg18[%dma_start3A_944, %dma_start3A_945] : memref<800x8xf32, #tpu.memory_space<vmem>> -> memref<80x8xf32, #tpu.memory_space<vmem>>
      %dma_start3A_947 = arith.constant 0 : i32
      %dma_start3A_948 = tpu.memref_slice %arg16[%dma_start3A_943, %dma_start3A_947] : memref<10x80xi32, #tpu.memory_space<vmem>> -> memref<1x80xi32, #tpu.memory_space<vmem>>
      %dma_start3A_949 = tpu.memref_squeeze %dma_start3A_948 : memref<1x80xi32, #tpu.memory_space<vmem>> -> memref<80xi32, #tpu.memory_space<vmem>>
      %dma_start3A_950 = arith.constant 0 : i32
      %dma_start3A_951 = arith.constant 0 : i32
      %dma_start3A_952 = tpu.memref_slice %arg20[%dma_start3A_950, %dma_start3A_951] : memref<100096x8xf32, #tpu.memory_space<vmem_shared>> -> memref<100096x8xf32, #tpu.memory_space<vmem_shared>>
      tpu.enqueue_indirect_dma source(%dma_start3A_946 : memref<80x8xf32, #tpu.memory_space<vmem>>) target(%dma_start3A_952 : memref<100096x8xf32, #tpu.memory_space<vmem_shared>>) offsets(%dma_start3A_949 : memref<80xi32, #tpu.memory_space<vmem>>) semaphore(%arg23 : memref<!tpu.dma_semaphore, #tpu.memory_space<semaphore_mem>>) {add = true}
      %dma_start3A_953 = arith.constant 6 : i32
      %dma_start3A_954 = arith.constant 480 : i32
      %dma_start3A_955 = arith.constant 0 : i32
      %dma_start3A_956 = tpu.memref_slice %arg18[%dma_start3A_954, %dma_start3A_955] : memref<800x8xf32, #tpu.memory_space<vmem>> -> memref<80x8xf32, #tpu.memory_space<vmem>>
      %dma_start3A_957 = arith.constant 0 : i32
      %dma_start3A_958 = tpu.memref_slice %arg16[%dma_start3A_953, %dma_start3A_957] : memref<10x80xi32, #tpu.memory_space<vmem>> -> memref<1x80xi32, #tpu.memory_space<vmem>>
      %dma_start3A_959 = tpu.memref_squeeze %dma_start3A_958 : memref<1x80xi32, #tpu.memory_space<vmem>> -> memref<80xi32, #tpu.memory_space<vmem>>
      %dma_start3A_960 = arith.constant 0 : i32
      %dma_start3A_961 = arith.constant 0 : i32
      %dma_start3A_962 = tpu.memref_slice %arg20[%dma_start3A_960, %dma_start3A_961] : memref<100096x8xf32, #tpu.memory_space<vmem_shared>> -> memref<100096x8xf32, #tpu.memory_space<vmem_shared>>
      tpu.enqueue_indirect_dma source(%dma_start3A_956 : memref<80x8xf32, #tpu.memory_space<vmem>>) target(%dma_start3A_962 : memref<100096x8xf32, #tpu.memory_space<vmem_shared>>) offsets(%dma_start3A_959 : memref<80xi32, #tpu.memory_space<vmem>>) semaphore(%arg23 : memref<!tpu.dma_semaphore, #tpu.memory_space<semaphore_mem>>) {add = true}
      %dma_start3A_963 = arith.constant 7 : i32
      %dma_start3A_964 = arith.constant 560 : i32
      %dma_start3A_965 = arith.constant 0 : i32
      %dma_start3A_966 = tpu.memref_slice %arg18[%dma_start3A_964, %dma_start3A_965] : memref<800x8xf32, #tpu.memory_space<vmem>> -> memref<80x8xf32, #tpu.memory_space<vmem>>
      %dma_start3A_967 = arith.constant 0 : i32
      %dma_start3A_968 = tpu.memref_slice %arg16[%dma_start3A_963, %dma_start3A_967] : memref<10x80xi32, #tpu.memory_space<vmem>> -> memref<1x80xi32, #tpu.memory_space<vmem>>
      %dma_start3A_969 = tpu.memref_squeeze %dma_start3A_968 : memref<1x80xi32, #tpu.memory_space<vmem>> -> memref<80xi32, #tpu.memory_space<vmem>>
      %dma_start3A_970 = arith.constant 0 : i32
      %dma_start3A_971 = arith.constant 0 : i32
      %dma_start3A_972 = tpu.memref_slice %arg20[%dma_start3A_970, %dma_start3A_971] : memref<100096x8xf32, #tpu.memory_space<vmem_shared>> -> memref<100096x8xf32, #tpu.memory_space<vmem_shared>>
      tpu.enqueue_indirect_dma source(%dma_start3A_966 : memref<80x8xf32, #tpu.memory_space<vmem>>) target(%dma_start3A_972 : memref<100096x8xf32, #tpu.memory_space<vmem_shared>>) offsets(%dma_start3A_969 : memref<80xi32, #tpu.memory_space<vmem>>) semaphore(%arg23 : memref<!tpu.dma_semaphore, #tpu.memory_space<semaphore_mem>>) {add = true}
      %dma_start3A_973 = arith.constant 8 : i32
      %dma_start3A_974 = arith.constant 640 : i32
      %dma_start3A_975 = arith.constant 0 : i32
      %dma_start3A_976 = tpu.memref_slice %arg18[%dma_start3A_974, %dma_start3A_975] : memref<800x8xf32, #tpu.memory_space<vmem>> -> memref<80x8xf32, #tpu.memory_space<vmem>>
      %dma_start3A_977 = arith.constant 0 : i32
      %dma_start3A_978 = tpu.memref_slice %arg16[%dma_start3A_973, %dma_start3A_977] : memref<10x80xi32, #tpu.memory_space<vmem>> -> memref<1x80xi32, #tpu.memory_space<vmem>>
      %dma_start3A_979 = tpu.memref_squeeze %dma_start3A_978 : memref<1x80xi32, #tpu.memory_space<vmem>> -> memref<80xi32, #tpu.memory_space<vmem>>
      %dma_start3A_980 = arith.constant 0 : i32
      %dma_start3A_981 = arith.constant 0 : i32
      %dma_start3A_982 = tpu.memref_slice %arg20[%dma_start3A_980, %dma_start3A_981] : memref<100096x8xf32, #tpu.memory_space<vmem_shared>> -> memref<100096x8xf32, #tpu.memory_space<vmem_shared>>
      tpu.enqueue_indirect_dma source(%dma_start3A_976 : memref<80x8xf32, #tpu.memory_space<vmem>>) target(%dma_start3A_982 : memref<100096x8xf32, #tpu.memory_space<vmem_shared>>) offsets(%dma_start3A_979 : memref<80xi32, #tpu.memory_space<vmem>>) semaphore(%arg23 : memref<!tpu.dma_semaphore, #tpu.memory_space<semaphore_mem>>) {add = true}
      %dma_start3A_983 = arith.constant 9 : i32
      %dma_start3A_984 = arith.constant 720 : i32
      %dma_start3A_985 = arith.constant 0 : i32
      %dma_start3A_986 = tpu.memref_slice %arg18[%dma_start3A_984, %dma_start3A_985] : memref<800x8xf32, #tpu.memory_space<vmem>> -> memref<80x8xf32, #tpu.memory_space<vmem>>
      %dma_start3A_987 = arith.constant 0 : i32
      %dma_start3A_988 = tpu.memref_slice %arg16[%dma_start3A_983, %dma_start3A_987] : memref<10x80xi32, #tpu.memory_space<vmem>> -> memref<1x80xi32, #tpu.memory_space<vmem>>
      %dma_start3A_989 = tpu.memref_squeeze %dma_start3A_988 : memref<1x80xi32, #tpu.memory_space<vmem>> -> memref<80xi32, #tpu.memory_space<vmem>>
      %dma_start3A_990 = arith.constant 0 : i32
      %dma_start3A_991 = arith.constant 0 : i32
      %dma_start3A_992 = tpu.memref_slice %arg20[%dma_start3A_990, %dma_start3A_991] : memref<100096x8xf32, #tpu.memory_space<vmem_shared>> -> memref<100096x8xf32, #tpu.memory_space<vmem_shared>>
      tpu.enqueue_indirect_dma source(%dma_start3A_986 : memref<80x8xf32, #tpu.memory_space<vmem>>) target(%dma_start3A_992 : memref<100096x8xf32, #tpu.memory_space<vmem_shared>>) offsets(%dma_start3A_989 : memref<80xi32, #tpu.memory_space<vmem>>) semaphore(%arg23 : memref<!tpu.dma_semaphore, #tpu.memory_space<semaphore_mem>>) {add = true}
      %dma_wait3A_993 = arith.constant 0 : i32
      %dma_wait3A_994 = arith.constant 0 : i32
      %dma_wait3A_995 = arith.constant 0 : i32
      %dma_wait3A_996 = tpu.memref_slice %arg18[%dma_wait3A_994, %dma_wait3A_995] : memref<800x8xf32, #tpu.memory_space<vmem>> -> memref<80x8xf32, #tpu.memory_space<vmem>>
      %dma_wait3A_997 = arith.constant 0 : i32
      %dma_wait3A_998 = tpu.memref_slice %arg16[%dma_wait3A_993, %dma_wait3A_997] : memref<10x80xi32, #tpu.memory_space<vmem>> -> memref<1x80xi32, #tpu.memory_space<vmem>>
      %dma_wait3A_999 = tpu.memref_squeeze %dma_wait3A_998 : memref<1x80xi32, #tpu.memory_space<vmem>> -> memref<80xi32, #tpu.memory_space<vmem>>
      %dma_wait3A_1000 = arith.constant 0 : i32
      %dma_wait3A_1001 = arith.constant 0 : i32
      %dma_wait3A_1002 = tpu.memref_slice %arg20[%dma_wait3A_1000, %dma_wait3A_1001] : memref<100096x8xf32, #tpu.memory_space<vmem_shared>> -> memref<100096x8xf32, #tpu.memory_space<vmem_shared>>
      tpu.wait_indirect_dma semaphore(%arg23 : memref<!tpu.dma_semaphore, #tpu.memory_space<semaphore_mem>>) src(%dma_wait3A_996 : memref<80x8xf32, #tpu.memory_space<vmem>>) dst(%dma_wait3A_1002 : memref<100096x8xf32, #tpu.memory_space<vmem_shared>>)
      %dma_wait3A_1003 = arith.constant 1 : i32
      %dma_wait3A_1004 = arith.constant 80 : i32
      %dma_wait3A_1005 = arith.constant 0 : i32
      %dma_wait3A_1006 = tpu.memref_slice %arg18[%dma_wait3A_1004, %dma_wait3A_1005] : memref<800x8xf32, #tpu.memory_space<vmem>> -> memref<80x8xf32, #tpu.memory_space<vmem>>
      %dma_wait3A_1007 = arith.constant 0 : i32
      %dma_wait3A_1008 = tpu.memref_slice %arg16[%dma_wait3A_1003, %dma_wait3A_1007] : memref<10x80xi32, #tpu.memory_space<vmem>> -> memref<1x80xi32, #tpu.memory_space<vmem>>
      %dma_wait3A_1009 = tpu.memref_squeeze %dma_wait3A_1008 : memref<1x80xi32, #tpu.memory_space<vmem>> -> memref<80xi32, #tpu.memory_space<vmem>>
      %dma_wait3A_1010 = arith.constant 0 : i32
      %dma_wait3A_1011 = arith.constant 0 : i32
      %dma_wait3A_1012 = tpu.memref_slice %arg20[%dma_wait3A_1010, %dma_wait3A_1011] : memref<100096x8xf32, #tpu.memory_space<vmem_shared>> -> memref<100096x8xf32, #tpu.memory_space<vmem_shared>>
      tpu.wait_indirect_dma semaphore(%arg23 : memref<!tpu.dma_semaphore, #tpu.memory_space<semaphore_mem>>) src(%dma_wait3A_1006 : memref<80x8xf32, #tpu.memory_space<vmem>>) dst(%dma_wait3A_1012 : memref<100096x8xf32, #tpu.memory_space<vmem_shared>>)
      %dma_wait3A_1013 = arith.constant 2 : i32
      %dma_wait3A_1014 = arith.constant 160 : i32
      %dma_wait3A_1015 = arith.constant 0 : i32
      %dma_wait3A_1016 = tpu.memref_slice %arg18[%dma_wait3A_1014, %dma_wait3A_1015] : memref<800x8xf32, #tpu.memory_space<vmem>> -> memref<80x8xf32, #tpu.memory_space<vmem>>
      %dma_wait3A_1017 = arith.constant 0 : i32
      %dma_wait3A_1018 = tpu.memref_slice %arg16[%dma_wait3A_1013, %dma_wait3A_1017] : memref<10x80xi32, #tpu.memory_space<vmem>> -> memref<1x80xi32, #tpu.memory_space<vmem>>
      %dma_wait3A_1019 = tpu.memref_squeeze %dma_wait3A_1018 : memref<1x80xi32, #tpu.memory_space<vmem>> -> memref<80xi32, #tpu.memory_space<vmem>>
      %dma_wait3A_1020 = arith.constant 0 : i32
      %dma_wait3A_1021 = arith.constant 0 : i32
      %dma_wait3A_1022 = tpu.memref_slice %arg20[%dma_wait3A_1020, %dma_wait3A_1021] : memref<100096x8xf32, #tpu.memory_space<vmem_shared>> -> memref<100096x8xf32, #tpu.memory_space<vmem_shared>>
      tpu.wait_indirect_dma semaphore(%arg23 : memref<!tpu.dma_semaphore, #tpu.memory_space<semaphore_mem>>) src(%dma_wait3A_1016 : memref<80x8xf32, #tpu.memory_space<vmem>>) dst(%dma_wait3A_1022 : memref<100096x8xf32, #tpu.memory_space<vmem_shared>>)
      %dma_wait3A_1023 = arith.constant 3 : i32
      %dma_wait3A_1024 = arith.constant 240 : i32
      %dma_wait3A_1025 = arith.constant 0 : i32
      %dma_wait3A_1026 = tpu.memref_slice %arg18[%dma_wait3A_1024, %dma_wait3A_1025] : memref<800x8xf32, #tpu.memory_space<vmem>> -> memref<80x8xf32, #tpu.memory_space<vmem>>
      %dma_wait3A_1027 = arith.constant 0 : i32
      %dma_wait3A_1028 = tpu.memref_slice %arg16[%dma_wait3A_1023, %dma_wait3A_1027] : memref<10x80xi32, #tpu.memory_space<vmem>> -> memref<1x80xi32, #tpu.memory_space<vmem>>
      %dma_wait3A_1029 = tpu.memref_squeeze %dma_wait3A_1028 : memref<1x80xi32, #tpu.memory_space<vmem>> -> memref<80xi32, #tpu.memory_space<vmem>>
      %dma_wait3A_1030 = arith.constant 0 : i32
      %dma_wait3A_1031 = arith.constant 0 : i32
      %dma_wait3A_1032 = tpu.memref_slice %arg20[%dma_wait3A_1030, %dma_wait3A_1031] : memref<100096x8xf32, #tpu.memory_space<vmem_shared>> -> memref<100096x8xf32, #tpu.memory_space<vmem_shared>>
      tpu.wait_indirect_dma semaphore(%arg23 : memref<!tpu.dma_semaphore, #tpu.memory_space<semaphore_mem>>) src(%dma_wait3A_1026 : memref<80x8xf32, #tpu.memory_space<vmem>>) dst(%dma_wait3A_1032 : memref<100096x8xf32, #tpu.memory_space<vmem_shared>>)
      %dma_wait3A_1033 = arith.constant 4 : i32
      %dma_wait3A_1034 = arith.constant 320 : i32
      %dma_wait3A_1035 = arith.constant 0 : i32
      %dma_wait3A_1036 = tpu.memref_slice %arg18[%dma_wait3A_1034, %dma_wait3A_1035] : memref<800x8xf32, #tpu.memory_space<vmem>> -> memref<80x8xf32, #tpu.memory_space<vmem>>
      %dma_wait3A_1037 = arith.constant 0 : i32
      %dma_wait3A_1038 = tpu.memref_slice %arg16[%dma_wait3A_1033, %dma_wait3A_1037] : memref<10x80xi32, #tpu.memory_space<vmem>> -> memref<1x80xi32, #tpu.memory_space<vmem>>
      %dma_wait3A_1039 = tpu.memref_squeeze %dma_wait3A_1038 : memref<1x80xi32, #tpu.memory_space<vmem>> -> memref<80xi32, #tpu.memory_space<vmem>>
      %dma_wait3A_1040 = arith.constant 0 : i32
      %dma_wait3A_1041 = arith.constant 0 : i32
      %dma_wait3A_1042 = tpu.memref_slice %arg20[%dma_wait3A_1040, %dma_wait3A_1041] : memref<100096x8xf32, #tpu.memory_space<vmem_shared>> -> memref<100096x8xf32, #tpu.memory_space<vmem_shared>>
      tpu.wait_indirect_dma semaphore(%arg23 : memref<!tpu.dma_semaphore, #tpu.memory_space<semaphore_mem>>) src(%dma_wait3A_1036 : memref<80x8xf32, #tpu.memory_space<vmem>>) dst(%dma_wait3A_1042 : memref<100096x8xf32, #tpu.memory_space<vmem_shared>>)
      %dma_wait3A_1043 = arith.constant 5 : i32
      %dma_wait3A_1044 = arith.constant 400 : i32
      %dma_wait3A_1045 = arith.constant 0 : i32
      %dma_wait3A_1046 = tpu.memref_slice %arg18[%dma_wait3A_1044, %dma_wait3A_1045] : memref<800x8xf32, #tpu.memory_space<vmem>> -> memref<80x8xf32, #tpu.memory_space<vmem>>
      %dma_wait3A_1047 = arith.constant 0 : i32
      %dma_wait3A_1048 = tpu.memref_slice %arg16[%dma_wait3A_1043, %dma_wait3A_1047] : memref<10x80xi32, #tpu.memory_space<vmem>> -> memref<1x80xi32, #tpu.memory_space<vmem>>
      %dma_wait3A_1049 = tpu.memref_squeeze %dma_wait3A_1048 : memref<1x80xi32, #tpu.memory_space<vmem>> -> memref<80xi32, #tpu.memory_space<vmem>>
      %dma_wait3A_1050 = arith.constant 0 : i32
      %dma_wait3A_1051 = arith.constant 0 : i32
      %dma_wait3A_1052 = tpu.memref_slice %arg20[%dma_wait3A_1050, %dma_wait3A_1051] : memref<100096x8xf32, #tpu.memory_space<vmem_shared>> -> memref<100096x8xf32, #tpu.memory_space<vmem_shared>>
      tpu.wait_indirect_dma semaphore(%arg23 : memref<!tpu.dma_semaphore, #tpu.memory_space<semaphore_mem>>) src(%dma_wait3A_1046 : memref<80x8xf32, #tpu.memory_space<vmem>>) dst(%dma_wait3A_1052 : memref<100096x8xf32, #tpu.memory_space<vmem_shared>>)
      %dma_wait3A_1053 = arith.constant 6 : i32
      %dma_wait3A_1054 = arith.constant 480 : i32
      %dma_wait3A_1055 = arith.constant 0 : i32
      %dma_wait3A_1056 = tpu.memref_slice %arg18[%dma_wait3A_1054, %dma_wait3A_1055] : memref<800x8xf32, #tpu.memory_space<vmem>> -> memref<80x8xf32, #tpu.memory_space<vmem>>
      %dma_wait3A_1057 = arith.constant 0 : i32
      %dma_wait3A_1058 = tpu.memref_slice %arg16[%dma_wait3A_1053, %dma_wait3A_1057] : memref<10x80xi32, #tpu.memory_space<vmem>> -> memref<1x80xi32, #tpu.memory_space<vmem>>
      %dma_wait3A_1059 = tpu.memref_squeeze %dma_wait3A_1058 : memref<1x80xi32, #tpu.memory_space<vmem>> -> memref<80xi32, #tpu.memory_space<vmem>>
      %dma_wait3A_1060 = arith.constant 0 : i32
      %dma_wait3A_1061 = arith.constant 0 : i32
      %dma_wait3A_1062 = tpu.memref_slice %arg20[%dma_wait3A_1060, %dma_wait3A_1061] : memref<100096x8xf32, #tpu.memory_space<vmem_shared>> -> memref<100096x8xf32, #tpu.memory_space<vmem_shared>>
      tpu.wait_indirect_dma semaphore(%arg23 : memref<!tpu.dma_semaphore, #tpu.memory_space<semaphore_mem>>) src(%dma_wait3A_1056 : memref<80x8xf32, #tpu.memory_space<vmem>>) dst(%dma_wait3A_1062 : memref<100096x8xf32, #tpu.memory_space<vmem_shared>>)
      %dma_wait3A_1063 = arith.constant 7 : i32
      %dma_wait3A_1064 = arith.constant 560 : i32
      %dma_wait3A_1065 = arith.constant 0 : i32
      %dma_wait3A_1066 = tpu.memref_slice %arg18[%dma_wait3A_1064, %dma_wait3A_1065] : memref<800x8xf32, #tpu.memory_space<vmem>> -> memref<80x8xf32, #tpu.memory_space<vmem>>
      %dma_wait3A_1067 = arith.constant 0 : i32
      %dma_wait3A_1068 = tpu.memref_slice %arg16[%dma_wait3A_1063, %dma_wait3A_1067] : memref<10x80xi32, #tpu.memory_space<vmem>> -> memref<1x80xi32, #tpu.memory_space<vmem>>
      %dma_wait3A_1069 = tpu.memref_squeeze %dma_wait3A_1068 : memref<1x80xi32, #tpu.memory_space<vmem>> -> memref<80xi32, #tpu.memory_space<vmem>>
      %dma_wait3A_1070 = arith.constant 0 : i32
      %dma_wait3A_1071 = arith.constant 0 : i32
      %dma_wait3A_1072 = tpu.memref_slice %arg20[%dma_wait3A_1070, %dma_wait3A_1071] : memref<100096x8xf32, #tpu.memory_space<vmem_shared>> -> memref<100096x8xf32, #tpu.memory_space<vmem_shared>>
      tpu.wait_indirect_dma semaphore(%arg23 : memref<!tpu.dma_semaphore, #tpu.memory_space<semaphore_mem>>) src(%dma_wait3A_1066 : memref<80x8xf32, #tpu.memory_space<vmem>>) dst(%dma_wait3A_1072 : memref<100096x8xf32, #tpu.memory_space<vmem_shared>>)
      %dma_wait3A_1073 = arith.constant 8 : i32
      %dma_wait3A_1074 = arith.constant 640 : i32
      %dma_wait3A_1075 = arith.constant 0 : i32
      %dma_wait3A_1076 = tpu.memref_slice %arg18[%dma_wait3A_1074, %dma_wait3A_1075] : memref<800x8xf32, #tpu.memory_space<vmem>> -> memref<80x8xf32, #tpu.memory_space<vmem>>
      %dma_wait3A_1077 = arith.constant 0 : i32
      %dma_wait3A_1078 = tpu.memref_slice %arg16[%dma_wait3A_1073, %dma_wait3A_1077] : memref<10x80xi32, #tpu.memory_space<vmem>> -> memref<1x80xi32, #tpu.memory_space<vmem>>
      %dma_wait3A_1079 = tpu.memref_squeeze %dma_wait3A_1078 : memref<1x80xi32, #tpu.memory_space<vmem>> -> memref<80xi32, #tpu.memory_space<vmem>>
      %dma_wait3A_1080 = arith.constant 0 : i32
      %dma_wait3A_1081 = arith.constant 0 : i32
      %dma_wait3A_1082 = tpu.memref_slice %arg20[%dma_wait3A_1080, %dma_wait3A_1081] : memref<100096x8xf32, #tpu.memory_space<vmem_shared>> -> memref<100096x8xf32, #tpu.memory_space<vmem_shared>>
      tpu.wait_indirect_dma semaphore(%arg23 : memref<!tpu.dma_semaphore, #tpu.memory_space<semaphore_mem>>) src(%dma_wait3A_1076 : memref<80x8xf32, #tpu.memory_space<vmem>>) dst(%dma_wait3A_1082 : memref<100096x8xf32, #tpu.memory_space<vmem_shared>>)
      %dma_wait3A_1083 = arith.constant 9 : i32
      %dma_wait3A_1084 = arith.constant 720 : i32
      %dma_wait3A_1085 = arith.constant 0 : i32
      %dma_wait3A_1086 = tpu.memref_slice %arg18[%dma_wait3A_1084, %dma_wait3A_1085] : memref<800x8xf32, #tpu.memory_space<vmem>> -> memref<80x8xf32, #tpu.memory_space<vmem>>
      %dma_wait3A_1087 = arith.constant 0 : i32
      %dma_wait3A_1088 = tpu.memref_slice %arg16[%dma_wait3A_1083, %dma_wait3A_1087] : memref<10x80xi32, #tpu.memory_space<vmem>> -> memref<1x80xi32, #tpu.memory_space<vmem>>
      %dma_wait3A_1089 = tpu.memref_squeeze %dma_wait3A_1088 : memref<1x80xi32, #tpu.memory_space<vmem>> -> memref<80xi32, #tpu.memory_space<vmem>>
      %dma_wait3A_1090 = arith.constant 0 : i32
      %dma_wait3A_1091 = arith.constant 0 : i32
      %dma_wait3A_1092 = tpu.memref_slice %arg20[%dma_wait3A_1090, %dma_wait3A_1091] : memref<100096x8xf32, #tpu.memory_space<vmem_shared>> -> memref<100096x8xf32, #tpu.memory_space<vmem_shared>>
      tpu.wait_indirect_dma semaphore(%arg23 : memref<!tpu.dma_semaphore, #tpu.memory_space<semaphore_mem>>) src(%dma_wait3A_1086 : memref<80x8xf32, #tpu.memory_space<vmem>>) dst(%dma_wait3A_1092 : memref<100096x8xf32, #tpu.memory_space<vmem_shared>>)
    }
    %scan3A_160 = arith.constant 125 : i32
    %barrier3A_161 = arith.constant 0 : index
    tpu.barrier barrier_id(%barrier3A_161)
    %add3A_162 = arith.constant 0 : i32
    %add3A_163 = arith.addi %mul3A_2, %add3A_162 : i32
    "tpu.region"() ({
      %run_scoped3A = tpu.sem_alloc : memref<!tpu.dma_semaphore, #tpu.memory_space<semaphore_mem>>
      %dma_start3A_418 = arith.constant 0 : i32
      %dma_start3A_419 = tpu.memref_slice %arg20[%add3A_163, %dma_start3A_418] : memref<100096x8xf32, #tpu.memory_space<vmem_shared>> -> memref<782x8xf32, #tpu.memory_space<vmem_shared>>
      %dma_start3A_420 = arith.constant 0 : i32
      %dma_start3A_421 = tpu.memref_slice %arg20[%add3A_163, %dma_start3A_420] : memref<100096x8xf32, #tpu.memory_space<vmem_shared>> -> memref<782x8xf32, #tpu.memory_space<vmem_shared>>
      tpu.enqueue_dma source(%dma_start3A_421 : memref<782x8xf32, #tpu.memory_space<vmem_shared>>) target(%arg19 : memref<782x8xf32, #tpu.memory_space<vmem>>) target_semaphore(%run_scoped3A : memref<!tpu.dma_semaphore, #tpu.memory_space<semaphore_mem>>)
      %dma_wait3A = arith.constant 0 : i32
      %dma_wait3A_422 = tpu.memref_slice %arg20[%add3A_163, %dma_wait3A] : memref<100096x8xf32, #tpu.memory_space<vmem_shared>> -> memref<782x8xf32, #tpu.memory_space<vmem_shared>>
      %dma_wait3A_423 = arith.constant 0 : i32
      %dma_wait3A_424 = tpu.memref_slice %arg20[%add3A_163, %dma_wait3A_423] : memref<100096x8xf32, #tpu.memory_space<vmem_shared>> -> memref<782x8xf32, #tpu.memory_space<vmem_shared>>
      tpu.wait_dma2 semaphore(%run_scoped3A : memref<!tpu.dma_semaphore, #tpu.memory_space<semaphore_mem>>) src(%dma_wait3A_424 : memref<782x8xf32, #tpu.memory_space<vmem_shared>>) dst(%arg19 : memref<782x8xf32, #tpu.memory_space<vmem>>)
      tpu.yield
    }) : () -> ()
    %add3A_164 = arith.constant 0 : i32
    %add3A_165 = arith.addi %add3A_164, %arg0 : i32
    %mul3A_166 = arith.constant 100096 : i32
    %mul3A_167 = arith.muli %add3A_165, %mul3A_166 : i32
    %add3A_168 = arith.addi %mul3A_167, %add3A_163 : i32
    "tpu.region"() ({
      %run_scoped3A = tpu.sem_alloc : memref<!tpu.dma_semaphore, #tpu.memory_space<semaphore_mem>>
      %dma_start3A_418 = arith.constant 0 : i32
      %dma_start3A_419 = tpu.memref_slice %arg8[%add3A_168, %dma_start3A_418] : memref<400384x8xf32, #tpu.memory_space<hbm>> -> memref<782x8xf32, #tpu.memory_space<hbm>>
      %dma_start3A_420 = arith.constant 0 : i32
      %dma_start3A_421 = tpu.memref_slice %arg8[%add3A_168, %dma_start3A_420] : memref<400384x8xf32, #tpu.memory_space<hbm>> -> memref<782x8xf32, #tpu.memory_space<hbm>>
      tpu.enqueue_dma source(%arg19 : memref<782x8xf32, #tpu.memory_space<vmem>>) target(%dma_start3A_421 : memref<782x8xf32, #tpu.memory_space<hbm>>) target_semaphore(%run_scoped3A : memref<!tpu.dma_semaphore, #tpu.memory_space<semaphore_mem>>)
      %dma_wait3A = arith.constant 0 : i32
      %dma_wait3A_422 = tpu.memref_slice %arg8[%add3A_168, %dma_wait3A] : memref<400384x8xf32, #tpu.memory_space<hbm>> -> memref<782x8xf32, #tpu.memory_space<hbm>>
      %dma_wait3A_423 = arith.constant 0 : i32
      %dma_wait3A_424 = tpu.memref_slice %arg8[%add3A_168, %dma_wait3A_423] : memref<400384x8xf32, #tpu.memory_space<hbm>> -> memref<782x8xf32, #tpu.memory_space<hbm>>
      tpu.wait_dma2 semaphore(%run_scoped3A : memref<!tpu.dma_semaphore, #tpu.memory_space<semaphore_mem>>) src(%arg19 : memref<782x8xf32, #tpu.memory_space<vmem>>) dst(%dma_wait3A_424 : memref<782x8xf32, #tpu.memory_space<hbm>>)
      tpu.yield
    }) : () -> ()
    %add3A_169 = arith.constant 782 : i32
    %add3A_170 = arith.addi %mul3A_2, %add3A_169 : i32
    "tpu.region"() ({
      %run_scoped3A = tpu.sem_alloc : memref<!tpu.dma_semaphore, #tpu.memory_space<semaphore_mem>>
      %dma_start3A_418 = arith.constant 0 : i32
      %dma_start3A_419 = tpu.memref_slice %arg20[%add3A_170, %dma_start3A_418] : memref<100096x8xf32, #tpu.memory_space<vmem_shared>> -> memref<782x8xf32, #tpu.memory_space<vmem_shared>>
      %dma_start3A_420 = arith.constant 0 : i32
      %dma_start3A_421 = tpu.memref_slice %arg20[%add3A_170, %dma_start3A_420] : memref<100096x8xf32, #tpu.memory_space<vmem_shared>> -> memref<782x8xf32, #tpu.memory_space<vmem_shared>>
      tpu.enqueue_dma source(%dma_start3A_421 : memref<782x8xf32, #tpu.memory_space<vmem_shared>>) target(%arg19 : memref<782x8xf32, #tpu.memory_space<vmem>>) target_semaphore(%run_scoped3A : memref<!tpu.dma_semaphore, #tpu.memory_space<semaphore_mem>>)
      %dma_wait3A = arith.constant 0 : i32
      %dma_wait3A_422 = tpu.memref_slice %arg20[%add3A_170, %dma_wait3A] : memref<100096x8xf32, #tpu.memory_space<vmem_shared>> -> memref<782x8xf32, #tpu.memory_space<vmem_shared>>
      %dma_wait3A_423 = arith.constant 0 : i32
      %dma_wait3A_424 = tpu.memref_slice %arg20[%add3A_170, %dma_wait3A_423] : memref<100096x8xf32, #tpu.memory_space<vmem_shared>> -> memref<782x8xf32, #tpu.memory_space<vmem_shared>>
      tpu.wait_dma2 semaphore(%run_scoped3A : memref<!tpu.dma_semaphore, #tpu.memory_space<semaphore_mem>>) src(%dma_wait3A_424 : memref<782x8xf32, #tpu.memory_space<vmem_shared>>) dst(%arg19 : memref<782x8xf32, #tpu.memory_space<vmem>>)
      tpu.yield
    }) : () -> ()
    %add3A_171 = arith.constant 0 : i32
    %add3A_172 = arith.addi %add3A_171, %arg0 : i32
    %mul3A_173 = arith.constant 100096 : i32
    %mul3A_174 = arith.muli %add3A_172, %mul3A_173 : i32
    %add3A_175 = arith.addi %mul3A_174, %add3A_170 : i32
    "tpu.region"() ({
      %run_scoped3A = tpu.sem_alloc : memref<!tpu.dma_semaphore, #tpu.memory_space<semaphore_mem>>
      %dma_start3A_418 = arith.constant 0 : i32
      %dma_start3A_419 = tpu.memref_slice %arg8[%add3A_175, %dma_start3A_418] : memref<400384x8xf32, #tpu.memory_space<hbm>> -> memref<782x8xf32, #tpu.memory_space<hbm>>
      %dma_start3A_420 = arith.constant 0 : i32
      %dma_start3A_421 = tpu.memref_slice %arg8[%add3A_175, %dma_start3A_420] : memref<400384x8xf32, #tpu.memory_space<hbm>> -> memref<782x8xf32, #tpu.memory_space<hbm>>
      tpu.enqueue_dma source(%arg19 : memref<782x8xf32, #tpu.memory_space<vmem>>) target(%dma_start3A_421 : memref<782x8xf32, #tpu.memory_space<hbm>>) target_semaphore(%run_scoped3A : memref<!tpu.dma_semaphore, #tpu.memory_space<semaphore_mem>>)
      %dma_wait3A = arith.constant 0 : i32
      %dma_wait3A_422 = tpu.memref_slice %arg8[%add3A_175, %dma_wait3A] : memref<400384x8xf32, #tpu.memory_space<hbm>> -> memref<782x8xf32, #tpu.memory_space<hbm>>
      %dma_wait3A_423 = arith.constant 0 : i32
      %dma_wait3A_424 = tpu.memref_slice %arg8[%add3A_175, %dma_wait3A_423] : memref<400384x8xf32, #tpu.memory_space<hbm>> -> memref<782x8xf32, #tpu.memory_space<hbm>>
      tpu.wait_dma2 semaphore(%run_scoped3A : memref<!tpu.dma_semaphore, #tpu.memory_space<semaphore_mem>>) src(%arg19 : memref<782x8xf32, #tpu.memory_space<vmem>>) dst(%dma_wait3A_424 : memref<782x8xf32, #tpu.memory_space<hbm>>)
      tpu.yield
    }) : () -> ()
    %add3A_176 = arith.constant 1564 : i32
    %add3A_177 = arith.addi %mul3A_2, %add3A_176 : i32
    "tpu.region"() ({
      %run_scoped3A = tpu.sem_alloc : memref<!tpu.dma_semaphore, #tpu.memory_space<semaphore_mem>>
      %dma_start3A_418 = arith.constant 0 : i32
      %dma_start3A_419 = tpu.memref_slice %arg20[%add3A_177, %dma_start3A_418] : memref<100096x8xf32, #tpu.memory_space<vmem_shared>> -> memref<782x8xf32, #tpu.memory_space<vmem_shared>>
      %dma_start3A_420 = arith.constant 0 : i32
      %dma_start3A_421 = tpu.memref_slice %arg20[%add3A_177, %dma_start3A_420] : memref<100096x8xf32, #tpu.memory_space<vmem_shared>> -> memref<782x8xf32, #tpu.memory_space<vmem_shared>>
      tpu.enqueue_dma source(%dma_start3A_421 : memref<782x8xf32, #tpu.memory_space<vmem_shared>>) target(%arg19 : memref<782x8xf32, #tpu.memory_space<vmem>>) target_semaphore(%run_scoped3A : memref<!tpu.dma_semaphore, #tpu.memory_space<semaphore_mem>>)
      %dma_wait3A = arith.constant 0 : i32
      %dma_wait3A_422 = tpu.memref_slice %arg20[%add3A_177, %dma_wait3A] : memref<100096x8xf32, #tpu.memory_space<vmem_shared>> -> memref<782x8xf32, #tpu.memory_space<vmem_shared>>
      %dma_wait3A_423 = arith.constant 0 : i32
      %dma_wait3A_424 = tpu.memref_slice %arg20[%add3A_177, %dma_wait3A_423] : memref<100096x8xf32, #tpu.memory_space<vmem_shared>> -> memref<782x8xf32, #tpu.memory_space<vmem_shared>>
      tpu.wait_dma2 semaphore(%run_scoped3A : memref<!tpu.dma_semaphore, #tpu.memory_space<semaphore_mem>>) src(%dma_wait3A_424 : memref<782x8xf32, #tpu.memory_space<vmem_shared>>) dst(%arg19 : memref<782x8xf32, #tpu.memory_space<vmem>>)
      tpu.yield
    }) : () -> ()
    %add3A_178 = arith.constant 0 : i32
    %add3A_179 = arith.addi %add3A_178, %arg0 : i32
    %mul3A_180 = arith.constant 100096 : i32
    %mul3A_181 = arith.muli %add3A_179, %mul3A_180 : i32
    %add3A_182 = arith.addi %mul3A_181, %add3A_177 : i32
    "tpu.region"() ({
      %run_scoped3A = tpu.sem_alloc : memref<!tpu.dma_semaphore, #tpu.memory_space<semaphore_mem>>
      %dma_start3A_418 = arith.constant 0 : i32
      %dma_start3A_419 = tpu.memref_slice %arg8[%add3A_182, %dma_start3A_418] : memref<400384x8xf32, #tpu.memory_space<hbm>> -> memref<782x8xf32, #tpu.memory_space<hbm>>
      %dma_start3A_420 = arith.constant 0 : i32
      %dma_start3A_421 = tpu.memref_slice %arg8[%add3A_182, %dma_start3A_420] : memref<400384x8xf32, #tpu.memory_space<hbm>> -> memref<782x8xf32, #tpu.memory_space<hbm>>
      tpu.enqueue_dma source(%arg19 : memref<782x8xf32, #tpu.memory_space<vmem>>) target(%dma_start3A_421 : memref<782x8xf32, #tpu.memory_space<hbm>>) target_semaphore(%run_scoped3A : memref<!tpu.dma_semaphore, #tpu.memory_space<semaphore_mem>>)
      %dma_wait3A = arith.constant 0 : i32
      %dma_wait3A_422 = tpu.memref_slice %arg8[%add3A_182, %dma_wait3A] : memref<400384x8xf32, #tpu.memory_space<hbm>> -> memref<782x8xf32, #tpu.memory_space<hbm>>
      %dma_wait3A_423 = arith.constant 0 : i32
      %dma_wait3A_424 = tpu.memref_slice %arg8[%add3A_182, %dma_wait3A_423] : memref<400384x8xf32, #tpu.memory_space<hbm>> -> memref<782x8xf32, #tpu.memory_space<hbm>>
      tpu.wait_dma2 semaphore(%run_scoped3A : memref<!tpu.dma_semaphore, #tpu.memory_space<semaphore_mem>>) src(%arg19 : memref<782x8xf32, #tpu.memory_space<vmem>>) dst(%dma_wait3A_424 : memref<782x8xf32, #tpu.memory_space<hbm>>)
      tpu.yield
    }) : () -> ()
    %add3A_183 = arith.constant 2346 : i32
    %add3A_184 = arith.addi %mul3A_2, %add3A_183 : i32
    "tpu.region"() ({
      %run_scoped3A = tpu.sem_alloc : memref<!tpu.dma_semaphore, #tpu.memory_space<semaphore_mem>>
      %dma_start3A_418 = arith.constant 0 : i32
      %dma_start3A_419 = tpu.memref_slice %arg20[%add3A_184, %dma_start3A_418] : memref<100096x8xf32, #tpu.memory_space<vmem_shared>> -> memref<782x8xf32, #tpu.memory_space<vmem_shared>>
      %dma_start3A_420 = arith.constant 0 : i32
      %dma_start3A_421 = tpu.memref_slice %arg20[%add3A_184, %dma_start3A_420] : memref<100096x8xf32, #tpu.memory_space<vmem_shared>> -> memref<782x8xf32, #tpu.memory_space<vmem_shared>>
      tpu.enqueue_dma source(%dma_start3A_421 : memref<782x8xf32, #tpu.memory_space<vmem_shared>>) target(%arg19 : memref<782x8xf32, #tpu.memory_space<vmem>>) target_semaphore(%run_scoped3A : memref<!tpu.dma_semaphore, #tpu.memory_space<semaphore_mem>>)
      %dma_wait3A = arith.constant 0 : i32
      %dma_wait3A_422 = tpu.memref_slice %arg20[%add3A_184, %dma_wait3A] : memref<100096x8xf32, #tpu.memory_space<vmem_shared>> -> memref<782x8xf32, #tpu.memory_space<vmem_shared>>
      %dma_wait3A_423 = arith.constant 0 : i32
      %dma_wait3A_424 = tpu.memref_slice %arg20[%add3A_184, %dma_wait3A_423] : memref<100096x8xf32, #tpu.memory_space<vmem_shared>> -> memref<782x8xf32, #tpu.memory_space<vmem_shared>>
      tpu.wait_dma2 semaphore(%run_scoped3A : memref<!tpu.dma_semaphore, #tpu.memory_space<semaphore_mem>>) src(%dma_wait3A_424 : memref<782x8xf32, #tpu.memory_space<vmem_shared>>) dst(%arg19 : memref<782x8xf32, #tpu.memory_space<vmem>>)
      tpu.yield
    }) : () -> ()
    %add3A_185 = arith.constant 0 : i32
    %add3A_186 = arith.addi %add3A_185, %arg0 : i32
    %mul3A_187 = arith.constant 100096 : i32
    %mul3A_188 = arith.muli %add3A_186, %mul3A_187 : i32
    %add3A_189 = arith.addi %mul3A_188, %add3A_184 : i32
    "tpu.region"() ({
      %run_scoped3A = tpu.sem_alloc : memref<!tpu.dma_semaphore, #tpu.memory_space<semaphore_mem>>
      %dma_start3A_418 = arith.constant 0 : i32
      %dma_start3A_419 = tpu.memref_slice %arg8[%add3A_189, %dma_start3A_418] : memref<400384x8xf32, #tpu.memory_space<hbm>> -> memref<782x8xf32, #tpu.memory_space<hbm>>
      %dma_start3A_420 = arith.constant 0 : i32
      %dma_start3A_421 = tpu.memref_slice %arg8[%add3A_189, %dma_start3A_420] : memref<400384x8xf32, #tpu.memory_space<hbm>> -> memref<782x8xf32, #tpu.memory_space<hbm>>
      tpu.enqueue_dma source(%arg19 : memref<782x8xf32, #tpu.memory_space<vmem>>) target(%dma_start3A_421 : memref<782x8xf32, #tpu.memory_space<hbm>>) target_semaphore(%run_scoped3A : memref<!tpu.dma_semaphore, #tpu.memory_space<semaphore_mem>>)
      %dma_wait3A = arith.constant 0 : i32
      %dma_wait3A_422 = tpu.memref_slice %arg8[%add3A_189, %dma_wait3A] : memref<400384x8xf32, #tpu.memory_space<hbm>> -> memref<782x8xf32, #tpu.memory_space<hbm>>
      %dma_wait3A_423 = arith.constant 0 : i32
      %dma_wait3A_424 = tpu.memref_slice %arg8[%add3A_189, %dma_wait3A_423] : memref<400384x8xf32, #tpu.memory_space<hbm>> -> memref<782x8xf32, #tpu.memory_space<hbm>>
      tpu.wait_dma2 semaphore(%run_scoped3A : memref<!tpu.dma_semaphore, #tpu.memory_space<semaphore_mem>>) src(%arg19 : memref<782x8xf32, #tpu.memory_space<vmem>>) dst(%dma_wait3A_424 : memref<782x8xf32, #tpu.memory_space<hbm>>)
      tpu.yield
    }) : () -> ()
    %add3A_190 = arith.constant 3128 : i32
    %add3A_191 = arith.addi %mul3A_2, %add3A_190 : i32
    "tpu.region"() ({
      %run_scoped3A = tpu.sem_alloc : memref<!tpu.dma_semaphore, #tpu.memory_space<semaphore_mem>>
      %dma_start3A_418 = arith.constant 0 : i32
      %dma_start3A_419 = tpu.memref_slice %arg20[%add3A_191, %dma_start3A_418] : memref<100096x8xf32, #tpu.memory_space<vmem_shared>> -> memref<782x8xf32, #tpu.memory_space<vmem_shared>>
      %dma_start3A_420 = arith.constant 0 : i32
      %dma_start3A_421 = tpu.memref_slice %arg20[%add3A_191, %dma_start3A_420] : memref<100096x8xf32, #tpu.memory_space<vmem_shared>> -> memref<782x8xf32, #tpu.memory_space<vmem_shared>>
      tpu.enqueue_dma source(%dma_start3A_421 : memref<782x8xf32, #tpu.memory_space<vmem_shared>>) target(%arg19 : memref<782x8xf32, #tpu.memory_space<vmem>>) target_semaphore(%run_scoped3A : memref<!tpu.dma_semaphore, #tpu.memory_space<semaphore_mem>>)
      %dma_wait3A = arith.constant 0 : i32
      %dma_wait3A_422 = tpu.memref_slice %arg20[%add3A_191, %dma_wait3A] : memref<100096x8xf32, #tpu.memory_space<vmem_shared>> -> memref<782x8xf32, #tpu.memory_space<vmem_shared>>
      %dma_wait3A_423 = arith.constant 0 : i32
      %dma_wait3A_424 = tpu.memref_slice %arg20[%add3A_191, %dma_wait3A_423] : memref<100096x8xf32, #tpu.memory_space<vmem_shared>> -> memref<782x8xf32, #tpu.memory_space<vmem_shared>>
      tpu.wait_dma2 semaphore(%run_scoped3A : memref<!tpu.dma_semaphore, #tpu.memory_space<semaphore_mem>>) src(%dma_wait3A_424 : memref<782x8xf32, #tpu.memory_space<vmem_shared>>) dst(%arg19 : memref<782x8xf32, #tpu.memory_space<vmem>>)
      tpu.yield
    }) : () -> ()
    %add3A_192 = arith.constant 0 : i32
    %add3A_193 = arith.addi %add3A_192, %arg0 : i32
    %mul3A_194 = arith.constant 100096 : i32
    %mul3A_195 = arith.muli %add3A_193, %mul3A_194 : i32
    %add3A_196 = arith.addi %mul3A_195, %add3A_191 : i32
    "tpu.region"() ({
      %run_scoped3A = tpu.sem_alloc : memref<!tpu.dma_semaphore, #tpu.memory_space<semaphore_mem>>
      %dma_start3A_418 = arith.constant 0 : i32
      %dma_start3A_419 = tpu.memref_slice %arg8[%add3A_196, %dma_start3A_418] : memref<400384x8xf32, #tpu.memory_space<hbm>> -> memref<782x8xf32, #tpu.memory_space<hbm>>
      %dma_start3A_420 = arith.constant 0 : i32
      %dma_start3A_421 = tpu.memref_slice %arg8[%add3A_196, %dma_start3A_420] : memref<400384x8xf32, #tpu.memory_space<hbm>> -> memref<782x8xf32, #tpu.memory_space<hbm>>
      tpu.enqueue_dma source(%arg19 : memref<782x8xf32, #tpu.memory_space<vmem>>) target(%dma_start3A_421 : memref<782x8xf32, #tpu.memory_space<hbm>>) target_semaphore(%run_scoped3A : memref<!tpu.dma_semaphore, #tpu.memory_space<semaphore_mem>>)
      %dma_wait3A = arith.constant 0 : i32
      %dma_wait3A_422 = tpu.memref_slice %arg8[%add3A_196, %dma_wait3A] : memref<400384x8xf32, #tpu.memory_space<hbm>> -> memref<782x8xf32, #tpu.memory_space<hbm>>
      %dma_wait3A_423 = arith.constant 0 : i32
      %dma_wait3A_424 = tpu.memref_slice %arg8[%add3A_196, %dma_wait3A_423] : memref<400384x8xf32, #tpu.memory_space<hbm>> -> memref<782x8xf32, #tpu.memory_space<hbm>>
      tpu.wait_dma2 semaphore(%run_scoped3A : memref<!tpu.dma_semaphore, #tpu.memory_space<semaphore_mem>>) src(%arg19 : memref<782x8xf32, #tpu.memory_space<vmem>>) dst(%dma_wait3A_424 : memref<782x8xf32, #tpu.memory_space<hbm>>)
      tpu.yield
    }) : () -> ()
    %add3A_197 = arith.constant 3910 : i32
    %add3A_198 = arith.addi %mul3A_2, %add3A_197 : i32
    "tpu.region"() ({
      %run_scoped3A = tpu.sem_alloc : memref<!tpu.dma_semaphore, #tpu.memory_space<semaphore_mem>>
      %dma_start3A_418 = arith.constant 0 : i32
      %dma_start3A_419 = tpu.memref_slice %arg20[%add3A_198, %dma_start3A_418] : memref<100096x8xf32, #tpu.memory_space<vmem_shared>> -> memref<782x8xf32, #tpu.memory_space<vmem_shared>>
      %dma_start3A_420 = arith.constant 0 : i32
      %dma_start3A_421 = tpu.memref_slice %arg20[%add3A_198, %dma_start3A_420] : memref<100096x8xf32, #tpu.memory_space<vmem_shared>> -> memref<782x8xf32, #tpu.memory_space<vmem_shared>>
      tpu.enqueue_dma source(%dma_start3A_421 : memref<782x8xf32, #tpu.memory_space<vmem_shared>>) target(%arg19 : memref<782x8xf32, #tpu.memory_space<vmem>>) target_semaphore(%run_scoped3A : memref<!tpu.dma_semaphore, #tpu.memory_space<semaphore_mem>>)
      %dma_wait3A = arith.constant 0 : i32
      %dma_wait3A_422 = tpu.memref_slice %arg20[%add3A_198, %dma_wait3A] : memref<100096x8xf32, #tpu.memory_space<vmem_shared>> -> memref<782x8xf32, #tpu.memory_space<vmem_shared>>
      %dma_wait3A_423 = arith.constant 0 : i32
      %dma_wait3A_424 = tpu.memref_slice %arg20[%add3A_198, %dma_wait3A_423] : memref<100096x8xf32, #tpu.memory_space<vmem_shared>> -> memref<782x8xf32, #tpu.memory_space<vmem_shared>>
      tpu.wait_dma2 semaphore(%run_scoped3A : memref<!tpu.dma_semaphore, #tpu.memory_space<semaphore_mem>>) src(%dma_wait3A_424 : memref<782x8xf32, #tpu.memory_space<vmem_shared>>) dst(%arg19 : memref<782x8xf32, #tpu.memory_space<vmem>>)
      tpu.yield
    }) : () -> ()
    %add3A_199 = arith.constant 0 : i32
    %add3A_200 = arith.addi %add3A_199, %arg0 : i32
    %mul3A_201 = arith.constant 100096 : i32
    %mul3A_202 = arith.muli %add3A_200, %mul3A_201 : i32
    %add3A_203 = arith.addi %mul3A_202, %add3A_198 : i32
    "tpu.region"() ({
      %run_scoped3A = tpu.sem_alloc : memref<!tpu.dma_semaphore, #tpu.memory_space<semaphore_mem>>
      %dma_start3A_418 = arith.constant 0 : i32
      %dma_start3A_419 = tpu.memref_slice %arg8[%add3A_203, %dma_start3A_418] : memref<400384x8xf32, #tpu.memory_space<hbm>> -> memref<782x8xf32, #tpu.memory_space<hbm>>
      %dma_start3A_420 = arith.constant 0 : i32
      %dma_start3A_421 = tpu.memref_slice %arg8[%add3A_203, %dma_start3A_420] : memref<400384x8xf32, #tpu.memory_space<hbm>> -> memref<782x8xf32, #tpu.memory_space<hbm>>
      tpu.enqueue_dma source(%arg19 : memref<782x8xf32, #tpu.memory_space<vmem>>) target(%dma_start3A_421 : memref<782x8xf32, #tpu.memory_space<hbm>>) target_semaphore(%run_scoped3A : memref<!tpu.dma_semaphore, #tpu.memory_space<semaphore_mem>>)
      %dma_wait3A = arith.constant 0 : i32
      %dma_wait3A_422 = tpu.memref_slice %arg8[%add3A_203, %dma_wait3A] : memref<400384x8xf32, #tpu.memory_space<hbm>> -> memref<782x8xf32, #tpu.memory_space<hbm>>
      %dma_wait3A_423 = arith.constant 0 : i32
      %dma_wait3A_424 = tpu.memref_slice %arg8[%add3A_203, %dma_wait3A_423] : memref<400384x8xf32, #tpu.memory_space<hbm>> -> memref<782x8xf32, #tpu.memory_space<hbm>>
      tpu.wait_dma2 semaphore(%run_scoped3A : memref<!tpu.dma_semaphore, #tpu.memory_space<semaphore_mem>>) src(%arg19 : memref<782x8xf32, #tpu.memory_space<vmem>>) dst(%dma_wait3A_424 : memref<782x8xf32, #tpu.memory_space<hbm>>)
      tpu.yield
    }) : () -> ()
    %add3A_204 = arith.constant 4692 : i32
    %add3A_205 = arith.addi %mul3A_2, %add3A_204 : i32
    "tpu.region"() ({
      %run_scoped3A = tpu.sem_alloc : memref<!tpu.dma_semaphore, #tpu.memory_space<semaphore_mem>>
      %dma_start3A_418 = arith.constant 0 : i32
      %dma_start3A_419 = tpu.memref_slice %arg20[%add3A_205, %dma_start3A_418] : memref<100096x8xf32, #tpu.memory_space<vmem_shared>> -> memref<782x8xf32, #tpu.memory_space<vmem_shared>>
      %dma_start3A_420 = arith.constant 0 : i32
      %dma_start3A_421 = tpu.memref_slice %arg20[%add3A_205, %dma_start3A_420] : memref<100096x8xf32, #tpu.memory_space<vmem_shared>> -> memref<782x8xf32, #tpu.memory_space<vmem_shared>>
      tpu.enqueue_dma source(%dma_start3A_421 : memref<782x8xf32, #tpu.memory_space<vmem_shared>>) target(%arg19 : memref<782x8xf32, #tpu.memory_space<vmem>>) target_semaphore(%run_scoped3A : memref<!tpu.dma_semaphore, #tpu.memory_space<semaphore_mem>>)
      %dma_wait3A = arith.constant 0 : i32
      %dma_wait3A_422 = tpu.memref_slice %arg20[%add3A_205, %dma_wait3A] : memref<100096x8xf32, #tpu.memory_space<vmem_shared>> -> memref<782x8xf32, #tpu.memory_space<vmem_shared>>
      %dma_wait3A_423 = arith.constant 0 : i32
      %dma_wait3A_424 = tpu.memref_slice %arg20[%add3A_205, %dma_wait3A_423] : memref<100096x8xf32, #tpu.memory_space<vmem_shared>> -> memref<782x8xf32, #tpu.memory_space<vmem_shared>>
      tpu.wait_dma2 semaphore(%run_scoped3A : memref<!tpu.dma_semaphore, #tpu.memory_space<semaphore_mem>>) src(%dma_wait3A_424 : memref<782x8xf32, #tpu.memory_space<vmem_shared>>) dst(%arg19 : memref<782x8xf32, #tpu.memory_space<vmem>>)
      tpu.yield
    }) : () -> ()
    %add3A_206 = arith.constant 0 : i32
    %add3A_207 = arith.addi %add3A_206, %arg0 : i32
    %mul3A_208 = arith.constant 100096 : i32
    %mul3A_209 = arith.muli %add3A_207, %mul3A_208 : i32
    %add3A_210 = arith.addi %mul3A_209, %add3A_205 : i32
    "tpu.region"() ({
      %run_scoped3A = tpu.sem_alloc : memref<!tpu.dma_semaphore, #tpu.memory_space<semaphore_mem>>
      %dma_start3A_418 = arith.constant 0 : i32
      %dma_start3A_419 = tpu.memref_slice %arg8[%add3A_210, %dma_start3A_418] : memref<400384x8xf32, #tpu.memory_space<hbm>> -> memref<782x8xf32, #tpu.memory_space<hbm>>
      %dma_start3A_420 = arith.constant 0 : i32
      %dma_start3A_421 = tpu.memref_slice %arg8[%add3A_210, %dma_start3A_420] : memref<400384x8xf32, #tpu.memory_space<hbm>> -> memref<782x8xf32, #tpu.memory_space<hbm>>
      tpu.enqueue_dma source(%arg19 : memref<782x8xf32, #tpu.memory_space<vmem>>) target(%dma_start3A_421 : memref<782x8xf32, #tpu.memory_space<hbm>>) target_semaphore(%run_scoped3A : memref<!tpu.dma_semaphore, #tpu.memory_space<semaphore_mem>>)
      %dma_wait3A = arith.constant 0 : i32
      %dma_wait3A_422 = tpu.memref_slice %arg8[%add3A_210, %dma_wait3A] : memref<400384x8xf32, #tpu.memory_space<hbm>> -> memref<782x8xf32, #tpu.memory_space<hbm>>
      %dma_wait3A_423 = arith.constant 0 : i32
      %dma_wait3A_424 = tpu.memref_slice %arg8[%add3A_210, %dma_wait3A_423] : memref<400384x8xf32, #tpu.memory_space<hbm>> -> memref<782x8xf32, #tpu.memory_space<hbm>>
      tpu.wait_dma2 semaphore(%run_scoped3A : memref<!tpu.dma_semaphore, #tpu.memory_space<semaphore_mem>>) src(%arg19 : memref<782x8xf32, #tpu.memory_space<vmem>>) dst(%dma_wait3A_424 : memref<782x8xf32, #tpu.memory_space<hbm>>)
      tpu.yield
    }) : () -> ()
    %add3A_211 = arith.constant 5474 : i32
    %add3A_212 = arith.addi %mul3A_2, %add3A_211 : i32
    "tpu.region"() ({
      %run_scoped3A = tpu.sem_alloc : memref<!tpu.dma_semaphore, #tpu.memory_space<semaphore_mem>>
      %dma_start3A_418 = arith.constant 0 : i32
      %dma_start3A_419 = tpu.memref_slice %arg20[%add3A_212, %dma_start3A_418] : memref<100096x8xf32, #tpu.memory_space<vmem_shared>> -> memref<782x8xf32, #tpu.memory_space<vmem_shared>>
      %dma_start3A_420 = arith.constant 0 : i32
      %dma_start3A_421 = tpu.memref_slice %arg20[%add3A_212, %dma_start3A_420] : memref<100096x8xf32, #tpu.memory_space<vmem_shared>> -> memref<782x8xf32, #tpu.memory_space<vmem_shared>>
      tpu.enqueue_dma source(%dma_start3A_421 : memref<782x8xf32, #tpu.memory_space<vmem_shared>>) target(%arg19 : memref<782x8xf32, #tpu.memory_space<vmem>>) target_semaphore(%run_scoped3A : memref<!tpu.dma_semaphore, #tpu.memory_space<semaphore_mem>>)
      %dma_wait3A = arith.constant 0 : i32
      %dma_wait3A_422 = tpu.memref_slice %arg20[%add3A_212, %dma_wait3A] : memref<100096x8xf32, #tpu.memory_space<vmem_shared>> -> memref<782x8xf32, #tpu.memory_space<vmem_shared>>
      %dma_wait3A_423 = arith.constant 0 : i32
      %dma_wait3A_424 = tpu.memref_slice %arg20[%add3A_212, %dma_wait3A_423] : memref<100096x8xf32, #tpu.memory_space<vmem_shared>> -> memref<782x8xf32, #tpu.memory_space<vmem_shared>>
      tpu.wait_dma2 semaphore(%run_scoped3A : memref<!tpu.dma_semaphore, #tpu.memory_space<semaphore_mem>>) src(%dma_wait3A_424 : memref<782x8xf32, #tpu.memory_space<vmem_shared>>) dst(%arg19 : memref<782x8xf32, #tpu.memory_space<vmem>>)
      tpu.yield
    }) : () -> ()
    %add3A_213 = arith.constant 0 : i32
    %add3A_214 = arith.addi %add3A_213, %arg0 : i32
    %mul3A_215 = arith.constant 100096 : i32
    %mul3A_216 = arith.muli %add3A_214, %mul3A_215 : i32
    %add3A_217 = arith.addi %mul3A_216, %add3A_212 : i32
    "tpu.region"() ({
      %run_scoped3A = tpu.sem_alloc : memref<!tpu.dma_semaphore, #tpu.memory_space<semaphore_mem>>
      %dma_start3A_418 = arith.constant 0 : i32
      %dma_start3A_419 = tpu.memref_slice %arg8[%add3A_217, %dma_start3A_418] : memref<400384x8xf32, #tpu.memory_space<hbm>> -> memref<782x8xf32, #tpu.memory_space<hbm>>
      %dma_start3A_420 = arith.constant 0 : i32
      %dma_start3A_421 = tpu.memref_slice %arg8[%add3A_217, %dma_start3A_420] : memref<400384x8xf32, #tpu.memory_space<hbm>> -> memref<782x8xf32, #tpu.memory_space<hbm>>
      tpu.enqueue_dma source(%arg19 : memref<782x8xf32, #tpu.memory_space<vmem>>) target(%dma_start3A_421 : memref<782x8xf32, #tpu.memory_space<hbm>>) target_semaphore(%run_scoped3A : memref<!tpu.dma_semaphore, #tpu.memory_space<semaphore_mem>>)
      %dma_wait3A = arith.constant 0 : i32
      %dma_wait3A_422 = tpu.memref_slice %arg8[%add3A_217, %dma_wait3A] : memref<400384x8xf32, #tpu.memory_space<hbm>> -> memref<782x8xf32, #tpu.memory_space<hbm>>
      %dma_wait3A_423 = arith.constant 0 : i32
      %dma_wait3A_424 = tpu.memref_slice %arg8[%add3A_217, %dma_wait3A_423] : memref<400384x8xf32, #tpu.memory_space<hbm>> -> memref<782x8xf32, #tpu.memory_space<hbm>>
      tpu.wait_dma2 semaphore(%run_scoped3A : memref<!tpu.dma_semaphore, #tpu.memory_space<semaphore_mem>>) src(%arg19 : memref<782x8xf32, #tpu.memory_space<vmem>>) dst(%dma_wait3A_424 : memref<782x8xf32, #tpu.memory_space<hbm>>)
      tpu.yield
    }) : () -> ()
    %barrier3A_218 = arith.constant 0 : index
    tpu.barrier barrier_id(%barrier3A_218)
    "tpu.region"() ({
      %run_scoped3A = tpu.sem_alloc : memref<!tpu.dma_semaphore, #tpu.memory_space<semaphore_mem>>
      tpu.enqueue_dma source(%arg7 : memref<782x8xf32, #tpu.memory_space<hbm>>) target(%arg19 : memref<782x8xf32, #tpu.memory_space<vmem>>) target_semaphore(%run_scoped3A : memref<!tpu.dma_semaphore, #tpu.memory_space<semaphore_mem>>)
      tpu.wait_dma2 semaphore(%run_scoped3A : memref<!tpu.dma_semaphore, #tpu.memory_space<semaphore_mem>>) src(%arg7 : memref<782x8xf32, #tpu.memory_space<hbm>>) dst(%arg19 : memref<782x8xf32, #tpu.memory_space<vmem>>)
      tpu.yield
    }) : () -> ()
    %add3A_219 = arith.constant 0 : i32
    %add3A_220 = arith.addi %mul3A_2, %add3A_219 : i32
    "tpu.region"() ({
      %run_scoped3A = tpu.sem_alloc : memref<!tpu.dma_semaphore, #tpu.memory_space<semaphore_mem>>
      %dma_start3A_418 = arith.constant 0 : i32
      %dma_start3A_419 = tpu.memref_slice %arg20[%add3A_220, %dma_start3A_418] : memref<100096x8xf32, #tpu.memory_space<vmem_shared>> -> memref<782x8xf32, #tpu.memory_space<vmem_shared>>
      %dma_start3A_420 = arith.constant 0 : i32
      %dma_start3A_421 = tpu.memref_slice %arg20[%add3A_220, %dma_start3A_420] : memref<100096x8xf32, #tpu.memory_space<vmem_shared>> -> memref<782x8xf32, #tpu.memory_space<vmem_shared>>
      tpu.enqueue_dma source(%arg19 : memref<782x8xf32, #tpu.memory_space<vmem>>) target(%dma_start3A_421 : memref<782x8xf32, #tpu.memory_space<vmem_shared>>) target_semaphore(%run_scoped3A : memref<!tpu.dma_semaphore, #tpu.memory_space<semaphore_mem>>)
      %dma_wait3A = arith.constant 0 : i32
      %dma_wait3A_422 = tpu.memref_slice %arg20[%add3A_220, %dma_wait3A] : memref<100096x8xf32, #tpu.memory_space<vmem_shared>> -> memref<782x8xf32, #tpu.memory_space<vmem_shared>>
      %dma_wait3A_423 = arith.constant 0 : i32
      %dma_wait3A_424 = tpu.memref_slice %arg20[%add3A_220, %dma_wait3A_423] : memref<100096x8xf32, #tpu.memory_space<vmem_shared>> -> memref<782x8xf32, #tpu.memory_space<vmem_shared>>
      tpu.wait_dma2 semaphore(%run_scoped3A : memref<!tpu.dma_semaphore, #tpu.memory_space<semaphore_mem>>) src(%arg19 : memref<782x8xf32, #tpu.memory_space<vmem>>) dst(%dma_wait3A_424 : memref<782x8xf32, #tpu.memory_space<vmem_shared>>)
      tpu.yield
    }) : () -> ()
    %add3A_221 = arith.constant 782 : i32
    %add3A_222 = arith.addi %mul3A_2, %add3A_221 : i32
    "tpu.region"() ({
      %run_scoped3A = tpu.sem_alloc : memref<!tpu.dma_semaphore, #tpu.memory_space<semaphore_mem>>
      %dma_start3A_418 = arith.constant 0 : i32
      %dma_start3A_419 = tpu.memref_slice %arg20[%add3A_222, %dma_start3A_418] : memref<100096x8xf32, #tpu.memory_space<vmem_shared>> -> memref<782x8xf32, #tpu.memory_space<vmem_shared>>
      %dma_start3A_420 = arith.constant 0 : i32
      %dma_start3A_421 = tpu.memref_slice %arg20[%add3A_222, %dma_start3A_420] : memref<100096x8xf32, #tpu.memory_space<vmem_shared>> -> memref<782x8xf32, #tpu.memory_space<vmem_shared>>
      tpu.enqueue_dma source(%arg19 : memref<782x8xf32, #tpu.memory_space<vmem>>) target(%dma_start3A_421 : memref<782x8xf32, #tpu.memory_space<vmem_shared>>) target_semaphore(%run_scoped3A : memref<!tpu.dma_semaphore, #tpu.memory_space<semaphore_mem>>)
      %dma_wait3A = arith.constant 0 : i32
      %dma_wait3A_422 = tpu.memref_slice %arg20[%add3A_222, %dma_wait3A] : memref<100096x8xf32, #tpu.memory_space<vmem_shared>> -> memref<782x8xf32, #tpu.memory_space<vmem_shared>>
      %dma_wait3A_423 = arith.constant 0 : i32
      %dma_wait3A_424 = tpu.memref_slice %arg20[%add3A_222, %dma_wait3A_423] : memref<100096x8xf32, #tpu.memory_space<vmem_shared>> -> memref<782x8xf32, #tpu.memory_space<vmem_shared>>
      tpu.wait_dma2 semaphore(%run_scoped3A : memref<!tpu.dma_semaphore, #tpu.memory_space<semaphore_mem>>) src(%arg19 : memref<782x8xf32, #tpu.memory_space<vmem>>) dst(%dma_wait3A_424 : memref<782x8xf32, #tpu.memory_space<vmem_shared>>)
      tpu.yield
    }) : () -> ()
    %add3A_223 = arith.constant 1564 : i32
    %add3A_224 = arith.addi %mul3A_2, %add3A_223 : i32
    "tpu.region"() ({
      %run_scoped3A = tpu.sem_alloc : memref<!tpu.dma_semaphore, #tpu.memory_space<semaphore_mem>>
      %dma_start3A_418 = arith.constant 0 : i32
      %dma_start3A_419 = tpu.memref_slice %arg20[%add3A_224, %dma_start3A_418] : memref<100096x8xf32, #tpu.memory_space<vmem_shared>> -> memref<782x8xf32, #tpu.memory_space<vmem_shared>>
      %dma_start3A_420 = arith.constant 0 : i32
      %dma_start3A_421 = tpu.memref_slice %arg20[%add3A_224, %dma_start3A_420] : memref<100096x8xf32, #tpu.memory_space<vmem_shared>> -> memref<782x8xf32, #tpu.memory_space<vmem_shared>>
      tpu.enqueue_dma source(%arg19 : memref<782x8xf32, #tpu.memory_space<vmem>>) target(%dma_start3A_421 : memref<782x8xf32, #tpu.memory_space<vmem_shared>>) target_semaphore(%run_scoped3A : memref<!tpu.dma_semaphore, #tpu.memory_space<semaphore_mem>>)
      %dma_wait3A = arith.constant 0 : i32
      %dma_wait3A_422 = tpu.memref_slice %arg20[%add3A_224, %dma_wait3A] : memref<100096x8xf32, #tpu.memory_space<vmem_shared>> -> memref<782x8xf32, #tpu.memory_space<vmem_shared>>
      %dma_wait3A_423 = arith.constant 0 : i32
      %dma_wait3A_424 = tpu.memref_slice %arg20[%add3A_224, %dma_wait3A_423] : memref<100096x8xf32, #tpu.memory_space<vmem_shared>> -> memref<782x8xf32, #tpu.memory_space<vmem_shared>>
      tpu.wait_dma2 semaphore(%run_scoped3A : memref<!tpu.dma_semaphore, #tpu.memory_space<semaphore_mem>>) src(%arg19 : memref<782x8xf32, #tpu.memory_space<vmem>>) dst(%dma_wait3A_424 : memref<782x8xf32, #tpu.memory_space<vmem_shared>>)
      tpu.yield
    }) : () -> ()
    %add3A_225 = arith.constant 2346 : i32
    %add3A_226 = arith.addi %mul3A_2, %add3A_225 : i32
    "tpu.region"() ({
      %run_scoped3A = tpu.sem_alloc : memref<!tpu.dma_semaphore, #tpu.memory_space<semaphore_mem>>
      %dma_start3A_418 = arith.constant 0 : i32
      %dma_start3A_419 = tpu.memref_slice %arg20[%add3A_226, %dma_start3A_418] : memref<100096x8xf32, #tpu.memory_space<vmem_shared>> -> memref<782x8xf32, #tpu.memory_space<vmem_shared>>
      %dma_start3A_420 = arith.constant 0 : i32
      %dma_start3A_421 = tpu.memref_slice %arg20[%add3A_226, %dma_start3A_420] : memref<100096x8xf32, #tpu.memory_space<vmem_shared>> -> memref<782x8xf32, #tpu.memory_space<vmem_shared>>
      tpu.enqueue_dma source(%arg19 : memref<782x8xf32, #tpu.memory_space<vmem>>) target(%dma_start3A_421 : memref<782x8xf32, #tpu.memory_space<vmem_shared>>) target_semaphore(%run_scoped3A : memref<!tpu.dma_semaphore, #tpu.memory_space<semaphore_mem>>)
      %dma_wait3A = arith.constant 0 : i32
      %dma_wait3A_422 = tpu.memref_slice %arg20[%add3A_226, %dma_wait3A] : memref<100096x8xf32, #tpu.memory_space<vmem_shared>> -> memref<782x8xf32, #tpu.memory_space<vmem_shared>>
      %dma_wait3A_423 = arith.constant 0 : i32
      %dma_wait3A_424 = tpu.memref_slice %arg20[%add3A_226, %dma_wait3A_423] : memref<100096x8xf32, #tpu.memory_space<vmem_shared>> -> memref<782x8xf32, #tpu.memory_space<vmem_shared>>
      tpu.wait_dma2 semaphore(%run_scoped3A : memref<!tpu.dma_semaphore, #tpu.memory_space<semaphore_mem>>) src(%arg19 : memref<782x8xf32, #tpu.memory_space<vmem>>) dst(%dma_wait3A_424 : memref<782x8xf32, #tpu.memory_space<vmem_shared>>)
      tpu.yield
    }) : () -> ()
    %add3A_227 = arith.constant 3128 : i32
    %add3A_228 = arith.addi %mul3A_2, %add3A_227 : i32
    "tpu.region"() ({
      %run_scoped3A = tpu.sem_alloc : memref<!tpu.dma_semaphore, #tpu.memory_space<semaphore_mem>>
      %dma_start3A_418 = arith.constant 0 : i32
      %dma_start3A_419 = tpu.memref_slice %arg20[%add3A_228, %dma_start3A_418] : memref<100096x8xf32, #tpu.memory_space<vmem_shared>> -> memref<782x8xf32, #tpu.memory_space<vmem_shared>>
      %dma_start3A_420 = arith.constant 0 : i32
      %dma_start3A_421 = tpu.memref_slice %arg20[%add3A_228, %dma_start3A_420] : memref<100096x8xf32, #tpu.memory_space<vmem_shared>> -> memref<782x8xf32, #tpu.memory_space<vmem_shared>>
      tpu.enqueue_dma source(%arg19 : memref<782x8xf32, #tpu.memory_space<vmem>>) target(%dma_start3A_421 : memref<782x8xf32, #tpu.memory_space<vmem_shared>>) target_semaphore(%run_scoped3A : memref<!tpu.dma_semaphore, #tpu.memory_space<semaphore_mem>>)
      %dma_wait3A = arith.constant 0 : i32
      %dma_wait3A_422 = tpu.memref_slice %arg20[%add3A_228, %dma_wait3A] : memref<100096x8xf32, #tpu.memory_space<vmem_shared>> -> memref<782x8xf32, #tpu.memory_space<vmem_shared>>
      %dma_wait3A_423 = arith.constant 0 : i32
      %dma_wait3A_424 = tpu.memref_slice %arg20[%add3A_228, %dma_wait3A_423] : memref<100096x8xf32, #tpu.memory_space<vmem_shared>> -> memref<782x8xf32, #tpu.memory_space<vmem_shared>>
      tpu.wait_dma2 semaphore(%run_scoped3A : memref<!tpu.dma_semaphore, #tpu.memory_space<semaphore_mem>>) src(%arg19 : memref<782x8xf32, #tpu.memory_space<vmem>>) dst(%dma_wait3A_424 : memref<782x8xf32, #tpu.memory_space<vmem_shared>>)
      tpu.yield
    }) : () -> ()
    %add3A_229 = arith.constant 3910 : i32
    %add3A_230 = arith.addi %mul3A_2, %add3A_229 : i32
    "tpu.region"() ({
      %run_scoped3A = tpu.sem_alloc : memref<!tpu.dma_semaphore, #tpu.memory_space<semaphore_mem>>
      %dma_start3A_418 = arith.constant 0 : i32
      %dma_start3A_419 = tpu.memref_slice %arg20[%add3A_230, %dma_start3A_418] : memref<100096x8xf32, #tpu.memory_space<vmem_shared>> -> memref<782x8xf32, #tpu.memory_space<vmem_shared>>
      %dma_start3A_420 = arith.constant 0 : i32
      %dma_start3A_421 = tpu.memref_slice %arg20[%add3A_230, %dma_start3A_420] : memref<100096x8xf32, #tpu.memory_space<vmem_shared>> -> memref<782x8xf32, #tpu.memory_space<vmem_shared>>
      tpu.enqueue_dma source(%arg19 : memref<782x8xf32, #tpu.memory_space<vmem>>) target(%dma_start3A_421 : memref<782x8xf32, #tpu.memory_space<vmem_shared>>) target_semaphore(%run_scoped3A : memref<!tpu.dma_semaphore, #tpu.memory_space<semaphore_mem>>)
      %dma_wait3A = arith.constant 0 : i32
      %dma_wait3A_422 = tpu.memref_slice %arg20[%add3A_230, %dma_wait3A] : memref<100096x8xf32, #tpu.memory_space<vmem_shared>> -> memref<782x8xf32, #tpu.memory_space<vmem_shared>>
      %dma_wait3A_423 = arith.constant 0 : i32
      %dma_wait3A_424 = tpu.memref_slice %arg20[%add3A_230, %dma_wait3A_423] : memref<100096x8xf32, #tpu.memory_space<vmem_shared>> -> memref<782x8xf32, #tpu.memory_space<vmem_shared>>
      tpu.wait_dma2 semaphore(%run_scoped3A : memref<!tpu.dma_semaphore, #tpu.memory_space<semaphore_mem>>) src(%arg19 : memref<782x8xf32, #tpu.memory_space<vmem>>) dst(%dma_wait3A_424 : memref<782x8xf32, #tpu.memory_space<vmem_shared>>)
      tpu.yield
    }) : () -> ()
    %add3A_231 = arith.constant 4692 : i32
    %add3A_232 = arith.addi %mul3A_2, %add3A_231 : i32
    "tpu.region"() ({
      %run_scoped3A = tpu.sem_alloc : memref<!tpu.dma_semaphore, #tpu.memory_space<semaphore_mem>>
      %dma_start3A_418 = arith.constant 0 : i32
      %dma_start3A_419 = tpu.memref_slice %arg20[%add3A_232, %dma_start3A_418] : memref<100096x8xf32, #tpu.memory_space<vmem_shared>> -> memref<782x8xf32, #tpu.memory_space<vmem_shared>>
      %dma_start3A_420 = arith.constant 0 : i32
      %dma_start3A_421 = tpu.memref_slice %arg20[%add3A_232, %dma_start3A_420] : memref<100096x8xf32, #tpu.memory_space<vmem_shared>> -> memref<782x8xf32, #tpu.memory_space<vmem_shared>>
      tpu.enqueue_dma source(%arg19 : memref<782x8xf32, #tpu.memory_space<vmem>>) target(%dma_start3A_421 : memref<782x8xf32, #tpu.memory_space<vmem_shared>>) target_semaphore(%run_scoped3A : memref<!tpu.dma_semaphore, #tpu.memory_space<semaphore_mem>>)
      %dma_wait3A = arith.constant 0 : i32
      %dma_wait3A_422 = tpu.memref_slice %arg20[%add3A_232, %dma_wait3A] : memref<100096x8xf32, #tpu.memory_space<vmem_shared>> -> memref<782x8xf32, #tpu.memory_space<vmem_shared>>
      %dma_wait3A_423 = arith.constant 0 : i32
      %dma_wait3A_424 = tpu.memref_slice %arg20[%add3A_232, %dma_wait3A_423] : memref<100096x8xf32, #tpu.memory_space<vmem_shared>> -> memref<782x8xf32, #tpu.memory_space<vmem_shared>>
      tpu.wait_dma2 semaphore(%run_scoped3A : memref<!tpu.dma_semaphore, #tpu.memory_space<semaphore_mem>>) src(%arg19 : memref<782x8xf32, #tpu.memory_space<vmem>>) dst(%dma_wait3A_424 : memref<782x8xf32, #tpu.memory_space<vmem_shared>>)
      tpu.yield
    }) : () -> ()
    %add3A_233 = arith.constant 5474 : i32
    %add3A_234 = arith.addi %mul3A_2, %add3A_233 : i32
    "tpu.region"() ({
      %run_scoped3A = tpu.sem_alloc : memref<!tpu.dma_semaphore, #tpu.memory_space<semaphore_mem>>
      %dma_start3A_418 = arith.constant 0 : i32
      %dma_start3A_419 = tpu.memref_slice %arg20[%add3A_234, %dma_start3A_418] : memref<100096x8xf32, #tpu.memory_space<vmem_shared>> -> memref<782x8xf32, #tpu.memory_space<vmem_shared>>
      %dma_start3A_420 = arith.constant 0 : i32
      %dma_start3A_421 = tpu.memref_slice %arg20[%add3A_234, %dma_start3A_420] : memref<100096x8xf32, #tpu.memory_space<vmem_shared>> -> memref<782x8xf32, #tpu.memory_space<vmem_shared>>
      tpu.enqueue_dma source(%arg19 : memref<782x8xf32, #tpu.memory_space<vmem>>) target(%dma_start3A_421 : memref<782x8xf32, #tpu.memory_space<vmem_shared>>) target_semaphore(%run_scoped3A : memref<!tpu.dma_semaphore, #tpu.memory_space<semaphore_mem>>)
      %dma_wait3A = arith.constant 0 : i32
      %dma_wait3A_422 = tpu.memref_slice %arg20[%add3A_234, %dma_wait3A] : memref<100096x8xf32, #tpu.memory_space<vmem_shared>> -> memref<782x8xf32, #tpu.memory_space<vmem_shared>>
      %dma_wait3A_423 = arith.constant 0 : i32
      %dma_wait3A_424 = tpu.memref_slice %arg20[%add3A_234, %dma_wait3A_423] : memref<100096x8xf32, #tpu.memory_space<vmem_shared>> -> memref<782x8xf32, #tpu.memory_space<vmem_shared>>
      tpu.wait_dma2 semaphore(%run_scoped3A : memref<!tpu.dma_semaphore, #tpu.memory_space<semaphore_mem>>) src(%arg19 : memref<782x8xf32, #tpu.memory_space<vmem>>) dst(%dma_wait3A_424 : memref<782x8xf32, #tpu.memory_space<vmem_shared>>)
      tpu.yield
    }) : () -> ()
    %barrier3A_235 = arith.constant 0 : index
    tpu.barrier barrier_id(%barrier3A_235)
    %add3A_236 = arith.constant 0 : i32
    %add3A_237 = arith.addi %mul3A_4, %add3A_236 : i32
    %dma_start3A_238 = tpu.memref_slice %arg2[%add3A_237] : memref<6400000xf32, #tpu.memory_space<hbm>> -> memref<800xf32, #tpu.memory_space<hbm>>
    %dma_start3A_239 = tpu.memref_slice %arg2[%add3A_237] : memref<6400000xf32, #tpu.memory_space<hbm>> -> memref<800xf32, #tpu.memory_space<hbm>>
    tpu.enqueue_dma source(%dma_start3A_239 : memref<800xf32, #tpu.memory_space<hbm>>) target(%arg9 : memref<800xf32, #tpu.memory_space<vmem>>) target_semaphore(%arg21 : memref<!tpu.dma_semaphore, #tpu.memory_space<semaphore_mem>>)
    %dma_start3A_240 = tpu.memref_slice %arg3[%add3A_237] : memref<6400000xf32, #tpu.memory_space<hbm>> -> memref<800xf32, #tpu.memory_space<hbm>>
    %dma_start3A_241 = tpu.memref_slice %arg3[%add3A_237] : memref<6400000xf32, #tpu.memory_space<hbm>> -> memref<800xf32, #tpu.memory_space<hbm>>
    tpu.enqueue_dma source(%dma_start3A_241 : memref<800xf32, #tpu.memory_space<hbm>>) target(%arg10 : memref<800xf32, #tpu.memory_space<vmem>>) target_semaphore(%arg21 : memref<!tpu.dma_semaphore, #tpu.memory_space<semaphore_mem>>)
    %dma_start3A_242 = tpu.memref_slice %arg4[%add3A_237] : memref<6400000xf32, #tpu.memory_space<hbm>> -> memref<800xf32, #tpu.memory_space<hbm>>
    %dma_start3A_243 = tpu.memref_slice %arg4[%add3A_237] : memref<6400000xf32, #tpu.memory_space<hbm>> -> memref<800xf32, #tpu.memory_space<hbm>>
    tpu.enqueue_dma source(%dma_start3A_243 : memref<800xf32, #tpu.memory_space<hbm>>) target(%arg11 : memref<800xf32, #tpu.memory_space<vmem>>) target_semaphore(%arg21 : memref<!tpu.dma_semaphore, #tpu.memory_space<semaphore_mem>>)
    %add3A_244 = arith.constant 0 : i32
    %add3A_245 = arith.addi %add3A_237, %add3A_244 : i32
    %dma_start3A_246 = arith.constant 0 : i32
    %dma_start3A_247 = arith.constant 0 : i32
    %dma_start3A_248 = tpu.memref_slice %arg15[%dma_start3A_246, %dma_start3A_247] : memref<10x80xi32, #tpu.memory_space<vmem>> -> memref<1x80xi32, #tpu.memory_space<vmem>>
    %dma_start3A_249 = tpu.memref_squeeze %dma_start3A_248 : memref<1x80xi32, #tpu.memory_space<vmem>> -> memref<80xi32, #tpu.memory_space<vmem>>
    %dma_start3A_250 = tpu.memref_slice %arg6[%add3A_245] : memref<6400000xi32, #tpu.memory_space<hbm>> -> memref<80xi32, #tpu.memory_space<hbm>>
    %dma_start3A_251 = arith.constant 0 : i32
    %dma_start3A_252 = tpu.memref_slice %arg15[%dma_start3A_246, %dma_start3A_251] : memref<10x80xi32, #tpu.memory_space<vmem>> -> memref<1x80xi32, #tpu.memory_space<vmem>>
    %dma_start3A_253 = tpu.memref_squeeze %dma_start3A_252 : memref<1x80xi32, #tpu.memory_space<vmem>> -> memref<80xi32, #tpu.memory_space<vmem>>
    %dma_start3A_254 = tpu.memref_slice %arg6[%add3A_245] : memref<6400000xi32, #tpu.memory_space<hbm>> -> memref<80xi32, #tpu.memory_space<hbm>>
    tpu.enqueue_dma source(%dma_start3A_254 : memref<80xi32, #tpu.memory_space<hbm>>) target(%dma_start3A_253 : memref<80xi32, #tpu.memory_space<vmem>>) target_semaphore(%arg21 : memref<!tpu.dma_semaphore, #tpu.memory_space<semaphore_mem>>)
    %add3A_255 = arith.constant 80 : i32
    %add3A_256 = arith.addi %add3A_237, %add3A_255 : i32
    %dma_start3A_257 = arith.constant 1 : i32
    %dma_start3A_258 = arith.constant 0 : i32
    %dma_start3A_259 = tpu.memref_slice %arg15[%dma_start3A_257, %dma_start3A_258] : memref<10x80xi32, #tpu.memory_space<vmem>> -> memref<1x80xi32, #tpu.memory_space<vmem>>
    %dma_start3A_260 = tpu.memref_squeeze %dma_start3A_259 : memref<1x80xi32, #tpu.memory_space<vmem>> -> memref<80xi32, #tpu.memory_space<vmem>>
    %dma_start3A_261 = tpu.memref_slice %arg6[%add3A_256] : memref<6400000xi32, #tpu.memory_space<hbm>> -> memref<80xi32, #tpu.memory_space<hbm>>
    %dma_start3A_262 = arith.constant 0 : i32
    %dma_start3A_263 = tpu.memref_slice %arg15[%dma_start3A_257, %dma_start3A_262] : memref<10x80xi32, #tpu.memory_space<vmem>> -> memref<1x80xi32, #tpu.memory_space<vmem>>
    %dma_start3A_264 = tpu.memref_squeeze %dma_start3A_263 : memref<1x80xi32, #tpu.memory_space<vmem>> -> memref<80xi32, #tpu.memory_space<vmem>>
    %dma_start3A_265 = tpu.memref_slice %arg6[%add3A_256] : memref<6400000xi32, #tpu.memory_space<hbm>> -> memref<80xi32, #tpu.memory_space<hbm>>
    tpu.enqueue_dma source(%dma_start3A_265 : memref<80xi32, #tpu.memory_space<hbm>>) target(%dma_start3A_264 : memref<80xi32, #tpu.memory_space<vmem>>) target_semaphore(%arg21 : memref<!tpu.dma_semaphore, #tpu.memory_space<semaphore_mem>>)
    %add3A_266 = arith.constant 160 : i32
    %add3A_267 = arith.addi %add3A_237, %add3A_266 : i32
    %dma_start3A_268 = arith.constant 2 : i32
    %dma_start3A_269 = arith.constant 0 : i32
    %dma_start3A_270 = tpu.memref_slice %arg15[%dma_start3A_268, %dma_start3A_269] : memref<10x80xi32, #tpu.memory_space<vmem>> -> memref<1x80xi32, #tpu.memory_space<vmem>>
    %dma_start3A_271 = tpu.memref_squeeze %dma_start3A_270 : memref<1x80xi32, #tpu.memory_space<vmem>> -> memref<80xi32, #tpu.memory_space<vmem>>
    %dma_start3A_272 = tpu.memref_slice %arg6[%add3A_267] : memref<6400000xi32, #tpu.memory_space<hbm>> -> memref<80xi32, #tpu.memory_space<hbm>>
    %dma_start3A_273 = arith.constant 0 : i32
    %dma_start3A_274 = tpu.memref_slice %arg15[%dma_start3A_268, %dma_start3A_273] : memref<10x80xi32, #tpu.memory_space<vmem>> -> memref<1x80xi32, #tpu.memory_space<vmem>>
    %dma_start3A_275 = tpu.memref_squeeze %dma_start3A_274 : memref<1x80xi32, #tpu.memory_space<vmem>> -> memref<80xi32, #tpu.memory_space<vmem>>
    %dma_start3A_276 = tpu.memref_slice %arg6[%add3A_267] : memref<6400000xi32, #tpu.memory_space<hbm>> -> memref<80xi32, #tpu.memory_space<hbm>>
    tpu.enqueue_dma source(%dma_start3A_276 : memref<80xi32, #tpu.memory_space<hbm>>) target(%dma_start3A_275 : memref<80xi32, #tpu.memory_space<vmem>>) target_semaphore(%arg21 : memref<!tpu.dma_semaphore, #tpu.memory_space<semaphore_mem>>)
    %add3A_277 = arith.constant 240 : i32
    %add3A_278 = arith.addi %add3A_237, %add3A_277 : i32
    %dma_start3A_279 = arith.constant 3 : i32
    %dma_start3A_280 = arith.constant 0 : i32
    %dma_start3A_281 = tpu.memref_slice %arg15[%dma_start3A_279, %dma_start3A_280] : memref<10x80xi32, #tpu.memory_space<vmem>> -> memref<1x80xi32, #tpu.memory_space<vmem>>
    %dma_start3A_282 = tpu.memref_squeeze %dma_start3A_281 : memref<1x80xi32, #tpu.memory_space<vmem>> -> memref<80xi32, #tpu.memory_space<vmem>>
    %dma_start3A_283 = tpu.memref_slice %arg6[%add3A_278] : memref<6400000xi32, #tpu.memory_space<hbm>> -> memref<80xi32, #tpu.memory_space<hbm>>
    %dma_start3A_284 = arith.constant 0 : i32
    %dma_start3A_285 = tpu.memref_slice %arg15[%dma_start3A_279, %dma_start3A_284] : memref<10x80xi32, #tpu.memory_space<vmem>> -> memref<1x80xi32, #tpu.memory_space<vmem>>
    %dma_start3A_286 = tpu.memref_squeeze %dma_start3A_285 : memref<1x80xi32, #tpu.memory_space<vmem>> -> memref<80xi32, #tpu.memory_space<vmem>>
    %dma_start3A_287 = tpu.memref_slice %arg6[%add3A_278] : memref<6400000xi32, #tpu.memory_space<hbm>> -> memref<80xi32, #tpu.memory_space<hbm>>
    tpu.enqueue_dma source(%dma_start3A_287 : memref<80xi32, #tpu.memory_space<hbm>>) target(%dma_start3A_286 : memref<80xi32, #tpu.memory_space<vmem>>) target_semaphore(%arg21 : memref<!tpu.dma_semaphore, #tpu.memory_space<semaphore_mem>>)
    %add3A_288 = arith.constant 320 : i32
    %add3A_289 = arith.addi %add3A_237, %add3A_288 : i32
    %dma_start3A_290 = arith.constant 4 : i32
    %dma_start3A_291 = arith.constant 0 : i32
    %dma_start3A_292 = tpu.memref_slice %arg15[%dma_start3A_290, %dma_start3A_291] : memref<10x80xi32, #tpu.memory_space<vmem>> -> memref<1x80xi32, #tpu.memory_space<vmem>>
    %dma_start3A_293 = tpu.memref_squeeze %dma_start3A_292 : memref<1x80xi32, #tpu.memory_space<vmem>> -> memref<80xi32, #tpu.memory_space<vmem>>
    %dma_start3A_294 = tpu.memref_slice %arg6[%add3A_289] : memref<6400000xi32, #tpu.memory_space<hbm>> -> memref<80xi32, #tpu.memory_space<hbm>>
    %dma_start3A_295 = arith.constant 0 : i32
    %dma_start3A_296 = tpu.memref_slice %arg15[%dma_start3A_290, %dma_start3A_295] : memref<10x80xi32, #tpu.memory_space<vmem>> -> memref<1x80xi32, #tpu.memory_space<vmem>>
    %dma_start3A_297 = tpu.memref_squeeze %dma_start3A_296 : memref<1x80xi32, #tpu.memory_space<vmem>> -> memref<80xi32, #tpu.memory_space<vmem>>
    %dma_start3A_298 = tpu.memref_slice %arg6[%add3A_289] : memref<6400000xi32, #tpu.memory_space<hbm>> -> memref<80xi32, #tpu.memory_space<hbm>>
    tpu.enqueue_dma source(%dma_start3A_298 : memref<80xi32, #tpu.memory_space<hbm>>) target(%dma_start3A_297 : memref<80xi32, #tpu.memory_space<vmem>>) target_semaphore(%arg21 : memref<!tpu.dma_semaphore, #tpu.memory_space<semaphore_mem>>)
    %add3A_299 = arith.constant 400 : i32
    %add3A_300 = arith.addi %add3A_237, %add3A_299 : i32
    %dma_start3A_301 = arith.constant 5 : i32
    %dma_start3A_302 = arith.constant 0 : i32
    %dma_start3A_303 = tpu.memref_slice %arg15[%dma_start3A_301, %dma_start3A_302] : memref<10x80xi32, #tpu.memory_space<vmem>> -> memref<1x80xi32, #tpu.memory_space<vmem>>
    %dma_start3A_304 = tpu.memref_squeeze %dma_start3A_303 : memref<1x80xi32, #tpu.memory_space<vmem>> -> memref<80xi32, #tpu.memory_space<vmem>>
    %dma_start3A_305 = tpu.memref_slice %arg6[%add3A_300] : memref<6400000xi32, #tpu.memory_space<hbm>> -> memref<80xi32, #tpu.memory_space<hbm>>
    %dma_start3A_306 = arith.constant 0 : i32
    %dma_start3A_307 = tpu.memref_slice %arg15[%dma_start3A_301, %dma_start3A_306] : memref<10x80xi32, #tpu.memory_space<vmem>> -> memref<1x80xi32, #tpu.memory_space<vmem>>
    %dma_start3A_308 = tpu.memref_squeeze %dma_start3A_307 : memref<1x80xi32, #tpu.memory_space<vmem>> -> memref<80xi32, #tpu.memory_space<vmem>>
    %dma_start3A_309 = tpu.memref_slice %arg6[%add3A_300] : memref<6400000xi32, #tpu.memory_space<hbm>> -> memref<80xi32, #tpu.memory_space<hbm>>
    tpu.enqueue_dma source(%dma_start3A_309 : memref<80xi32, #tpu.memory_space<hbm>>) target(%dma_start3A_308 : memref<80xi32, #tpu.memory_space<vmem>>) target_semaphore(%arg21 : memref<!tpu.dma_semaphore, #tpu.memory_space<semaphore_mem>>)
    %add3A_310 = arith.constant 480 : i32
    %add3A_311 = arith.addi %add3A_237, %add3A_310 : i32
    %dma_start3A_312 = arith.constant 6 : i32
    %dma_start3A_313 = arith.constant 0 : i32
    %dma_start3A_314 = tpu.memref_slice %arg15[%dma_start3A_312, %dma_start3A_313] : memref<10x80xi32, #tpu.memory_space<vmem>> -> memref<1x80xi32, #tpu.memory_space<vmem>>
    %dma_start3A_315 = tpu.memref_squeeze %dma_start3A_314 : memref<1x80xi32, #tpu.memory_space<vmem>> -> memref<80xi32, #tpu.memory_space<vmem>>
    %dma_start3A_316 = tpu.memref_slice %arg6[%add3A_311] : memref<6400000xi32, #tpu.memory_space<hbm>> -> memref<80xi32, #tpu.memory_space<hbm>>
    %dma_start3A_317 = arith.constant 0 : i32
    %dma_start3A_318 = tpu.memref_slice %arg15[%dma_start3A_312, %dma_start3A_317] : memref<10x80xi32, #tpu.memory_space<vmem>> -> memref<1x80xi32, #tpu.memory_space<vmem>>
    %dma_start3A_319 = tpu.memref_squeeze %dma_start3A_318 : memref<1x80xi32, #tpu.memory_space<vmem>> -> memref<80xi32, #tpu.memory_space<vmem>>
    %dma_start3A_320 = tpu.memref_slice %arg6[%add3A_311] : memref<6400000xi32, #tpu.memory_space<hbm>> -> memref<80xi32, #tpu.memory_space<hbm>>
    tpu.enqueue_dma source(%dma_start3A_320 : memref<80xi32, #tpu.memory_space<hbm>>) target(%dma_start3A_319 : memref<80xi32, #tpu.memory_space<vmem>>) target_semaphore(%arg21 : memref<!tpu.dma_semaphore, #tpu.memory_space<semaphore_mem>>)
    %add3A_321 = arith.constant 560 : i32
    %add3A_322 = arith.addi %add3A_237, %add3A_321 : i32
    %dma_start3A_323 = arith.constant 7 : i32
    %dma_start3A_324 = arith.constant 0 : i32
    %dma_start3A_325 = tpu.memref_slice %arg15[%dma_start3A_323, %dma_start3A_324] : memref<10x80xi32, #tpu.memory_space<vmem>> -> memref<1x80xi32, #tpu.memory_space<vmem>>
    %dma_start3A_326 = tpu.memref_squeeze %dma_start3A_325 : memref<1x80xi32, #tpu.memory_space<vmem>> -> memref<80xi32, #tpu.memory_space<vmem>>
    %dma_start3A_327 = tpu.memref_slice %arg6[%add3A_322] : memref<6400000xi32, #tpu.memory_space<hbm>> -> memref<80xi32, #tpu.memory_space<hbm>>
    %dma_start3A_328 = arith.constant 0 : i32
    %dma_start3A_329 = tpu.memref_slice %arg15[%dma_start3A_323, %dma_start3A_328] : memref<10x80xi32, #tpu.memory_space<vmem>> -> memref<1x80xi32, #tpu.memory_space<vmem>>
    %dma_start3A_330 = tpu.memref_squeeze %dma_start3A_329 : memref<1x80xi32, #tpu.memory_space<vmem>> -> memref<80xi32, #tpu.memory_space<vmem>>
    %dma_start3A_331 = tpu.memref_slice %arg6[%add3A_322] : memref<6400000xi32, #tpu.memory_space<hbm>> -> memref<80xi32, #tpu.memory_space<hbm>>
    tpu.enqueue_dma source(%dma_start3A_331 : memref<80xi32, #tpu.memory_space<hbm>>) target(%dma_start3A_330 : memref<80xi32, #tpu.memory_space<vmem>>) target_semaphore(%arg21 : memref<!tpu.dma_semaphore, #tpu.memory_space<semaphore_mem>>)
    %add3A_332 = arith.constant 640 : i32
    %add3A_333 = arith.addi %add3A_237, %add3A_332 : i32
    %dma_start3A_334 = arith.constant 8 : i32
    %dma_start3A_335 = arith.constant 0 : i32
    %dma_start3A_336 = tpu.memref_slice %arg15[%dma_start3A_334, %dma_start3A_335] : memref<10x80xi32, #tpu.memory_space<vmem>> -> memref<1x80xi32, #tpu.memory_space<vmem>>
    %dma_start3A_337 = tpu.memref_squeeze %dma_start3A_336 : memref<1x80xi32, #tpu.memory_space<vmem>> -> memref<80xi32, #tpu.memory_space<vmem>>
    %dma_start3A_338 = tpu.memref_slice %arg6[%add3A_333] : memref<6400000xi32, #tpu.memory_space<hbm>> -> memref<80xi32, #tpu.memory_space<hbm>>
    %dma_start3A_339 = arith.constant 0 : i32
    %dma_start3A_340 = tpu.memref_slice %arg15[%dma_start3A_334, %dma_start3A_339] : memref<10x80xi32, #tpu.memory_space<vmem>> -> memref<1x80xi32, #tpu.memory_space<vmem>>
    %dma_start3A_341 = tpu.memref_squeeze %dma_start3A_340 : memref<1x80xi32, #tpu.memory_space<vmem>> -> memref<80xi32, #tpu.memory_space<vmem>>
    %dma_start3A_342 = tpu.memref_slice %arg6[%add3A_333] : memref<6400000xi32, #tpu.memory_space<hbm>> -> memref<80xi32, #tpu.memory_space<hbm>>
    tpu.enqueue_dma source(%dma_start3A_342 : memref<80xi32, #tpu.memory_space<hbm>>) target(%dma_start3A_341 : memref<80xi32, #tpu.memory_space<vmem>>) target_semaphore(%arg21 : memref<!tpu.dma_semaphore, #tpu.memory_space<semaphore_mem>>)
    %add3A_343 = arith.constant 720 : i32
    %add3A_344 = arith.addi %add3A_237, %add3A_343 : i32
    %dma_start3A_345 = arith.constant 9 : i32
    %dma_start3A_346 = arith.constant 0 : i32
    %dma_start3A_347 = tpu.memref_slice %arg15[%dma_start3A_345, %dma_start3A_346] : memref<10x80xi32, #tpu.memory_space<vmem>> -> memref<1x80xi32, #tpu.memory_space<vmem>>
    %dma_start3A_348 = tpu.memref_squeeze %dma_start3A_347 : memref<1x80xi32, #tpu.memory_space<vmem>> -> memref<80xi32, #tpu.memory_space<vmem>>
    %dma_start3A_349 = tpu.memref_slice %arg6[%add3A_344] : memref<6400000xi32, #tpu.memory_space<hbm>> -> memref<80xi32, #tpu.memory_space<hbm>>
    %dma_start3A_350 = arith.constant 0 : i32
    %dma_start3A_351 = tpu.memref_slice %arg15[%dma_start3A_345, %dma_start3A_350] : memref<10x80xi32, #tpu.memory_space<vmem>> -> memref<1x80xi32, #tpu.memory_space<vmem>>
    %dma_start3A_352 = tpu.memref_squeeze %dma_start3A_351 : memref<1x80xi32, #tpu.memory_space<vmem>> -> memref<80xi32, #tpu.memory_space<vmem>>
    %dma_start3A_353 = tpu.memref_slice %arg6[%add3A_344] : memref<6400000xi32, #tpu.memory_space<hbm>> -> memref<80xi32, #tpu.memory_space<hbm>>
    tpu.enqueue_dma source(%dma_start3A_353 : memref<80xi32, #tpu.memory_space<hbm>>) target(%dma_start3A_352 : memref<80xi32, #tpu.memory_space<vmem>>) target_semaphore(%arg21 : memref<!tpu.dma_semaphore, #tpu.memory_space<semaphore_mem>>)
    %scan3A_354 = arith.constant 0 : i32
    %scan3A_355 = arith.constant 0 : i32
    %scan3A_356 = arith.constant 125 : i32
    %scan3A_357 = arith.addi %scan3A_355, %scan3A_356 : i32
    %scan3A_358 = arith.constant 1 : i32
    scf.for %scan3A_418 = %scan3A_355 to %scan3A_357 step %scan3A_358  : i32 {
      %mul3A_419 = arith.constant 2 : i32
      %mul3A_420 = arith.muli %mul3A_419, %scan3A_418 : i32
      %add3A_421 = arith.constant 0 : i32
      %add3A_422 = arith.addi %mul3A_420, %add3A_421 : i32
      %dma_wait3A = arith.constant 0 : i32
      %dma_wait3A_423 = tpu.memref_slice %arg2[%dma_wait3A] : memref<6400000xf32, #tpu.memory_space<hbm>> -> memref<800xf32, #tpu.memory_space<hbm>>
      %dma_wait3A_424 = arith.constant 0 : i32
      %dma_wait3A_425 = tpu.memref_slice %arg2[%dma_wait3A_424] : memref<6400000xf32, #tpu.memory_space<hbm>> -> memref<800xf32, #tpu.memory_space<hbm>>
      tpu.wait_dma2 semaphore(%arg21 : memref<!tpu.dma_semaphore, #tpu.memory_space<semaphore_mem>>) src(%dma_wait3A_425 : memref<800xf32, #tpu.memory_space<hbm>>) dst(%arg9 : memref<800xf32, #tpu.memory_space<vmem>>)
      %dma_wait3A_426 = arith.constant 0 : i32
      %dma_wait3A_427 = tpu.memref_slice %arg3[%dma_wait3A_426] : memref<6400000xf32, #tpu.memory_space<hbm>> -> memref<800xf32, #tpu.memory_space<hbm>>
      %dma_wait3A_428 = arith.constant 0 : i32
      %dma_wait3A_429 = tpu.memref_slice %arg3[%dma_wait3A_428] : memref<6400000xf32, #tpu.memory_space<hbm>> -> memref<800xf32, #tpu.memory_space<hbm>>
      tpu.wait_dma2 semaphore(%arg21 : memref<!tpu.dma_semaphore, #tpu.memory_space<semaphore_mem>>) src(%dma_wait3A_429 : memref<800xf32, #tpu.memory_space<hbm>>) dst(%arg10 : memref<800xf32, #tpu.memory_space<vmem>>)
      %dma_wait3A_430 = arith.constant 0 : i32
      %dma_wait3A_431 = tpu.memref_slice %arg4[%dma_wait3A_430] : memref<6400000xf32, #tpu.memory_space<hbm>> -> memref<800xf32, #tpu.memory_space<hbm>>
      %dma_wait3A_432 = arith.constant 0 : i32
      %dma_wait3A_433 = tpu.memref_slice %arg4[%dma_wait3A_432] : memref<6400000xf32, #tpu.memory_space<hbm>> -> memref<800xf32, #tpu.memory_space<hbm>>
      tpu.wait_dma2 semaphore(%arg21 : memref<!tpu.dma_semaphore, #tpu.memory_space<semaphore_mem>>) src(%dma_wait3A_433 : memref<800xf32, #tpu.memory_space<hbm>>) dst(%arg11 : memref<800xf32, #tpu.memory_space<vmem>>)
      %dma_wait3A_434 = arith.constant 0 : i32
      %dma_wait3A_435 = arith.constant 0 : i32
      %dma_wait3A_436 = tpu.memref_slice %arg15[%dma_wait3A_434, %dma_wait3A_435] : memref<10x80xi32, #tpu.memory_space<vmem>> -> memref<1x80xi32, #tpu.memory_space<vmem>>
      %dma_wait3A_437 = tpu.memref_squeeze %dma_wait3A_436 : memref<1x80xi32, #tpu.memory_space<vmem>> -> memref<80xi32, #tpu.memory_space<vmem>>
      %dma_wait3A_438 = arith.constant 0 : i32
      %dma_wait3A_439 = tpu.memref_slice %arg5[%dma_wait3A_438] : memref<6400000xi32, #tpu.memory_space<hbm>> -> memref<80xi32, #tpu.memory_space<hbm>>
      %dma_wait3A_440 = arith.constant 0 : i32
      %dma_wait3A_441 = tpu.memref_slice %arg15[%dma_wait3A_434, %dma_wait3A_440] : memref<10x80xi32, #tpu.memory_space<vmem>> -> memref<1x80xi32, #tpu.memory_space<vmem>>
      %dma_wait3A_442 = tpu.memref_squeeze %dma_wait3A_441 : memref<1x80xi32, #tpu.memory_space<vmem>> -> memref<80xi32, #tpu.memory_space<vmem>>
      %dma_wait3A_443 = arith.constant 0 : i32
      %dma_wait3A_444 = tpu.memref_slice %arg5[%dma_wait3A_443] : memref<6400000xi32, #tpu.memory_space<hbm>> -> memref<80xi32, #tpu.memory_space<hbm>>
      tpu.wait_dma2 semaphore(%arg21 : memref<!tpu.dma_semaphore, #tpu.memory_space<semaphore_mem>>) src(%dma_wait3A_444 : memref<80xi32, #tpu.memory_space<hbm>>) dst(%dma_wait3A_442 : memref<80xi32, #tpu.memory_space<vmem>>)
      %dma_wait3A_445 = arith.constant 1 : i32
      %dma_wait3A_446 = arith.constant 0 : i32
      %dma_wait3A_447 = tpu.memref_slice %arg15[%dma_wait3A_445, %dma_wait3A_446] : memref<10x80xi32, #tpu.memory_space<vmem>> -> memref<1x80xi32, #tpu.memory_space<vmem>>
      %dma_wait3A_448 = tpu.memref_squeeze %dma_wait3A_447 : memref<1x80xi32, #tpu.memory_space<vmem>> -> memref<80xi32, #tpu.memory_space<vmem>>
      %dma_wait3A_449 = arith.constant 0 : i32
      %dma_wait3A_450 = tpu.memref_slice %arg5[%dma_wait3A_449] : memref<6400000xi32, #tpu.memory_space<hbm>> -> memref<80xi32, #tpu.memory_space<hbm>>
      %dma_wait3A_451 = arith.constant 0 : i32
      %dma_wait3A_452 = tpu.memref_slice %arg15[%dma_wait3A_445, %dma_wait3A_451] : memref<10x80xi32, #tpu.memory_space<vmem>> -> memref<1x80xi32, #tpu.memory_space<vmem>>
      %dma_wait3A_453 = tpu.memref_squeeze %dma_wait3A_452 : memref<1x80xi32, #tpu.memory_space<vmem>> -> memref<80xi32, #tpu.memory_space<vmem>>
      %dma_wait3A_454 = arith.constant 0 : i32
      %dma_wait3A_455 = tpu.memref_slice %arg5[%dma_wait3A_454] : memref<6400000xi32, #tpu.memory_space<hbm>> -> memref<80xi32, #tpu.memory_space<hbm>>
      tpu.wait_dma2 semaphore(%arg21 : memref<!tpu.dma_semaphore, #tpu.memory_space<semaphore_mem>>) src(%dma_wait3A_455 : memref<80xi32, #tpu.memory_space<hbm>>) dst(%dma_wait3A_453 : memref<80xi32, #tpu.memory_space<vmem>>)
      %dma_wait3A_456 = arith.constant 2 : i32
      %dma_wait3A_457 = arith.constant 0 : i32
      %dma_wait3A_458 = tpu.memref_slice %arg15[%dma_wait3A_456, %dma_wait3A_457] : memref<10x80xi32, #tpu.memory_space<vmem>> -> memref<1x80xi32, #tpu.memory_space<vmem>>
      %dma_wait3A_459 = tpu.memref_squeeze %dma_wait3A_458 : memref<1x80xi32, #tpu.memory_space<vmem>> -> memref<80xi32, #tpu.memory_space<vmem>>
      %dma_wait3A_460 = arith.constant 0 : i32
      %dma_wait3A_461 = tpu.memref_slice %arg5[%dma_wait3A_460] : memref<6400000xi32, #tpu.memory_space<hbm>> -> memref<80xi32, #tpu.memory_space<hbm>>
      %dma_wait3A_462 = arith.constant 0 : i32
      %dma_wait3A_463 = tpu.memref_slice %arg15[%dma_wait3A_456, %dma_wait3A_462] : memref<10x80xi32, #tpu.memory_space<vmem>> -> memref<1x80xi32, #tpu.memory_space<vmem>>
      %dma_wait3A_464 = tpu.memref_squeeze %dma_wait3A_463 : memref<1x80xi32, #tpu.memory_space<vmem>> -> memref<80xi32, #tpu.memory_space<vmem>>
      %dma_wait3A_465 = arith.constant 0 : i32
      %dma_wait3A_466 = tpu.memref_slice %arg5[%dma_wait3A_465] : memref<6400000xi32, #tpu.memory_space<hbm>> -> memref<80xi32, #tpu.memory_space<hbm>>
      tpu.wait_dma2 semaphore(%arg21 : memref<!tpu.dma_semaphore, #tpu.memory_space<semaphore_mem>>) src(%dma_wait3A_466 : memref<80xi32, #tpu.memory_space<hbm>>) dst(%dma_wait3A_464 : memref<80xi32, #tpu.memory_space<vmem>>)
      %dma_wait3A_467 = arith.constant 3 : i32
      %dma_wait3A_468 = arith.constant 0 : i32
      %dma_wait3A_469 = tpu.memref_slice %arg15[%dma_wait3A_467, %dma_wait3A_468] : memref<10x80xi32, #tpu.memory_space<vmem>> -> memref<1x80xi32, #tpu.memory_space<vmem>>
      %dma_wait3A_470 = tpu.memref_squeeze %dma_wait3A_469 : memref<1x80xi32, #tpu.memory_space<vmem>> -> memref<80xi32, #tpu.memory_space<vmem>>
      %dma_wait3A_471 = arith.constant 0 : i32
      %dma_wait3A_472 = tpu.memref_slice %arg5[%dma_wait3A_471] : memref<6400000xi32, #tpu.memory_space<hbm>> -> memref<80xi32, #tpu.memory_space<hbm>>
      %dma_wait3A_473 = arith.constant 0 : i32
      %dma_wait3A_474 = tpu.memref_slice %arg15[%dma_wait3A_467, %dma_wait3A_473] : memref<10x80xi32, #tpu.memory_space<vmem>> -> memref<1x80xi32, #tpu.memory_space<vmem>>
      %dma_wait3A_475 = tpu.memref_squeeze %dma_wait3A_474 : memref<1x80xi32, #tpu.memory_space<vmem>> -> memref<80xi32, #tpu.memory_space<vmem>>
      %dma_wait3A_476 = arith.constant 0 : i32
      %dma_wait3A_477 = tpu.memref_slice %arg5[%dma_wait3A_476] : memref<6400000xi32, #tpu.memory_space<hbm>> -> memref<80xi32, #tpu.memory_space<hbm>>
      tpu.wait_dma2 semaphore(%arg21 : memref<!tpu.dma_semaphore, #tpu.memory_space<semaphore_mem>>) src(%dma_wait3A_477 : memref<80xi32, #tpu.memory_space<hbm>>) dst(%dma_wait3A_475 : memref<80xi32, #tpu.memory_space<vmem>>)
      %dma_wait3A_478 = arith.constant 4 : i32
      %dma_wait3A_479 = arith.constant 0 : i32
      %dma_wait3A_480 = tpu.memref_slice %arg15[%dma_wait3A_478, %dma_wait3A_479] : memref<10x80xi32, #tpu.memory_space<vmem>> -> memref<1x80xi32, #tpu.memory_space<vmem>>
      %dma_wait3A_481 = tpu.memref_squeeze %dma_wait3A_480 : memref<1x80xi32, #tpu.memory_space<vmem>> -> memref<80xi32, #tpu.memory_space<vmem>>
      %dma_wait3A_482 = arith.constant 0 : i32
      %dma_wait3A_483 = tpu.memref_slice %arg5[%dma_wait3A_482] : memref<6400000xi32, #tpu.memory_space<hbm>> -> memref<80xi32, #tpu.memory_space<hbm>>
      %dma_wait3A_484 = arith.constant 0 : i32
      %dma_wait3A_485 = tpu.memref_slice %arg15[%dma_wait3A_478, %dma_wait3A_484] : memref<10x80xi32, #tpu.memory_space<vmem>> -> memref<1x80xi32, #tpu.memory_space<vmem>>
      %dma_wait3A_486 = tpu.memref_squeeze %dma_wait3A_485 : memref<1x80xi32, #tpu.memory_space<vmem>> -> memref<80xi32, #tpu.memory_space<vmem>>
      %dma_wait3A_487 = arith.constant 0 : i32
      %dma_wait3A_488 = tpu.memref_slice %arg5[%dma_wait3A_487] : memref<6400000xi32, #tpu.memory_space<hbm>> -> memref<80xi32, #tpu.memory_space<hbm>>
      tpu.wait_dma2 semaphore(%arg21 : memref<!tpu.dma_semaphore, #tpu.memory_space<semaphore_mem>>) src(%dma_wait3A_488 : memref<80xi32, #tpu.memory_space<hbm>>) dst(%dma_wait3A_486 : memref<80xi32, #tpu.memory_space<vmem>>)
      %dma_wait3A_489 = arith.constant 5 : i32
      %dma_wait3A_490 = arith.constant 0 : i32
      %dma_wait3A_491 = tpu.memref_slice %arg15[%dma_wait3A_489, %dma_wait3A_490] : memref<10x80xi32, #tpu.memory_space<vmem>> -> memref<1x80xi32, #tpu.memory_space<vmem>>
      %dma_wait3A_492 = tpu.memref_squeeze %dma_wait3A_491 : memref<1x80xi32, #tpu.memory_space<vmem>> -> memref<80xi32, #tpu.memory_space<vmem>>
      %dma_wait3A_493 = arith.constant 0 : i32
      %dma_wait3A_494 = tpu.memref_slice %arg5[%dma_wait3A_493] : memref<6400000xi32, #tpu.memory_space<hbm>> -> memref<80xi32, #tpu.memory_space<hbm>>
      %dma_wait3A_495 = arith.constant 0 : i32
      %dma_wait3A_496 = tpu.memref_slice %arg15[%dma_wait3A_489, %dma_wait3A_495] : memref<10x80xi32, #tpu.memory_space<vmem>> -> memref<1x80xi32, #tpu.memory_space<vmem>>
      %dma_wait3A_497 = tpu.memref_squeeze %dma_wait3A_496 : memref<1x80xi32, #tpu.memory_space<vmem>> -> memref<80xi32, #tpu.memory_space<vmem>>
      %dma_wait3A_498 = arith.constant 0 : i32
      %dma_wait3A_499 = tpu.memref_slice %arg5[%dma_wait3A_498] : memref<6400000xi32, #tpu.memory_space<hbm>> -> memref<80xi32, #tpu.memory_space<hbm>>
      tpu.wait_dma2 semaphore(%arg21 : memref<!tpu.dma_semaphore, #tpu.memory_space<semaphore_mem>>) src(%dma_wait3A_499 : memref<80xi32, #tpu.memory_space<hbm>>) dst(%dma_wait3A_497 : memref<80xi32, #tpu.memory_space<vmem>>)
      %dma_wait3A_500 = arith.constant 6 : i32
      %dma_wait3A_501 = arith.constant 0 : i32
      %dma_wait3A_502 = tpu.memref_slice %arg15[%dma_wait3A_500, %dma_wait3A_501] : memref<10x80xi32, #tpu.memory_space<vmem>> -> memref<1x80xi32, #tpu.memory_space<vmem>>
      %dma_wait3A_503 = tpu.memref_squeeze %dma_wait3A_502 : memref<1x80xi32, #tpu.memory_space<vmem>> -> memref<80xi32, #tpu.memory_space<vmem>>
      %dma_wait3A_504 = arith.constant 0 : i32
      %dma_wait3A_505 = tpu.memref_slice %arg5[%dma_wait3A_504] : memref<6400000xi32, #tpu.memory_space<hbm>> -> memref<80xi32, #tpu.memory_space<hbm>>
      %dma_wait3A_506 = arith.constant 0 : i32
      %dma_wait3A_507 = tpu.memref_slice %arg15[%dma_wait3A_500, %dma_wait3A_506] : memref<10x80xi32, #tpu.memory_space<vmem>> -> memref<1x80xi32, #tpu.memory_space<vmem>>
      %dma_wait3A_508 = tpu.memref_squeeze %dma_wait3A_507 : memref<1x80xi32, #tpu.memory_space<vmem>> -> memref<80xi32, #tpu.memory_space<vmem>>
      %dma_wait3A_509 = arith.constant 0 : i32
      %dma_wait3A_510 = tpu.memref_slice %arg5[%dma_wait3A_509] : memref<6400000xi32, #tpu.memory_space<hbm>> -> memref<80xi32, #tpu.memory_space<hbm>>
      tpu.wait_dma2 semaphore(%arg21 : memref<!tpu.dma_semaphore, #tpu.memory_space<semaphore_mem>>) src(%dma_wait3A_510 : memref<80xi32, #tpu.memory_space<hbm>>) dst(%dma_wait3A_508 : memref<80xi32, #tpu.memory_space<vmem>>)
      %dma_wait3A_511 = arith.constant 7 : i32
      %dma_wait3A_512 = arith.constant 0 : i32
      %dma_wait3A_513 = tpu.memref_slice %arg15[%dma_wait3A_511, %dma_wait3A_512] : memref<10x80xi32, #tpu.memory_space<vmem>> -> memref<1x80xi32, #tpu.memory_space<vmem>>
      %dma_wait3A_514 = tpu.memref_squeeze %dma_wait3A_513 : memref<1x80xi32, #tpu.memory_space<vmem>> -> memref<80xi32, #tpu.memory_space<vmem>>
      %dma_wait3A_515 = arith.constant 0 : i32
      %dma_wait3A_516 = tpu.memref_slice %arg5[%dma_wait3A_515] : memref<6400000xi32, #tpu.memory_space<hbm>> -> memref<80xi32, #tpu.memory_space<hbm>>
      %dma_wait3A_517 = arith.constant 0 : i32
      %dma_wait3A_518 = tpu.memref_slice %arg15[%dma_wait3A_511, %dma_wait3A_517] : memref<10x80xi32, #tpu.memory_space<vmem>> -> memref<1x80xi32, #tpu.memory_space<vmem>>
      %dma_wait3A_519 = tpu.memref_squeeze %dma_wait3A_518 : memref<1x80xi32, #tpu.memory_space<vmem>> -> memref<80xi32, #tpu.memory_space<vmem>>
      %dma_wait3A_520 = arith.constant 0 : i32
      %dma_wait3A_521 = tpu.memref_slice %arg5[%dma_wait3A_520] : memref<6400000xi32, #tpu.memory_space<hbm>> -> memref<80xi32, #tpu.memory_space<hbm>>
      tpu.wait_dma2 semaphore(%arg21 : memref<!tpu.dma_semaphore, #tpu.memory_space<semaphore_mem>>) src(%dma_wait3A_521 : memref<80xi32, #tpu.memory_space<hbm>>) dst(%dma_wait3A_519 : memref<80xi32, #tpu.memory_space<vmem>>)
      %dma_wait3A_522 = arith.constant 8 : i32
      %dma_wait3A_523 = arith.constant 0 : i32
      %dma_wait3A_524 = tpu.memref_slice %arg15[%dma_wait3A_522, %dma_wait3A_523] : memref<10x80xi32, #tpu.memory_space<vmem>> -> memref<1x80xi32, #tpu.memory_space<vmem>>
      %dma_wait3A_525 = tpu.memref_squeeze %dma_wait3A_524 : memref<1x80xi32, #tpu.memory_space<vmem>> -> memref<80xi32, #tpu.memory_space<vmem>>
      %dma_wait3A_526 = arith.constant 0 : i32
      %dma_wait3A_527 = tpu.memref_slice %arg5[%dma_wait3A_526] : memref<6400000xi32, #tpu.memory_space<hbm>> -> memref<80xi32, #tpu.memory_space<hbm>>
      %dma_wait3A_528 = arith.constant 0 : i32
      %dma_wait3A_529 = tpu.memref_slice %arg15[%dma_wait3A_522, %dma_wait3A_528] : memref<10x80xi32, #tpu.memory_space<vmem>> -> memref<1x80xi32, #tpu.memory_space<vmem>>
      %dma_wait3A_530 = tpu.memref_squeeze %dma_wait3A_529 : memref<1x80xi32, #tpu.memory_space<vmem>> -> memref<80xi32, #tpu.memory_space<vmem>>
      %dma_wait3A_531 = arith.constant 0 : i32
      %dma_wait3A_532 = tpu.memref_slice %arg5[%dma_wait3A_531] : memref<6400000xi32, #tpu.memory_space<hbm>> -> memref<80xi32, #tpu.memory_space<hbm>>
      tpu.wait_dma2 semaphore(%arg21 : memref<!tpu.dma_semaphore, #tpu.memory_space<semaphore_mem>>) src(%dma_wait3A_532 : memref<80xi32, #tpu.memory_space<hbm>>) dst(%dma_wait3A_530 : memref<80xi32, #tpu.memory_space<vmem>>)
      %dma_wait3A_533 = arith.constant 9 : i32
      %dma_wait3A_534 = arith.constant 0 : i32
      %dma_wait3A_535 = tpu.memref_slice %arg15[%dma_wait3A_533, %dma_wait3A_534] : memref<10x80xi32, #tpu.memory_space<vmem>> -> memref<1x80xi32, #tpu.memory_space<vmem>>
      %dma_wait3A_536 = tpu.memref_squeeze %dma_wait3A_535 : memref<1x80xi32, #tpu.memory_space<vmem>> -> memref<80xi32, #tpu.memory_space<vmem>>
      %dma_wait3A_537 = arith.constant 0 : i32
      %dma_wait3A_538 = tpu.memref_slice %arg5[%dma_wait3A_537] : memref<6400000xi32, #tpu.memory_space<hbm>> -> memref<80xi32, #tpu.memory_space<hbm>>
      %dma_wait3A_539 = arith.constant 0 : i32
      %dma_wait3A_540 = tpu.memref_slice %arg15[%dma_wait3A_533, %dma_wait3A_539] : memref<10x80xi32, #tpu.memory_space<vmem>> -> memref<1x80xi32, #tpu.memory_space<vmem>>
      %dma_wait3A_541 = tpu.memref_squeeze %dma_wait3A_540 : memref<1x80xi32, #tpu.memory_space<vmem>> -> memref<80xi32, #tpu.memory_space<vmem>>
      %dma_wait3A_542 = arith.constant 0 : i32
      %dma_wait3A_543 = tpu.memref_slice %arg5[%dma_wait3A_542] : memref<6400000xi32, #tpu.memory_space<hbm>> -> memref<80xi32, #tpu.memory_space<hbm>>
      tpu.wait_dma2 semaphore(%arg21 : memref<!tpu.dma_semaphore, #tpu.memory_space<semaphore_mem>>) src(%dma_wait3A_543 : memref<80xi32, #tpu.memory_space<hbm>>) dst(%dma_wait3A_541 : memref<80xi32, #tpu.memory_space<vmem>>)
      %add3A_544 = arith.constant 1 : i32
      %add3A_545 = arith.addi %add3A_422, %add3A_544 : i32
      %lt3A = arith.constant 250 : i32
      %lt3A_546 = arith.cmpi slt, %add3A_545, %lt3A : i32
      %convert_element_type3A = arith.extui %lt3A_546 : i1 to i32
      %cond3A = arith.constant 0 : i32
      %cond3A_547 = arith.cmpi ne, %convert_element_type3A, %cond3A : i32
      scf.if %cond3A_547 {
        %add3A_1093 = arith.constant 1 : i32
        %add3A_1094 = arith.addi %add3A_422, %add3A_1093 : i32
        %mul3A_1095 = arith.constant 800 : i32
        %mul3A_1096 = arith.muli %add3A_1094, %mul3A_1095 : i32
        %add3A_1097 = arith.addi %mul3A_4, %mul3A_1096 : i32
        %dma_start3A_1098 = tpu.memref_slice %arg2[%add3A_1097] : memref<6400000xf32, #tpu.memory_space<hbm>> -> memref<800xf32, #tpu.memory_space<hbm>>
        %dma_start3A_1099 = tpu.memref_slice %arg2[%add3A_1097] : memref<6400000xf32, #tpu.memory_space<hbm>> -> memref<800xf32, #tpu.memory_space<hbm>>
        tpu.enqueue_dma source(%dma_start3A_1099 : memref<800xf32, #tpu.memory_space<hbm>>) target(%arg12 : memref<800xf32, #tpu.memory_space<vmem>>) target_semaphore(%arg22 : memref<!tpu.dma_semaphore, #tpu.memory_space<semaphore_mem>>)
        %dma_start3A_1100 = tpu.memref_slice %arg3[%add3A_1097] : memref<6400000xf32, #tpu.memory_space<hbm>> -> memref<800xf32, #tpu.memory_space<hbm>>
        %dma_start3A_1101 = tpu.memref_slice %arg3[%add3A_1097] : memref<6400000xf32, #tpu.memory_space<hbm>> -> memref<800xf32, #tpu.memory_space<hbm>>
        tpu.enqueue_dma source(%dma_start3A_1101 : memref<800xf32, #tpu.memory_space<hbm>>) target(%arg13 : memref<800xf32, #tpu.memory_space<vmem>>) target_semaphore(%arg22 : memref<!tpu.dma_semaphore, #tpu.memory_space<semaphore_mem>>)
        %dma_start3A_1102 = tpu.memref_slice %arg4[%add3A_1097] : memref<6400000xf32, #tpu.memory_space<hbm>> -> memref<800xf32, #tpu.memory_space<hbm>>
        %dma_start3A_1103 = tpu.memref_slice %arg4[%add3A_1097] : memref<6400000xf32, #tpu.memory_space<hbm>> -> memref<800xf32, #tpu.memory_space<hbm>>
        tpu.enqueue_dma source(%dma_start3A_1103 : memref<800xf32, #tpu.memory_space<hbm>>) target(%arg14 : memref<800xf32, #tpu.memory_space<vmem>>) target_semaphore(%arg22 : memref<!tpu.dma_semaphore, #tpu.memory_space<semaphore_mem>>)
        %add3A_1104 = arith.constant 0 : i32
        %add3A_1105 = arith.addi %add3A_1097, %add3A_1104 : i32
        %dma_start3A_1106 = arith.constant 0 : i32
        %dma_start3A_1107 = arith.constant 0 : i32
        %dma_start3A_1108 = tpu.memref_slice %arg16[%dma_start3A_1106, %dma_start3A_1107] : memref<10x80xi32, #tpu.memory_space<vmem>> -> memref<1x80xi32, #tpu.memory_space<vmem>>
        %dma_start3A_1109 = tpu.memref_squeeze %dma_start3A_1108 : memref<1x80xi32, #tpu.memory_space<vmem>> -> memref<80xi32, #tpu.memory_space<vmem>>
        %dma_start3A_1110 = tpu.memref_slice %arg6[%add3A_1105] : memref<6400000xi32, #tpu.memory_space<hbm>> -> memref<80xi32, #tpu.memory_space<hbm>>
        %dma_start3A_1111 = arith.constant 0 : i32
        %dma_start3A_1112 = tpu.memref_slice %arg16[%dma_start3A_1106, %dma_start3A_1111] : memref<10x80xi32, #tpu.memory_space<vmem>> -> memref<1x80xi32, #tpu.memory_space<vmem>>
        %dma_start3A_1113 = tpu.memref_squeeze %dma_start3A_1112 : memref<1x80xi32, #tpu.memory_space<vmem>> -> memref<80xi32, #tpu.memory_space<vmem>>
        %dma_start3A_1114 = tpu.memref_slice %arg6[%add3A_1105] : memref<6400000xi32, #tpu.memory_space<hbm>> -> memref<80xi32, #tpu.memory_space<hbm>>
        tpu.enqueue_dma source(%dma_start3A_1114 : memref<80xi32, #tpu.memory_space<hbm>>) target(%dma_start3A_1113 : memref<80xi32, #tpu.memory_space<vmem>>) target_semaphore(%arg22 : memref<!tpu.dma_semaphore, #tpu.memory_space<semaphore_mem>>)
        %add3A_1115 = arith.constant 80 : i32
        %add3A_1116 = arith.addi %add3A_1097, %add3A_1115 : i32
        %dma_start3A_1117 = arith.constant 1 : i32
        %dma_start3A_1118 = arith.constant 0 : i32
        %dma_start3A_1119 = tpu.memref_slice %arg16[%dma_start3A_1117, %dma_start3A_1118] : memref<10x80xi32, #tpu.memory_space<vmem>> -> memref<1x80xi32, #tpu.memory_space<vmem>>
        %dma_start3A_1120 = tpu.memref_squeeze %dma_start3A_1119 : memref<1x80xi32, #tpu.memory_space<vmem>> -> memref<80xi32, #tpu.memory_space<vmem>>
        %dma_start3A_1121 = tpu.memref_slice %arg6[%add3A_1116] : memref<6400000xi32, #tpu.memory_space<hbm>> -> memref<80xi32, #tpu.memory_space<hbm>>
        %dma_start3A_1122 = arith.constant 0 : i32
        %dma_start3A_1123 = tpu.memref_slice %arg16[%dma_start3A_1117, %dma_start3A_1122] : memref<10x80xi32, #tpu.memory_space<vmem>> -> memref<1x80xi32, #tpu.memory_space<vmem>>
        %dma_start3A_1124 = tpu.memref_squeeze %dma_start3A_1123 : memref<1x80xi32, #tpu.memory_space<vmem>> -> memref<80xi32, #tpu.memory_space<vmem>>
        %dma_start3A_1125 = tpu.memref_slice %arg6[%add3A_1116] : memref<6400000xi32, #tpu.memory_space<hbm>> -> memref<80xi32, #tpu.memory_space<hbm>>
        tpu.enqueue_dma source(%dma_start3A_1125 : memref<80xi32, #tpu.memory_space<hbm>>) target(%dma_start3A_1124 : memref<80xi32, #tpu.memory_space<vmem>>) target_semaphore(%arg22 : memref<!tpu.dma_semaphore, #tpu.memory_space<semaphore_mem>>)
        %add3A_1126 = arith.constant 160 : i32
        %add3A_1127 = arith.addi %add3A_1097, %add3A_1126 : i32
        %dma_start3A_1128 = arith.constant 2 : i32
        %dma_start3A_1129 = arith.constant 0 : i32
        %dma_start3A_1130 = tpu.memref_slice %arg16[%dma_start3A_1128, %dma_start3A_1129] : memref<10x80xi32, #tpu.memory_space<vmem>> -> memref<1x80xi32, #tpu.memory_space<vmem>>
        %dma_start3A_1131 = tpu.memref_squeeze %dma_start3A_1130 : memref<1x80xi32, #tpu.memory_space<vmem>> -> memref<80xi32, #tpu.memory_space<vmem>>
        %dma_start3A_1132 = tpu.memref_slice %arg6[%add3A_1127] : memref<6400000xi32, #tpu.memory_space<hbm>> -> memref<80xi32, #tpu.memory_space<hbm>>
        %dma_start3A_1133 = arith.constant 0 : i32
        %dma_start3A_1134 = tpu.memref_slice %arg16[%dma_start3A_1128, %dma_start3A_1133] : memref<10x80xi32, #tpu.memory_space<vmem>> -> memref<1x80xi32, #tpu.memory_space<vmem>>
        %dma_start3A_1135 = tpu.memref_squeeze %dma_start3A_1134 : memref<1x80xi32, #tpu.memory_space<vmem>> -> memref<80xi32, #tpu.memory_space<vmem>>
        %dma_start3A_1136 = tpu.memref_slice %arg6[%add3A_1127] : memref<6400000xi32, #tpu.memory_space<hbm>> -> memref<80xi32, #tpu.memory_space<hbm>>
        tpu.enqueue_dma source(%dma_start3A_1136 : memref<80xi32, #tpu.memory_space<hbm>>) target(%dma_start3A_1135 : memref<80xi32, #tpu.memory_space<vmem>>) target_semaphore(%arg22 : memref<!tpu.dma_semaphore, #tpu.memory_space<semaphore_mem>>)
        %add3A_1137 = arith.constant 240 : i32
        %add3A_1138 = arith.addi %add3A_1097, %add3A_1137 : i32
        %dma_start3A_1139 = arith.constant 3 : i32
        %dma_start3A_1140 = arith.constant 0 : i32
        %dma_start3A_1141 = tpu.memref_slice %arg16[%dma_start3A_1139, %dma_start3A_1140] : memref<10x80xi32, #tpu.memory_space<vmem>> -> memref<1x80xi32, #tpu.memory_space<vmem>>
        %dma_start3A_1142 = tpu.memref_squeeze %dma_start3A_1141 : memref<1x80xi32, #tpu.memory_space<vmem>> -> memref<80xi32, #tpu.memory_space<vmem>>
        %dma_start3A_1143 = tpu.memref_slice %arg6[%add3A_1138] : memref<6400000xi32, #tpu.memory_space<hbm>> -> memref<80xi32, #tpu.memory_space<hbm>>
        %dma_start3A_1144 = arith.constant 0 : i32
        %dma_start3A_1145 = tpu.memref_slice %arg16[%dma_start3A_1139, %dma_start3A_1144] : memref<10x80xi32, #tpu.memory_space<vmem>> -> memref<1x80xi32, #tpu.memory_space<vmem>>
        %dma_start3A_1146 = tpu.memref_squeeze %dma_start3A_1145 : memref<1x80xi32, #tpu.memory_space<vmem>> -> memref<80xi32, #tpu.memory_space<vmem>>
        %dma_start3A_1147 = tpu.memref_slice %arg6[%add3A_1138] : memref<6400000xi32, #tpu.memory_space<hbm>> -> memref<80xi32, #tpu.memory_space<hbm>>
        tpu.enqueue_dma source(%dma_start3A_1147 : memref<80xi32, #tpu.memory_space<hbm>>) target(%dma_start3A_1146 : memref<80xi32, #tpu.memory_space<vmem>>) target_semaphore(%arg22 : memref<!tpu.dma_semaphore, #tpu.memory_space<semaphore_mem>>)
        %add3A_1148 = arith.constant 320 : i32
        %add3A_1149 = arith.addi %add3A_1097, %add3A_1148 : i32
        %dma_start3A_1150 = arith.constant 4 : i32
        %dma_start3A_1151 = arith.constant 0 : i32
        %dma_start3A_1152 = tpu.memref_slice %arg16[%dma_start3A_1150, %dma_start3A_1151] : memref<10x80xi32, #tpu.memory_space<vmem>> -> memref<1x80xi32, #tpu.memory_space<vmem>>
        %dma_start3A_1153 = tpu.memref_squeeze %dma_start3A_1152 : memref<1x80xi32, #tpu.memory_space<vmem>> -> memref<80xi32, #tpu.memory_space<vmem>>
        %dma_start3A_1154 = tpu.memref_slice %arg6[%add3A_1149] : memref<6400000xi32, #tpu.memory_space<hbm>> -> memref<80xi32, #tpu.memory_space<hbm>>
        %dma_start3A_1155 = arith.constant 0 : i32
        %dma_start3A_1156 = tpu.memref_slice %arg16[%dma_start3A_1150, %dma_start3A_1155] : memref<10x80xi32, #tpu.memory_space<vmem>> -> memref<1x80xi32, #tpu.memory_space<vmem>>
        %dma_start3A_1157 = tpu.memref_squeeze %dma_start3A_1156 : memref<1x80xi32, #tpu.memory_space<vmem>> -> memref<80xi32, #tpu.memory_space<vmem>>
        %dma_start3A_1158 = tpu.memref_slice %arg6[%add3A_1149] : memref<6400000xi32, #tpu.memory_space<hbm>> -> memref<80xi32, #tpu.memory_space<hbm>>
        tpu.enqueue_dma source(%dma_start3A_1158 : memref<80xi32, #tpu.memory_space<hbm>>) target(%dma_start3A_1157 : memref<80xi32, #tpu.memory_space<vmem>>) target_semaphore(%arg22 : memref<!tpu.dma_semaphore, #tpu.memory_space<semaphore_mem>>)
        %add3A_1159 = arith.constant 400 : i32
        %add3A_1160 = arith.addi %add3A_1097, %add3A_1159 : i32
        %dma_start3A_1161 = arith.constant 5 : i32
        %dma_start3A_1162 = arith.constant 0 : i32
        %dma_start3A_1163 = tpu.memref_slice %arg16[%dma_start3A_1161, %dma_start3A_1162] : memref<10x80xi32, #tpu.memory_space<vmem>> -> memref<1x80xi32, #tpu.memory_space<vmem>>
        %dma_start3A_1164 = tpu.memref_squeeze %dma_start3A_1163 : memref<1x80xi32, #tpu.memory_space<vmem>> -> memref<80xi32, #tpu.memory_space<vmem>>
        %dma_start3A_1165 = tpu.memref_slice %arg6[%add3A_1160] : memref<6400000xi32, #tpu.memory_space<hbm>> -> memref<80xi32, #tpu.memory_space<hbm>>
        %dma_start3A_1166 = arith.constant 0 : i32
        %dma_start3A_1167 = tpu.memref_slice %arg16[%dma_start3A_1161, %dma_start3A_1166] : memref<10x80xi32, #tpu.memory_space<vmem>> -> memref<1x80xi32, #tpu.memory_space<vmem>>
        %dma_start3A_1168 = tpu.memref_squeeze %dma_start3A_1167 : memref<1x80xi32, #tpu.memory_space<vmem>> -> memref<80xi32, #tpu.memory_space<vmem>>
        %dma_start3A_1169 = tpu.memref_slice %arg6[%add3A_1160] : memref<6400000xi32, #tpu.memory_space<hbm>> -> memref<80xi32, #tpu.memory_space<hbm>>
        tpu.enqueue_dma source(%dma_start3A_1169 : memref<80xi32, #tpu.memory_space<hbm>>) target(%dma_start3A_1168 : memref<80xi32, #tpu.memory_space<vmem>>) target_semaphore(%arg22 : memref<!tpu.dma_semaphore, #tpu.memory_space<semaphore_mem>>)
        %add3A_1170 = arith.constant 480 : i32
        %add3A_1171 = arith.addi %add3A_1097, %add3A_1170 : i32
        %dma_start3A_1172 = arith.constant 6 : i32
        %dma_start3A_1173 = arith.constant 0 : i32
        %dma_start3A_1174 = tpu.memref_slice %arg16[%dma_start3A_1172, %dma_start3A_1173] : memref<10x80xi32, #tpu.memory_space<vmem>> -> memref<1x80xi32, #tpu.memory_space<vmem>>
        %dma_start3A_1175 = tpu.memref_squeeze %dma_start3A_1174 : memref<1x80xi32, #tpu.memory_space<vmem>> -> memref<80xi32, #tpu.memory_space<vmem>>
        %dma_start3A_1176 = tpu.memref_slice %arg6[%add3A_1171] : memref<6400000xi32, #tpu.memory_space<hbm>> -> memref<80xi32, #tpu.memory_space<hbm>>
        %dma_start3A_1177 = arith.constant 0 : i32
        %dma_start3A_1178 = tpu.memref_slice %arg16[%dma_start3A_1172, %dma_start3A_1177] : memref<10x80xi32, #tpu.memory_space<vmem>> -> memref<1x80xi32, #tpu.memory_space<vmem>>
        %dma_start3A_1179 = tpu.memref_squeeze %dma_start3A_1178 : memref<1x80xi32, #tpu.memory_space<vmem>> -> memref<80xi32, #tpu.memory_space<vmem>>
        %dma_start3A_1180 = tpu.memref_slice %arg6[%add3A_1171] : memref<6400000xi32, #tpu.memory_space<hbm>> -> memref<80xi32, #tpu.memory_space<hbm>>
        tpu.enqueue_dma source(%dma_start3A_1180 : memref<80xi32, #tpu.memory_space<hbm>>) target(%dma_start3A_1179 : memref<80xi32, #tpu.memory_space<vmem>>) target_semaphore(%arg22 : memref<!tpu.dma_semaphore, #tpu.memory_space<semaphore_mem>>)
        %add3A_1181 = arith.constant 560 : i32
        %add3A_1182 = arith.addi %add3A_1097, %add3A_1181 : i32
        %dma_start3A_1183 = arith.constant 7 : i32
        %dma_start3A_1184 = arith.constant 0 : i32
        %dma_start3A_1185 = tpu.memref_slice %arg16[%dma_start3A_1183, %dma_start3A_1184] : memref<10x80xi32, #tpu.memory_space<vmem>> -> memref<1x80xi32, #tpu.memory_space<vmem>>
        %dma_start3A_1186 = tpu.memref_squeeze %dma_start3A_1185 : memref<1x80xi32, #tpu.memory_space<vmem>> -> memref<80xi32, #tpu.memory_space<vmem>>
        %dma_start3A_1187 = tpu.memref_slice %arg6[%add3A_1182] : memref<6400000xi32, #tpu.memory_space<hbm>> -> memref<80xi32, #tpu.memory_space<hbm>>
        %dma_start3A_1188 = arith.constant 0 : i32
        %dma_start3A_1189 = tpu.memref_slice %arg16[%dma_start3A_1183, %dma_start3A_1188] : memref<10x80xi32, #tpu.memory_space<vmem>> -> memref<1x80xi32, #tpu.memory_space<vmem>>
        %dma_start3A_1190 = tpu.memref_squeeze %dma_start3A_1189 : memref<1x80xi32, #tpu.memory_space<vmem>> -> memref<80xi32, #tpu.memory_space<vmem>>
        %dma_start3A_1191 = tpu.memref_slice %arg6[%add3A_1182] : memref<6400000xi32, #tpu.memory_space<hbm>> -> memref<80xi32, #tpu.memory_space<hbm>>
        tpu.enqueue_dma source(%dma_start3A_1191 : memref<80xi32, #tpu.memory_space<hbm>>) target(%dma_start3A_1190 : memref<80xi32, #tpu.memory_space<vmem>>) target_semaphore(%arg22 : memref<!tpu.dma_semaphore, #tpu.memory_space<semaphore_mem>>)
        %add3A_1192 = arith.constant 640 : i32
        %add3A_1193 = arith.addi %add3A_1097, %add3A_1192 : i32
        %dma_start3A_1194 = arith.constant 8 : i32
        %dma_start3A_1195 = arith.constant 0 : i32
        %dma_start3A_1196 = tpu.memref_slice %arg16[%dma_start3A_1194, %dma_start3A_1195] : memref<10x80xi32, #tpu.memory_space<vmem>> -> memref<1x80xi32, #tpu.memory_space<vmem>>
        %dma_start3A_1197 = tpu.memref_squeeze %dma_start3A_1196 : memref<1x80xi32, #tpu.memory_space<vmem>> -> memref<80xi32, #tpu.memory_space<vmem>>
        %dma_start3A_1198 = tpu.memref_slice %arg6[%add3A_1193] : memref<6400000xi32, #tpu.memory_space<hbm>> -> memref<80xi32, #tpu.memory_space<hbm>>
        %dma_start3A_1199 = arith.constant 0 : i32
        %dma_start3A_1200 = tpu.memref_slice %arg16[%dma_start3A_1194, %dma_start3A_1199] : memref<10x80xi32, #tpu.memory_space<vmem>> -> memref<1x80xi32, #tpu.memory_space<vmem>>
        %dma_start3A_1201 = tpu.memref_squeeze %dma_start3A_1200 : memref<1x80xi32, #tpu.memory_space<vmem>> -> memref<80xi32, #tpu.memory_space<vmem>>
        %dma_start3A_1202 = tpu.memref_slice %arg6[%add3A_1193] : memref<6400000xi32, #tpu.memory_space<hbm>> -> memref<80xi32, #tpu.memory_space<hbm>>
        tpu.enqueue_dma source(%dma_start3A_1202 : memref<80xi32, #tpu.memory_space<hbm>>) target(%dma_start3A_1201 : memref<80xi32, #tpu.memory_space<vmem>>) target_semaphore(%arg22 : memref<!tpu.dma_semaphore, #tpu.memory_space<semaphore_mem>>)
        %add3A_1203 = arith.constant 720 : i32
        %add3A_1204 = arith.addi %add3A_1097, %add3A_1203 : i32
        %dma_start3A_1205 = arith.constant 9 : i32
        %dma_start3A_1206 = arith.constant 0 : i32
        %dma_start3A_1207 = tpu.memref_slice %arg16[%dma_start3A_1205, %dma_start3A_1206] : memref<10x80xi32, #tpu.memory_space<vmem>> -> memref<1x80xi32, #tpu.memory_space<vmem>>
        %dma_start3A_1208 = tpu.memref_squeeze %dma_start3A_1207 : memref<1x80xi32, #tpu.memory_space<vmem>> -> memref<80xi32, #tpu.memory_space<vmem>>
        %dma_start3A_1209 = tpu.memref_slice %arg6[%add3A_1204] : memref<6400000xi32, #tpu.memory_space<hbm>> -> memref<80xi32, #tpu.memory_space<hbm>>
        %dma_start3A_1210 = arith.constant 0 : i32
        %dma_start3A_1211 = tpu.memref_slice %arg16[%dma_start3A_1205, %dma_start3A_1210] : memref<10x80xi32, #tpu.memory_space<vmem>> -> memref<1x80xi32, #tpu.memory_space<vmem>>
        %dma_start3A_1212 = tpu.memref_squeeze %dma_start3A_1211 : memref<1x80xi32, #tpu.memory_space<vmem>> -> memref<80xi32, #tpu.memory_space<vmem>>
        %dma_start3A_1213 = tpu.memref_slice %arg6[%add3A_1204] : memref<6400000xi32, #tpu.memory_space<hbm>> -> memref<80xi32, #tpu.memory_space<hbm>>
        tpu.enqueue_dma source(%dma_start3A_1213 : memref<80xi32, #tpu.memory_space<hbm>>) target(%dma_start3A_1212 : memref<80xi32, #tpu.memory_space<vmem>>) target_semaphore(%arg22 : memref<!tpu.dma_semaphore, #tpu.memory_space<semaphore_mem>>)
      } else {
      }
      %scan3A_548 = arith.constant 0 : i32
      %scan3A_549 = arith.constant 0 : i32
      %scan3A_550 = arith.constant 50 : i32
      %scan3A_551 = arith.addi %scan3A_549, %scan3A_550 : i32
      %scan3A_552 = arith.constant 1 : i32
      scf.for %scan3A_1093 = %scan3A_549 to %scan3A_551 step %scan3A_552  : i32 {
        %mul3A_1094 = arith.constant 16 : i32
        %mul3A_1095 = arith.muli %scan3A_1093, %mul3A_1094 : i32
        %add3A_1096 = vector.broadcast %mul3A_1095 : i32 to vector<16xi32>
        %add3A_1097 = arith.addi %iota3A, %add3A_1096 : vector<16xi32>
        %get3A = arith.index_cast %mul3A_1095 : i32 to index
        %get3A_1098 = tpu.vector_load %arg9[%get3A] {strides = array<i32>} : memref<800xf32, #tpu.memory_space<vmem>>, vector<16xf32>,
        tpu.vector_store_idx %arg17[%add3A_1097, %add3A_10], %get3A_1098 : memref<800x8xf32, #tpu.memory_space<vmem>>[vector<16xi32>, vector<16xi32>], vector<16xf32>,
        %get3A_1099 = arith.index_cast %mul3A_1095 : i32 to index
        %get3A_1100 = tpu.vector_load %arg10[%get3A_1099] {strides = array<i32>} : memref<800xf32, #tpu.memory_space<vmem>>, vector<16xf32>,
        tpu.vector_store_idx %arg17[%add3A_1097, %add3A_16], %get3A_1100 : memref<800x8xf32, #tpu.memory_space<vmem>>[vector<16xi32>, vector<16xi32>], vector<16xf32>,
        %get3A_1101 = arith.index_cast %mul3A_1095 : i32 to index
        %get3A_1102 = tpu.vector_load %arg11[%get3A_1101] {strides = array<i32>} : memref<800xf32, #tpu.memory_space<vmem>>, vector<16xf32>,
        tpu.vector_store_idx %arg17[%add3A_1097, %add3A_22], %get3A_1102 : memref<800x8xf32, #tpu.memory_space<vmem>>[vector<16xi32>, vector<16xi32>], vector<16xf32>,
      }
      %scan3A_553 = arith.constant 50 : i32
      %dma_start3A_554 = arith.constant 0 : i32
      %dma_start3A_555 = arith.constant 0 : i32
      %dma_start3A_556 = arith.constant 0 : i32
      %dma_start3A_557 = tpu.memref_slice %arg17[%dma_start3A_555, %dma_start3A_556] : memref<800x8xf32, #tpu.memory_space<vmem>> -> memref<80x8xf32, #tpu.memory_space<vmem>>
      %dma_start3A_558 = arith.constant 0 : i32
      %dma_start3A_559 = tpu.memref_slice %arg15[%dma_start3A_554, %dma_start3A_558] : memref<10x80xi32, #tpu.memory_space<vmem>> -> memref<1x80xi32, #tpu.memory_space<vmem>>
      %dma_start3A_560 = tpu.memref_squeeze %dma_start3A_559 : memref<1x80xi32, #tpu.memory_space<vmem>> -> memref<80xi32, #tpu.memory_space<vmem>>
      %dma_start3A_561 = arith.constant 0 : i32
      %dma_start3A_562 = arith.constant 0 : i32
      %dma_start3A_563 = tpu.memref_slice %arg20[%dma_start3A_561, %dma_start3A_562] : memref<100096x8xf32, #tpu.memory_space<vmem_shared>> -> memref<100096x8xf32, #tpu.memory_space<vmem_shared>>
      tpu.enqueue_indirect_dma source(%dma_start3A_557 : memref<80x8xf32, #tpu.memory_space<vmem>>) target(%dma_start3A_563 : memref<100096x8xf32, #tpu.memory_space<vmem_shared>>) offsets(%dma_start3A_560 : memref<80xi32, #tpu.memory_space<vmem>>) semaphore(%arg23 : memref<!tpu.dma_semaphore, #tpu.memory_space<semaphore_mem>>) {add = true}
      %dma_start3A_564 = arith.constant 1 : i32
      %dma_start3A_565 = arith.constant 80 : i32
      %dma_start3A_566 = arith.constant 0 : i32
      %dma_start3A_567 = tpu.memref_slice %arg17[%dma_start3A_565, %dma_start3A_566] : memref<800x8xf32, #tpu.memory_space<vmem>> -> memref<80x8xf32, #tpu.memory_space<vmem>>
      %dma_start3A_568 = arith.constant 0 : i32
      %dma_start3A_569 = tpu.memref_slice %arg15[%dma_start3A_564, %dma_start3A_568] : memref<10x80xi32, #tpu.memory_space<vmem>> -> memref<1x80xi32, #tpu.memory_space<vmem>>
      %dma_start3A_570 = tpu.memref_squeeze %dma_start3A_569 : memref<1x80xi32, #tpu.memory_space<vmem>> -> memref<80xi32, #tpu.memory_space<vmem>>
      %dma_start3A_571 = arith.constant 0 : i32
      %dma_start3A_572 = arith.constant 0 : i32
      %dma_start3A_573 = tpu.memref_slice %arg20[%dma_start3A_571, %dma_start3A_572] : memref<100096x8xf32, #tpu.memory_space<vmem_shared>> -> memref<100096x8xf32, #tpu.memory_space<vmem_shared>>
      tpu.enqueue_indirect_dma source(%dma_start3A_567 : memref<80x8xf32, #tpu.memory_space<vmem>>) target(%dma_start3A_573 : memref<100096x8xf32, #tpu.memory_space<vmem_shared>>) offsets(%dma_start3A_570 : memref<80xi32, #tpu.memory_space<vmem>>) semaphore(%arg23 : memref<!tpu.dma_semaphore, #tpu.memory_space<semaphore_mem>>) {add = true}
      %dma_start3A_574 = arith.constant 2 : i32
      %dma_start3A_575 = arith.constant 160 : i32
      %dma_start3A_576 = arith.constant 0 : i32
      %dma_start3A_577 = tpu.memref_slice %arg17[%dma_start3A_575, %dma_start3A_576] : memref<800x8xf32, #tpu.memory_space<vmem>> -> memref<80x8xf32, #tpu.memory_space<vmem>>
      %dma_start3A_578 = arith.constant 0 : i32
      %dma_start3A_579 = tpu.memref_slice %arg15[%dma_start3A_574, %dma_start3A_578] : memref<10x80xi32, #tpu.memory_space<vmem>> -> memref<1x80xi32, #tpu.memory_space<vmem>>
      %dma_start3A_580 = tpu.memref_squeeze %dma_start3A_579 : memref<1x80xi32, #tpu.memory_space<vmem>> -> memref<80xi32, #tpu.memory_space<vmem>>
      %dma_start3A_581 = arith.constant 0 : i32
      %dma_start3A_582 = arith.constant 0 : i32
      %dma_start3A_583 = tpu.memref_slice %arg20[%dma_start3A_581, %dma_start3A_582] : memref<100096x8xf32, #tpu.memory_space<vmem_shared>> -> memref<100096x8xf32, #tpu.memory_space<vmem_shared>>
      tpu.enqueue_indirect_dma source(%dma_start3A_577 : memref<80x8xf32, #tpu.memory_space<vmem>>) target(%dma_start3A_583 : memref<100096x8xf32, #tpu.memory_space<vmem_shared>>) offsets(%dma_start3A_580 : memref<80xi32, #tpu.memory_space<vmem>>) semaphore(%arg23 : memref<!tpu.dma_semaphore, #tpu.memory_space<semaphore_mem>>) {add = true}
      %dma_start3A_584 = arith.constant 3 : i32
      %dma_start3A_585 = arith.constant 240 : i32
      %dma_start3A_586 = arith.constant 0 : i32
      %dma_start3A_587 = tpu.memref_slice %arg17[%dma_start3A_585, %dma_start3A_586] : memref<800x8xf32, #tpu.memory_space<vmem>> -> memref<80x8xf32, #tpu.memory_space<vmem>>
      %dma_start3A_588 = arith.constant 0 : i32
      %dma_start3A_589 = tpu.memref_slice %arg15[%dma_start3A_584, %dma_start3A_588] : memref<10x80xi32, #tpu.memory_space<vmem>> -> memref<1x80xi32, #tpu.memory_space<vmem>>
      %dma_start3A_590 = tpu.memref_squeeze %dma_start3A_589 : memref<1x80xi32, #tpu.memory_space<vmem>> -> memref<80xi32, #tpu.memory_space<vmem>>
      %dma_start3A_591 = arith.constant 0 : i32
      %dma_start3A_592 = arith.constant 0 : i32
      %dma_start3A_593 = tpu.memref_slice %arg20[%dma_start3A_591, %dma_start3A_592] : memref<100096x8xf32, #tpu.memory_space<vmem_shared>> -> memref<100096x8xf32, #tpu.memory_space<vmem_shared>>
      tpu.enqueue_indirect_dma source(%dma_start3A_587 : memref<80x8xf32, #tpu.memory_space<vmem>>) target(%dma_start3A_593 : memref<100096x8xf32, #tpu.memory_space<vmem_shared>>) offsets(%dma_start3A_590 : memref<80xi32, #tpu.memory_space<vmem>>) semaphore(%arg23 : memref<!tpu.dma_semaphore, #tpu.memory_space<semaphore_mem>>) {add = true}
      %dma_start3A_594 = arith.constant 4 : i32
      %dma_start3A_595 = arith.constant 320 : i32
      %dma_start3A_596 = arith.constant 0 : i32
      %dma_start3A_597 = tpu.memref_slice %arg17[%dma_start3A_595, %dma_start3A_596] : memref<800x8xf32, #tpu.memory_space<vmem>> -> memref<80x8xf32, #tpu.memory_space<vmem>>
      %dma_start3A_598 = arith.constant 0 : i32
      %dma_start3A_599 = tpu.memref_slice %arg15[%dma_start3A_594, %dma_start3A_598] : memref<10x80xi32, #tpu.memory_space<vmem>> -> memref<1x80xi32, #tpu.memory_space<vmem>>
      %dma_start3A_600 = tpu.memref_squeeze %dma_start3A_599 : memref<1x80xi32, #tpu.memory_space<vmem>> -> memref<80xi32, #tpu.memory_space<vmem>>
      %dma_start3A_601 = arith.constant 0 : i32
      %dma_start3A_602 = arith.constant 0 : i32
      %dma_start3A_603 = tpu.memref_slice %arg20[%dma_start3A_601, %dma_start3A_602] : memref<100096x8xf32, #tpu.memory_space<vmem_shared>> -> memref<100096x8xf32, #tpu.memory_space<vmem_shared>>
      tpu.enqueue_indirect_dma source(%dma_start3A_597 : memref<80x8xf32, #tpu.memory_space<vmem>>) target(%dma_start3A_603 : memref<100096x8xf32, #tpu.memory_space<vmem_shared>>) offsets(%dma_start3A_600 : memref<80xi32, #tpu.memory_space<vmem>>) semaphore(%arg23 : memref<!tpu.dma_semaphore, #tpu.memory_space<semaphore_mem>>) {add = true}
      %dma_start3A_604 = arith.constant 5 : i32
      %dma_start3A_605 = arith.constant 400 : i32
      %dma_start3A_606 = arith.constant 0 : i32
      %dma_start3A_607 = tpu.memref_slice %arg17[%dma_start3A_605, %dma_start3A_606] : memref<800x8xf32, #tpu.memory_space<vmem>> -> memref<80x8xf32, #tpu.memory_space<vmem>>
      %dma_start3A_608 = arith.constant 0 : i32
      %dma_start3A_609 = tpu.memref_slice %arg15[%dma_start3A_604, %dma_start3A_608] : memref<10x80xi32, #tpu.memory_space<vmem>> -> memref<1x80xi32, #tpu.memory_space<vmem>>
      %dma_start3A_610 = tpu.memref_squeeze %dma_start3A_609 : memref<1x80xi32, #tpu.memory_space<vmem>> -> memref<80xi32, #tpu.memory_space<vmem>>
      %dma_start3A_611 = arith.constant 0 : i32
      %dma_start3A_612 = arith.constant 0 : i32
      %dma_start3A_613 = tpu.memref_slice %arg20[%dma_start3A_611, %dma_start3A_612] : memref<100096x8xf32, #tpu.memory_space<vmem_shared>> -> memref<100096x8xf32, #tpu.memory_space<vmem_shared>>
      tpu.enqueue_indirect_dma source(%dma_start3A_607 : memref<80x8xf32, #tpu.memory_space<vmem>>) target(%dma_start3A_613 : memref<100096x8xf32, #tpu.memory_space<vmem_shared>>) offsets(%dma_start3A_610 : memref<80xi32, #tpu.memory_space<vmem>>) semaphore(%arg23 : memref<!tpu.dma_semaphore, #tpu.memory_space<semaphore_mem>>) {add = true}
      %dma_start3A_614 = arith.constant 6 : i32
      %dma_start3A_615 = arith.constant 480 : i32
      %dma_start3A_616 = arith.constant 0 : i32
      %dma_start3A_617 = tpu.memref_slice %arg17[%dma_start3A_615, %dma_start3A_616] : memref<800x8xf32, #tpu.memory_space<vmem>> -> memref<80x8xf32, #tpu.memory_space<vmem>>
      %dma_start3A_618 = arith.constant 0 : i32
      %dma_start3A_619 = tpu.memref_slice %arg15[%dma_start3A_614, %dma_start3A_618] : memref<10x80xi32, #tpu.memory_space<vmem>> -> memref<1x80xi32, #tpu.memory_space<vmem>>
      %dma_start3A_620 = tpu.memref_squeeze %dma_start3A_619 : memref<1x80xi32, #tpu.memory_space<vmem>> -> memref<80xi32, #tpu.memory_space<vmem>>
      %dma_start3A_621 = arith.constant 0 : i32
      %dma_start3A_622 = arith.constant 0 : i32
      %dma_start3A_623 = tpu.memref_slice %arg20[%dma_start3A_621, %dma_start3A_622] : memref<100096x8xf32, #tpu.memory_space<vmem_shared>> -> memref<100096x8xf32, #tpu.memory_space<vmem_shared>>
      tpu.enqueue_indirect_dma source(%dma_start3A_617 : memref<80x8xf32, #tpu.memory_space<vmem>>) target(%dma_start3A_623 : memref<100096x8xf32, #tpu.memory_space<vmem_shared>>) offsets(%dma_start3A_620 : memref<80xi32, #tpu.memory_space<vmem>>) semaphore(%arg23 : memref<!tpu.dma_semaphore, #tpu.memory_space<semaphore_mem>>) {add = true}
      %dma_start3A_624 = arith.constant 7 : i32
      %dma_start3A_625 = arith.constant 560 : i32
      %dma_start3A_626 = arith.constant 0 : i32
      %dma_start3A_627 = tpu.memref_slice %arg17[%dma_start3A_625, %dma_start3A_626] : memref<800x8xf32, #tpu.memory_space<vmem>> -> memref<80x8xf32, #tpu.memory_space<vmem>>
      %dma_start3A_628 = arith.constant 0 : i32
      %dma_start3A_629 = tpu.memref_slice %arg15[%dma_start3A_624, %dma_start3A_628] : memref<10x80xi32, #tpu.memory_space<vmem>> -> memref<1x80xi32, #tpu.memory_space<vmem>>
      %dma_start3A_630 = tpu.memref_squeeze %dma_start3A_629 : memref<1x80xi32, #tpu.memory_space<vmem>> -> memref<80xi32, #tpu.memory_space<vmem>>
      %dma_start3A_631 = arith.constant 0 : i32
      %dma_start3A_632 = arith.constant 0 : i32
      %dma_start3A_633 = tpu.memref_slice %arg20[%dma_start3A_631, %dma_start3A_632] : memref<100096x8xf32, #tpu.memory_space<vmem_shared>> -> memref<100096x8xf32, #tpu.memory_space<vmem_shared>>
      tpu.enqueue_indirect_dma source(%dma_start3A_627 : memref<80x8xf32, #tpu.memory_space<vmem>>) target(%dma_start3A_633 : memref<100096x8xf32, #tpu.memory_space<vmem_shared>>) offsets(%dma_start3A_630 : memref<80xi32, #tpu.memory_space<vmem>>) semaphore(%arg23 : memref<!tpu.dma_semaphore, #tpu.memory_space<semaphore_mem>>) {add = true}
      %dma_start3A_634 = arith.constant 8 : i32
      %dma_start3A_635 = arith.constant 640 : i32
      %dma_start3A_636 = arith.constant 0 : i32
      %dma_start3A_637 = tpu.memref_slice %arg17[%dma_start3A_635, %dma_start3A_636] : memref<800x8xf32, #tpu.memory_space<vmem>> -> memref<80x8xf32, #tpu.memory_space<vmem>>
      %dma_start3A_638 = arith.constant 0 : i32
      %dma_start3A_639 = tpu.memref_slice %arg15[%dma_start3A_634, %dma_start3A_638] : memref<10x80xi32, #tpu.memory_space<vmem>> -> memref<1x80xi32, #tpu.memory_space<vmem>>
      %dma_start3A_640 = tpu.memref_squeeze %dma_start3A_639 : memref<1x80xi32, #tpu.memory_space<vmem>> -> memref<80xi32, #tpu.memory_space<vmem>>
      %dma_start3A_641 = arith.constant 0 : i32
      %dma_start3A_642 = arith.constant 0 : i32
      %dma_start3A_643 = tpu.memref_slice %arg20[%dma_start3A_641, %dma_start3A_642] : memref<100096x8xf32, #tpu.memory_space<vmem_shared>> -> memref<100096x8xf32, #tpu.memory_space<vmem_shared>>
      tpu.enqueue_indirect_dma source(%dma_start3A_637 : memref<80x8xf32, #tpu.memory_space<vmem>>) target(%dma_start3A_643 : memref<100096x8xf32, #tpu.memory_space<vmem_shared>>) offsets(%dma_start3A_640 : memref<80xi32, #tpu.memory_space<vmem>>) semaphore(%arg23 : memref<!tpu.dma_semaphore, #tpu.memory_space<semaphore_mem>>) {add = true}
      %dma_start3A_644 = arith.constant 9 : i32
      %dma_start3A_645 = arith.constant 720 : i32
      %dma_start3A_646 = arith.constant 0 : i32
      %dma_start3A_647 = tpu.memref_slice %arg17[%dma_start3A_645, %dma_start3A_646] : memref<800x8xf32, #tpu.memory_space<vmem>> -> memref<80x8xf32, #tpu.memory_space<vmem>>
      %dma_start3A_648 = arith.constant 0 : i32
      %dma_start3A_649 = tpu.memref_slice %arg15[%dma_start3A_644, %dma_start3A_648] : memref<10x80xi32, #tpu.memory_space<vmem>> -> memref<1x80xi32, #tpu.memory_space<vmem>>
      %dma_start3A_650 = tpu.memref_squeeze %dma_start3A_649 : memref<1x80xi32, #tpu.memory_space<vmem>> -> memref<80xi32, #tpu.memory_space<vmem>>
      %dma_start3A_651 = arith.constant 0 : i32
      %dma_start3A_652 = arith.constant 0 : i32
      %dma_start3A_653 = tpu.memref_slice %arg20[%dma_start3A_651, %dma_start3A_652] : memref<100096x8xf32, #tpu.memory_space<vmem_shared>> -> memref<100096x8xf32, #tpu.memory_space<vmem_shared>>
      tpu.enqueue_indirect_dma source(%dma_start3A_647 : memref<80x8xf32, #tpu.memory_space<vmem>>) target(%dma_start3A_653 : memref<100096x8xf32, #tpu.memory_space<vmem_shared>>) offsets(%dma_start3A_650 : memref<80xi32, #tpu.memory_space<vmem>>) semaphore(%arg23 : memref<!tpu.dma_semaphore, #tpu.memory_space<semaphore_mem>>) {add = true}
      %dma_wait3A_654 = arith.constant 0 : i32
      %dma_wait3A_655 = arith.constant 0 : i32
      %dma_wait3A_656 = arith.constant 0 : i32
      %dma_wait3A_657 = tpu.memref_slice %arg17[%dma_wait3A_655, %dma_wait3A_656] : memref<800x8xf32, #tpu.memory_space<vmem>> -> memref<80x8xf32, #tpu.memory_space<vmem>>
      %dma_wait3A_658 = arith.constant 0 : i32
      %dma_wait3A_659 = tpu.memref_slice %arg15[%dma_wait3A_654, %dma_wait3A_658] : memref<10x80xi32, #tpu.memory_space<vmem>> -> memref<1x80xi32, #tpu.memory_space<vmem>>
      %dma_wait3A_660 = tpu.memref_squeeze %dma_wait3A_659 : memref<1x80xi32, #tpu.memory_space<vmem>> -> memref<80xi32, #tpu.memory_space<vmem>>
      %dma_wait3A_661 = arith.constant 0 : i32
      %dma_wait3A_662 = arith.constant 0 : i32
      %dma_wait3A_663 = tpu.memref_slice %arg20[%dma_wait3A_661, %dma_wait3A_662] : memref<100096x8xf32, #tpu.memory_space<vmem_shared>> -> memref<100096x8xf32, #tpu.memory_space<vmem_shared>>
      tpu.wait_indirect_dma semaphore(%arg23 : memref<!tpu.dma_semaphore, #tpu.memory_space<semaphore_mem>>) src(%dma_wait3A_657 : memref<80x8xf32, #tpu.memory_space<vmem>>) dst(%dma_wait3A_663 : memref<100096x8xf32, #tpu.memory_space<vmem_shared>>)
      %dma_wait3A_664 = arith.constant 1 : i32
      %dma_wait3A_665 = arith.constant 80 : i32
      %dma_wait3A_666 = arith.constant 0 : i32
      %dma_wait3A_667 = tpu.memref_slice %arg17[%dma_wait3A_665, %dma_wait3A_666] : memref<800x8xf32, #tpu.memory_space<vmem>> -> memref<80x8xf32, #tpu.memory_space<vmem>>
      %dma_wait3A_668 = arith.constant 0 : i32
      %dma_wait3A_669 = tpu.memref_slice %arg15[%dma_wait3A_664, %dma_wait3A_668] : memref<10x80xi32, #tpu.memory_space<vmem>> -> memref<1x80xi32, #tpu.memory_space<vmem>>
      %dma_wait3A_670 = tpu.memref_squeeze %dma_wait3A_669 : memref<1x80xi32, #tpu.memory_space<vmem>> -> memref<80xi32, #tpu.memory_space<vmem>>
      %dma_wait3A_671 = arith.constant 0 : i32
      %dma_wait3A_672 = arith.constant 0 : i32
      %dma_wait3A_673 = tpu.memref_slice %arg20[%dma_wait3A_671, %dma_wait3A_672] : memref<100096x8xf32, #tpu.memory_space<vmem_shared>> -> memref<100096x8xf32, #tpu.memory_space<vmem_shared>>
      tpu.wait_indirect_dma semaphore(%arg23 : memref<!tpu.dma_semaphore, #tpu.memory_space<semaphore_mem>>) src(%dma_wait3A_667 : memref<80x8xf32, #tpu.memory_space<vmem>>) dst(%dma_wait3A_673 : memref<100096x8xf32, #tpu.memory_space<vmem_shared>>)
      %dma_wait3A_674 = arith.constant 2 : i32
      %dma_wait3A_675 = arith.constant 160 : i32
      %dma_wait3A_676 = arith.constant 0 : i32
      %dma_wait3A_677 = tpu.memref_slice %arg17[%dma_wait3A_675, %dma_wait3A_676] : memref<800x8xf32, #tpu.memory_space<vmem>> -> memref<80x8xf32, #tpu.memory_space<vmem>>
      %dma_wait3A_678 = arith.constant 0 : i32
      %dma_wait3A_679 = tpu.memref_slice %arg15[%dma_wait3A_674, %dma_wait3A_678] : memref<10x80xi32, #tpu.memory_space<vmem>> -> memref<1x80xi32, #tpu.memory_space<vmem>>
      %dma_wait3A_680 = tpu.memref_squeeze %dma_wait3A_679 : memref<1x80xi32, #tpu.memory_space<vmem>> -> memref<80xi32, #tpu.memory_space<vmem>>
      %dma_wait3A_681 = arith.constant 0 : i32
      %dma_wait3A_682 = arith.constant 0 : i32
      %dma_wait3A_683 = tpu.memref_slice %arg20[%dma_wait3A_681, %dma_wait3A_682] : memref<100096x8xf32, #tpu.memory_space<vmem_shared>> -> memref<100096x8xf32, #tpu.memory_space<vmem_shared>>
      tpu.wait_indirect_dma semaphore(%arg23 : memref<!tpu.dma_semaphore, #tpu.memory_space<semaphore_mem>>) src(%dma_wait3A_677 : memref<80x8xf32, #tpu.memory_space<vmem>>) dst(%dma_wait3A_683 : memref<100096x8xf32, #tpu.memory_space<vmem_shared>>)
      %dma_wait3A_684 = arith.constant 3 : i32
      %dma_wait3A_685 = arith.constant 240 : i32
      %dma_wait3A_686 = arith.constant 0 : i32
      %dma_wait3A_687 = tpu.memref_slice %arg17[%dma_wait3A_685, %dma_wait3A_686] : memref<800x8xf32, #tpu.memory_space<vmem>> -> memref<80x8xf32, #tpu.memory_space<vmem>>
      %dma_wait3A_688 = arith.constant 0 : i32
      %dma_wait3A_689 = tpu.memref_slice %arg15[%dma_wait3A_684, %dma_wait3A_688] : memref<10x80xi32, #tpu.memory_space<vmem>> -> memref<1x80xi32, #tpu.memory_space<vmem>>
      %dma_wait3A_690 = tpu.memref_squeeze %dma_wait3A_689 : memref<1x80xi32, #tpu.memory_space<vmem>> -> memref<80xi32, #tpu.memory_space<vmem>>
      %dma_wait3A_691 = arith.constant 0 : i32
      %dma_wait3A_692 = arith.constant 0 : i32
      %dma_wait3A_693 = tpu.memref_slice %arg20[%dma_wait3A_691, %dma_wait3A_692] : memref<100096x8xf32, #tpu.memory_space<vmem_shared>> -> memref<100096x8xf32, #tpu.memory_space<vmem_shared>>
      tpu.wait_indirect_dma semaphore(%arg23 : memref<!tpu.dma_semaphore, #tpu.memory_space<semaphore_mem>>) src(%dma_wait3A_687 : memref<80x8xf32, #tpu.memory_space<vmem>>) dst(%dma_wait3A_693 : memref<100096x8xf32, #tpu.memory_space<vmem_shared>>)
      %dma_wait3A_694 = arith.constant 4 : i32
      %dma_wait3A_695 = arith.constant 320 : i32
      %dma_wait3A_696 = arith.constant 0 : i32
      %dma_wait3A_697 = tpu.memref_slice %arg17[%dma_wait3A_695, %dma_wait3A_696] : memref<800x8xf32, #tpu.memory_space<vmem>> -> memref<80x8xf32, #tpu.memory_space<vmem>>
      %dma_wait3A_698 = arith.constant 0 : i32
      %dma_wait3A_699 = tpu.memref_slice %arg15[%dma_wait3A_694, %dma_wait3A_698] : memref<10x80xi32, #tpu.memory_space<vmem>> -> memref<1x80xi32, #tpu.memory_space<vmem>>
      %dma_wait3A_700 = tpu.memref_squeeze %dma_wait3A_699 : memref<1x80xi32, #tpu.memory_space<vmem>> -> memref<80xi32, #tpu.memory_space<vmem>>
      %dma_wait3A_701 = arith.constant 0 : i32
      %dma_wait3A_702 = arith.constant 0 : i32
      %dma_wait3A_703 = tpu.memref_slice %arg20[%dma_wait3A_701, %dma_wait3A_702] : memref<100096x8xf32, #tpu.memory_space<vmem_shared>> -> memref<100096x8xf32, #tpu.memory_space<vmem_shared>>
      tpu.wait_indirect_dma semaphore(%arg23 : memref<!tpu.dma_semaphore, #tpu.memory_space<semaphore_mem>>) src(%dma_wait3A_697 : memref<80x8xf32, #tpu.memory_space<vmem>>) dst(%dma_wait3A_703 : memref<100096x8xf32, #tpu.memory_space<vmem_shared>>)
      %dma_wait3A_704 = arith.constant 5 : i32
      %dma_wait3A_705 = arith.constant 400 : i32
      %dma_wait3A_706 = arith.constant 0 : i32
      %dma_wait3A_707 = tpu.memref_slice %arg17[%dma_wait3A_705, %dma_wait3A_706] : memref<800x8xf32, #tpu.memory_space<vmem>> -> memref<80x8xf32, #tpu.memory_space<vmem>>
      %dma_wait3A_708 = arith.constant 0 : i32
      %dma_wait3A_709 = tpu.memref_slice %arg15[%dma_wait3A_704, %dma_wait3A_708] : memref<10x80xi32, #tpu.memory_space<vmem>> -> memref<1x80xi32, #tpu.memory_space<vmem>>
      %dma_wait3A_710 = tpu.memref_squeeze %dma_wait3A_709 : memref<1x80xi32, #tpu.memory_space<vmem>> -> memref<80xi32, #tpu.memory_space<vmem>>
      %dma_wait3A_711 = arith.constant 0 : i32
      %dma_wait3A_712 = arith.constant 0 : i32
      %dma_wait3A_713 = tpu.memref_slice %arg20[%dma_wait3A_711, %dma_wait3A_712] : memref<100096x8xf32, #tpu.memory_space<vmem_shared>> -> memref<100096x8xf32, #tpu.memory_space<vmem_shared>>
      tpu.wait_indirect_dma semaphore(%arg23 : memref<!tpu.dma_semaphore, #tpu.memory_space<semaphore_mem>>) src(%dma_wait3A_707 : memref<80x8xf32, #tpu.memory_space<vmem>>) dst(%dma_wait3A_713 : memref<100096x8xf32, #tpu.memory_space<vmem_shared>>)
      %dma_wait3A_714 = arith.constant 6 : i32
      %dma_wait3A_715 = arith.constant 480 : i32
      %dma_wait3A_716 = arith.constant 0 : i32
      %dma_wait3A_717 = tpu.memref_slice %arg17[%dma_wait3A_715, %dma_wait3A_716] : memref<800x8xf32, #tpu.memory_space<vmem>> -> memref<80x8xf32, #tpu.memory_space<vmem>>
      %dma_wait3A_718 = arith.constant 0 : i32
      %dma_wait3A_719 = tpu.memref_slice %arg15[%dma_wait3A_714, %dma_wait3A_718] : memref<10x80xi32, #tpu.memory_space<vmem>> -> memref<1x80xi32, #tpu.memory_space<vmem>>
      %dma_wait3A_720 = tpu.memref_squeeze %dma_wait3A_719 : memref<1x80xi32, #tpu.memory_space<vmem>> -> memref<80xi32, #tpu.memory_space<vmem>>
      %dma_wait3A_721 = arith.constant 0 : i32
      %dma_wait3A_722 = arith.constant 0 : i32
      %dma_wait3A_723 = tpu.memref_slice %arg20[%dma_wait3A_721, %dma_wait3A_722] : memref<100096x8xf32, #tpu.memory_space<vmem_shared>> -> memref<100096x8xf32, #tpu.memory_space<vmem_shared>>
      tpu.wait_indirect_dma semaphore(%arg23 : memref<!tpu.dma_semaphore, #tpu.memory_space<semaphore_mem>>) src(%dma_wait3A_717 : memref<80x8xf32, #tpu.memory_space<vmem>>) dst(%dma_wait3A_723 : memref<100096x8xf32, #tpu.memory_space<vmem_shared>>)
      %dma_wait3A_724 = arith.constant 7 : i32
      %dma_wait3A_725 = arith.constant 560 : i32
      %dma_wait3A_726 = arith.constant 0 : i32
      %dma_wait3A_727 = tpu.memref_slice %arg17[%dma_wait3A_725, %dma_wait3A_726] : memref<800x8xf32, #tpu.memory_space<vmem>> -> memref<80x8xf32, #tpu.memory_space<vmem>>
      %dma_wait3A_728 = arith.constant 0 : i32
      %dma_wait3A_729 = tpu.memref_slice %arg15[%dma_wait3A_724, %dma_wait3A_728] : memref<10x80xi32, #tpu.memory_space<vmem>> -> memref<1x80xi32, #tpu.memory_space<vmem>>
      %dma_wait3A_730 = tpu.memref_squeeze %dma_wait3A_729 : memref<1x80xi32, #tpu.memory_space<vmem>> -> memref<80xi32, #tpu.memory_space<vmem>>
      %dma_wait3A_731 = arith.constant 0 : i32
      %dma_wait3A_732 = arith.constant 0 : i32
      %dma_wait3A_733 = tpu.memref_slice %arg20[%dma_wait3A_731, %dma_wait3A_732] : memref<100096x8xf32, #tpu.memory_space<vmem_shared>> -> memref<100096x8xf32, #tpu.memory_space<vmem_shared>>
      tpu.wait_indirect_dma semaphore(%arg23 : memref<!tpu.dma_semaphore, #tpu.memory_space<semaphore_mem>>) src(%dma_wait3A_727 : memref<80x8xf32, #tpu.memory_space<vmem>>) dst(%dma_wait3A_733 : memref<100096x8xf32, #tpu.memory_space<vmem_shared>>)
      %dma_wait3A_734 = arith.constant 8 : i32
      %dma_wait3A_735 = arith.constant 640 : i32
      %dma_wait3A_736 = arith.constant 0 : i32
      %dma_wait3A_737 = tpu.memref_slice %arg17[%dma_wait3A_735, %dma_wait3A_736] : memref<800x8xf32, #tpu.memory_space<vmem>> -> memref<80x8xf32, #tpu.memory_space<vmem>>
      %dma_wait3A_738 = arith.constant 0 : i32
      %dma_wait3A_739 = tpu.memref_slice %arg15[%dma_wait3A_734, %dma_wait3A_738] : memref<10x80xi32, #tpu.memory_space<vmem>> -> memref<1x80xi32, #tpu.memory_space<vmem>>
      %dma_wait3A_740 = tpu.memref_squeeze %dma_wait3A_739 : memref<1x80xi32, #tpu.memory_space<vmem>> -> memref<80xi32, #tpu.memory_space<vmem>>
      %dma_wait3A_741 = arith.constant 0 : i32
      %dma_wait3A_742 = arith.constant 0 : i32
      %dma_wait3A_743 = tpu.memref_slice %arg20[%dma_wait3A_741, %dma_wait3A_742] : memref<100096x8xf32, #tpu.memory_space<vmem_shared>> -> memref<100096x8xf32, #tpu.memory_space<vmem_shared>>
      tpu.wait_indirect_dma semaphore(%arg23 : memref<!tpu.dma_semaphore, #tpu.memory_space<semaphore_mem>>) src(%dma_wait3A_737 : memref<80x8xf32, #tpu.memory_space<vmem>>) dst(%dma_wait3A_743 : memref<100096x8xf32, #tpu.memory_space<vmem_shared>>)
      %dma_wait3A_744 = arith.constant 9 : i32
      %dma_wait3A_745 = arith.constant 720 : i32
      %dma_wait3A_746 = arith.constant 0 : i32
      %dma_wait3A_747 = tpu.memref_slice %arg17[%dma_wait3A_745, %dma_wait3A_746] : memref<800x8xf32, #tpu.memory_space<vmem>> -> memref<80x8xf32, #tpu.memory_space<vmem>>
      %dma_wait3A_748 = arith.constant 0 : i32
      %dma_wait3A_749 = tpu.memref_slice %arg15[%dma_wait3A_744, %dma_wait3A_748] : memref<10x80xi32, #tpu.memory_space<vmem>> -> memref<1x80xi32, #tpu.memory_space<vmem>>
      %dma_wait3A_750 = tpu.memref_squeeze %dma_wait3A_749 : memref<1x80xi32, #tpu.memory_space<vmem>> -> memref<80xi32, #tpu.memory_space<vmem>>
      %dma_wait3A_751 = arith.constant 0 : i32
      %dma_wait3A_752 = arith.constant 0 : i32
      %dma_wait3A_753 = tpu.memref_slice %arg20[%dma_wait3A_751, %dma_wait3A_752] : memref<100096x8xf32, #tpu.memory_space<vmem_shared>> -> memref<100096x8xf32, #tpu.memory_space<vmem_shared>>
      tpu.wait_indirect_dma semaphore(%arg23 : memref<!tpu.dma_semaphore, #tpu.memory_space<semaphore_mem>>) src(%dma_wait3A_747 : memref<80x8xf32, #tpu.memory_space<vmem>>) dst(%dma_wait3A_753 : memref<100096x8xf32, #tpu.memory_space<vmem_shared>>)
      %mul3A_754 = arith.constant 2 : i32
      %mul3A_755 = arith.muli %mul3A_754, %scan3A_418 : i32
      %add3A_756 = arith.constant 1 : i32
      %add3A_757 = arith.addi %mul3A_755, %add3A_756 : i32
      %dma_wait3A_758 = arith.constant 0 : i32
      %dma_wait3A_759 = tpu.memref_slice %arg2[%dma_wait3A_758] : memref<6400000xf32, #tpu.memory_space<hbm>> -> memref<800xf32, #tpu.memory_space<hbm>>
      %dma_wait3A_760 = arith.constant 0 : i32
      %dma_wait3A_761 = tpu.memref_slice %arg2[%dma_wait3A_760] : memref<6400000xf32, #tpu.memory_space<hbm>> -> memref<800xf32, #tpu.memory_space<hbm>>
      tpu.wait_dma2 semaphore(%arg22 : memref<!tpu.dma_semaphore, #tpu.memory_space<semaphore_mem>>) src(%dma_wait3A_761 : memref<800xf32, #tpu.memory_space<hbm>>) dst(%arg12 : memref<800xf32, #tpu.memory_space<vmem>>)
      %dma_wait3A_762 = arith.constant 0 : i32
      %dma_wait3A_763 = tpu.memref_slice %arg3[%dma_wait3A_762] : memref<6400000xf32, #tpu.memory_space<hbm>> -> memref<800xf32, #tpu.memory_space<hbm>>
      %dma_wait3A_764 = arith.constant 0 : i32
      %dma_wait3A_765 = tpu.memref_slice %arg3[%dma_wait3A_764] : memref<6400000xf32, #tpu.memory_space<hbm>> -> memref<800xf32, #tpu.memory_space<hbm>>
      tpu.wait_dma2 semaphore(%arg22 : memref<!tpu.dma_semaphore, #tpu.memory_space<semaphore_mem>>) src(%dma_wait3A_765 : memref<800xf32, #tpu.memory_space<hbm>>) dst(%arg13 : memref<800xf32, #tpu.memory_space<vmem>>)
      %dma_wait3A_766 = arith.constant 0 : i32
      %dma_wait3A_767 = tpu.memref_slice %arg4[%dma_wait3A_766] : memref<6400000xf32, #tpu.memory_space<hbm>> -> memref<800xf32, #tpu.memory_space<hbm>>
      %dma_wait3A_768 = arith.constant 0 : i32
      %dma_wait3A_769 = tpu.memref_slice %arg4[%dma_wait3A_768] : memref<6400000xf32, #tpu.memory_space<hbm>> -> memref<800xf32, #tpu.memory_space<hbm>>
      tpu.wait_dma2 semaphore(%arg22 : memref<!tpu.dma_semaphore, #tpu.memory_space<semaphore_mem>>) src(%dma_wait3A_769 : memref<800xf32, #tpu.memory_space<hbm>>) dst(%arg14 : memref<800xf32, #tpu.memory_space<vmem>>)
      %dma_wait3A_770 = arith.constant 0 : i32
      %dma_wait3A_771 = arith.constant 0 : i32
      %dma_wait3A_772 = tpu.memref_slice %arg16[%dma_wait3A_770, %dma_wait3A_771] : memref<10x80xi32, #tpu.memory_space<vmem>> -> memref<1x80xi32, #tpu.memory_space<vmem>>
      %dma_wait3A_773 = tpu.memref_squeeze %dma_wait3A_772 : memref<1x80xi32, #tpu.memory_space<vmem>> -> memref<80xi32, #tpu.memory_space<vmem>>
      %dma_wait3A_774 = arith.constant 0 : i32
      %dma_wait3A_775 = tpu.memref_slice %arg5[%dma_wait3A_774] : memref<6400000xi32, #tpu.memory_space<hbm>> -> memref<80xi32, #tpu.memory_space<hbm>>
      %dma_wait3A_776 = arith.constant 0 : i32
      %dma_wait3A_777 = tpu.memref_slice %arg16[%dma_wait3A_770, %dma_wait3A_776] : memref<10x80xi32, #tpu.memory_space<vmem>> -> memref<1x80xi32, #tpu.memory_space<vmem>>
      %dma_wait3A_778 = tpu.memref_squeeze %dma_wait3A_777 : memref<1x80xi32, #tpu.memory_space<vmem>> -> memref<80xi32, #tpu.memory_space<vmem>>
      %dma_wait3A_779 = arith.constant 0 : i32
      %dma_wait3A_780 = tpu.memref_slice %arg5[%dma_wait3A_779] : memref<6400000xi32, #tpu.memory_space<hbm>> -> memref<80xi32, #tpu.memory_space<hbm>>
      tpu.wait_dma2 semaphore(%arg22 : memref<!tpu.dma_semaphore, #tpu.memory_space<semaphore_mem>>) src(%dma_wait3A_780 : memref<80xi32, #tpu.memory_space<hbm>>) dst(%dma_wait3A_778 : memref<80xi32, #tpu.memory_space<vmem>>)
      %dma_wait3A_781 = arith.constant 1 : i32
      %dma_wait3A_782 = arith.constant 0 : i32
      %dma_wait3A_783 = tpu.memref_slice %arg16[%dma_wait3A_781, %dma_wait3A_782] : memref<10x80xi32, #tpu.memory_space<vmem>> -> memref<1x80xi32, #tpu.memory_space<vmem>>
      %dma_wait3A_784 = tpu.memref_squeeze %dma_wait3A_783 : memref<1x80xi32, #tpu.memory_space<vmem>> -> memref<80xi32, #tpu.memory_space<vmem>>
      %dma_wait3A_785 = arith.constant 0 : i32
      %dma_wait3A_786 = tpu.memref_slice %arg5[%dma_wait3A_785] : memref<6400000xi32, #tpu.memory_space<hbm>> -> memref<80xi32, #tpu.memory_space<hbm>>
      %dma_wait3A_787 = arith.constant 0 : i32
      %dma_wait3A_788 = tpu.memref_slice %arg16[%dma_wait3A_781, %dma_wait3A_787] : memref<10x80xi32, #tpu.memory_space<vmem>> -> memref<1x80xi32, #tpu.memory_space<vmem>>
      %dma_wait3A_789 = tpu.memref_squeeze %dma_wait3A_788 : memref<1x80xi32, #tpu.memory_space<vmem>> -> memref<80xi32, #tpu.memory_space<vmem>>
      %dma_wait3A_790 = arith.constant 0 : i32
      %dma_wait3A_791 = tpu.memref_slice %arg5[%dma_wait3A_790] : memref<6400000xi32, #tpu.memory_space<hbm>> -> memref<80xi32, #tpu.memory_space<hbm>>
      tpu.wait_dma2 semaphore(%arg22 : memref<!tpu.dma_semaphore, #tpu.memory_space<semaphore_mem>>) src(%dma_wait3A_791 : memref<80xi32, #tpu.memory_space<hbm>>) dst(%dma_wait3A_789 : memref<80xi32, #tpu.memory_space<vmem>>)
      %dma_wait3A_792 = arith.constant 2 : i32
      %dma_wait3A_793 = arith.constant 0 : i32
      %dma_wait3A_794 = tpu.memref_slice %arg16[%dma_wait3A_792, %dma_wait3A_793] : memref<10x80xi32, #tpu.memory_space<vmem>> -> memref<1x80xi32, #tpu.memory_space<vmem>>
      %dma_wait3A_795 = tpu.memref_squeeze %dma_wait3A_794 : memref<1x80xi32, #tpu.memory_space<vmem>> -> memref<80xi32, #tpu.memory_space<vmem>>
      %dma_wait3A_796 = arith.constant 0 : i32
      %dma_wait3A_797 = tpu.memref_slice %arg5[%dma_wait3A_796] : memref<6400000xi32, #tpu.memory_space<hbm>> -> memref<80xi32, #tpu.memory_space<hbm>>
      %dma_wait3A_798 = arith.constant 0 : i32
      %dma_wait3A_799 = tpu.memref_slice %arg16[%dma_wait3A_792, %dma_wait3A_798] : memref<10x80xi32, #tpu.memory_space<vmem>> -> memref<1x80xi32, #tpu.memory_space<vmem>>
      %dma_wait3A_800 = tpu.memref_squeeze %dma_wait3A_799 : memref<1x80xi32, #tpu.memory_space<vmem>> -> memref<80xi32, #tpu.memory_space<vmem>>
      %dma_wait3A_801 = arith.constant 0 : i32
      %dma_wait3A_802 = tpu.memref_slice %arg5[%dma_wait3A_801] : memref<6400000xi32, #tpu.memory_space<hbm>> -> memref<80xi32, #tpu.memory_space<hbm>>
      tpu.wait_dma2 semaphore(%arg22 : memref<!tpu.dma_semaphore, #tpu.memory_space<semaphore_mem>>) src(%dma_wait3A_802 : memref<80xi32, #tpu.memory_space<hbm>>) dst(%dma_wait3A_800 : memref<80xi32, #tpu.memory_space<vmem>>)
      %dma_wait3A_803 = arith.constant 3 : i32
      %dma_wait3A_804 = arith.constant 0 : i32
      %dma_wait3A_805 = tpu.memref_slice %arg16[%dma_wait3A_803, %dma_wait3A_804] : memref<10x80xi32, #tpu.memory_space<vmem>> -> memref<1x80xi32, #tpu.memory_space<vmem>>
      %dma_wait3A_806 = tpu.memref_squeeze %dma_wait3A_805 : memref<1x80xi32, #tpu.memory_space<vmem>> -> memref<80xi32, #tpu.memory_space<vmem>>
      %dma_wait3A_807 = arith.constant 0 : i32
      %dma_wait3A_808 = tpu.memref_slice %arg5[%dma_wait3A_807] : memref<6400000xi32, #tpu.memory_space<hbm>> -> memref<80xi32, #tpu.memory_space<hbm>>
      %dma_wait3A_809 = arith.constant 0 : i32
      %dma_wait3A_810 = tpu.memref_slice %arg16[%dma_wait3A_803, %dma_wait3A_809] : memref<10x80xi32, #tpu.memory_space<vmem>> -> memref<1x80xi32, #tpu.memory_space<vmem>>
      %dma_wait3A_811 = tpu.memref_squeeze %dma_wait3A_810 : memref<1x80xi32, #tpu.memory_space<vmem>> -> memref<80xi32, #tpu.memory_space<vmem>>
      %dma_wait3A_812 = arith.constant 0 : i32
      %dma_wait3A_813 = tpu.memref_slice %arg5[%dma_wait3A_812] : memref<6400000xi32, #tpu.memory_space<hbm>> -> memref<80xi32, #tpu.memory_space<hbm>>
      tpu.wait_dma2 semaphore(%arg22 : memref<!tpu.dma_semaphore, #tpu.memory_space<semaphore_mem>>) src(%dma_wait3A_813 : memref<80xi32, #tpu.memory_space<hbm>>) dst(%dma_wait3A_811 : memref<80xi32, #tpu.memory_space<vmem>>)
      %dma_wait3A_814 = arith.constant 4 : i32
      %dma_wait3A_815 = arith.constant 0 : i32
      %dma_wait3A_816 = tpu.memref_slice %arg16[%dma_wait3A_814, %dma_wait3A_815] : memref<10x80xi32, #tpu.memory_space<vmem>> -> memref<1x80xi32, #tpu.memory_space<vmem>>
      %dma_wait3A_817 = tpu.memref_squeeze %dma_wait3A_816 : memref<1x80xi32, #tpu.memory_space<vmem>> -> memref<80xi32, #tpu.memory_space<vmem>>
      %dma_wait3A_818 = arith.constant 0 : i32
      %dma_wait3A_819 = tpu.memref_slice %arg5[%dma_wait3A_818] : memref<6400000xi32, #tpu.memory_space<hbm>> -> memref<80xi32, #tpu.memory_space<hbm>>
      %dma_wait3A_820 = arith.constant 0 : i32
      %dma_wait3A_821 = tpu.memref_slice %arg16[%dma_wait3A_814, %dma_wait3A_820] : memref<10x80xi32, #tpu.memory_space<vmem>> -> memref<1x80xi32, #tpu.memory_space<vmem>>
      %dma_wait3A_822 = tpu.memref_squeeze %dma_wait3A_821 : memref<1x80xi32, #tpu.memory_space<vmem>> -> memref<80xi32, #tpu.memory_space<vmem>>
      %dma_wait3A_823 = arith.constant 0 : i32
      %dma_wait3A_824 = tpu.memref_slice %arg5[%dma_wait3A_823] : memref<6400000xi32, #tpu.memory_space<hbm>> -> memref<80xi32, #tpu.memory_space<hbm>>
      tpu.wait_dma2 semaphore(%arg22 : memref<!tpu.dma_semaphore, #tpu.memory_space<semaphore_mem>>) src(%dma_wait3A_824 : memref<80xi32, #tpu.memory_space<hbm>>) dst(%dma_wait3A_822 : memref<80xi32, #tpu.memory_space<vmem>>)
      %dma_wait3A_825 = arith.constant 5 : i32
      %dma_wait3A_826 = arith.constant 0 : i32
      %dma_wait3A_827 = tpu.memref_slice %arg16[%dma_wait3A_825, %dma_wait3A_826] : memref<10x80xi32, #tpu.memory_space<vmem>> -> memref<1x80xi32, #tpu.memory_space<vmem>>
      %dma_wait3A_828 = tpu.memref_squeeze %dma_wait3A_827 : memref<1x80xi32, #tpu.memory_space<vmem>> -> memref<80xi32, #tpu.memory_space<vmem>>
      %dma_wait3A_829 = arith.constant 0 : i32
      %dma_wait3A_830 = tpu.memref_slice %arg5[%dma_wait3A_829] : memref<6400000xi32, #tpu.memory_space<hbm>> -> memref<80xi32, #tpu.memory_space<hbm>>
      %dma_wait3A_831 = arith.constant 0 : i32
      %dma_wait3A_832 = tpu.memref_slice %arg16[%dma_wait3A_825, %dma_wait3A_831] : memref<10x80xi32, #tpu.memory_space<vmem>> -> memref<1x80xi32, #tpu.memory_space<vmem>>
      %dma_wait3A_833 = tpu.memref_squeeze %dma_wait3A_832 : memref<1x80xi32, #tpu.memory_space<vmem>> -> memref<80xi32, #tpu.memory_space<vmem>>
      %dma_wait3A_834 = arith.constant 0 : i32
      %dma_wait3A_835 = tpu.memref_slice %arg5[%dma_wait3A_834] : memref<6400000xi32, #tpu.memory_space<hbm>> -> memref<80xi32, #tpu.memory_space<hbm>>
      tpu.wait_dma2 semaphore(%arg22 : memref<!tpu.dma_semaphore, #tpu.memory_space<semaphore_mem>>) src(%dma_wait3A_835 : memref<80xi32, #tpu.memory_space<hbm>>) dst(%dma_wait3A_833 : memref<80xi32, #tpu.memory_space<vmem>>)
      %dma_wait3A_836 = arith.constant 6 : i32
      %dma_wait3A_837 = arith.constant 0 : i32
      %dma_wait3A_838 = tpu.memref_slice %arg16[%dma_wait3A_836, %dma_wait3A_837] : memref<10x80xi32, #tpu.memory_space<vmem>> -> memref<1x80xi32, #tpu.memory_space<vmem>>
      %dma_wait3A_839 = tpu.memref_squeeze %dma_wait3A_838 : memref<1x80xi32, #tpu.memory_space<vmem>> -> memref<80xi32, #tpu.memory_space<vmem>>
      %dma_wait3A_840 = arith.constant 0 : i32
      %dma_wait3A_841 = tpu.memref_slice %arg5[%dma_wait3A_840] : memref<6400000xi32, #tpu.memory_space<hbm>> -> memref<80xi32, #tpu.memory_space<hbm>>
      %dma_wait3A_842 = arith.constant 0 : i32
      %dma_wait3A_843 = tpu.memref_slice %arg16[%dma_wait3A_836, %dma_wait3A_842] : memref<10x80xi32, #tpu.memory_space<vmem>> -> memref<1x80xi32, #tpu.memory_space<vmem>>
      %dma_wait3A_844 = tpu.memref_squeeze %dma_wait3A_843 : memref<1x80xi32, #tpu.memory_space<vmem>> -> memref<80xi32, #tpu.memory_space<vmem>>
      %dma_wait3A_845 = arith.constant 0 : i32
      %dma_wait3A_846 = tpu.memref_slice %arg5[%dma_wait3A_845] : memref<6400000xi32, #tpu.memory_space<hbm>> -> memref<80xi32, #tpu.memory_space<hbm>>
      tpu.wait_dma2 semaphore(%arg22 : memref<!tpu.dma_semaphore, #tpu.memory_space<semaphore_mem>>) src(%dma_wait3A_846 : memref<80xi32, #tpu.memory_space<hbm>>) dst(%dma_wait3A_844 : memref<80xi32, #tpu.memory_space<vmem>>)
      %dma_wait3A_847 = arith.constant 7 : i32
      %dma_wait3A_848 = arith.constant 0 : i32
      %dma_wait3A_849 = tpu.memref_slice %arg16[%dma_wait3A_847, %dma_wait3A_848] : memref<10x80xi32, #tpu.memory_space<vmem>> -> memref<1x80xi32, #tpu.memory_space<vmem>>
      %dma_wait3A_850 = tpu.memref_squeeze %dma_wait3A_849 : memref<1x80xi32, #tpu.memory_space<vmem>> -> memref<80xi32, #tpu.memory_space<vmem>>
      %dma_wait3A_851 = arith.constant 0 : i32
      %dma_wait3A_852 = tpu.memref_slice %arg5[%dma_wait3A_851] : memref<6400000xi32, #tpu.memory_space<hbm>> -> memref<80xi32, #tpu.memory_space<hbm>>
      %dma_wait3A_853 = arith.constant 0 : i32
      %dma_wait3A_854 = tpu.memref_slice %arg16[%dma_wait3A_847, %dma_wait3A_853] : memref<10x80xi32, #tpu.memory_space<vmem>> -> memref<1x80xi32, #tpu.memory_space<vmem>>
      %dma_wait3A_855 = tpu.memref_squeeze %dma_wait3A_854 : memref<1x80xi32, #tpu.memory_space<vmem>> -> memref<80xi32, #tpu.memory_space<vmem>>
      %dma_wait3A_856 = arith.constant 0 : i32
      %dma_wait3A_857 = tpu.memref_slice %arg5[%dma_wait3A_856] : memref<6400000xi32, #tpu.memory_space<hbm>> -> memref<80xi32, #tpu.memory_space<hbm>>
      tpu.wait_dma2 semaphore(%arg22 : memref<!tpu.dma_semaphore, #tpu.memory_space<semaphore_mem>>) src(%dma_wait3A_857 : memref<80xi32, #tpu.memory_space<hbm>>) dst(%dma_wait3A_855 : memref<80xi32, #tpu.memory_space<vmem>>)
      %dma_wait3A_858 = arith.constant 8 : i32
      %dma_wait3A_859 = arith.constant 0 : i32
      %dma_wait3A_860 = tpu.memref_slice %arg16[%dma_wait3A_858, %dma_wait3A_859] : memref<10x80xi32, #tpu.memory_space<vmem>> -> memref<1x80xi32, #tpu.memory_space<vmem>>
      %dma_wait3A_861 = tpu.memref_squeeze %dma_wait3A_860 : memref<1x80xi32, #tpu.memory_space<vmem>> -> memref<80xi32, #tpu.memory_space<vmem>>
      %dma_wait3A_862 = arith.constant 0 : i32
      %dma_wait3A_863 = tpu.memref_slice %arg5[%dma_wait3A_862] : memref<6400000xi32, #tpu.memory_space<hbm>> -> memref<80xi32, #tpu.memory_space<hbm>>
      %dma_wait3A_864 = arith.constant 0 : i32
      %dma_wait3A_865 = tpu.memref_slice %arg16[%dma_wait3A_858, %dma_wait3A_864] : memref<10x80xi32, #tpu.memory_space<vmem>> -> memref<1x80xi32, #tpu.memory_space<vmem>>
      %dma_wait3A_866 = tpu.memref_squeeze %dma_wait3A_865 : memref<1x80xi32, #tpu.memory_space<vmem>> -> memref<80xi32, #tpu.memory_space<vmem>>
      %dma_wait3A_867 = arith.constant 0 : i32
      %dma_wait3A_868 = tpu.memref_slice %arg5[%dma_wait3A_867] : memref<6400000xi32, #tpu.memory_space<hbm>> -> memref<80xi32, #tpu.memory_space<hbm>>
      tpu.wait_dma2 semaphore(%arg22 : memref<!tpu.dma_semaphore, #tpu.memory_space<semaphore_mem>>) src(%dma_wait3A_868 : memref<80xi32, #tpu.memory_space<hbm>>) dst(%dma_wait3A_866 : memref<80xi32, #tpu.memory_space<vmem>>)
      %dma_wait3A_869 = arith.constant 9 : i32
      %dma_wait3A_870 = arith.constant 0 : i32
      %dma_wait3A_871 = tpu.memref_slice %arg16[%dma_wait3A_869, %dma_wait3A_870] : memref<10x80xi32, #tpu.memory_space<vmem>> -> memref<1x80xi32, #tpu.memory_space<vmem>>
      %dma_wait3A_872 = tpu.memref_squeeze %dma_wait3A_871 : memref<1x80xi32, #tpu.memory_space<vmem>> -> memref<80xi32, #tpu.memory_space<vmem>>
      %dma_wait3A_873 = arith.constant 0 : i32
      %dma_wait3A_874 = tpu.memref_slice %arg5[%dma_wait3A_873] : memref<6400000xi32, #tpu.memory_space<hbm>> -> memref<80xi32, #tpu.memory_space<hbm>>
      %dma_wait3A_875 = arith.constant 0 : i32
      %dma_wait3A_876 = tpu.memref_slice %arg16[%dma_wait3A_869, %dma_wait3A_875] : memref<10x80xi32, #tpu.memory_space<vmem>> -> memref<1x80xi32, #tpu.memory_space<vmem>>
      %dma_wait3A_877 = tpu.memref_squeeze %dma_wait3A_876 : memref<1x80xi32, #tpu.memory_space<vmem>> -> memref<80xi32, #tpu.memory_space<vmem>>
      %dma_wait3A_878 = arith.constant 0 : i32
      %dma_wait3A_879 = tpu.memref_slice %arg5[%dma_wait3A_878] : memref<6400000xi32, #tpu.memory_space<hbm>> -> memref<80xi32, #tpu.memory_space<hbm>>
      tpu.wait_dma2 semaphore(%arg22 : memref<!tpu.dma_semaphore, #tpu.memory_space<semaphore_mem>>) src(%dma_wait3A_879 : memref<80xi32, #tpu.memory_space<hbm>>) dst(%dma_wait3A_877 : memref<80xi32, #tpu.memory_space<vmem>>)
      %add3A_880 = arith.constant 1 : i32
      %add3A_881 = arith.addi %add3A_757, %add3A_880 : i32
      %lt3A_882 = arith.constant 250 : i32
      %lt3A_883 = arith.cmpi slt, %add3A_881, %lt3A_882 : i32
      %convert_element_type3A_884 = arith.extui %lt3A_883 : i1 to i32
      %cond3A_885 = arith.constant 0 : i32
      %cond3A_886 = arith.cmpi ne, %convert_element_type3A_884, %cond3A_885 : i32
      scf.if %cond3A_886 {
        %add3A_1093 = arith.constant 1 : i32
        %add3A_1094 = arith.addi %add3A_757, %add3A_1093 : i32
        %mul3A_1095 = arith.constant 800 : i32
        %mul3A_1096 = arith.muli %add3A_1094, %mul3A_1095 : i32
        %add3A_1097 = arith.addi %mul3A_4, %mul3A_1096 : i32
        %dma_start3A_1098 = tpu.memref_slice %arg2[%add3A_1097] : memref<6400000xf32, #tpu.memory_space<hbm>> -> memref<800xf32, #tpu.memory_space<hbm>>
        %dma_start3A_1099 = tpu.memref_slice %arg2[%add3A_1097] : memref<6400000xf32, #tpu.memory_space<hbm>> -> memref<800xf32, #tpu.memory_space<hbm>>
        tpu.enqueue_dma source(%dma_start3A_1099 : memref<800xf32, #tpu.memory_space<hbm>>) target(%arg9 : memref<800xf32, #tpu.memory_space<vmem>>) target_semaphore(%arg21 : memref<!tpu.dma_semaphore, #tpu.memory_space<semaphore_mem>>)
        %dma_start3A_1100 = tpu.memref_slice %arg3[%add3A_1097] : memref<6400000xf32, #tpu.memory_space<hbm>> -> memref<800xf32, #tpu.memory_space<hbm>>
        %dma_start3A_1101 = tpu.memref_slice %arg3[%add3A_1097] : memref<6400000xf32, #tpu.memory_space<hbm>> -> memref<800xf32, #tpu.memory_space<hbm>>
        tpu.enqueue_dma source(%dma_start3A_1101 : memref<800xf32, #tpu.memory_space<hbm>>) target(%arg10 : memref<800xf32, #tpu.memory_space<vmem>>) target_semaphore(%arg21 : memref<!tpu.dma_semaphore, #tpu.memory_space<semaphore_mem>>)
        %dma_start3A_1102 = tpu.memref_slice %arg4[%add3A_1097] : memref<6400000xf32, #tpu.memory_space<hbm>> -> memref<800xf32, #tpu.memory_space<hbm>>
        %dma_start3A_1103 = tpu.memref_slice %arg4[%add3A_1097] : memref<6400000xf32, #tpu.memory_space<hbm>> -> memref<800xf32, #tpu.memory_space<hbm>>
        tpu.enqueue_dma source(%dma_start3A_1103 : memref<800xf32, #tpu.memory_space<hbm>>) target(%arg11 : memref<800xf32, #tpu.memory_space<vmem>>) target_semaphore(%arg21 : memref<!tpu.dma_semaphore, #tpu.memory_space<semaphore_mem>>)
        %add3A_1104 = arith.constant 0 : i32
        %add3A_1105 = arith.addi %add3A_1097, %add3A_1104 : i32
        %dma_start3A_1106 = arith.constant 0 : i32
        %dma_start3A_1107 = arith.constant 0 : i32
        %dma_start3A_1108 = tpu.memref_slice %arg15[%dma_start3A_1106, %dma_start3A_1107] : memref<10x80xi32, #tpu.memory_space<vmem>> -> memref<1x80xi32, #tpu.memory_space<vmem>>
        %dma_start3A_1109 = tpu.memref_squeeze %dma_start3A_1108 : memref<1x80xi32, #tpu.memory_space<vmem>> -> memref<80xi32, #tpu.memory_space<vmem>>
        %dma_start3A_1110 = tpu.memref_slice %arg6[%add3A_1105] : memref<6400000xi32, #tpu.memory_space<hbm>> -> memref<80xi32, #tpu.memory_space<hbm>>
        %dma_start3A_1111 = arith.constant 0 : i32
        %dma_start3A_1112 = tpu.memref_slice %arg15[%dma_start3A_1106, %dma_start3A_1111] : memref<10x80xi32, #tpu.memory_space<vmem>> -> memref<1x80xi32, #tpu.memory_space<vmem>>
        %dma_start3A_1113 = tpu.memref_squeeze %dma_start3A_1112 : memref<1x80xi32, #tpu.memory_space<vmem>> -> memref<80xi32, #tpu.memory_space<vmem>>
        %dma_start3A_1114 = tpu.memref_slice %arg6[%add3A_1105] : memref<6400000xi32, #tpu.memory_space<hbm>> -> memref<80xi32, #tpu.memory_space<hbm>>
        tpu.enqueue_dma source(%dma_start3A_1114 : memref<80xi32, #tpu.memory_space<hbm>>) target(%dma_start3A_1113 : memref<80xi32, #tpu.memory_space<vmem>>) target_semaphore(%arg21 : memref<!tpu.dma_semaphore, #tpu.memory_space<semaphore_mem>>)
        %add3A_1115 = arith.constant 80 : i32
        %add3A_1116 = arith.addi %add3A_1097, %add3A_1115 : i32
        %dma_start3A_1117 = arith.constant 1 : i32
        %dma_start3A_1118 = arith.constant 0 : i32
        %dma_start3A_1119 = tpu.memref_slice %arg15[%dma_start3A_1117, %dma_start3A_1118] : memref<10x80xi32, #tpu.memory_space<vmem>> -> memref<1x80xi32, #tpu.memory_space<vmem>>
        %dma_start3A_1120 = tpu.memref_squeeze %dma_start3A_1119 : memref<1x80xi32, #tpu.memory_space<vmem>> -> memref<80xi32, #tpu.memory_space<vmem>>
        %dma_start3A_1121 = tpu.memref_slice %arg6[%add3A_1116] : memref<6400000xi32, #tpu.memory_space<hbm>> -> memref<80xi32, #tpu.memory_space<hbm>>
        %dma_start3A_1122 = arith.constant 0 : i32
        %dma_start3A_1123 = tpu.memref_slice %arg15[%dma_start3A_1117, %dma_start3A_1122] : memref<10x80xi32, #tpu.memory_space<vmem>> -> memref<1x80xi32, #tpu.memory_space<vmem>>
        %dma_start3A_1124 = tpu.memref_squeeze %dma_start3A_1123 : memref<1x80xi32, #tpu.memory_space<vmem>> -> memref<80xi32, #tpu.memory_space<vmem>>
        %dma_start3A_1125 = tpu.memref_slice %arg6[%add3A_1116] : memref<6400000xi32, #tpu.memory_space<hbm>> -> memref<80xi32, #tpu.memory_space<hbm>>
        tpu.enqueue_dma source(%dma_start3A_1125 : memref<80xi32, #tpu.memory_space<hbm>>) target(%dma_start3A_1124 : memref<80xi32, #tpu.memory_space<vmem>>) target_semaphore(%arg21 : memref<!tpu.dma_semaphore, #tpu.memory_space<semaphore_mem>>)
        %add3A_1126 = arith.constant 160 : i32
        %add3A_1127 = arith.addi %add3A_1097, %add3A_1126 : i32
        %dma_start3A_1128 = arith.constant 2 : i32
        %dma_start3A_1129 = arith.constant 0 : i32
        %dma_start3A_1130 = tpu.memref_slice %arg15[%dma_start3A_1128, %dma_start3A_1129] : memref<10x80xi32, #tpu.memory_space<vmem>> -> memref<1x80xi32, #tpu.memory_space<vmem>>
        %dma_start3A_1131 = tpu.memref_squeeze %dma_start3A_1130 : memref<1x80xi32, #tpu.memory_space<vmem>> -> memref<80xi32, #tpu.memory_space<vmem>>
        %dma_start3A_1132 = tpu.memref_slice %arg6[%add3A_1127] : memref<6400000xi32, #tpu.memory_space<hbm>> -> memref<80xi32, #tpu.memory_space<hbm>>
        %dma_start3A_1133 = arith.constant 0 : i32
        %dma_start3A_1134 = tpu.memref_slice %arg15[%dma_start3A_1128, %dma_start3A_1133] : memref<10x80xi32, #tpu.memory_space<vmem>> -> memref<1x80xi32, #tpu.memory_space<vmem>>
        %dma_start3A_1135 = tpu.memref_squeeze %dma_start3A_1134 : memref<1x80xi32, #tpu.memory_space<vmem>> -> memref<80xi32, #tpu.memory_space<vmem>>
        %dma_start3A_1136 = tpu.memref_slice %arg6[%add3A_1127] : memref<6400000xi32, #tpu.memory_space<hbm>> -> memref<80xi32, #tpu.memory_space<hbm>>
        tpu.enqueue_dma source(%dma_start3A_1136 : memref<80xi32, #tpu.memory_space<hbm>>) target(%dma_start3A_1135 : memref<80xi32, #tpu.memory_space<vmem>>) target_semaphore(%arg21 : memref<!tpu.dma_semaphore, #tpu.memory_space<semaphore_mem>>)
        %add3A_1137 = arith.constant 240 : i32
        %add3A_1138 = arith.addi %add3A_1097, %add3A_1137 : i32
        %dma_start3A_1139 = arith.constant 3 : i32
        %dma_start3A_1140 = arith.constant 0 : i32
        %dma_start3A_1141 = tpu.memref_slice %arg15[%dma_start3A_1139, %dma_start3A_1140] : memref<10x80xi32, #tpu.memory_space<vmem>> -> memref<1x80xi32, #tpu.memory_space<vmem>>
        %dma_start3A_1142 = tpu.memref_squeeze %dma_start3A_1141 : memref<1x80xi32, #tpu.memory_space<vmem>> -> memref<80xi32, #tpu.memory_space<vmem>>
        %dma_start3A_1143 = tpu.memref_slice %arg6[%add3A_1138] : memref<6400000xi32, #tpu.memory_space<hbm>> -> memref<80xi32, #tpu.memory_space<hbm>>
        %dma_start3A_1144 = arith.constant 0 : i32
        %dma_start3A_1145 = tpu.memref_slice %arg15[%dma_start3A_1139, %dma_start3A_1144] : memref<10x80xi32, #tpu.memory_space<vmem>> -> memref<1x80xi32, #tpu.memory_space<vmem>>
        %dma_start3A_1146 = tpu.memref_squeeze %dma_start3A_1145 : memref<1x80xi32, #tpu.memory_space<vmem>> -> memref<80xi32, #tpu.memory_space<vmem>>
        %dma_start3A_1147 = tpu.memref_slice %arg6[%add3A_1138] : memref<6400000xi32, #tpu.memory_space<hbm>> -> memref<80xi32, #tpu.memory_space<hbm>>
        tpu.enqueue_dma source(%dma_start3A_1147 : memref<80xi32, #tpu.memory_space<hbm>>) target(%dma_start3A_1146 : memref<80xi32, #tpu.memory_space<vmem>>) target_semaphore(%arg21 : memref<!tpu.dma_semaphore, #tpu.memory_space<semaphore_mem>>)
        %add3A_1148 = arith.constant 320 : i32
        %add3A_1149 = arith.addi %add3A_1097, %add3A_1148 : i32
        %dma_start3A_1150 = arith.constant 4 : i32
        %dma_start3A_1151 = arith.constant 0 : i32
        %dma_start3A_1152 = tpu.memref_slice %arg15[%dma_start3A_1150, %dma_start3A_1151] : memref<10x80xi32, #tpu.memory_space<vmem>> -> memref<1x80xi32, #tpu.memory_space<vmem>>
        %dma_start3A_1153 = tpu.memref_squeeze %dma_start3A_1152 : memref<1x80xi32, #tpu.memory_space<vmem>> -> memref<80xi32, #tpu.memory_space<vmem>>
        %dma_start3A_1154 = tpu.memref_slice %arg6[%add3A_1149] : memref<6400000xi32, #tpu.memory_space<hbm>> -> memref<80xi32, #tpu.memory_space<hbm>>
        %dma_start3A_1155 = arith.constant 0 : i32
        %dma_start3A_1156 = tpu.memref_slice %arg15[%dma_start3A_1150, %dma_start3A_1155] : memref<10x80xi32, #tpu.memory_space<vmem>> -> memref<1x80xi32, #tpu.memory_space<vmem>>
        %dma_start3A_1157 = tpu.memref_squeeze %dma_start3A_1156 : memref<1x80xi32, #tpu.memory_space<vmem>> -> memref<80xi32, #tpu.memory_space<vmem>>
        %dma_start3A_1158 = tpu.memref_slice %arg6[%add3A_1149] : memref<6400000xi32, #tpu.memory_space<hbm>> -> memref<80xi32, #tpu.memory_space<hbm>>
        tpu.enqueue_dma source(%dma_start3A_1158 : memref<80xi32, #tpu.memory_space<hbm>>) target(%dma_start3A_1157 : memref<80xi32, #tpu.memory_space<vmem>>) target_semaphore(%arg21 : memref<!tpu.dma_semaphore, #tpu.memory_space<semaphore_mem>>)
        %add3A_1159 = arith.constant 400 : i32
        %add3A_1160 = arith.addi %add3A_1097, %add3A_1159 : i32
        %dma_start3A_1161 = arith.constant 5 : i32
        %dma_start3A_1162 = arith.constant 0 : i32
        %dma_start3A_1163 = tpu.memref_slice %arg15[%dma_start3A_1161, %dma_start3A_1162] : memref<10x80xi32, #tpu.memory_space<vmem>> -> memref<1x80xi32, #tpu.memory_space<vmem>>
        %dma_start3A_1164 = tpu.memref_squeeze %dma_start3A_1163 : memref<1x80xi32, #tpu.memory_space<vmem>> -> memref<80xi32, #tpu.memory_space<vmem>>
        %dma_start3A_1165 = tpu.memref_slice %arg6[%add3A_1160] : memref<6400000xi32, #tpu.memory_space<hbm>> -> memref<80xi32, #tpu.memory_space<hbm>>
        %dma_start3A_1166 = arith.constant 0 : i32
        %dma_start3A_1167 = tpu.memref_slice %arg15[%dma_start3A_1161, %dma_start3A_1166] : memref<10x80xi32, #tpu.memory_space<vmem>> -> memref<1x80xi32, #tpu.memory_space<vmem>>
        %dma_start3A_1168 = tpu.memref_squeeze %dma_start3A_1167 : memref<1x80xi32, #tpu.memory_space<vmem>> -> memref<80xi32, #tpu.memory_space<vmem>>
        %dma_start3A_1169 = tpu.memref_slice %arg6[%add3A_1160] : memref<6400000xi32, #tpu.memory_space<hbm>> -> memref<80xi32, #tpu.memory_space<hbm>>
        tpu.enqueue_dma source(%dma_start3A_1169 : memref<80xi32, #tpu.memory_space<hbm>>) target(%dma_start3A_1168 : memref<80xi32, #tpu.memory_space<vmem>>) target_semaphore(%arg21 : memref<!tpu.dma_semaphore, #tpu.memory_space<semaphore_mem>>)
        %add3A_1170 = arith.constant 480 : i32
        %add3A_1171 = arith.addi %add3A_1097, %add3A_1170 : i32
        %dma_start3A_1172 = arith.constant 6 : i32
        %dma_start3A_1173 = arith.constant 0 : i32
        %dma_start3A_1174 = tpu.memref_slice %arg15[%dma_start3A_1172, %dma_start3A_1173] : memref<10x80xi32, #tpu.memory_space<vmem>> -> memref<1x80xi32, #tpu.memory_space<vmem>>
        %dma_start3A_1175 = tpu.memref_squeeze %dma_start3A_1174 : memref<1x80xi32, #tpu.memory_space<vmem>> -> memref<80xi32, #tpu.memory_space<vmem>>
        %dma_start3A_1176 = tpu.memref_slice %arg6[%add3A_1171] : memref<6400000xi32, #tpu.memory_space<hbm>> -> memref<80xi32, #tpu.memory_space<hbm>>
        %dma_start3A_1177 = arith.constant 0 : i32
        %dma_start3A_1178 = tpu.memref_slice %arg15[%dma_start3A_1172, %dma_start3A_1177] : memref<10x80xi32, #tpu.memory_space<vmem>> -> memref<1x80xi32, #tpu.memory_space<vmem>>
        %dma_start3A_1179 = tpu.memref_squeeze %dma_start3A_1178 : memref<1x80xi32, #tpu.memory_space<vmem>> -> memref<80xi32, #tpu.memory_space<vmem>>
        %dma_start3A_1180 = tpu.memref_slice %arg6[%add3A_1171] : memref<6400000xi32, #tpu.memory_space<hbm>> -> memref<80xi32, #tpu.memory_space<hbm>>
        tpu.enqueue_dma source(%dma_start3A_1180 : memref<80xi32, #tpu.memory_space<hbm>>) target(%dma_start3A_1179 : memref<80xi32, #tpu.memory_space<vmem>>) target_semaphore(%arg21 : memref<!tpu.dma_semaphore, #tpu.memory_space<semaphore_mem>>)
        %add3A_1181 = arith.constant 560 : i32
        %add3A_1182 = arith.addi %add3A_1097, %add3A_1181 : i32
        %dma_start3A_1183 = arith.constant 7 : i32
        %dma_start3A_1184 = arith.constant 0 : i32
        %dma_start3A_1185 = tpu.memref_slice %arg15[%dma_start3A_1183, %dma_start3A_1184] : memref<10x80xi32, #tpu.memory_space<vmem>> -> memref<1x80xi32, #tpu.memory_space<vmem>>
        %dma_start3A_1186 = tpu.memref_squeeze %dma_start3A_1185 : memref<1x80xi32, #tpu.memory_space<vmem>> -> memref<80xi32, #tpu.memory_space<vmem>>
        %dma_start3A_1187 = tpu.memref_slice %arg6[%add3A_1182] : memref<6400000xi32, #tpu.memory_space<hbm>> -> memref<80xi32, #tpu.memory_space<hbm>>
        %dma_start3A_1188 = arith.constant 0 : i32
        %dma_start3A_1189 = tpu.memref_slice %arg15[%dma_start3A_1183, %dma_start3A_1188] : memref<10x80xi32, #tpu.memory_space<vmem>> -> memref<1x80xi32, #tpu.memory_space<vmem>>
        %dma_start3A_1190 = tpu.memref_squeeze %dma_start3A_1189 : memref<1x80xi32, #tpu.memory_space<vmem>> -> memref<80xi32, #tpu.memory_space<vmem>>
        %dma_start3A_1191 = tpu.memref_slice %arg6[%add3A_1182] : memref<6400000xi32, #tpu.memory_space<hbm>> -> memref<80xi32, #tpu.memory_space<hbm>>
        tpu.enqueue_dma source(%dma_start3A_1191 : memref<80xi32, #tpu.memory_space<hbm>>) target(%dma_start3A_1190 : memref<80xi32, #tpu.memory_space<vmem>>) target_semaphore(%arg21 : memref<!tpu.dma_semaphore, #tpu.memory_space<semaphore_mem>>)
        %add3A_1192 = arith.constant 640 : i32
        %add3A_1193 = arith.addi %add3A_1097, %add3A_1192 : i32
        %dma_start3A_1194 = arith.constant 8 : i32
        %dma_start3A_1195 = arith.constant 0 : i32
        %dma_start3A_1196 = tpu.memref_slice %arg15[%dma_start3A_1194, %dma_start3A_1195] : memref<10x80xi32, #tpu.memory_space<vmem>> -> memref<1x80xi32, #tpu.memory_space<vmem>>
        %dma_start3A_1197 = tpu.memref_squeeze %dma_start3A_1196 : memref<1x80xi32, #tpu.memory_space<vmem>> -> memref<80xi32, #tpu.memory_space<vmem>>
        %dma_start3A_1198 = tpu.memref_slice %arg6[%add3A_1193] : memref<6400000xi32, #tpu.memory_space<hbm>> -> memref<80xi32, #tpu.memory_space<hbm>>
        %dma_start3A_1199 = arith.constant 0 : i32
        %dma_start3A_1200 = tpu.memref_slice %arg15[%dma_start3A_1194, %dma_start3A_1199] : memref<10x80xi32, #tpu.memory_space<vmem>> -> memref<1x80xi32, #tpu.memory_space<vmem>>
        %dma_start3A_1201 = tpu.memref_squeeze %dma_start3A_1200 : memref<1x80xi32, #tpu.memory_space<vmem>> -> memref<80xi32, #tpu.memory_space<vmem>>
        %dma_start3A_1202 = tpu.memref_slice %arg6[%add3A_1193] : memref<6400000xi32, #tpu.memory_space<hbm>> -> memref<80xi32, #tpu.memory_space<hbm>>
        tpu.enqueue_dma source(%dma_start3A_1202 : memref<80xi32, #tpu.memory_space<hbm>>) target(%dma_start3A_1201 : memref<80xi32, #tpu.memory_space<vmem>>) target_semaphore(%arg21 : memref<!tpu.dma_semaphore, #tpu.memory_space<semaphore_mem>>)
        %add3A_1203 = arith.constant 720 : i32
        %add3A_1204 = arith.addi %add3A_1097, %add3A_1203 : i32
        %dma_start3A_1205 = arith.constant 9 : i32
        %dma_start3A_1206 = arith.constant 0 : i32
        %dma_start3A_1207 = tpu.memref_slice %arg15[%dma_start3A_1205, %dma_start3A_1206] : memref<10x80xi32, #tpu.memory_space<vmem>> -> memref<1x80xi32, #tpu.memory_space<vmem>>
        %dma_start3A_1208 = tpu.memref_squeeze %dma_start3A_1207 : memref<1x80xi32, #tpu.memory_space<vmem>> -> memref<80xi32, #tpu.memory_space<vmem>>
        %dma_start3A_1209 = tpu.memref_slice %arg6[%add3A_1204] : memref<6400000xi32, #tpu.memory_space<hbm>> -> memref<80xi32, #tpu.memory_space<hbm>>
        %dma_start3A_1210 = arith.constant 0 : i32
        %dma_start3A_1211 = tpu.memref_slice %arg15[%dma_start3A_1205, %dma_start3A_1210] : memref<10x80xi32, #tpu.memory_space<vmem>> -> memref<1x80xi32, #tpu.memory_space<vmem>>
        %dma_start3A_1212 = tpu.memref_squeeze %dma_start3A_1211 : memref<1x80xi32, #tpu.memory_space<vmem>> -> memref<80xi32, #tpu.memory_space<vmem>>
        %dma_start3A_1213 = tpu.memref_slice %arg6[%add3A_1204] : memref<6400000xi32, #tpu.memory_space<hbm>> -> memref<80xi32, #tpu.memory_space<hbm>>
        tpu.enqueue_dma source(%dma_start3A_1213 : memref<80xi32, #tpu.memory_space<hbm>>) target(%dma_start3A_1212 : memref<80xi32, #tpu.memory_space<vmem>>) target_semaphore(%arg21 : memref<!tpu.dma_semaphore, #tpu.memory_space<semaphore_mem>>)
      } else {
      }
      %scan3A_887 = arith.constant 0 : i32
      %scan3A_888 = arith.constant 0 : i32
      %scan3A_889 = arith.constant 50 : i32
      %scan3A_890 = arith.addi %scan3A_888, %scan3A_889 : i32
      %scan3A_891 = arith.constant 1 : i32
      scf.for %scan3A_1093 = %scan3A_888 to %scan3A_890 step %scan3A_891  : i32 {
        %mul3A_1094 = arith.constant 16 : i32
        %mul3A_1095 = arith.muli %scan3A_1093, %mul3A_1094 : i32
        %add3A_1096 = vector.broadcast %mul3A_1095 : i32 to vector<16xi32>
        %add3A_1097 = arith.addi %iota3A, %add3A_1096 : vector<16xi32>
        %get3A = arith.index_cast %mul3A_1095 : i32 to index
        %get3A_1098 = tpu.vector_load %arg12[%get3A] {strides = array<i32>} : memref<800xf32, #tpu.memory_space<vmem>>, vector<16xf32>,
        tpu.vector_store_idx %arg18[%add3A_1097, %add3A_10], %get3A_1098 : memref<800x8xf32, #tpu.memory_space<vmem>>[vector<16xi32>, vector<16xi32>], vector<16xf32>,
        %get3A_1099 = arith.index_cast %mul3A_1095 : i32 to index
        %get3A_1100 = tpu.vector_load %arg13[%get3A_1099] {strides = array<i32>} : memref<800xf32, #tpu.memory_space<vmem>>, vector<16xf32>,
        tpu.vector_store_idx %arg18[%add3A_1097, %add3A_16], %get3A_1100 : memref<800x8xf32, #tpu.memory_space<vmem>>[vector<16xi32>, vector<16xi32>], vector<16xf32>,
        %get3A_1101 = arith.index_cast %mul3A_1095 : i32 to index
        %get3A_1102 = tpu.vector_load %arg14[%get3A_1101] {strides = array<i32>} : memref<800xf32, #tpu.memory_space<vmem>>, vector<16xf32>,
        tpu.vector_store_idx %arg18[%add3A_1097, %add3A_22], %get3A_1102 : memref<800x8xf32, #tpu.memory_space<vmem>>[vector<16xi32>, vector<16xi32>], vector<16xf32>,
      }
      %scan3A_892 = arith.constant 50 : i32
      %dma_start3A_893 = arith.constant 0 : i32
      %dma_start3A_894 = arith.constant 0 : i32
      %dma_start3A_895 = arith.constant 0 : i32
      %dma_start3A_896 = tpu.memref_slice %arg18[%dma_start3A_894, %dma_start3A_895] : memref<800x8xf32, #tpu.memory_space<vmem>> -> memref<80x8xf32, #tpu.memory_space<vmem>>
      %dma_start3A_897 = arith.constant 0 : i32
      %dma_start3A_898 = tpu.memref_slice %arg16[%dma_start3A_893, %dma_start3A_897] : memref<10x80xi32, #tpu.memory_space<vmem>> -> memref<1x80xi32, #tpu.memory_space<vmem>>
      %dma_start3A_899 = tpu.memref_squeeze %dma_start3A_898 : memref<1x80xi32, #tpu.memory_space<vmem>> -> memref<80xi32, #tpu.memory_space<vmem>>
      %dma_start3A_900 = arith.constant 0 : i32
      %dma_start3A_901 = arith.constant 0 : i32
      %dma_start3A_902 = tpu.memref_slice %arg20[%dma_start3A_900, %dma_start3A_901] : memref<100096x8xf32, #tpu.memory_space<vmem_shared>> -> memref<100096x8xf32, #tpu.memory_space<vmem_shared>>
      tpu.enqueue_indirect_dma source(%dma_start3A_896 : memref<80x8xf32, #tpu.memory_space<vmem>>) target(%dma_start3A_902 : memref<100096x8xf32, #tpu.memory_space<vmem_shared>>) offsets(%dma_start3A_899 : memref<80xi32, #tpu.memory_space<vmem>>) semaphore(%arg23 : memref<!tpu.dma_semaphore, #tpu.memory_space<semaphore_mem>>) {add = true}
      %dma_start3A_903 = arith.constant 1 : i32
      %dma_start3A_904 = arith.constant 80 : i32
      %dma_start3A_905 = arith.constant 0 : i32
      %dma_start3A_906 = tpu.memref_slice %arg18[%dma_start3A_904, %dma_start3A_905] : memref<800x8xf32, #tpu.memory_space<vmem>> -> memref<80x8xf32, #tpu.memory_space<vmem>>
      %dma_start3A_907 = arith.constant 0 : i32
      %dma_start3A_908 = tpu.memref_slice %arg16[%dma_start3A_903, %dma_start3A_907] : memref<10x80xi32, #tpu.memory_space<vmem>> -> memref<1x80xi32, #tpu.memory_space<vmem>>
      %dma_start3A_909 = tpu.memref_squeeze %dma_start3A_908 : memref<1x80xi32, #tpu.memory_space<vmem>> -> memref<80xi32, #tpu.memory_space<vmem>>
      %dma_start3A_910 = arith.constant 0 : i32
      %dma_start3A_911 = arith.constant 0 : i32
      %dma_start3A_912 = tpu.memref_slice %arg20[%dma_start3A_910, %dma_start3A_911] : memref<100096x8xf32, #tpu.memory_space<vmem_shared>> -> memref<100096x8xf32, #tpu.memory_space<vmem_shared>>
      tpu.enqueue_indirect_dma source(%dma_start3A_906 : memref<80x8xf32, #tpu.memory_space<vmem>>) target(%dma_start3A_912 : memref<100096x8xf32, #tpu.memory_space<vmem_shared>>) offsets(%dma_start3A_909 : memref<80xi32, #tpu.memory_space<vmem>>) semaphore(%arg23 : memref<!tpu.dma_semaphore, #tpu.memory_space<semaphore_mem>>) {add = true}
      %dma_start3A_913 = arith.constant 2 : i32
      %dma_start3A_914 = arith.constant 160 : i32
      %dma_start3A_915 = arith.constant 0 : i32
      %dma_start3A_916 = tpu.memref_slice %arg18[%dma_start3A_914, %dma_start3A_915] : memref<800x8xf32, #tpu.memory_space<vmem>> -> memref<80x8xf32, #tpu.memory_space<vmem>>
      %dma_start3A_917 = arith.constant 0 : i32
      %dma_start3A_918 = tpu.memref_slice %arg16[%dma_start3A_913, %dma_start3A_917] : memref<10x80xi32, #tpu.memory_space<vmem>> -> memref<1x80xi32, #tpu.memory_space<vmem>>
      %dma_start3A_919 = tpu.memref_squeeze %dma_start3A_918 : memref<1x80xi32, #tpu.memory_space<vmem>> -> memref<80xi32, #tpu.memory_space<vmem>>
      %dma_start3A_920 = arith.constant 0 : i32
      %dma_start3A_921 = arith.constant 0 : i32
      %dma_start3A_922 = tpu.memref_slice %arg20[%dma_start3A_920, %dma_start3A_921] : memref<100096x8xf32, #tpu.memory_space<vmem_shared>> -> memref<100096x8xf32, #tpu.memory_space<vmem_shared>>
      tpu.enqueue_indirect_dma source(%dma_start3A_916 : memref<80x8xf32, #tpu.memory_space<vmem>>) target(%dma_start3A_922 : memref<100096x8xf32, #tpu.memory_space<vmem_shared>>) offsets(%dma_start3A_919 : memref<80xi32, #tpu.memory_space<vmem>>) semaphore(%arg23 : memref<!tpu.dma_semaphore, #tpu.memory_space<semaphore_mem>>) {add = true}
      %dma_start3A_923 = arith.constant 3 : i32
      %dma_start3A_924 = arith.constant 240 : i32
      %dma_start3A_925 = arith.constant 0 : i32
      %dma_start3A_926 = tpu.memref_slice %arg18[%dma_start3A_924, %dma_start3A_925] : memref<800x8xf32, #tpu.memory_space<vmem>> -> memref<80x8xf32, #tpu.memory_space<vmem>>
      %dma_start3A_927 = arith.constant 0 : i32
      %dma_start3A_928 = tpu.memref_slice %arg16[%dma_start3A_923, %dma_start3A_927] : memref<10x80xi32, #tpu.memory_space<vmem>> -> memref<1x80xi32, #tpu.memory_space<vmem>>
      %dma_start3A_929 = tpu.memref_squeeze %dma_start3A_928 : memref<1x80xi32, #tpu.memory_space<vmem>> -> memref<80xi32, #tpu.memory_space<vmem>>
      %dma_start3A_930 = arith.constant 0 : i32
      %dma_start3A_931 = arith.constant 0 : i32
      %dma_start3A_932 = tpu.memref_slice %arg20[%dma_start3A_930, %dma_start3A_931] : memref<100096x8xf32, #tpu.memory_space<vmem_shared>> -> memref<100096x8xf32, #tpu.memory_space<vmem_shared>>
      tpu.enqueue_indirect_dma source(%dma_start3A_926 : memref<80x8xf32, #tpu.memory_space<vmem>>) target(%dma_start3A_932 : memref<100096x8xf32, #tpu.memory_space<vmem_shared>>) offsets(%dma_start3A_929 : memref<80xi32, #tpu.memory_space<vmem>>) semaphore(%arg23 : memref<!tpu.dma_semaphore, #tpu.memory_space<semaphore_mem>>) {add = true}
      %dma_start3A_933 = arith.constant 4 : i32
      %dma_start3A_934 = arith.constant 320 : i32
      %dma_start3A_935 = arith.constant 0 : i32
      %dma_start3A_936 = tpu.memref_slice %arg18[%dma_start3A_934, %dma_start3A_935] : memref<800x8xf32, #tpu.memory_space<vmem>> -> memref<80x8xf32, #tpu.memory_space<vmem>>
      %dma_start3A_937 = arith.constant 0 : i32
      %dma_start3A_938 = tpu.memref_slice %arg16[%dma_start3A_933, %dma_start3A_937] : memref<10x80xi32, #tpu.memory_space<vmem>> -> memref<1x80xi32, #tpu.memory_space<vmem>>
      %dma_start3A_939 = tpu.memref_squeeze %dma_start3A_938 : memref<1x80xi32, #tpu.memory_space<vmem>> -> memref<80xi32, #tpu.memory_space<vmem>>
      %dma_start3A_940 = arith.constant 0 : i32
      %dma_start3A_941 = arith.constant 0 : i32
      %dma_start3A_942 = tpu.memref_slice %arg20[%dma_start3A_940, %dma_start3A_941] : memref<100096x8xf32, #tpu.memory_space<vmem_shared>> -> memref<100096x8xf32, #tpu.memory_space<vmem_shared>>
      tpu.enqueue_indirect_dma source(%dma_start3A_936 : memref<80x8xf32, #tpu.memory_space<vmem>>) target(%dma_start3A_942 : memref<100096x8xf32, #tpu.memory_space<vmem_shared>>) offsets(%dma_start3A_939 : memref<80xi32, #tpu.memory_space<vmem>>) semaphore(%arg23 : memref<!tpu.dma_semaphore, #tpu.memory_space<semaphore_mem>>) {add = true}
      %dma_start3A_943 = arith.constant 5 : i32
      %dma_start3A_944 = arith.constant 400 : i32
      %dma_start3A_945 = arith.constant 0 : i32
      %dma_start3A_946 = tpu.memref_slice %arg18[%dma_start3A_944, %dma_start3A_945] : memref<800x8xf32, #tpu.memory_space<vmem>> -> memref<80x8xf32, #tpu.memory_space<vmem>>
      %dma_start3A_947 = arith.constant 0 : i32
      %dma_start3A_948 = tpu.memref_slice %arg16[%dma_start3A_943, %dma_start3A_947] : memref<10x80xi32, #tpu.memory_space<vmem>> -> memref<1x80xi32, #tpu.memory_space<vmem>>
      %dma_start3A_949 = tpu.memref_squeeze %dma_start3A_948 : memref<1x80xi32, #tpu.memory_space<vmem>> -> memref<80xi32, #tpu.memory_space<vmem>>
      %dma_start3A_950 = arith.constant 0 : i32
      %dma_start3A_951 = arith.constant 0 : i32
      %dma_start3A_952 = tpu.memref_slice %arg20[%dma_start3A_950, %dma_start3A_951] : memref<100096x8xf32, #tpu.memory_space<vmem_shared>> -> memref<100096x8xf32, #tpu.memory_space<vmem_shared>>
      tpu.enqueue_indirect_dma source(%dma_start3A_946 : memref<80x8xf32, #tpu.memory_space<vmem>>) target(%dma_start3A_952 : memref<100096x8xf32, #tpu.memory_space<vmem_shared>>) offsets(%dma_start3A_949 : memref<80xi32, #tpu.memory_space<vmem>>) semaphore(%arg23 : memref<!tpu.dma_semaphore, #tpu.memory_space<semaphore_mem>>) {add = true}
      %dma_start3A_953 = arith.constant 6 : i32
      %dma_start3A_954 = arith.constant 480 : i32
      %dma_start3A_955 = arith.constant 0 : i32
      %dma_start3A_956 = tpu.memref_slice %arg18[%dma_start3A_954, %dma_start3A_955] : memref<800x8xf32, #tpu.memory_space<vmem>> -> memref<80x8xf32, #tpu.memory_space<vmem>>
      %dma_start3A_957 = arith.constant 0 : i32
      %dma_start3A_958 = tpu.memref_slice %arg16[%dma_start3A_953, %dma_start3A_957] : memref<10x80xi32, #tpu.memory_space<vmem>> -> memref<1x80xi32, #tpu.memory_space<vmem>>
      %dma_start3A_959 = tpu.memref_squeeze %dma_start3A_958 : memref<1x80xi32, #tpu.memory_space<vmem>> -> memref<80xi32, #tpu.memory_space<vmem>>
      %dma_start3A_960 = arith.constant 0 : i32
      %dma_start3A_961 = arith.constant 0 : i32
      %dma_start3A_962 = tpu.memref_slice %arg20[%dma_start3A_960, %dma_start3A_961] : memref<100096x8xf32, #tpu.memory_space<vmem_shared>> -> memref<100096x8xf32, #tpu.memory_space<vmem_shared>>
      tpu.enqueue_indirect_dma source(%dma_start3A_956 : memref<80x8xf32, #tpu.memory_space<vmem>>) target(%dma_start3A_962 : memref<100096x8xf32, #tpu.memory_space<vmem_shared>>) offsets(%dma_start3A_959 : memref<80xi32, #tpu.memory_space<vmem>>) semaphore(%arg23 : memref<!tpu.dma_semaphore, #tpu.memory_space<semaphore_mem>>) {add = true}
      %dma_start3A_963 = arith.constant 7 : i32
      %dma_start3A_964 = arith.constant 560 : i32
      %dma_start3A_965 = arith.constant 0 : i32
      %dma_start3A_966 = tpu.memref_slice %arg18[%dma_start3A_964, %dma_start3A_965] : memref<800x8xf32, #tpu.memory_space<vmem>> -> memref<80x8xf32, #tpu.memory_space<vmem>>
      %dma_start3A_967 = arith.constant 0 : i32
      %dma_start3A_968 = tpu.memref_slice %arg16[%dma_start3A_963, %dma_start3A_967] : memref<10x80xi32, #tpu.memory_space<vmem>> -> memref<1x80xi32, #tpu.memory_space<vmem>>
      %dma_start3A_969 = tpu.memref_squeeze %dma_start3A_968 : memref<1x80xi32, #tpu.memory_space<vmem>> -> memref<80xi32, #tpu.memory_space<vmem>>
      %dma_start3A_970 = arith.constant 0 : i32
      %dma_start3A_971 = arith.constant 0 : i32
      %dma_start3A_972 = tpu.memref_slice %arg20[%dma_start3A_970, %dma_start3A_971] : memref<100096x8xf32, #tpu.memory_space<vmem_shared>> -> memref<100096x8xf32, #tpu.memory_space<vmem_shared>>
      tpu.enqueue_indirect_dma source(%dma_start3A_966 : memref<80x8xf32, #tpu.memory_space<vmem>>) target(%dma_start3A_972 : memref<100096x8xf32, #tpu.memory_space<vmem_shared>>) offsets(%dma_start3A_969 : memref<80xi32, #tpu.memory_space<vmem>>) semaphore(%arg23 : memref<!tpu.dma_semaphore, #tpu.memory_space<semaphore_mem>>) {add = true}
      %dma_start3A_973 = arith.constant 8 : i32
      %dma_start3A_974 = arith.constant 640 : i32
      %dma_start3A_975 = arith.constant 0 : i32
      %dma_start3A_976 = tpu.memref_slice %arg18[%dma_start3A_974, %dma_start3A_975] : memref<800x8xf32, #tpu.memory_space<vmem>> -> memref<80x8xf32, #tpu.memory_space<vmem>>
      %dma_start3A_977 = arith.constant 0 : i32
      %dma_start3A_978 = tpu.memref_slice %arg16[%dma_start3A_973, %dma_start3A_977] : memref<10x80xi32, #tpu.memory_space<vmem>> -> memref<1x80xi32, #tpu.memory_space<vmem>>
      %dma_start3A_979 = tpu.memref_squeeze %dma_start3A_978 : memref<1x80xi32, #tpu.memory_space<vmem>> -> memref<80xi32, #tpu.memory_space<vmem>>
      %dma_start3A_980 = arith.constant 0 : i32
      %dma_start3A_981 = arith.constant 0 : i32
      %dma_start3A_982 = tpu.memref_slice %arg20[%dma_start3A_980, %dma_start3A_981] : memref<100096x8xf32, #tpu.memory_space<vmem_shared>> -> memref<100096x8xf32, #tpu.memory_space<vmem_shared>>
      tpu.enqueue_indirect_dma source(%dma_start3A_976 : memref<80x8xf32, #tpu.memory_space<vmem>>) target(%dma_start3A_982 : memref<100096x8xf32, #tpu.memory_space<vmem_shared>>) offsets(%dma_start3A_979 : memref<80xi32, #tpu.memory_space<vmem>>) semaphore(%arg23 : memref<!tpu.dma_semaphore, #tpu.memory_space<semaphore_mem>>) {add = true}
      %dma_start3A_983 = arith.constant 9 : i32
      %dma_start3A_984 = arith.constant 720 : i32
      %dma_start3A_985 = arith.constant 0 : i32
      %dma_start3A_986 = tpu.memref_slice %arg18[%dma_start3A_984, %dma_start3A_985] : memref<800x8xf32, #tpu.memory_space<vmem>> -> memref<80x8xf32, #tpu.memory_space<vmem>>
      %dma_start3A_987 = arith.constant 0 : i32
      %dma_start3A_988 = tpu.memref_slice %arg16[%dma_start3A_983, %dma_start3A_987] : memref<10x80xi32, #tpu.memory_space<vmem>> -> memref<1x80xi32, #tpu.memory_space<vmem>>
      %dma_start3A_989 = tpu.memref_squeeze %dma_start3A_988 : memref<1x80xi32, #tpu.memory_space<vmem>> -> memref<80xi32, #tpu.memory_space<vmem>>
      %dma_start3A_990 = arith.constant 0 : i32
      %dma_start3A_991 = arith.constant 0 : i32
      %dma_start3A_992 = tpu.memref_slice %arg20[%dma_start3A_990, %dma_start3A_991] : memref<100096x8xf32, #tpu.memory_space<vmem_shared>> -> memref<100096x8xf32, #tpu.memory_space<vmem_shared>>
      tpu.enqueue_indirect_dma source(%dma_start3A_986 : memref<80x8xf32, #tpu.memory_space<vmem>>) target(%dma_start3A_992 : memref<100096x8xf32, #tpu.memory_space<vmem_shared>>) offsets(%dma_start3A_989 : memref<80xi32, #tpu.memory_space<vmem>>) semaphore(%arg23 : memref<!tpu.dma_semaphore, #tpu.memory_space<semaphore_mem>>) {add = true}
      %dma_wait3A_993 = arith.constant 0 : i32
      %dma_wait3A_994 = arith.constant 0 : i32
      %dma_wait3A_995 = arith.constant 0 : i32
      %dma_wait3A_996 = tpu.memref_slice %arg18[%dma_wait3A_994, %dma_wait3A_995] : memref<800x8xf32, #tpu.memory_space<vmem>> -> memref<80x8xf32, #tpu.memory_space<vmem>>
      %dma_wait3A_997 = arith.constant 0 : i32
      %dma_wait3A_998 = tpu.memref_slice %arg16[%dma_wait3A_993, %dma_wait3A_997] : memref<10x80xi32, #tpu.memory_space<vmem>> -> memref<1x80xi32, #tpu.memory_space<vmem>>
      %dma_wait3A_999 = tpu.memref_squeeze %dma_wait3A_998 : memref<1x80xi32, #tpu.memory_space<vmem>> -> memref<80xi32, #tpu.memory_space<vmem>>
      %dma_wait3A_1000 = arith.constant 0 : i32
      %dma_wait3A_1001 = arith.constant 0 : i32
      %dma_wait3A_1002 = tpu.memref_slice %arg20[%dma_wait3A_1000, %dma_wait3A_1001] : memref<100096x8xf32, #tpu.memory_space<vmem_shared>> -> memref<100096x8xf32, #tpu.memory_space<vmem_shared>>
      tpu.wait_indirect_dma semaphore(%arg23 : memref<!tpu.dma_semaphore, #tpu.memory_space<semaphore_mem>>) src(%dma_wait3A_996 : memref<80x8xf32, #tpu.memory_space<vmem>>) dst(%dma_wait3A_1002 : memref<100096x8xf32, #tpu.memory_space<vmem_shared>>)
      %dma_wait3A_1003 = arith.constant 1 : i32
      %dma_wait3A_1004 = arith.constant 80 : i32
      %dma_wait3A_1005 = arith.constant 0 : i32
      %dma_wait3A_1006 = tpu.memref_slice %arg18[%dma_wait3A_1004, %dma_wait3A_1005] : memref<800x8xf32, #tpu.memory_space<vmem>> -> memref<80x8xf32, #tpu.memory_space<vmem>>
      %dma_wait3A_1007 = arith.constant 0 : i32
      %dma_wait3A_1008 = tpu.memref_slice %arg16[%dma_wait3A_1003, %dma_wait3A_1007] : memref<10x80xi32, #tpu.memory_space<vmem>> -> memref<1x80xi32, #tpu.memory_space<vmem>>
      %dma_wait3A_1009 = tpu.memref_squeeze %dma_wait3A_1008 : memref<1x80xi32, #tpu.memory_space<vmem>> -> memref<80xi32, #tpu.memory_space<vmem>>
      %dma_wait3A_1010 = arith.constant 0 : i32
      %dma_wait3A_1011 = arith.constant 0 : i32
      %dma_wait3A_1012 = tpu.memref_slice %arg20[%dma_wait3A_1010, %dma_wait3A_1011] : memref<100096x8xf32, #tpu.memory_space<vmem_shared>> -> memref<100096x8xf32, #tpu.memory_space<vmem_shared>>
      tpu.wait_indirect_dma semaphore(%arg23 : memref<!tpu.dma_semaphore, #tpu.memory_space<semaphore_mem>>) src(%dma_wait3A_1006 : memref<80x8xf32, #tpu.memory_space<vmem>>) dst(%dma_wait3A_1012 : memref<100096x8xf32, #tpu.memory_space<vmem_shared>>)
      %dma_wait3A_1013 = arith.constant 2 : i32
      %dma_wait3A_1014 = arith.constant 160 : i32
      %dma_wait3A_1015 = arith.constant 0 : i32
      %dma_wait3A_1016 = tpu.memref_slice %arg18[%dma_wait3A_1014, %dma_wait3A_1015] : memref<800x8xf32, #tpu.memory_space<vmem>> -> memref<80x8xf32, #tpu.memory_space<vmem>>
      %dma_wait3A_1017 = arith.constant 0 : i32
      %dma_wait3A_1018 = tpu.memref_slice %arg16[%dma_wait3A_1013, %dma_wait3A_1017] : memref<10x80xi32, #tpu.memory_space<vmem>> -> memref<1x80xi32, #tpu.memory_space<vmem>>
      %dma_wait3A_1019 = tpu.memref_squeeze %dma_wait3A_1018 : memref<1x80xi32, #tpu.memory_space<vmem>> -> memref<80xi32, #tpu.memory_space<vmem>>
      %dma_wait3A_1020 = arith.constant 0 : i32
      %dma_wait3A_1021 = arith.constant 0 : i32
      %dma_wait3A_1022 = tpu.memref_slice %arg20[%dma_wait3A_1020, %dma_wait3A_1021] : memref<100096x8xf32, #tpu.memory_space<vmem_shared>> -> memref<100096x8xf32, #tpu.memory_space<vmem_shared>>
      tpu.wait_indirect_dma semaphore(%arg23 : memref<!tpu.dma_semaphore, #tpu.memory_space<semaphore_mem>>) src(%dma_wait3A_1016 : memref<80x8xf32, #tpu.memory_space<vmem>>) dst(%dma_wait3A_1022 : memref<100096x8xf32, #tpu.memory_space<vmem_shared>>)
      %dma_wait3A_1023 = arith.constant 3 : i32
      %dma_wait3A_1024 = arith.constant 240 : i32
      %dma_wait3A_1025 = arith.constant 0 : i32
      %dma_wait3A_1026 = tpu.memref_slice %arg18[%dma_wait3A_1024, %dma_wait3A_1025] : memref<800x8xf32, #tpu.memory_space<vmem>> -> memref<80x8xf32, #tpu.memory_space<vmem>>
      %dma_wait3A_1027 = arith.constant 0 : i32
      %dma_wait3A_1028 = tpu.memref_slice %arg16[%dma_wait3A_1023, %dma_wait3A_1027] : memref<10x80xi32, #tpu.memory_space<vmem>> -> memref<1x80xi32, #tpu.memory_space<vmem>>
      %dma_wait3A_1029 = tpu.memref_squeeze %dma_wait3A_1028 : memref<1x80xi32, #tpu.memory_space<vmem>> -> memref<80xi32, #tpu.memory_space<vmem>>
      %dma_wait3A_1030 = arith.constant 0 : i32
      %dma_wait3A_1031 = arith.constant 0 : i32
      %dma_wait3A_1032 = tpu.memref_slice %arg20[%dma_wait3A_1030, %dma_wait3A_1031] : memref<100096x8xf32, #tpu.memory_space<vmem_shared>> -> memref<100096x8xf32, #tpu.memory_space<vmem_shared>>
      tpu.wait_indirect_dma semaphore(%arg23 : memref<!tpu.dma_semaphore, #tpu.memory_space<semaphore_mem>>) src(%dma_wait3A_1026 : memref<80x8xf32, #tpu.memory_space<vmem>>) dst(%dma_wait3A_1032 : memref<100096x8xf32, #tpu.memory_space<vmem_shared>>)
      %dma_wait3A_1033 = arith.constant 4 : i32
      %dma_wait3A_1034 = arith.constant 320 : i32
      %dma_wait3A_1035 = arith.constant 0 : i32
      %dma_wait3A_1036 = tpu.memref_slice %arg18[%dma_wait3A_1034, %dma_wait3A_1035] : memref<800x8xf32, #tpu.memory_space<vmem>> -> memref<80x8xf32, #tpu.memory_space<vmem>>
      %dma_wait3A_1037 = arith.constant 0 : i32
      %dma_wait3A_1038 = tpu.memref_slice %arg16[%dma_wait3A_1033, %dma_wait3A_1037] : memref<10x80xi32, #tpu.memory_space<vmem>> -> memref<1x80xi32, #tpu.memory_space<vmem>>
      %dma_wait3A_1039 = tpu.memref_squeeze %dma_wait3A_1038 : memref<1x80xi32, #tpu.memory_space<vmem>> -> memref<80xi32, #tpu.memory_space<vmem>>
      %dma_wait3A_1040 = arith.constant 0 : i32
      %dma_wait3A_1041 = arith.constant 0 : i32
      %dma_wait3A_1042 = tpu.memref_slice %arg20[%dma_wait3A_1040, %dma_wait3A_1041] : memref<100096x8xf32, #tpu.memory_space<vmem_shared>> -> memref<100096x8xf32, #tpu.memory_space<vmem_shared>>
      tpu.wait_indirect_dma semaphore(%arg23 : memref<!tpu.dma_semaphore, #tpu.memory_space<semaphore_mem>>) src(%dma_wait3A_1036 : memref<80x8xf32, #tpu.memory_space<vmem>>) dst(%dma_wait3A_1042 : memref<100096x8xf32, #tpu.memory_space<vmem_shared>>)
      %dma_wait3A_1043 = arith.constant 5 : i32
      %dma_wait3A_1044 = arith.constant 400 : i32
      %dma_wait3A_1045 = arith.constant 0 : i32
      %dma_wait3A_1046 = tpu.memref_slice %arg18[%dma_wait3A_1044, %dma_wait3A_1045] : memref<800x8xf32, #tpu.memory_space<vmem>> -> memref<80x8xf32, #tpu.memory_space<vmem>>
      %dma_wait3A_1047 = arith.constant 0 : i32
      %dma_wait3A_1048 = tpu.memref_slice %arg16[%dma_wait3A_1043, %dma_wait3A_1047] : memref<10x80xi32, #tpu.memory_space<vmem>> -> memref<1x80xi32, #tpu.memory_space<vmem>>
      %dma_wait3A_1049 = tpu.memref_squeeze %dma_wait3A_1048 : memref<1x80xi32, #tpu.memory_space<vmem>> -> memref<80xi32, #tpu.memory_space<vmem>>
      %dma_wait3A_1050 = arith.constant 0 : i32
      %dma_wait3A_1051 = arith.constant 0 : i32
      %dma_wait3A_1052 = tpu.memref_slice %arg20[%dma_wait3A_1050, %dma_wait3A_1051] : memref<100096x8xf32, #tpu.memory_space<vmem_shared>> -> memref<100096x8xf32, #tpu.memory_space<vmem_shared>>
      tpu.wait_indirect_dma semaphore(%arg23 : memref<!tpu.dma_semaphore, #tpu.memory_space<semaphore_mem>>) src(%dma_wait3A_1046 : memref<80x8xf32, #tpu.memory_space<vmem>>) dst(%dma_wait3A_1052 : memref<100096x8xf32, #tpu.memory_space<vmem_shared>>)
      %dma_wait3A_1053 = arith.constant 6 : i32
      %dma_wait3A_1054 = arith.constant 480 : i32
      %dma_wait3A_1055 = arith.constant 0 : i32
      %dma_wait3A_1056 = tpu.memref_slice %arg18[%dma_wait3A_1054, %dma_wait3A_1055] : memref<800x8xf32, #tpu.memory_space<vmem>> -> memref<80x8xf32, #tpu.memory_space<vmem>>
      %dma_wait3A_1057 = arith.constant 0 : i32
      %dma_wait3A_1058 = tpu.memref_slice %arg16[%dma_wait3A_1053, %dma_wait3A_1057] : memref<10x80xi32, #tpu.memory_space<vmem>> -> memref<1x80xi32, #tpu.memory_space<vmem>>
      %dma_wait3A_1059 = tpu.memref_squeeze %dma_wait3A_1058 : memref<1x80xi32, #tpu.memory_space<vmem>> -> memref<80xi32, #tpu.memory_space<vmem>>
      %dma_wait3A_1060 = arith.constant 0 : i32
      %dma_wait3A_1061 = arith.constant 0 : i32
      %dma_wait3A_1062 = tpu.memref_slice %arg20[%dma_wait3A_1060, %dma_wait3A_1061] : memref<100096x8xf32, #tpu.memory_space<vmem_shared>> -> memref<100096x8xf32, #tpu.memory_space<vmem_shared>>
      tpu.wait_indirect_dma semaphore(%arg23 : memref<!tpu.dma_semaphore, #tpu.memory_space<semaphore_mem>>) src(%dma_wait3A_1056 : memref<80x8xf32, #tpu.memory_space<vmem>>) dst(%dma_wait3A_1062 : memref<100096x8xf32, #tpu.memory_space<vmem_shared>>)
      %dma_wait3A_1063 = arith.constant 7 : i32
      %dma_wait3A_1064 = arith.constant 560 : i32
      %dma_wait3A_1065 = arith.constant 0 : i32
      %dma_wait3A_1066 = tpu.memref_slice %arg18[%dma_wait3A_1064, %dma_wait3A_1065] : memref<800x8xf32, #tpu.memory_space<vmem>> -> memref<80x8xf32, #tpu.memory_space<vmem>>
      %dma_wait3A_1067 = arith.constant 0 : i32
      %dma_wait3A_1068 = tpu.memref_slice %arg16[%dma_wait3A_1063, %dma_wait3A_1067] : memref<10x80xi32, #tpu.memory_space<vmem>> -> memref<1x80xi32, #tpu.memory_space<vmem>>
      %dma_wait3A_1069 = tpu.memref_squeeze %dma_wait3A_1068 : memref<1x80xi32, #tpu.memory_space<vmem>> -> memref<80xi32, #tpu.memory_space<vmem>>
      %dma_wait3A_1070 = arith.constant 0 : i32
      %dma_wait3A_1071 = arith.constant 0 : i32
      %dma_wait3A_1072 = tpu.memref_slice %arg20[%dma_wait3A_1070, %dma_wait3A_1071] : memref<100096x8xf32, #tpu.memory_space<vmem_shared>> -> memref<100096x8xf32, #tpu.memory_space<vmem_shared>>
      tpu.wait_indirect_dma semaphore(%arg23 : memref<!tpu.dma_semaphore, #tpu.memory_space<semaphore_mem>>) src(%dma_wait3A_1066 : memref<80x8xf32, #tpu.memory_space<vmem>>) dst(%dma_wait3A_1072 : memref<100096x8xf32, #tpu.memory_space<vmem_shared>>)
      %dma_wait3A_1073 = arith.constant 8 : i32
      %dma_wait3A_1074 = arith.constant 640 : i32
      %dma_wait3A_1075 = arith.constant 0 : i32
      %dma_wait3A_1076 = tpu.memref_slice %arg18[%dma_wait3A_1074, %dma_wait3A_1075] : memref<800x8xf32, #tpu.memory_space<vmem>> -> memref<80x8xf32, #tpu.memory_space<vmem>>
      %dma_wait3A_1077 = arith.constant 0 : i32
      %dma_wait3A_1078 = tpu.memref_slice %arg16[%dma_wait3A_1073, %dma_wait3A_1077] : memref<10x80xi32, #tpu.memory_space<vmem>> -> memref<1x80xi32, #tpu.memory_space<vmem>>
      %dma_wait3A_1079 = tpu.memref_squeeze %dma_wait3A_1078 : memref<1x80xi32, #tpu.memory_space<vmem>> -> memref<80xi32, #tpu.memory_space<vmem>>
      %dma_wait3A_1080 = arith.constant 0 : i32
      %dma_wait3A_1081 = arith.constant 0 : i32
      %dma_wait3A_1082 = tpu.memref_slice %arg20[%dma_wait3A_1080, %dma_wait3A_1081] : memref<100096x8xf32, #tpu.memory_space<vmem_shared>> -> memref<100096x8xf32, #tpu.memory_space<vmem_shared>>
      tpu.wait_indirect_dma semaphore(%arg23 : memref<!tpu.dma_semaphore, #tpu.memory_space<semaphore_mem>>) src(%dma_wait3A_1076 : memref<80x8xf32, #tpu.memory_space<vmem>>) dst(%dma_wait3A_1082 : memref<100096x8xf32, #tpu.memory_space<vmem_shared>>)
      %dma_wait3A_1083 = arith.constant 9 : i32
      %dma_wait3A_1084 = arith.constant 720 : i32
      %dma_wait3A_1085 = arith.constant 0 : i32
      %dma_wait3A_1086 = tpu.memref_slice %arg18[%dma_wait3A_1084, %dma_wait3A_1085] : memref<800x8xf32, #tpu.memory_space<vmem>> -> memref<80x8xf32, #tpu.memory_space<vmem>>
      %dma_wait3A_1087 = arith.constant 0 : i32
      %dma_wait3A_1088 = tpu.memref_slice %arg16[%dma_wait3A_1083, %dma_wait3A_1087] : memref<10x80xi32, #tpu.memory_space<vmem>> -> memref<1x80xi32, #tpu.memory_space<vmem>>
      %dma_wait3A_1089 = tpu.memref_squeeze %dma_wait3A_1088 : memref<1x80xi32, #tpu.memory_space<vmem>> -> memref<80xi32, #tpu.memory_space<vmem>>
      %dma_wait3A_1090 = arith.constant 0 : i32
      %dma_wait3A_1091 = arith.constant 0 : i32
      %dma_wait3A_1092 = tpu.memref_slice %arg20[%dma_wait3A_1090, %dma_wait3A_1091] : memref<100096x8xf32, #tpu.memory_space<vmem_shared>> -> memref<100096x8xf32, #tpu.memory_space<vmem_shared>>
      tpu.wait_indirect_dma semaphore(%arg23 : memref<!tpu.dma_semaphore, #tpu.memory_space<semaphore_mem>>) src(%dma_wait3A_1086 : memref<80x8xf32, #tpu.memory_space<vmem>>) dst(%dma_wait3A_1092 : memref<100096x8xf32, #tpu.memory_space<vmem_shared>>)
    }
    %scan3A_359 = arith.constant 125 : i32
    %barrier3A_360 = arith.constant 0 : index
    tpu.barrier barrier_id(%barrier3A_360)
    %add3A_361 = arith.constant 0 : i32
    %add3A_362 = arith.addi %mul3A_2, %add3A_361 : i32
    "tpu.region"() ({
      %run_scoped3A = tpu.sem_alloc : memref<!tpu.dma_semaphore, #tpu.memory_space<semaphore_mem>>
      %dma_start3A_418 = arith.constant 0 : i32
      %dma_start3A_419 = tpu.memref_slice %arg20[%add3A_362, %dma_start3A_418] : memref<100096x8xf32, #tpu.memory_space<vmem_shared>> -> memref<782x8xf32, #tpu.memory_space<vmem_shared>>
      %dma_start3A_420 = arith.constant 0 : i32
      %dma_start3A_421 = tpu.memref_slice %arg20[%add3A_362, %dma_start3A_420] : memref<100096x8xf32, #tpu.memory_space<vmem_shared>> -> memref<782x8xf32, #tpu.memory_space<vmem_shared>>
      tpu.enqueue_dma source(%dma_start3A_421 : memref<782x8xf32, #tpu.memory_space<vmem_shared>>) target(%arg19 : memref<782x8xf32, #tpu.memory_space<vmem>>) target_semaphore(%run_scoped3A : memref<!tpu.dma_semaphore, #tpu.memory_space<semaphore_mem>>)
      %dma_wait3A = arith.constant 0 : i32
      %dma_wait3A_422 = tpu.memref_slice %arg20[%add3A_362, %dma_wait3A] : memref<100096x8xf32, #tpu.memory_space<vmem_shared>> -> memref<782x8xf32, #tpu.memory_space<vmem_shared>>
      %dma_wait3A_423 = arith.constant 0 : i32
      %dma_wait3A_424 = tpu.memref_slice %arg20[%add3A_362, %dma_wait3A_423] : memref<100096x8xf32, #tpu.memory_space<vmem_shared>> -> memref<782x8xf32, #tpu.memory_space<vmem_shared>>
      tpu.wait_dma2 semaphore(%run_scoped3A : memref<!tpu.dma_semaphore, #tpu.memory_space<semaphore_mem>>) src(%dma_wait3A_424 : memref<782x8xf32, #tpu.memory_space<vmem_shared>>) dst(%arg19 : memref<782x8xf32, #tpu.memory_space<vmem>>)
      tpu.yield
    }) : () -> ()
    %add3A_363 = arith.constant 2 : i32
    %add3A_364 = arith.addi %add3A_363, %arg0 : i32
    %mul3A_365 = arith.constant 100096 : i32
    %mul3A_366 = arith.muli %add3A_364, %mul3A_365 : i32
    %add3A_367 = arith.addi %mul3A_366, %add3A_362 : i32
    "tpu.region"() ({
      %run_scoped3A = tpu.sem_alloc : memref<!tpu.dma_semaphore, #tpu.memory_space<semaphore_mem>>
      %dma_start3A_418 = arith.constant 0 : i32
      %dma_start3A_419 = tpu.memref_slice %arg8[%add3A_367, %dma_start3A_418] : memref<400384x8xf32, #tpu.memory_space<hbm>> -> memref<782x8xf32, #tpu.memory_space<hbm>>
      %dma_start3A_420 = arith.constant 0 : i32
      %dma_start3A_421 = tpu.memref_slice %arg8[%add3A_367, %dma_start3A_420] : memref<400384x8xf32, #tpu.memory_space<hbm>> -> memref<782x8xf32, #tpu.memory_space<hbm>>
      tpu.enqueue_dma source(%arg19 : memref<782x8xf32, #tpu.memory_space<vmem>>) target(%dma_start3A_421 : memref<782x8xf32, #tpu.memory_space<hbm>>) target_semaphore(%run_scoped3A : memref<!tpu.dma_semaphore, #tpu.memory_space<semaphore_mem>>)
      %dma_wait3A = arith.constant 0 : i32
      %dma_wait3A_422 = tpu.memref_slice %arg8[%add3A_367, %dma_wait3A] : memref<400384x8xf32, #tpu.memory_space<hbm>> -> memref<782x8xf32, #tpu.memory_space<hbm>>
      %dma_wait3A_423 = arith.constant 0 : i32
      %dma_wait3A_424 = tpu.memref_slice %arg8[%add3A_367, %dma_wait3A_423] : memref<400384x8xf32, #tpu.memory_space<hbm>> -> memref<782x8xf32, #tpu.memory_space<hbm>>
      tpu.wait_dma2 semaphore(%run_scoped3A : memref<!tpu.dma_semaphore, #tpu.memory_space<semaphore_mem>>) src(%arg19 : memref<782x8xf32, #tpu.memory_space<vmem>>) dst(%dma_wait3A_424 : memref<782x8xf32, #tpu.memory_space<hbm>>)
      tpu.yield
    }) : () -> ()
    %add3A_368 = arith.constant 782 : i32
    %add3A_369 = arith.addi %mul3A_2, %add3A_368 : i32
    "tpu.region"() ({
      %run_scoped3A = tpu.sem_alloc : memref<!tpu.dma_semaphore, #tpu.memory_space<semaphore_mem>>
      %dma_start3A_418 = arith.constant 0 : i32
      %dma_start3A_419 = tpu.memref_slice %arg20[%add3A_369, %dma_start3A_418] : memref<100096x8xf32, #tpu.memory_space<vmem_shared>> -> memref<782x8xf32, #tpu.memory_space<vmem_shared>>
      %dma_start3A_420 = arith.constant 0 : i32
      %dma_start3A_421 = tpu.memref_slice %arg20[%add3A_369, %dma_start3A_420] : memref<100096x8xf32, #tpu.memory_space<vmem_shared>> -> memref<782x8xf32, #tpu.memory_space<vmem_shared>>
      tpu.enqueue_dma source(%dma_start3A_421 : memref<782x8xf32, #tpu.memory_space<vmem_shared>>) target(%arg19 : memref<782x8xf32, #tpu.memory_space<vmem>>) target_semaphore(%run_scoped3A : memref<!tpu.dma_semaphore, #tpu.memory_space<semaphore_mem>>)
      %dma_wait3A = arith.constant 0 : i32
      %dma_wait3A_422 = tpu.memref_slice %arg20[%add3A_369, %dma_wait3A] : memref<100096x8xf32, #tpu.memory_space<vmem_shared>> -> memref<782x8xf32, #tpu.memory_space<vmem_shared>>
      %dma_wait3A_423 = arith.constant 0 : i32
      %dma_wait3A_424 = tpu.memref_slice %arg20[%add3A_369, %dma_wait3A_423] : memref<100096x8xf32, #tpu.memory_space<vmem_shared>> -> memref<782x8xf32, #tpu.memory_space<vmem_shared>>
      tpu.wait_dma2 semaphore(%run_scoped3A : memref<!tpu.dma_semaphore, #tpu.memory_space<semaphore_mem>>) src(%dma_wait3A_424 : memref<782x8xf32, #tpu.memory_space<vmem_shared>>) dst(%arg19 : memref<782x8xf32, #tpu.memory_space<vmem>>)
      tpu.yield
    }) : () -> ()
    %add3A_370 = arith.constant 2 : i32
    %add3A_371 = arith.addi %add3A_370, %arg0 : i32
    %mul3A_372 = arith.constant 100096 : i32
    %mul3A_373 = arith.muli %add3A_371, %mul3A_372 : i32
    %add3A_374 = arith.addi %mul3A_373, %add3A_369 : i32
    "tpu.region"() ({
      %run_scoped3A = tpu.sem_alloc : memref<!tpu.dma_semaphore, #tpu.memory_space<semaphore_mem>>
      %dma_start3A_418 = arith.constant 0 : i32
      %dma_start3A_419 = tpu.memref_slice %arg8[%add3A_374, %dma_start3A_418] : memref<400384x8xf32, #tpu.memory_space<hbm>> -> memref<782x8xf32, #tpu.memory_space<hbm>>
      %dma_start3A_420 = arith.constant 0 : i32
      %dma_start3A_421 = tpu.memref_slice %arg8[%add3A_374, %dma_start3A_420] : memref<400384x8xf32, #tpu.memory_space<hbm>> -> memref<782x8xf32, #tpu.memory_space<hbm>>
      tpu.enqueue_dma source(%arg19 : memref<782x8xf32, #tpu.memory_space<vmem>>) target(%dma_start3A_421 : memref<782x8xf32, #tpu.memory_space<hbm>>) target_semaphore(%run_scoped3A : memref<!tpu.dma_semaphore, #tpu.memory_space<semaphore_mem>>)
      %dma_wait3A = arith.constant 0 : i32
      %dma_wait3A_422 = tpu.memref_slice %arg8[%add3A_374, %dma_wait3A] : memref<400384x8xf32, #tpu.memory_space<hbm>> -> memref<782x8xf32, #tpu.memory_space<hbm>>
      %dma_wait3A_423 = arith.constant 0 : i32
      %dma_wait3A_424 = tpu.memref_slice %arg8[%add3A_374, %dma_wait3A_423] : memref<400384x8xf32, #tpu.memory_space<hbm>> -> memref<782x8xf32, #tpu.memory_space<hbm>>
      tpu.wait_dma2 semaphore(%run_scoped3A : memref<!tpu.dma_semaphore, #tpu.memory_space<semaphore_mem>>) src(%arg19 : memref<782x8xf32, #tpu.memory_space<vmem>>) dst(%dma_wait3A_424 : memref<782x8xf32, #tpu.memory_space<hbm>>)
      tpu.yield
    }) : () -> ()
    %add3A_375 = arith.constant 1564 : i32
    %add3A_376 = arith.addi %mul3A_2, %add3A_375 : i32
    "tpu.region"() ({
      %run_scoped3A = tpu.sem_alloc : memref<!tpu.dma_semaphore, #tpu.memory_space<semaphore_mem>>
      %dma_start3A_418 = arith.constant 0 : i32
      %dma_start3A_419 = tpu.memref_slice %arg20[%add3A_376, %dma_start3A_418] : memref<100096x8xf32, #tpu.memory_space<vmem_shared>> -> memref<782x8xf32, #tpu.memory_space<vmem_shared>>
      %dma_start3A_420 = arith.constant 0 : i32
      %dma_start3A_421 = tpu.memref_slice %arg20[%add3A_376, %dma_start3A_420] : memref<100096x8xf32, #tpu.memory_space<vmem_shared>> -> memref<782x8xf32, #tpu.memory_space<vmem_shared>>
      tpu.enqueue_dma source(%dma_start3A_421 : memref<782x8xf32, #tpu.memory_space<vmem_shared>>) target(%arg19 : memref<782x8xf32, #tpu.memory_space<vmem>>) target_semaphore(%run_scoped3A : memref<!tpu.dma_semaphore, #tpu.memory_space<semaphore_mem>>)
      %dma_wait3A = arith.constant 0 : i32
      %dma_wait3A_422 = tpu.memref_slice %arg20[%add3A_376, %dma_wait3A] : memref<100096x8xf32, #tpu.memory_space<vmem_shared>> -> memref<782x8xf32, #tpu.memory_space<vmem_shared>>
      %dma_wait3A_423 = arith.constant 0 : i32
      %dma_wait3A_424 = tpu.memref_slice %arg20[%add3A_376, %dma_wait3A_423] : memref<100096x8xf32, #tpu.memory_space<vmem_shared>> -> memref<782x8xf32, #tpu.memory_space<vmem_shared>>
      tpu.wait_dma2 semaphore(%run_scoped3A : memref<!tpu.dma_semaphore, #tpu.memory_space<semaphore_mem>>) src(%dma_wait3A_424 : memref<782x8xf32, #tpu.memory_space<vmem_shared>>) dst(%arg19 : memref<782x8xf32, #tpu.memory_space<vmem>>)
      tpu.yield
    }) : () -> ()
    %add3A_377 = arith.constant 2 : i32
    %add3A_378 = arith.addi %add3A_377, %arg0 : i32
    %mul3A_379 = arith.constant 100096 : i32
    %mul3A_380 = arith.muli %add3A_378, %mul3A_379 : i32
    %add3A_381 = arith.addi %mul3A_380, %add3A_376 : i32
    "tpu.region"() ({
      %run_scoped3A = tpu.sem_alloc : memref<!tpu.dma_semaphore, #tpu.memory_space<semaphore_mem>>
      %dma_start3A_418 = arith.constant 0 : i32
      %dma_start3A_419 = tpu.memref_slice %arg8[%add3A_381, %dma_start3A_418] : memref<400384x8xf32, #tpu.memory_space<hbm>> -> memref<782x8xf32, #tpu.memory_space<hbm>>
      %dma_start3A_420 = arith.constant 0 : i32
      %dma_start3A_421 = tpu.memref_slice %arg8[%add3A_381, %dma_start3A_420] : memref<400384x8xf32, #tpu.memory_space<hbm>> -> memref<782x8xf32, #tpu.memory_space<hbm>>
      tpu.enqueue_dma source(%arg19 : memref<782x8xf32, #tpu.memory_space<vmem>>) target(%dma_start3A_421 : memref<782x8xf32, #tpu.memory_space<hbm>>) target_semaphore(%run_scoped3A : memref<!tpu.dma_semaphore, #tpu.memory_space<semaphore_mem>>)
      %dma_wait3A = arith.constant 0 : i32
      %dma_wait3A_422 = tpu.memref_slice %arg8[%add3A_381, %dma_wait3A] : memref<400384x8xf32, #tpu.memory_space<hbm>> -> memref<782x8xf32, #tpu.memory_space<hbm>>
      %dma_wait3A_423 = arith.constant 0 : i32
      %dma_wait3A_424 = tpu.memref_slice %arg8[%add3A_381, %dma_wait3A_423] : memref<400384x8xf32, #tpu.memory_space<hbm>> -> memref<782x8xf32, #tpu.memory_space<hbm>>
      tpu.wait_dma2 semaphore(%run_scoped3A : memref<!tpu.dma_semaphore, #tpu.memory_space<semaphore_mem>>) src(%arg19 : memref<782x8xf32, #tpu.memory_space<vmem>>) dst(%dma_wait3A_424 : memref<782x8xf32, #tpu.memory_space<hbm>>)
      tpu.yield
    }) : () -> ()
    %add3A_382 = arith.constant 2346 : i32
    %add3A_383 = arith.addi %mul3A_2, %add3A_382 : i32
    "tpu.region"() ({
      %run_scoped3A = tpu.sem_alloc : memref<!tpu.dma_semaphore, #tpu.memory_space<semaphore_mem>>
      %dma_start3A_418 = arith.constant 0 : i32
      %dma_start3A_419 = tpu.memref_slice %arg20[%add3A_383, %dma_start3A_418] : memref<100096x8xf32, #tpu.memory_space<vmem_shared>> -> memref<782x8xf32, #tpu.memory_space<vmem_shared>>
      %dma_start3A_420 = arith.constant 0 : i32
      %dma_start3A_421 = tpu.memref_slice %arg20[%add3A_383, %dma_start3A_420] : memref<100096x8xf32, #tpu.memory_space<vmem_shared>> -> memref<782x8xf32, #tpu.memory_space<vmem_shared>>
      tpu.enqueue_dma source(%dma_start3A_421 : memref<782x8xf32, #tpu.memory_space<vmem_shared>>) target(%arg19 : memref<782x8xf32, #tpu.memory_space<vmem>>) target_semaphore(%run_scoped3A : memref<!tpu.dma_semaphore, #tpu.memory_space<semaphore_mem>>)
      %dma_wait3A = arith.constant 0 : i32
      %dma_wait3A_422 = tpu.memref_slice %arg20[%add3A_383, %dma_wait3A] : memref<100096x8xf32, #tpu.memory_space<vmem_shared>> -> memref<782x8xf32, #tpu.memory_space<vmem_shared>>
      %dma_wait3A_423 = arith.constant 0 : i32
      %dma_wait3A_424 = tpu.memref_slice %arg20[%add3A_383, %dma_wait3A_423] : memref<100096x8xf32, #tpu.memory_space<vmem_shared>> -> memref<782x8xf32, #tpu.memory_space<vmem_shared>>
      tpu.wait_dma2 semaphore(%run_scoped3A : memref<!tpu.dma_semaphore, #tpu.memory_space<semaphore_mem>>) src(%dma_wait3A_424 : memref<782x8xf32, #tpu.memory_space<vmem_shared>>) dst(%arg19 : memref<782x8xf32, #tpu.memory_space<vmem>>)
      tpu.yield
    }) : () -> ()
    %add3A_384 = arith.constant 2 : i32
    %add3A_385 = arith.addi %add3A_384, %arg0 : i32
    %mul3A_386 = arith.constant 100096 : i32
    %mul3A_387 = arith.muli %add3A_385, %mul3A_386 : i32
    %add3A_388 = arith.addi %mul3A_387, %add3A_383 : i32
    "tpu.region"() ({
      %run_scoped3A = tpu.sem_alloc : memref<!tpu.dma_semaphore, #tpu.memory_space<semaphore_mem>>
      %dma_start3A_418 = arith.constant 0 : i32
      %dma_start3A_419 = tpu.memref_slice %arg8[%add3A_388, %dma_start3A_418] : memref<400384x8xf32, #tpu.memory_space<hbm>> -> memref<782x8xf32, #tpu.memory_space<hbm>>
      %dma_start3A_420 = arith.constant 0 : i32
      %dma_start3A_421 = tpu.memref_slice %arg8[%add3A_388, %dma_start3A_420] : memref<400384x8xf32, #tpu.memory_space<hbm>> -> memref<782x8xf32, #tpu.memory_space<hbm>>
      tpu.enqueue_dma source(%arg19 : memref<782x8xf32, #tpu.memory_space<vmem>>) target(%dma_start3A_421 : memref<782x8xf32, #tpu.memory_space<hbm>>) target_semaphore(%run_scoped3A : memref<!tpu.dma_semaphore, #tpu.memory_space<semaphore_mem>>)
      %dma_wait3A = arith.constant 0 : i32
      %dma_wait3A_422 = tpu.memref_slice %arg8[%add3A_388, %dma_wait3A] : memref<400384x8xf32, #tpu.memory_space<hbm>> -> memref<782x8xf32, #tpu.memory_space<hbm>>
      %dma_wait3A_423 = arith.constant 0 : i32
      %dma_wait3A_424 = tpu.memref_slice %arg8[%add3A_388, %dma_wait3A_423] : memref<400384x8xf32, #tpu.memory_space<hbm>> -> memref<782x8xf32, #tpu.memory_space<hbm>>
      tpu.wait_dma2 semaphore(%run_scoped3A : memref<!tpu.dma_semaphore, #tpu.memory_space<semaphore_mem>>) src(%arg19 : memref<782x8xf32, #tpu.memory_space<vmem>>) dst(%dma_wait3A_424 : memref<782x8xf32, #tpu.memory_space<hbm>>)
      tpu.yield
    }) : () -> ()
    %add3A_389 = arith.constant 3128 : i32
    %add3A_390 = arith.addi %mul3A_2, %add3A_389 : i32
    "tpu.region"() ({
      %run_scoped3A = tpu.sem_alloc : memref<!tpu.dma_semaphore, #tpu.memory_space<semaphore_mem>>
      %dma_start3A_418 = arith.constant 0 : i32
      %dma_start3A_419 = tpu.memref_slice %arg20[%add3A_390, %dma_start3A_418] : memref<100096x8xf32, #tpu.memory_space<vmem_shared>> -> memref<782x8xf32, #tpu.memory_space<vmem_shared>>
      %dma_start3A_420 = arith.constant 0 : i32
      %dma_start3A_421 = tpu.memref_slice %arg20[%add3A_390, %dma_start3A_420] : memref<100096x8xf32, #tpu.memory_space<vmem_shared>> -> memref<782x8xf32, #tpu.memory_space<vmem_shared>>
      tpu.enqueue_dma source(%dma_start3A_421 : memref<782x8xf32, #tpu.memory_space<vmem_shared>>) target(%arg19 : memref<782x8xf32, #tpu.memory_space<vmem>>) target_semaphore(%run_scoped3A : memref<!tpu.dma_semaphore, #tpu.memory_space<semaphore_mem>>)
      %dma_wait3A = arith.constant 0 : i32
      %dma_wait3A_422 = tpu.memref_slice %arg20[%add3A_390, %dma_wait3A] : memref<100096x8xf32, #tpu.memory_space<vmem_shared>> -> memref<782x8xf32, #tpu.memory_space<vmem_shared>>
      %dma_wait3A_423 = arith.constant 0 : i32
      %dma_wait3A_424 = tpu.memref_slice %arg20[%add3A_390, %dma_wait3A_423] : memref<100096x8xf32, #tpu.memory_space<vmem_shared>> -> memref<782x8xf32, #tpu.memory_space<vmem_shared>>
      tpu.wait_dma2 semaphore(%run_scoped3A : memref<!tpu.dma_semaphore, #tpu.memory_space<semaphore_mem>>) src(%dma_wait3A_424 : memref<782x8xf32, #tpu.memory_space<vmem_shared>>) dst(%arg19 : memref<782x8xf32, #tpu.memory_space<vmem>>)
      tpu.yield
    }) : () -> ()
    %add3A_391 = arith.constant 2 : i32
    %add3A_392 = arith.addi %add3A_391, %arg0 : i32
    %mul3A_393 = arith.constant 100096 : i32
    %mul3A_394 = arith.muli %add3A_392, %mul3A_393 : i32
    %add3A_395 = arith.addi %mul3A_394, %add3A_390 : i32
    "tpu.region"() ({
      %run_scoped3A = tpu.sem_alloc : memref<!tpu.dma_semaphore, #tpu.memory_space<semaphore_mem>>
      %dma_start3A_418 = arith.constant 0 : i32
      %dma_start3A_419 = tpu.memref_slice %arg8[%add3A_395, %dma_start3A_418] : memref<400384x8xf32, #tpu.memory_space<hbm>> -> memref<782x8xf32, #tpu.memory_space<hbm>>
      %dma_start3A_420 = arith.constant 0 : i32
      %dma_start3A_421 = tpu.memref_slice %arg8[%add3A_395, %dma_start3A_420] : memref<400384x8xf32, #tpu.memory_space<hbm>> -> memref<782x8xf32, #tpu.memory_space<hbm>>
      tpu.enqueue_dma source(%arg19 : memref<782x8xf32, #tpu.memory_space<vmem>>) target(%dma_start3A_421 : memref<782x8xf32, #tpu.memory_space<hbm>>) target_semaphore(%run_scoped3A : memref<!tpu.dma_semaphore, #tpu.memory_space<semaphore_mem>>)
      %dma_wait3A = arith.constant 0 : i32
      %dma_wait3A_422 = tpu.memref_slice %arg8[%add3A_395, %dma_wait3A] : memref<400384x8xf32, #tpu.memory_space<hbm>> -> memref<782x8xf32, #tpu.memory_space<hbm>>
      %dma_wait3A_423 = arith.constant 0 : i32
      %dma_wait3A_424 = tpu.memref_slice %arg8[%add3A_395, %dma_wait3A_423] : memref<400384x8xf32, #tpu.memory_space<hbm>> -> memref<782x8xf32, #tpu.memory_space<hbm>>
      tpu.wait_dma2 semaphore(%run_scoped3A : memref<!tpu.dma_semaphore, #tpu.memory_space<semaphore_mem>>) src(%arg19 : memref<782x8xf32, #tpu.memory_space<vmem>>) dst(%dma_wait3A_424 : memref<782x8xf32, #tpu.memory_space<hbm>>)
      tpu.yield
    }) : () -> ()
    %add3A_396 = arith.constant 3910 : i32
    %add3A_397 = arith.addi %mul3A_2, %add3A_396 : i32
    "tpu.region"() ({
      %run_scoped3A = tpu.sem_alloc : memref<!tpu.dma_semaphore, #tpu.memory_space<semaphore_mem>>
      %dma_start3A_418 = arith.constant 0 : i32
      %dma_start3A_419 = tpu.memref_slice %arg20[%add3A_397, %dma_start3A_418] : memref<100096x8xf32, #tpu.memory_space<vmem_shared>> -> memref<782x8xf32, #tpu.memory_space<vmem_shared>>
      %dma_start3A_420 = arith.constant 0 : i32
      %dma_start3A_421 = tpu.memref_slice %arg20[%add3A_397, %dma_start3A_420] : memref<100096x8xf32, #tpu.memory_space<vmem_shared>> -> memref<782x8xf32, #tpu.memory_space<vmem_shared>>
      tpu.enqueue_dma source(%dma_start3A_421 : memref<782x8xf32, #tpu.memory_space<vmem_shared>>) target(%arg19 : memref<782x8xf32, #tpu.memory_space<vmem>>) target_semaphore(%run_scoped3A : memref<!tpu.dma_semaphore, #tpu.memory_space<semaphore_mem>>)
      %dma_wait3A = arith.constant 0 : i32
      %dma_wait3A_422 = tpu.memref_slice %arg20[%add3A_397, %dma_wait3A] : memref<100096x8xf32, #tpu.memory_space<vmem_shared>> -> memref<782x8xf32, #tpu.memory_space<vmem_shared>>
      %dma_wait3A_423 = arith.constant 0 : i32
      %dma_wait3A_424 = tpu.memref_slice %arg20[%add3A_397, %dma_wait3A_423] : memref<100096x8xf32, #tpu.memory_space<vmem_shared>> -> memref<782x8xf32, #tpu.memory_space<vmem_shared>>
      tpu.wait_dma2 semaphore(%run_scoped3A : memref<!tpu.dma_semaphore, #tpu.memory_space<semaphore_mem>>) src(%dma_wait3A_424 : memref<782x8xf32, #tpu.memory_space<vmem_shared>>) dst(%arg19 : memref<782x8xf32, #tpu.memory_space<vmem>>)
      tpu.yield
    }) : () -> ()
    %add3A_398 = arith.constant 2 : i32
    %add3A_399 = arith.addi %add3A_398, %arg0 : i32
    %mul3A_400 = arith.constant 100096 : i32
    %mul3A_401 = arith.muli %add3A_399, %mul3A_400 : i32
    %add3A_402 = arith.addi %mul3A_401, %add3A_397 : i32
    "tpu.region"() ({
      %run_scoped3A = tpu.sem_alloc : memref<!tpu.dma_semaphore, #tpu.memory_space<semaphore_mem>>
      %dma_start3A_418 = arith.constant 0 : i32
      %dma_start3A_419 = tpu.memref_slice %arg8[%add3A_402, %dma_start3A_418] : memref<400384x8xf32, #tpu.memory_space<hbm>> -> memref<782x8xf32, #tpu.memory_space<hbm>>
      %dma_start3A_420 = arith.constant 0 : i32
      %dma_start3A_421 = tpu.memref_slice %arg8[%add3A_402, %dma_start3A_420] : memref<400384x8xf32, #tpu.memory_space<hbm>> -> memref<782x8xf32, #tpu.memory_space<hbm>>
      tpu.enqueue_dma source(%arg19 : memref<782x8xf32, #tpu.memory_space<vmem>>) target(%dma_start3A_421 : memref<782x8xf32, #tpu.memory_space<hbm>>) target_semaphore(%run_scoped3A : memref<!tpu.dma_semaphore, #tpu.memory_space<semaphore_mem>>)
      %dma_wait3A = arith.constant 0 : i32
      %dma_wait3A_422 = tpu.memref_slice %arg8[%add3A_402, %dma_wait3A] : memref<400384x8xf32, #tpu.memory_space<hbm>> -> memref<782x8xf32, #tpu.memory_space<hbm>>
      %dma_wait3A_423 = arith.constant 0 : i32
      %dma_wait3A_424 = tpu.memref_slice %arg8[%add3A_402, %dma_wait3A_423] : memref<400384x8xf32, #tpu.memory_space<hbm>> -> memref<782x8xf32, #tpu.memory_space<hbm>>
      tpu.wait_dma2 semaphore(%run_scoped3A : memref<!tpu.dma_semaphore, #tpu.memory_space<semaphore_mem>>) src(%arg19 : memref<782x8xf32, #tpu.memory_space<vmem>>) dst(%dma_wait3A_424 : memref<782x8xf32, #tpu.memory_space<hbm>>)
      tpu.yield
    }) : () -> ()
    %add3A_403 = arith.constant 4692 : i32
    %add3A_404 = arith.addi %mul3A_2, %add3A_403 : i32
    "tpu.region"() ({
      %run_scoped3A = tpu.sem_alloc : memref<!tpu.dma_semaphore, #tpu.memory_space<semaphore_mem>>
      %dma_start3A_418 = arith.constant 0 : i32
      %dma_start3A_419 = tpu.memref_slice %arg20[%add3A_404, %dma_start3A_418] : memref<100096x8xf32, #tpu.memory_space<vmem_shared>> -> memref<782x8xf32, #tpu.memory_space<vmem_shared>>
      %dma_start3A_420 = arith.constant 0 : i32
      %dma_start3A_421 = tpu.memref_slice %arg20[%add3A_404, %dma_start3A_420] : memref<100096x8xf32, #tpu.memory_space<vmem_shared>> -> memref<782x8xf32, #tpu.memory_space<vmem_shared>>
      tpu.enqueue_dma source(%dma_start3A_421 : memref<782x8xf32, #tpu.memory_space<vmem_shared>>) target(%arg19 : memref<782x8xf32, #tpu.memory_space<vmem>>) target_semaphore(%run_scoped3A : memref<!tpu.dma_semaphore, #tpu.memory_space<semaphore_mem>>)
      %dma_wait3A = arith.constant 0 : i32
      %dma_wait3A_422 = tpu.memref_slice %arg20[%add3A_404, %dma_wait3A] : memref<100096x8xf32, #tpu.memory_space<vmem_shared>> -> memref<782x8xf32, #tpu.memory_space<vmem_shared>>
      %dma_wait3A_423 = arith.constant 0 : i32
      %dma_wait3A_424 = tpu.memref_slice %arg20[%add3A_404, %dma_wait3A_423] : memref<100096x8xf32, #tpu.memory_space<vmem_shared>> -> memref<782x8xf32, #tpu.memory_space<vmem_shared>>
      tpu.wait_dma2 semaphore(%run_scoped3A : memref<!tpu.dma_semaphore, #tpu.memory_space<semaphore_mem>>) src(%dma_wait3A_424 : memref<782x8xf32, #tpu.memory_space<vmem_shared>>) dst(%arg19 : memref<782x8xf32, #tpu.memory_space<vmem>>)
      tpu.yield
    }) : () -> ()
    %add3A_405 = arith.constant 2 : i32
    %add3A_406 = arith.addi %add3A_405, %arg0 : i32
    %mul3A_407 = arith.constant 100096 : i32
    %mul3A_408 = arith.muli %add3A_406, %mul3A_407 : i32
    %add3A_409 = arith.addi %mul3A_408, %add3A_404 : i32
    "tpu.region"() ({
      %run_scoped3A = tpu.sem_alloc : memref<!tpu.dma_semaphore, #tpu.memory_space<semaphore_mem>>
      %dma_start3A_418 = arith.constant 0 : i32
      %dma_start3A_419 = tpu.memref_slice %arg8[%add3A_409, %dma_start3A_418] : memref<400384x8xf32, #tpu.memory_space<hbm>> -> memref<782x8xf32, #tpu.memory_space<hbm>>
      %dma_start3A_420 = arith.constant 0 : i32
      %dma_start3A_421 = tpu.memref_slice %arg8[%add3A_409, %dma_start3A_420] : memref<400384x8xf32, #tpu.memory_space<hbm>> -> memref<782x8xf32, #tpu.memory_space<hbm>>
      tpu.enqueue_dma source(%arg19 : memref<782x8xf32, #tpu.memory_space<vmem>>) target(%dma_start3A_421 : memref<782x8xf32, #tpu.memory_space<hbm>>) target_semaphore(%run_scoped3A : memref<!tpu.dma_semaphore, #tpu.memory_space<semaphore_mem>>)
      %dma_wait3A = arith.constant 0 : i32
      %dma_wait3A_422 = tpu.memref_slice %arg8[%add3A_409, %dma_wait3A] : memref<400384x8xf32, #tpu.memory_space<hbm>> -> memref<782x8xf32, #tpu.memory_space<hbm>>
      %dma_wait3A_423 = arith.constant 0 : i32
      %dma_wait3A_424 = tpu.memref_slice %arg8[%add3A_409, %dma_wait3A_423] : memref<400384x8xf32, #tpu.memory_space<hbm>> -> memref<782x8xf32, #tpu.memory_space<hbm>>
      tpu.wait_dma2 semaphore(%run_scoped3A : memref<!tpu.dma_semaphore, #tpu.memory_space<semaphore_mem>>) src(%arg19 : memref<782x8xf32, #tpu.memory_space<vmem>>) dst(%dma_wait3A_424 : memref<782x8xf32, #tpu.memory_space<hbm>>)
      tpu.yield
    }) : () -> ()
    %add3A_410 = arith.constant 5474 : i32
    %add3A_411 = arith.addi %mul3A_2, %add3A_410 : i32
    "tpu.region"() ({
      %run_scoped3A = tpu.sem_alloc : memref<!tpu.dma_semaphore, #tpu.memory_space<semaphore_mem>>
      %dma_start3A_418 = arith.constant 0 : i32
      %dma_start3A_419 = tpu.memref_slice %arg20[%add3A_411, %dma_start3A_418] : memref<100096x8xf32, #tpu.memory_space<vmem_shared>> -> memref<782x8xf32, #tpu.memory_space<vmem_shared>>
      %dma_start3A_420 = arith.constant 0 : i32
      %dma_start3A_421 = tpu.memref_slice %arg20[%add3A_411, %dma_start3A_420] : memref<100096x8xf32, #tpu.memory_space<vmem_shared>> -> memref<782x8xf32, #tpu.memory_space<vmem_shared>>
      tpu.enqueue_dma source(%dma_start3A_421 : memref<782x8xf32, #tpu.memory_space<vmem_shared>>) target(%arg19 : memref<782x8xf32, #tpu.memory_space<vmem>>) target_semaphore(%run_scoped3A : memref<!tpu.dma_semaphore, #tpu.memory_space<semaphore_mem>>)
      %dma_wait3A = arith.constant 0 : i32
      %dma_wait3A_422 = tpu.memref_slice %arg20[%add3A_411, %dma_wait3A] : memref<100096x8xf32, #tpu.memory_space<vmem_shared>> -> memref<782x8xf32, #tpu.memory_space<vmem_shared>>
      %dma_wait3A_423 = arith.constant 0 : i32
      %dma_wait3A_424 = tpu.memref_slice %arg20[%add3A_411, %dma_wait3A_423] : memref<100096x8xf32, #tpu.memory_space<vmem_shared>> -> memref<782x8xf32, #tpu.memory_space<vmem_shared>>
      tpu.wait_dma2 semaphore(%run_scoped3A : memref<!tpu.dma_semaphore, #tpu.memory_space<semaphore_mem>>) src(%dma_wait3A_424 : memref<782x8xf32, #tpu.memory_space<vmem_shared>>) dst(%arg19 : memref<782x8xf32, #tpu.memory_space<vmem>>)
      tpu.yield
    }) : () -> ()
    %add3A_412 = arith.constant 2 : i32
    %add3A_413 = arith.addi %add3A_412, %arg0 : i32
    %mul3A_414 = arith.constant 100096 : i32
    %mul3A_415 = arith.muli %add3A_413, %mul3A_414 : i32
    %add3A_416 = arith.addi %mul3A_415, %add3A_411 : i32
    "tpu.region"() ({
      %run_scoped3A = tpu.sem_alloc : memref<!tpu.dma_semaphore, #tpu.memory_space<semaphore_mem>>
      %dma_start3A_418 = arith.constant 0 : i32
      %dma_start3A_419 = tpu.memref_slice %arg8[%add3A_416, %dma_start3A_418] : memref<400384x8xf32, #tpu.memory_space<hbm>> -> memref<782x8xf32, #tpu.memory_space<hbm>>
      %dma_start3A_420 = arith.constant 0 : i32
      %dma_start3A_421 = tpu.memref_slice %arg8[%add3A_416, %dma_start3A_420] : memref<400384x8xf32, #tpu.memory_space<hbm>> -> memref<782x8xf32, #tpu.memory_space<hbm>>
      tpu.enqueue_dma source(%arg19 : memref<782x8xf32, #tpu.memory_space<vmem>>) target(%dma_start3A_421 : memref<782x8xf32, #tpu.memory_space<hbm>>) target_semaphore(%run_scoped3A : memref<!tpu.dma_semaphore, #tpu.memory_space<semaphore_mem>>)
      %dma_wait3A = arith.constant 0 : i32
      %dma_wait3A_422 = tpu.memref_slice %arg8[%add3A_416, %dma_wait3A] : memref<400384x8xf32, #tpu.memory_space<hbm>> -> memref<782x8xf32, #tpu.memory_space<hbm>>
      %dma_wait3A_423 = arith.constant 0 : i32
      %dma_wait3A_424 = tpu.memref_slice %arg8[%add3A_416, %dma_wait3A_423] : memref<400384x8xf32, #tpu.memory_space<hbm>> -> memref<782x8xf32, #tpu.memory_space<hbm>>
      tpu.wait_dma2 semaphore(%run_scoped3A : memref<!tpu.dma_semaphore, #tpu.memory_space<semaphore_mem>>) src(%arg19 : memref<782x8xf32, #tpu.memory_space<vmem>>) dst(%dma_wait3A_424 : memref<782x8xf32, #tpu.memory_space<hbm>>)
      tpu.yield
    }) : () -> ()
    %barrier3A_417 = arith.constant 0 : index
    tpu.barrier barrier_id(%barrier3A_417)
    "tpu.region"() ({
      %run_scoped3A = tpu.sem_alloc : memref<!tpu.dma_semaphore, #tpu.memory_space<semaphore_mem>>
      tpu.enqueue_dma source(%arg7 : memref<782x8xf32, #tpu.memory_space<hbm>>) target(%arg19 : memref<782x8xf32, #tpu.memory_space<vmem>>) target_semaphore(%run_scoped3A : memref<!tpu.dma_semaphore, #tpu.memory_space<semaphore_mem>>)
      tpu.wait_dma2 semaphore(%run_scoped3A : memref<!tpu.dma_semaphore, #tpu.memory_space<semaphore_mem>>) src(%arg7 : memref<782x8xf32, #tpu.memory_space<hbm>>) dst(%arg19 : memref<782x8xf32, #tpu.memory_space<vmem>>)
      tpu.yield
    }) : () -> ()
    return
  }
}

</mosaic_0001>

<sc_bundles>
// kernel: kernel.3.cloned.1.call-start
scs
__scs_entry_jumppad:
0x0: {  	(pc) =	sbr.rel $0x88, $3  }
0x1: {  	(tag) =	ssettag $0x0;
	lr =	simm.s32 $0x1  }
0x2: {  	[smem:$0x3F9F] =	sst lr;
	_ =	strace $0xD0000000  }
0x3: {  	_ = 	snop  }
0x4: {  	_ = 	snop  }
0x5: {  	_ = 	snop  }
0x6: {  	_ = 	snop  }
0x7: {  	_ = 	snop  }
__scs_overlays_trampoline_lowered:
0x8: {  	[smem:$0x3FAE] =	sst s0  }
0x9: {  	[smem:$0x3FAF] =	sst s1  }
0xa: {  	[smem:$0x3FB0] =	sst s2  }
0xb: {  	[smem:$0x3FB1] =	sst s3  }
0xc: {  	[smem:$0x3FB2] =	sst s4  }
0xd: {  	[smem:$0x3FB3] =	sst s5  }
0xe: {  	[smem:$0x3FB4] =	sst s6  }
0xf: {  	[smem:$0x3FB5] =	sst s7  }
0x10: {  	[smem:$0x3FB6] =	sst s8  }
0x11: {  	[smem:$0x3FB7] =	sst s9;
	s0 =	simm.s32 @!p0 $0x0  }
0x12: {  	s1 =	sld [smem:$0x3F9D];
	s0 =	simm.s32 @p0 $0x1  }
0x13: {  	[smem:$0x3FB8] =	sst s0;
	s0 =	simm.s32 @!p1 $0x0  }
0x14: {  	s2 =	sld [smem:$0x3F9C];
	s0 =	simm.s32 @p1 $0x1  }
0x15: {  	[smem:$0x3FB9] =	sst s0;
	s0 =	simm.s32 @!p2 $0x0  }
0x16: {  	s3 =	sld [smem:$0x3FDB];
	s0 =	simm.s32 @p2 $0x1  }
0x17: {  	s4 =	simm.s32 $0x1BF5;
	[smem:$0x3FBB] =	sst s0  }
0x18: {  	s0 =	sld [smem:$0x3F9E];
	_ =	swait.ge [sflag:s4], $0x0  }
0x19: {  	s7 =	sld [smem:$0x3F9F]  }
0x1a: {  	s8 =	sadd.s32 $0xFFFFE003, lr  }
0x1b: {  	s9 =	sadd.s32 $0xFFFFFEF7, lr;
	s5 =	simm.s32 $0xFFFFFFFF;
	p2 =	slt.u32 s8, $0xFFFFF086  }
0x1c: {  	p1 =	slt.u32 s9, $0xF7A;
	s5 =	simm.s32 @!p2 $0x0  }
0x1d: {  	s5 =	simm.s32 @p1 $0x1;
	p0 =	seq.s32 s7, s2  }
0x1e: {  	s7 =	smul.u32 @!p0 $0xF7A, s2;
	p2 =	seq.s32 @!p0 s5, $0x0  }
0x1f: {  	s9 =	smul.u32 $0xF7A, s1;
	s8 =	simm.s32 @!p0 $0x1BF5;
	p2 =	por !p2, p0  }
0x20: {  	[sflag:s8] =	ssyncset.s32 @!p0 $0xFFFFF086;
	s6 =	sadd.s32 @!p0 s3, s7;
	s7 =	simm.s32 @!p0 $0x108  }
0x21: {  	s3 =	sadd.s32 s3, s9;
	s6 =	sadd.s32 @!p0 $0x88, s6;
	s7 =	simm.s32 @p2 $0x1082  }
0x22: {  	[simem:s7], [sflag:s8] =	dma.local @!p0 [hbm:s6], $0xF7A  }
0x23: {  	s9 =	sor.u32 $0xD0000000, s2;
	s6 =	simm.s32 $0x108;
	_ =	swait.ge @!p0 [sflag:s8], $0x0  }
0x24: {  	s3 =	sadd.s32 $0x88, s3;
	s6 =	simm.s32 @!p1 $0x1082;
	[sflag:s4] =	ssyncset.s32 $0xFFFFF086  }
0x25: {  	[simem:s6], [sflag:s4] =	dma.local [hbm:s3], $0xF7A  }
0x26: {  	[smem:$0x3F9F] =	sst s1;
	(tag) =	ssettag s2;
	_ =	strace s9  }
0x27: {  	s1 =	sld [smem:$0x3FAF]  }
0x28: {  	s2 =	sld [smem:$0x3FB0]  }
0x29: {  	s4 =	sld [smem:$0x3FB2]  }
0x2a: {  	p0 =	seq.s32 s5, $0x0;
	s5 =	sld [smem:$0x3FB3]  }
0x2b: {  	s6 =	sld [smem:$0x3FB4]  }
0x2c: {  	s7 =	sld [smem:$0x3FB5]  }
0x2d: {  	s3 =	simm.s32 $0x108;
	s8 =	sld [smem:$0x3FB6]  }
0x2e: {  	s3 =	simm.s32 @!p0 $0x1082;
	s9 =	sld [smem:$0x3FB7]  }
0x2f: {  	lr =	sadd.s32 s0, s3;
	s0 =	sld [smem:$0x3FAE]  }
0x30: {  	s3 =	sld [smem:$0x3FB1]  }
0x31: {  	[smem:$0x3FBA] =	sst s10  }
0x32: {  	s10 =	sld [smem:$0x3FB8];
	_ =	sdelay $0x3  }
0x33: {  	p0 =	seq.s32 s10, $0x1;
	s10 =	sld [smem:$0x3FBA];
	_ =	sdelay $0x3  }
0x34: {  	[smem:$0x3FBA] =	sst s10  }
0x35: {  	s10 =	sld [smem:$0x3FB9];
	_ =	sdelay $0x3  }
0x36: {  	p1 =	seq.s32 s10, $0x1;
	s10 =	sld [smem:$0x3FBA];
	_ =	sdelay $0x3  }
0x37: {  	[smem:$0x3FBA] =	sst s10  }
0x38: {  	s10 =	sld [smem:$0x3FBB]  }
0x39: {  	_ = 	snop;
	(pc) =	sbr.ind lr, $3  }
0x3a: {  	_ = 	snop  }
0x3b: {  	_ = 	snop  }
0x3c: {  	p2 =	seq.s32 s10, $0x1;
	s10 =	sld [smem:$0x3FBA]  }
0x3d: {  	_ =	shalt  }
0x3e: {  	_ =	shalt  }
0x3f: {  	_ =	shalt  }
0x40: {  	_ =	shalt  }
0x41: {  	_ =	shalt  }
0x42: {  	_ =	shalt  }
0x43: {  	_ =	shalt  }
0x44: {  	_ =	shalt  }
0x45: {  	_ =	shalt  }
0x46: {  	_ =	shalt  }
0x47: {  	_ =	shalt  }
0x48: {  	_ =	shalt  }
0x49: {  	_ =	shalt  }
0x4a: {  	_ =	shalt  }
0x4b: {  	_ =	shalt  }
0x4c: {  	_ =	shalt  }
0x4d: {  	_ =	shalt  }
0x4e: {  	_ =	shalt  }
0x4f: {  	_ =	shalt  }
0x50: {  	_ =	shalt  }
0x51: {  	_ =	shalt  }
0x52: {  	_ =	shalt  }
0x53: {  	_ =	shalt  }
0x54: {  	_ =	shalt  }
0x55: {  	_ =	shalt  }
0x56: {  	_ =	shalt  }
0x57: {  	_ =	shalt  }
0x58: {  	_ =	shalt  }
0x59: {  	_ =	shalt  }
0x5a: {  	_ =	shalt  }
0x5b: {  	_ =	shalt  }
0x5c: {  	_ =	shalt  }
0x5d: {  	_ =	shalt  }
0x5e: {  	_ =	shalt  }
0x5f: {  	_ =	shalt  }
0x60: {  	_ =	shalt  }
0x61: {  	_ =	shalt  }
0x62: {  	_ =	shalt  }
0x63: {  	_ =	shalt  }
0x64: {  	_ =	shalt  }
0x65: {  	_ =	shalt  }
0x66: {  	_ =	shalt  }
0x67: {  	_ =	shalt  }
0x68: {  	_ =	shalt  }
0x69: {  	_ =	shalt  }
0x6a: {  	_ =	shalt  }
0x6b: {  	_ =	shalt  }
0x6c: {  	_ =	shalt  }
0x6d: {  	_ =	shalt  }
0x6e: {  	_ =	shalt  }
0x6f: {  	_ =	shalt  }
0x70: {  	_ =	shalt  }
0x71: {  	_ =	shalt  }
0x72: {  	_ =	shalt  }
0x73: {  	_ =	shalt  }
0x74: {  	_ =	shalt  }
0x75: {  	_ =	shalt  }
0x76: {  	_ =	shalt  }
0x77: {  	_ =	shalt  }
0x78: {  	_ =	shalt  }
0x79: {  	_ =	shalt  }
0x7a: {  	_ =	shalt  }
0x7b: {  	_ =	shalt  }
0x7c: {  	_ =	shalt  }
0x7d: {  	_ =	shalt  }
0x7e: {  	_ =	shalt  }
0x7f: {  	_ =	shalt  }
0x80: {  	_ =	shalt  }
0x81: {  	_ =	shalt  }
0x82: {  	_ =	shalt  }
0x83: {  	_ =	shalt  }
0x84: {  	_ =	shalt  }
0x85: {  	_ =	shalt  }
0x86: {  	_ =	shalt  }
0x87: {  	_ =	shalt  }
.Lfunc_end0:
.L_simem_size_0:
called_computation_lowered:
.L_overlay_start_0:
0x88: {  	s2 =	sld [smem:$0x3FD9]  }
0x89: {  	s3 =	sld [smem:$0x3FFE];
	_ =	sdelay $0x1  }
0x8a: {  	s1 =	srdreg.scid  }
0x8b: {  	s0 =	sand.u32 $0x1, s1  }
0x8c: {  	s17 =	sshll.u32 s0, $0xA;
	s2 =	sadd.s32 s3, s2  }
0x8d: {  	s2 =	sadd.s32 s2, s17  }
0x8e: {  	[smem:$0x3FC6] =	sst s2  }
0x8f: {  	_ = 	snop  }
0x90: {  	s2 =	sld [smem:$0x3FD0];
	(tm) =	ssettm $0x1  }
0x91: {  	s18 =	sld [smem:$0x3FFB];
	_ =	sdelay $0x3  }
0x92: {  	_ =	strace s18  }
0x93: {  	s3 =	sld [smem:$0x3FFC];
	_ =	sdelay $0x3  }
0x94: {  	_ =	strace s3  }
0x95: {  	s3 =	sld [smem:$0x3FFD];
	_ =	sdelay $0x3  }
0x96: {  	_ =	strace s3  }
0x97: {  	_ =	strace $0x8FFFFFFF  }
0x98: {  	s19 =	sld [smem:$0x3FDB];
	_ =	sdelay $0x1  }
0x99: {  	s4 =	simm.s32 $_scs_section_size  }
0x9a: {  	s5 =	simm.s32 $_size__tile_overlayer_lowered;
	s6 =	simm.s32 $_tile_overlayer_lowered  }
0x9b: {  	s22 =	simm.s32 $0x1BFF;
	s21 =	sshll.u32 s6, $0x1;
	s3 =	sadd.s32 s4, s19  }
0x9c: {  	s7 =	simm.s32 $0x0;
	s20 =	sshll.u32 s5, $0x1;
	s5 =	sadd.s32 s21, s3  }
0x9d: {  	[timem:s7], [sflag:s22] =	dma.local [hbm:s5], s20  }
0x9e: {  	_ =	swait.ge [sflag:s22], s20  }
0x9f: {  	s4 =	ssub.s32 $0x0, s20;
	[sflag:s22] =	ssyncset.done $0x0  }
0xa0: {  	[sflag:s22] =	ssyncadd.s32 s4;
	_ =	sdelay $0x1  }
0xa1: {  	s23 =	simm.s32 $0x1B8B  }
0xa2: {  	_ =	swait.ge [sflag:s23], $0x1  }
0xa3: {  	[sflag:s23] =	ssyncset.done $0x0  }
0xa4: {  	s25 =	simm.s32 $0x1B8E;
	s24 =	sld [smem:$0x3FFE];
	[sflag:s23] =	ssyncadd.s32 $0xFFFFFFFF  }
0xa5: {  	s26 =	simm.s32 $execute0_lowered;
	[smem:$0x3FD2] =	sst s25  }
0xa6: {  	s5 =	sshll.u32 s26, $0x1;
	_ =	strace $0x80000046;
	[dreg:$0x1] =	wrdreg $0xFFFFFFFF  }
0xa7: {  	s28 =	simm.s32 $_size_execute0_lowered;
	s3 =	sadd.s32 s3, s5;
	[dreg:$0x0] =	wrdreg $0x0  }
0xa8: {  	s5 =	sshll.u32 s28, $0x1;
	[dreg:$0x2] =	wrdreg s3  }
0xa9: {  	[dreg:$0x3] =	wrdreg s5  }
0xaa: {  	[dreg:$0x4] =	wrdreg $0xC0  }
0xab: {  	_ =	task [dreg:s7], $0x5FFFF  }
0xac: {  	[dreg:$0x1] =	wrdreg $0xFFFFFFFF  }
0xad: {  	[dreg:$0x0] =	wrdreg $0x60  }
0xae: {  	[dreg:$0x2] =	wrdreg s24  }
0xaf: {  	[dreg:$0x3] =	wrdreg s2  }
0xb0: {  	[dreg:$0x4] =	wrdreg $0x63700  }
0xb1: {  	[dreg:$0x5] =	wrdreg $0x9  }
0xb2: {  	_ =	task.clear_ibuf [dreg:s7], $0x6FFFF;
	_ =	strace $0x90000046  }
0xb3: {  	s29 =	simm.s32 $0x9;
	_ =	strace $0x80000048  }
0xb4: {  	_ =	swait.ge [sflag:s29], $0x1  }
0xb5: {  	[sflag:s29] =	ssyncadd.s32 $0xFFFFFFFF  }
0xb6: {  	_ =	strace $0x90000048  }
0xb7: {  	_ =	sfence  }
0xb8: {  	s30 =	sld [smem:$0x0];
	_ =	sdelay $0x2  }
0xb9: {  	s31 =	sshll.u32 s1, $0xD;
	s1 =	sshrl.u32 s1, $0x2  }
0xba: {  	s3 =	sand.u32 $0x4000, s31;
	s1 =	sadd.s32 s1, s30  }
0xbb: {  	s0 =	sor.u32 s3, s0;
	s1 =	sshll.u32 s1, $0x11  }
0xbc: {  	s0 =	sor.u32 s1, s0  }
0xbd: {  	s0 =	sadd.s32 $0x8F2B, s0  }
0xbe: {  	[sflag:s0] =	ssyncadd.remote.s32 $0x1  }
0xbf: {  	_ =	sfence.sel $0xFFFF  }
0xc0: {  	[dreg:$0x0] =	wrdreg $0xFFFFFFFF;
	(pc) =	sbr.abs _section_cstart, $3  }
0xc1: {  	[dreg:$0x1] =	wrdreg $0xFFFFFFFF  }
0xc2: {  	_ =	task.clear_ibuf [dreg:s7], $0x2FFFF;
	_ =	strace $0x9FFFFFFF  }
0xc3: {  	(tm) =	ssettm $0x7FFFFFFF  }
tec
execute0_lowered:
.L_overlay_start_1:
0x0: {  	(tag) =	ssettag $0x1  }
0x1: {  	s1 =	rddreg [dreg:$0x0]  }
0x2: {  	s19 =	rddreg [dreg:$0x1]  }
0x3: {  	s2 =	rddreg [dreg:$0x2];
	s31 =	simm.s32 $0x0;
	s0 =	srdreg.scid  }
0x4: {  	s16 =	stileid.u32;
	[smem:$0x7FF] =	sst s31  }
0x5: {  	s3 =	sand.u32 $0x1, s0;
	s5 =	sshll.u32 s16, $0x1;
	s6 =	smul.u32 $0x1870, s16  }
0x6: {  	s7 =	sadd.s32 $0x3D1800, s1;
	s22 =	smul.u32 $0x30E00, s16;
	s0 =	ssub.s32 $0x2, s3  }
0x7: {  	s16 =	sadd.s32 $0x187600, s1;
	_ =	strace $0x80000047;
	s4 =	sshrl.u32 s0, $0x1  }
0x8: {  	s8 =	sadd.s32 $0x61C, s6;
	s9 =	sadd.s32 $0x92A, s6;
	s10 =	sadd.s32 $0xC38, s6  }
0x9: {  	s11 =	sadd.s32 $0xF46, s6;
	s12 =	sadd.s32 $0x1254, s6;
	s14 =	sadd.s32 $0x1562, s6  }
0xa: {  	s0 =	ssub.s32 s0, s4;
	s4 =	sor.u32 s3, s5;
	s5 =	sadd.s32 $0x30E, s6  }
0xb: {  	s3 =	smul.u32 $0x18700, s3;
	s6 =	sadd.s32 s7, s6;
	s24 =	sadd.s32 s7, s8  }
0xc: {  	s26 =	sadd.s32 s7, s9;
	s15 =	sadd.s32 s7, s11;
	s20 =	sadd.s32 s7, s12  }
0xd: {  	s21 =	sadd.s32 s7, s14;
	s0 =	smax.u32 s0, $0x1;
	s13 =	sadd.s32 s3, s6  }
0xe: {  	s17 =	sadd.s32 s7, s3;
	s3 =	sadd.s32 $0x30E00, s3;
	[smem:$0x7FC] =	sst s0  }
0xf: {  	s23 =	sadd.s32 s7, s5;
	[dreg:$0x4] =	wrdreg s13;
	s6 =	sadd.s32 s3, s6  }
0x10: {  	s25 =	sadd.s32 s3, s24;
	s13 =	sadd.s32 s7, s10;
	[dreg:$0x5] =	wrdreg s6  }
0x11: {  	s18 =	sadd.s32 s3, s15;
	s15 =	sadd.s32 $0x24AC00, s1;
	[dreg:$0x7] =	wrdreg s25  }
0x12: {  	s7 =	sadd.s32 s9, s17;
	s6 =	sadd.s32 s3, s23;
	[dreg:$0xa] =	wrdreg s18  }
0x13: {  	s23 =	sshll.u32 s5, $0x3;
	s25 =	sshll.u32 s9, $0x3;
	[dreg:$0x14] =	wrdreg s7  }
0x14: {  	s5 =	sadd.s32 s5, s17;
	[dreg:$0x6] =	wrdreg s6;
	s6 =	sadd.s32 s3, s26  }
0x15: {  	s18 =	sadd.s32 s23, s2;
	s26 =	sshll.u32 s10, $0x3;
	[dreg:$0x12] =	wrdreg s5  }
0x16: {  	s23 =	sadd.s32 s25, s2;
	s25 =	sadd.s32 s14, s17;
	[dreg:$0x8] =	wrdreg s6  }
0x17: {  	s6 =	sadd.s32 s3, s13;
	s13 =	sadd.s32 $0x30E200, s1;
	[dreg:$0x18] =	wrdreg s25  }
0x18: {  	[dreg:$0x9] =	wrdreg s6;
	s6 =	sadd.s32 s3, s20;
	s3 =	sadd.s32 s3, s21  }
0x19: {  	s20 =	sadd.s32 $0xC4000, s1;
	s21 =	sadd.s32 $0xA00, s1;
	[dreg:$0xb] =	wrdreg s6  }
0x1a: {  	s1 =	smul.u32 $0x30D40, s4;
	s4 =	sadd.s32 s26, s2;
	[dreg:$0xc] =	wrdreg s3  }
0x1b: {  	s24 =	sshll.u32 s8, $0x3;
	[dreg:$0x11] =	wrdreg s4;
	s6 =	sadd.s32 s8, s17  }
0x1c: {  	s26 =	sshll.u32 s14, $0x3;
	s8 =	sadd.s32 s10, s17;
	[dreg:$0x13] =	wrdreg s6  }
0x1d: {  	s3 =	sshrl.u32 s22, $0x2;
	s10 =	sadd.s32 s11, s17;
	[dreg:$0x15] =	wrdreg s8  }
0x1e: {  	s22 =	sadd.s32 s24, s2;
	s24 =	sadd.s32 s12, s17;
	[dreg:$0x16] =	wrdreg s10  }
0x1f: {  	s9 =	sshll.u32 s11, $0x3;
	s5 =	sadd.s32 s26, s2;
	[dreg:$0x17] =	wrdreg s24  }
0x20: {  	s11 =	sshll.u32 s12, $0x3;
	s3 =	sadd.s32 s3, s2;
	[dreg:$0x1b] =	wrdreg s5  }
0x21: {  	s4 =	sadd.s32 s11, s2;
	[dreg:$0xd] =	wrdreg s3  }
0x22: {  	s10 =	sadd.s32 $0x320, s1;
	[dreg:$0x1a] =	wrdreg s4  }
0x23: {  	s17 =	smov.u32 s19;
	s7 =	sadd.s32 $0x640, s1;
	[dreg:$0x1c] =	wrdreg s10  }
0x24: {  	s6 =	sshrl.u32 s1, $0x3;
	s3 =	sadd.s32 s9, s2;
	[smem:$0x7FD] =	sst s7  }
0x25: {  	s11 =	sadd.s32 s13, s6;
	s12 =	sadd.s32 s15, s6;
	[dreg:$0x19] =	wrdreg s3  }
0x26: {  	s14 =	sadd.s32 s16, s6;
	s19 =	sadd.s32 s20, s6;
	[dreg:$0x1d] =	wrdreg s11  }
0x27: {  	s24 =	sadd.s32 $0xA, s6;
	s25 =	sadd.s32 $0x14, s6;
	[dreg:$0x1e] =	wrdreg s12  }
0x28: {  	s26 =	sadd.s32 $0x1E, s6;
	s8 =	sadd.s32 $0x28, s6;
	[dreg:$0x1f] =	wrdreg s14  }
0x29: {  	s9 =	sadd.s32 $0x32, s6;
	s10 =	sadd.s32 $0x3C, s6;
	[smem:$0x7E8] =	sst s19  }
0x2a: {  	s11 =	sadd.s32 $0x46, s6;
	s12 =	sadd.s32 $0x50, s6;
	s3 =	sadd.s32 s21, s6  }
0x2b: {  	s14 =	sadd.s32 $0x5A, s6;
	s6 =	sadd.s32 s20, s24;
	[smem:$0x7E9] =	sst s3  }
0x2c: {  	s1 =	sadd.s32 s21, s24;
	[smem:$0x7EA] =	sst s6  }
0x2d: {  	s19 =	sadd.s32 s20, s25;
	[smem:$0x7EB] =	sst s1  }
0x2e: {  	s24 =	sadd.s32 s21, s25;
	[smem:$0x7EC] =	sst s19  }
0x2f: {  	s25 =	sadd.s32 s20, s26;
	[smem:$0x7ED] =	sst s24  }
0x30: {  	s28 =	simm.s32 $0x50;
	s26 =	sadd.s32 s21, s26;
	[smem:$0x7EE] =	sst s25  }
0x31: {  	s29 =	simm.s32 $0x3;
	s4 =	sadd.s32 s21, s8;
	[smem:$0x7EF] =	sst s26  }
0x32: {  	s30 =	simm.s32 $0x2;
	s5 =	sadd.s32 s20, s9;
	[smem:$0x7F1] =	sst s4  }
0x33: {  	s0 =	simm.s32 $0x1630;
	s3 =	sadd.s32 s20, s8;
	[smem:$0x7F2] =	sst s5  }
0x34: {  	s6 =	sadd.s32 s21, s9;
	s9 =	smov.u32 s18;
	[smem:$0x7F0] =	sst s3  }
0x35: {  	s8 =	sadd.s32 s20, s10;
	s18 =	sadd.s32 s21, s10;
	[smem:$0x7F3] =	sst s6  }
0x36: {  	s10 =	smov.u32 s22;
	s19 =	sadd.s32 s20, s11;
	[smem:$0x7F4] =	sst s8  }
0x37: {  	s22 =	sadd.s32 s21, s11;
	s11 =	smov.u32 s23;
	[smem:$0x7F5] =	sst s18  }
0x38: {  	s23 =	sadd.s32 s20, s12;
	s24 =	sadd.s32 s21, s12;
	[smem:$0x7F6] =	sst s19  }
0x39: {  	s25 =	sadd.s32 s20, s14;
	s26 =	sadd.s32 s21, s14;
	[smem:$0x7F7] =	sst s22  }
0x3a: {  	s1 =	simm.s32 $0x4B00;
	s14 =	simm.s32 $0x4;
	[smem:$0x7F8] =	sst s23  }
0x3b: {  	s4 =	simm.s32 $0x1680;
	s5 =	simm.s32 $0x16D0;
	[smem:$0x7F9] =	sst s24  }
0x3c: {  	s12 =	simm.s32 $0x1770;
	s18 =	smov.u32 s20;
	[smem:$0x7FA] =	sst s25  }
0x3d: {  	s6 =	smov.u32 s21;
	[smem:$0x7FB] =	sst s26;
	s24 =	simm.s32 $0x1900  }
0x3e: {  	s25 =	simm.s32 $0x3200;
	s19 =	simm.s32 $0x1;
	s23 =	simm.s32 $0x15E0  }
0x3f: {  	s3 =	simm.s32 $0x1720;
	s20 =	simm.s32 $0x17C0;
	[dreg:$0xe] =	wrdreg s9  }
0x40: {  	v0 =	vlaneseq.u32;
	s21 =	simm.s32 $0x1810;
	s22 =	simm.s32 $0x1860;
	[dreg:$0xf] =	wrdreg s10  }
0x41: {  	v0 =	vmul.u32 $0x8, v0;
	s26 =	simm.s32 $0x18B0;
	s8 =	simm.s32 $0x0;
	[dreg:$0x10] =	wrdreg s11  }
.LBB2_1:
0x42: {  	[smem:$0x7E7] =	sst s8  }
0x43: {  	[tilespmem:s1], [sflag:$0x4] =	stream.linear.gather [hbm4b:s17+s31], $0x1870, $0x38;
	[tilespmem:$0x126F0] =	vst v63  }
0x44: {  	_ =	swait.ge [sflag:s14], $0x1870  }
0x45: {  	[sflag:s14] =	ssyncset.done $0x0  }
0x46: {  	[sflag:s14] =	ssyncadd.s32 $0xFFFFE790  }
0x47: {  	[tilespmem:s24], [sflag:$0x4] =	stream.linear.gather [hbm4b:s17+s31], $0x1870, $0x38;
	[tilespmem:$0x126F0] =	vst v63  }
0x48: {  	_ =	swait.ge [sflag:s14], $0x1870  }
0x49: {  	[sflag:s14] =	ssyncset.done $0x0  }
0x4a: {  	s8 =	simm.s32 $0x1990;
	[sflag:s14] =	ssyncadd.s32 $0xFFFFE790  }
0x4b: {  	[tilespmem:s8], [sflag:$0x4] =	stream.linear.gather [hbm4b:s17+s31], $0x1870, $0x38;
	[tilespmem:$0x126F0] =	vst v63  }
0x4c: {  	_ =	swait.ge [sflag:s14], $0x1870  }
0x4d: {  	[sflag:s14] =	ssyncset.done $0x0  }
0x4e: {  	[sflag:s14] =	ssyncadd.s32 $0xFFFFE790  }
0x4f: {  	[tilespmem:s25], [sflag:$0x4] =	stream.linear.gather [hbm4b:s17+s31], $0x1870, $0x38;
	[tilespmem:$0x126F0] =	vst v63  }
0x50: {  	_ =	swait.ge [sflag:s14], $0x1870  }
0x51: {  	[sflag:s14] =	ssyncset.done $0x0  }
0x52: {  	s8 =	simm.s32 $0x3290;
	[sflag:s14] =	ssyncadd.s32 $0xFFFFE790  }
0x53: {  	[tilespmem:s8], [sflag:$0x4] =	stream.linear.gather [hbm4b:s17+s31], $0x1870, $0x38;
	[tilespmem:$0x126F0] =	vst v63  }
0x54: {  	_ =	swait.ge [sflag:s14], $0x1870  }
0x55: {  	[sflag:s14] =	ssyncset.done $0x0  }
0x56: {  	s17 =	rddreg [dreg:$0xd];
	[sflag:s14] =	ssyncadd.s32 $0xFFFFE790  }
0x57: {  	[spmem:s17] =	stream.linear.scatter [tilespmem:s1], [sflag:$0x4], $0x1870, $0x38;
	[tilespmem:$0x126F0] =	vst v63  }
0x58: {  	_ =	swait.ge [sflag:s14], $0x1870  }
0x59: {  	[sflag:s14] =	ssyncset.done $0x0  }
0x5a: {  	[sflag:s14] =	ssyncadd.s32 $0xFFFFE790  }
0x5b: {  	[spmem:s9] =	stream.linear.scatter [tilespmem:s1], [sflag:$0x4], $0x1870, $0x38;
	[tilespmem:$0x126F0] =	vst v63  }
0x5c: {  	_ =	swait.ge [sflag:s14], $0x1870  }
0x5d: {  	[sflag:s14] =	ssyncset.done $0x0  }
0x5e: {  	[sflag:s14] =	ssyncadd.s32 $0xFFFFE790  }
0x5f: {  	[spmem:s10] =	stream.linear.scatter [tilespmem:s1], [sflag:$0x4], $0x1870, $0x38;
	[tilespmem:$0x126F0] =	vst v63  }
0x60: {  	_ =	swait.ge [sflag:s14], $0x1870  }
0x61: {  	[sflag:s14] =	ssyncset.done $0x0  }
0x62: {  	[sflag:s14] =	ssyncadd.s32 $0xFFFFE790  }
0x63: {  	[spmem:s11] =	stream.linear.scatter [tilespmem:s1], [sflag:$0x4], $0x1870, $0x38;
	[tilespmem:$0x126F0] =	vst v63  }
0x64: {  	_ =	swait.ge [sflag:s14], $0x1870  }
0x65: {  	[sflag:s14] =	ssyncset.done $0x0  }
0x66: {  	s9 =	rddreg [dreg:$0x11];
	[sflag:s14] =	ssyncadd.s32 $0xFFFFE790  }
0x67: {  	[spmem:s9] =	stream.linear.scatter [tilespmem:s1], [sflag:$0x4], $0x1870, $0x38;
	[tilespmem:$0x126F0] =	vst v63  }
0x68: {  	_ =	swait.ge [sflag:s14], $0x1870  }
0x69: {  	[sflag:s14] =	ssyncset.done $0x0  }
0x6a: {  	s10 =	rddreg [dreg:$0x19];
	[sflag:s14] =	ssyncadd.s32 $0xFFFFE790  }
0x6b: {  	[spmem:s10] =	stream.linear.scatter [tilespmem:s1], [sflag:$0x4], $0x1870, $0x38;
	[tilespmem:$0x126F0] =	vst v63  }
0x6c: {  	_ =	swait.ge [sflag:s14], $0x1870  }
0x6d: {  	[sflag:s14] =	ssyncset.done $0x0  }
0x6e: {  	s11 =	rddreg [dreg:$0x1a];
	[sflag:s14] =	ssyncadd.s32 $0xFFFFE790  }
0x6f: {  	[spmem:s11] =	stream.linear.scatter [tilespmem:s1], [sflag:$0x4], $0x1870, $0x38;
	[tilespmem:$0x126F0] =	vst v63  }
0x70: {  	_ =	swait.ge [sflag:s14], $0x1870  }
0x71: {  	[sflag:s14] =	ssyncset.done $0x0  }
0x72: {  	s17 =	rddreg [dreg:$0x1b];
	[sflag:s14] =	ssyncadd.s32 $0xFFFFE790  }
0x73: {  	[spmem:s17] =	stream.linear.scatter [tilespmem:s1], [sflag:$0x4], $0x1870, $0x38;
	[tilespmem:$0x126F0] =	vst v63  }
0x74: {  	_ =	swait.ge [sflag:s14], $0x1870  }
0x75: {  	[sflag:s14] =	ssyncset.done $0x0  }
0x76: {  	[sflag:s14] =	ssyncadd.s32 $0xFFFFE790  }
0x77: {  	[bflag:$0x0] =	sbarrier.arrive $0xFFFF  }
0x78: {  	s8 =	rddreg [dreg:$0x1d]  }
0x79: {  	s9 =	rddreg [dreg:$0x1e]  }
0x7a: {  	[tilespmem:s31], [sflag:$0x1] =	stream.linear.gather [hbm4b:s8+s31], $0x320, $0x38;
	[tilespmem:$0x126F0] =	vst v63  }
0x7b: {  	s10 =	simm.s32 $0x320;
	s11 =	rddreg [dreg:$0x1f]  }
0x7c: {  	[tilespmem:s10], [sflag:$0x1] =	stream.linear.gather [hbm4b:s9+s31], $0x320, $0x38;
	[tilespmem:$0x126F0] =	vst v63  }
0x7d: {  	s17 =	simm.s32 $0x640;
	s9 =	sld [smem:$0x7E8]  }
0x7e: {  	[tilespmem:s17], [sflag:$0x1] =	stream.linear.gather [hbm4b:s11+s31], $0x320, $0x38;
	[tilespmem:$0x126F0] =	vst v63  }
0x7f: {  	s10 =	simm.s32 $0x12C0;
	s11 =	sld [smem:$0x7EA]  }
0x80: {  	[tilespmem:s10], [sflag:$0x1] =	stream.linear.gather [hbm4b:s9+s31], $0x50, $0x38;
	[tilespmem:$0x126F0] =	vst v63  }
0x81: {  	s17 =	simm.s32 $0x1310;
	s9 =	sld [smem:$0x7EC]  }
0x82: {  	[tilespmem:s17], [sflag:$0x1] =	stream.linear.gather [hbm4b:s11+s31], $0x50, $0x38;
	[tilespmem:$0x126F0] =	vst v63  }
0x83: {  	s10 =	simm.s32 $0x1360;
	s11 =	sld [smem:$0x7EE]  }
0x84: {  	[tilespmem:s10], [sflag:$0x1] =	stream.linear.gather [hbm4b:s9+s31], $0x50, $0x38;
	[tilespmem:$0x126F0] =	vst v63  }
0x85: {  	s17 =	simm.s32 $0x13B0;
	s9 =	sld [smem:$0x7F0]  }
0x86: {  	[tilespmem:s17], [sflag:$0x1] =	stream.linear.gather [hbm4b:s11+s31], $0x50, $0x38;
	[tilespmem:$0x126F0] =	vst v63  }
0x87: {  	s10 =	simm.s32 $0x1400;
	s11 =	sld [smem:$0x7F2]  }
0x88: {  	[tilespmem:s10], [sflag:$0x1] =	stream.linear.gather [hbm4b:s9+s31], $0x50, $0x38;
	[tilespmem:$0x126F0] =	vst v63  }
0x89: {  	s17 =	simm.s32 $0x1450;
	s9 =	sld [smem:$0x7F4]  }
0x8a: {  	[tilespmem:s17], [sflag:$0x1] =	stream.linear.gather [hbm4b:s11+s31], $0x50, $0x38;
	[tilespmem:$0x126F0] =	vst v63  }
0x8b: {  	s10 =	simm.s32 $0x14A0;
	s11 =	sld [smem:$0x7F6]  }
0x8c: {  	[tilespmem:s10], [sflag:$0x1] =	stream.linear.gather [hbm4b:s9+s31], $0x50, $0x38;
	[tilespmem:$0x126F0] =	vst v63  }
0x8d: {  	s17 =	simm.s32 $0x14F0;
	s9 =	sld [smem:$0x7F8]  }
0x8e: {  	[tilespmem:s17], [sflag:$0x1] =	stream.linear.gather [hbm4b:s11+s31], $0x50, $0x38;
	[tilespmem:$0x126F0] =	vst v63  }
0x8f: {  	s10 =	simm.s32 $0x1540;
	s11 =	sld [smem:$0x7FA]  }
0x90: {  	[tilespmem:s10], [sflag:$0x1] =	stream.linear.gather [hbm4b:s9+s31], $0x50, $0x38;
	[tilespmem:$0x126F0] =	vst v63  }
0x91: {  	s17 =	simm.s32 $0x1590  }
0x92: {  	[tilespmem:s17], [sflag:$0x1] =	stream.linear.gather [hbm4b:s11+s31], $0x50, $0x38;
	[tilespmem:$0x126F0] =	vst v63  }
0x93: {  	s31 =	simm.s32 $0x0  }
.LBB2_2:
0x94: {  	_ =	swait.ge [sflag:s19], $0x320  }
0x95: {  	[sflag:s19] =	ssyncset.done $0x0  }
0x96: {  	[sflag:s19] =	ssyncadd.s32 $0xFFFFFCE0  }
0x97: {  	_ =	swait.ge [sflag:s19], $0x320  }
0x98: {  	[sflag:s19] =	ssyncset.done $0x0  }
0x99: {  	[sflag:s19] =	ssyncadd.s32 $0xFFFFFCE0  }
0x9a: {  	_ =	swait.ge [sflag:s19], $0x320  }
0x9b: {  	[sflag:s19] =	ssyncset.done $0x0  }
0x9c: {  	[sflag:s19] =	ssyncadd.s32 $0xFFFFFCE0  }
0x9d: {  	_ =	swait.ge [sflag:s19], $0x50  }
0x9e: {  	[sflag:s19] =	ssyncset.done $0x0  }
0x9f: {  	[sflag:s19] =	ssyncadd.s32 $0xFFFFFFB0  }
0xa0: {  	_ =	swait.ge [sflag:s19], $0x50  }
0xa1: {  	[sflag:s19] =	ssyncset.done $0x0  }
0xa2: {  	[sflag:s19] =	ssyncadd.s32 $0xFFFFFFB0  }
0xa3: {  	_ =	swait.ge [sflag:s19], $0x50  }
0xa4: {  	[sflag:s19] =	ssyncset.done $0x0  }
0xa5: {  	[sflag:s19] =	ssyncadd.s32 $0xFFFFFFB0  }
0xa6: {  	_ =	swait.ge [sflag:s19], $0x50  }
0xa7: {  	[sflag:s19] =	ssyncset.done $0x0  }
0xa8: {  	[sflag:s19] =	ssyncadd.s32 $0xFFFFFFB0  }
0xa9: {  	_ =	swait.ge [sflag:s19], $0x50  }
0xaa: {  	[sflag:s19] =	ssyncset.done $0x0  }
0xab: {  	[sflag:s19] =	ssyncadd.s32 $0xFFFFFFB0  }
0xac: {  	_ =	swait.ge [sflag:s19], $0x50  }
0xad: {  	[sflag:s19] =	ssyncset.done $0x0  }
0xae: {  	[sflag:s19] =	ssyncadd.s32 $0xFFFFFFB0  }
0xaf: {  	_ =	swait.ge [sflag:s19], $0x50  }
0xb0: {  	[sflag:s19] =	ssyncset.done $0x0  }
0xb1: {  	[sflag:s19] =	ssyncadd.s32 $0xFFFFFFB0  }
0xb2: {  	_ =	swait.ge [sflag:s19], $0x50  }
0xb3: {  	[sflag:s19] =	ssyncset.done $0x0  }
0xb4: {  	[sflag:s19] =	ssyncadd.s32 $0xFFFFFFB0  }
0xb5: {  	_ =	swait.ge [sflag:s19], $0x50  }
0xb6: {  	[sflag:s19] =	ssyncset.done $0x0  }
0xb7: {  	[sflag:s19] =	ssyncadd.s32 $0xFFFFFFB0  }
0xb8: {  	s1 =	smul.u32 $0x640, s31;
	_ =	swait.ge [sflag:s19], $0x50  }
0xb9: {  	s8 =	rddreg [dreg:$0x1c]  }
0xba: {  	s8 =	sadd.s32 s1, s8  }
0xbb: {  	s11 =	simm.s32 $0x960;
	[sflag:s19] =	ssyncset.done $0x0;
	s9 =	sshrl.u32 s8, $0x3  }
0xbc: {  	[sflag:s19] =	ssyncadd.s32 $0xFFFFFFB0;
	s8 =	simm.s32 $0x0;
	s10 =	sadd.s32 s13, s9  }
0xbd: {  	[tilespmem:s11], [sflag:$0x2] =	stream.linear.gather [hbm4b:s10+s8], $0x320, $0x38;
	[tilespmem:$0x126F0] =	vst v63  }
0xbe: {  	s17 =	simm.s32 $0xC80;
	s11 =	sadd.s32 s15, s9  }
0xbf: {  	[tilespmem:s17], [sflag:$0x2] =	stream.linear.gather [hbm4b:s11+s8], $0x320, $0x38;
	[tilespmem:$0x126F0] =	vst v63  }
0xc0: {  	s11 =	sadd.s32 s16, s9;
	s17 =	simm.s32 $0xFA0  }
0xc1: {  	[tilespmem:s17], [sflag:$0x2] =	stream.linear.gather [hbm4b:s11+s8], $0x320, $0x38;
	[tilespmem:$0x126F0] =	vst v63  }
0xc2: {  	s9 =	sadd.s32 s18, s9  }
0xc3: {  	[tilespmem:s23], [sflag:$0x2] =	stream.linear.gather [hbm4b:s9+s8], $0x50, $0x38;
	[tilespmem:$0x126F0] =	vst v63  }
0xc4: {  	s17 =	sadd.s32 $0xA, s9  }
0xc5: {  	[tilespmem:s0], [sflag:$0x2] =	stream.linear.gather [hbm4b:s17+s8], $0x50, $0x38;
	[tilespmem:$0x126F0] =	vst v63  }
0xc6: {  	s11 =	sadd.s32 $0x14, s9  }
0xc7: {  	[tilespmem:s4], [sflag:$0x2] =	stream.linear.gather [hbm4b:s11+s8], $0x50, $0x38;
	[tilespmem:$0x126F0] =	vst v63  }
0xc8: {  	s17 =	sadd.s32 $0x1E, s9  }
0xc9: {  	[tilespmem:s5], [sflag:$0x2] =	stream.linear.gather [hbm4b:s17+s8], $0x50, $0x38;
	[tilespmem:$0x126F0] =	vst v63  }
0xca: {  	s11 =	sadd.s32 $0x28, s9  }
0xcb: {  	[tilespmem:s3], [sflag:$0x2] =	stream.linear.gather [hbm4b:s11+s8], $0x50, $0x38;
	[tilespmem:$0x126F0] =	vst v63  }
0xcc: {  	s17 =	sadd.s32 $0x32, s9  }
0xcd: {  	[tilespmem:s12], [sflag:$0x2] =	stream.linear.gather [hbm4b:s17+s8], $0x50, $0x38;
	[tilespmem:$0x126F0] =	vst v63  }
0xce: {  	s11 =	sadd.s32 $0x3C, s9  }
0xcf: {  	[tilespmem:s20], [sflag:$0x2] =	stream.linear.gather [hbm4b:s11+s8], $0x50, $0x38;
	[tilespmem:$0x126F0] =	vst v63  }
0xd0: {  	s17 =	sadd.s32 $0x46, s9  }
0xd1: {  	[tilespmem:s21], [sflag:$0x2] =	stream.linear.gather [hbm4b:s17+s8], $0x50, $0x38;
	[tilespmem:$0x126F0] =	vst v63  }
0xd2: {  	s11 =	sadd.s32 $0x50, s9  }
0xd3: {  	[tilespmem:s22], [sflag:$0x2] =	stream.linear.gather [hbm4b:s11+s8], $0x50, $0x38;
	[tilespmem:$0x126F0] =	vst v63  }
0xd4: {  	v1 =	vmov s8;
	s9 =	sadd.s32 $0x5A, s9  }
0xd5: {  	v1 =	vshll.u32 v1, $0x3;
	[tilespmem:s26], [sflag:$0x2] =	stream.linear.gather [hbm4b:s9+s8], $0x50, $0x38;
	[tilespmem:$0x126F0] =	vst v63  }
0xd6: {  	v3 =	vor.u32 v0, v1;
	v2 =	vld [tilespmem:s8+$0x0];
	_ =	sdelay $0x4  }
0xd7: {  	s9 =	simm.s32 $0x320;
	[tilespmem:v3+s24+$0x0] =	vst.idx.msk $0xffff, v2  }
0xd8: {  	v2 =	vor.u32 $0x1, v3;
	v1 =	vld [tilespmem:s9+$0x0];
	_ =	sdelay $0x4  }
0xd9: {  	s11 =	simm.s32 $0x640;
	[tilespmem:v2+s24+$0x0] =	vst.idx.msk $0xffff, v1  }
0xda: {  	v2 =	vor.u32 $0x2, v3;
	v1 =	vld [tilespmem:s11+$0x0];
	_ =	sdelay $0x2  }
0xdb: {  	s17 =	simm.s32 $0x10  }
0xdc: {  	s10 =	simm.s32 $0x20;
	v3 =	vmov s17  }
.LBB2_3:
0xdd: {  	p0 =	sne.s32 s10, $0x310;
	v3 =	vshll.u32 v3, $0x3;
	[tilespmem:v2+s24+$0x0] =	vst.idx.msk $0xffff, v1;
	s8 =	sadd.s32 $0x10, s8  }
0xde: {  	v1 =	vld [tilespmem:s8+$0x0];
	v2 =	vor.u32 v0, v3;
	_ =	sdelay $0x4  }
0xdf: {  	s9 =	sadd.s32 $0x10, s9;
	[tilespmem:v2+s24+$0x0] =	vst.idx.msk $0xffff, v1  }
0xe0: {  	v3 =	vor.u32 $0x1, v2;
	v1 =	vld [tilespmem:s9+$0x0];
	_ =	sdelay $0x4  }
0xe1: {  	s11 =	sadd.s32 $0x10, s11;
	[tilespmem:v3+s24+$0x0] =	vst.idx.msk $0xffff, v1  }
.Ltmp0:
0xe2: {  	v2 =	vor.u32 $0x2, v2;
	v1 =	vld [tilespmem:s11+$0x0];
	(pc) =	sbr.rel @p0 .LBB2_3-.Ltmp0, $2  }
0xe3: {  	_ =	sdelay $0x2  }
0xe4: {  	v3 =	vmov s10;
	s10 =	sadd.s32 $0x10, s10  }
0xe5: {  	_ =	sdelay $0x3  }
0xe6: {  	v3 =	vshll.u32 v3, $0x3;
	[tilespmem:v2+s24+$0x0] =	vst.idx.msk $0xffff, v1;
	s8 =	sadd.s32 $0x10, s8  }
0xe7: {  	v1 =	vld [tilespmem:s8+$0x0];
	v2 =	vor.u32 v0, v3;
	_ =	sdelay $0x4  }
0xe8: {  	s10 =	sadd.s32 $0x10, s9;
	[tilespmem:v2+s24+$0x0] =	vst.idx.msk $0xffff, v1  }
0xe9: {  	v3 =	vor.u32 $0x1, v2;
	v1 =	vld [tilespmem:s10+$0x0];
	_ =	sdelay $0x4  }
0xea: {  	s11 =	sadd.s32 $0x10, s11;
	[tilespmem:v3+s24+$0x0] =	vst.idx.msk $0xffff, v1  }
0xeb: {  	v2 =	vor.u32 $0x2, v2;
	v1 =	vld [tilespmem:s11+$0x0];
	_ =	sdelay $0x4  }
0xec: {  	s17 =	simm.s32 $0x12C0;
	[tilespmem:v2+s24+$0x0] =	vst.idx.msk $0xffff, v1  }
0xed: {  	[spmem:s2] =	stream.indirect.scatter.add.f32 [tilespmem:s24], [sflag:$0x3], $0x8, s17, s28, $0xb8;
	[tilespmem:$0x126F0] =	vst v63  }
0xee: {  	s9 =	simm.s32 $0x1310;
	s10 =	simm.s32 $0x1B80  }
0xef: {  	[spmem:s2] =	stream.indirect.scatter.add.f32 [tilespmem:s10], [sflag:$0x3], $0x8, s9, s28, $0xb8;
	[tilespmem:$0x126F0] =	vst v63  }
0xf0: {  	s11 =	simm.s32 $0x1360;
	s17 =	simm.s32 $0x1E00  }
0xf1: {  	[spmem:s2] =	stream.indirect.scatter.add.f32 [tilespmem:s17], [sflag:$0x3], $0x8, s11, s28, $0xb8;
	[tilespmem:$0x126F0] =	vst v63  }
0xf2: {  	s9 =	simm.s32 $0x13B0;
	s10 =	simm.s32 $0x2080  }
0xf3: {  	[spmem:s2] =	stream.indirect.scatter.add.f32 [tilespmem:s10], [sflag:$0x3], $0x8, s9, s28, $0xb8;
	[tilespmem:$0x126F0] =	vst v63  }
0xf4: {  	s11 =	simm.s32 $0x1400;
	s17 =	simm.s32 $0x2300  }
0xf5: {  	[spmem:s2] =	stream.indirect.scatter.add.f32 [tilespmem:s17], [sflag:$0x3], $0x8, s11, s28, $0xb8;
	[tilespmem:$0x126F0] =	vst v63  }
0xf6: {  	s9 =	simm.s32 $0x1450;
	s10 =	simm.s32 $0x2580  }
0xf7: {  	[spmem:s2] =	stream.indirect.scatter.add.f32 [tilespmem:s10], [sflag:$0x3], $0x8, s9, s28, $0xb8;
	[tilespmem:$0x126F0] =	vst v63  }
0xf8: {  	s11 =	simm.s32 $0x14A0;
	s17 =	simm.s32 $0x2800  }
0xf9: {  	[spmem:s2] =	stream.indirect.scatter.add.f32 [tilespmem:s17], [sflag:$0x3], $0x8, s11, s28, $0xb8;
	[tilespmem:$0x126F0] =	vst v63  }
0xfa: {  	s9 =	simm.s32 $0x14F0;
	s10 =	simm.s32 $0x2A80  }
0xfb: {  	[spmem:s2] =	stream.indirect.scatter.add.f32 [tilespmem:s10], [sflag:$0x3], $0x8, s9, s28, $0xb8;
	[tilespmem:$0x126F0] =	vst v63  }
0xfc: {  	s11 =	simm.s32 $0x1540;
	s17 =	simm.s32 $0x2D00  }
0xfd: {  	[spmem:s2] =	stream.indirect.scatter.add.f32 [tilespmem:s17], [sflag:$0x3], $0x8, s11, s28, $0xb8;
	[tilespmem:$0x126F0] =	vst v63  }
0xfe: {  	s9 =	simm.s32 $0x1590;
	s10 =	simm.s32 $0x2F80  }
0xff: {  	[spmem:s2] =	stream.indirect.scatter.add.f32 [tilespmem:s10], [sflag:$0x3], $0x8, s9, s28, $0xb8;
	[tilespmem:$0x126F0] =	vst v63  }
0x100: {  	_ =	swait.ge [sflag:s29], $0x280  }
0x101: {  	[sflag:s29] =	ssyncset.done $0x0  }
0x102: {  	[sflag:s29] =	ssyncadd.s32 $0xFFFFFD80  }
0x103: {  	_ =	swait.ge [sflag:s29], $0x280  }
0x104: {  	[sflag:s29] =	ssyncset.done $0x0  }
0x105: {  	[sflag:s29] =	ssyncadd.s32 $0xFFFFFD80  }
0x106: {  	_ =	swait.ge [sflag:s29], $0x280  }
0x107: {  	[sflag:s29] =	ssyncset.done $0x0  }
0x108: {  	[sflag:s29] =	ssyncadd.s32 $0xFFFFFD80  }
0x109: {  	_ =	swait.ge [sflag:s29], $0x280  }
0x10a: {  	[sflag:s29] =	ssyncset.done $0x0  }
0x10b: {  	[sflag:s29] =	ssyncadd.s32 $0xFFFFFD80  }
0x10c: {  	_ =	swait.ge [sflag:s29], $0x280  }
0x10d: {  	[sflag:s29] =	ssyncset.done $0x0  }
0x10e: {  	[sflag:s29] =	ssyncadd.s32 $0xFFFFFD80  }
0x10f: {  	_ =	swait.ge [sflag:s29], $0x280  }
0x110: {  	[sflag:s29] =	ssyncset.done $0x0  }
0x111: {  	[sflag:s29] =	ssyncadd.s32 $0xFFFFFD80  }
0x112: {  	_ =	swait.ge [sflag:s29], $0x280  }
0x113: {  	[sflag:s29] =	ssyncset.done $0x0  }
0x114: {  	[sflag:s29] =	ssyncadd.s32 $0xFFFFFD80  }
0x115: {  	_ =	swait.ge [sflag:s29], $0x280  }
0x116: {  	[sflag:s29] =	ssyncset.done $0x0  }
0x117: {  	[sflag:s29] =	ssyncadd.s32 $0xFFFFFD80  }
0x118: {  	_ =	swait.ge [sflag:s29], $0x280  }
0x119: {  	[sflag:s29] =	ssyncset.done $0x0  }
0x11a: {  	[sflag:s29] =	ssyncadd.s32 $0xFFFFFD80  }
0x11b: {  	_ =	swait.ge [sflag:s29], $0x280  }
0x11c: {  	[sflag:s29] =	ssyncset.done $0x0  }
0x11d: {  	[sflag:s29] =	ssyncadd.s32 $0xFFFFFD80  }
0x11e: {  	_ =	swait.ge [sflag:s30], $0x320  }
0x11f: {  	[sflag:s30] =	ssyncset.done $0x0  }
0x120: {  	[sflag:s30] =	ssyncadd.s32 $0xFFFFFCE0  }
0x121: {  	_ =	swait.ge [sflag:s30], $0x320  }
0x122: {  	[sflag:s30] =	ssyncset.done $0x0  }
0x123: {  	[sflag:s30] =	ssyncadd.s32 $0xFFFFFCE0  }
0x124: {  	_ =	swait.ge [sflag:s30], $0x320  }
0x125: {  	[sflag:s30] =	ssyncset.done $0x0  }
0x126: {  	[sflag:s30] =	ssyncadd.s32 $0xFFFFFCE0  }
0x127: {  	_ =	swait.ge [sflag:s30], $0x50  }
0x128: {  	[sflag:s30] =	ssyncset.done $0x0  }
0x129: {  	[sflag:s30] =	ssyncadd.s32 $0xFFFFFFB0  }
0x12a: {  	_ =	swait.ge [sflag:s30], $0x50  }
0x12b: {  	[sflag:s30] =	ssyncset.done $0x0  }
0x12c: {  	[sflag:s30] =	ssyncadd.s32 $0xFFFFFFB0  }
0x12d: {  	_ =	swait.ge [sflag:s30], $0x50  }
0x12e: {  	[sflag:s30] =	ssyncset.done $0x0  }
0x12f: {  	[sflag:s30] =	ssyncadd.s32 $0xFFFFFFB0  }
0x130: {  	_ =	swait.ge [sflag:s30], $0x50  }
0x131: {  	[sflag:s30] =	ssyncset.done $0x0  }
0x132: {  	[sflag:s30] =	ssyncadd.s32 $0xFFFFFFB0  }
0x133: {  	_ =	swait.ge [sflag:s30], $0x50  }
0x134: {  	[sflag:s30] =	ssyncset.done $0x0  }
0x135: {  	[sflag:s30] =	ssyncadd.s32 $0xFFFFFFB0  }
0x136: {  	_ =	swait.ge [sflag:s30], $0x50  }
0x137: {  	[sflag:s30] =	ssyncset.done $0x0  }
0x138: {  	[sflag:s30] =	ssyncadd.s32 $0xFFFFFFB0  }
0x139: {  	_ =	swait.ge [sflag:s30], $0x50  }
0x13a: {  	[sflag:s30] =	ssyncset.done $0x0  }
0x13b: {  	[sflag:s30] =	ssyncadd.s32 $0xFFFFFFB0  }
0x13c: {  	_ =	swait.ge [sflag:s30], $0x50  }
0x13d: {  	[sflag:s30] =	ssyncset.done $0x0  }
0x13e: {  	[sflag:s30] =	ssyncadd.s32 $0xFFFFFFB0  }
0x13f: {  	_ =	swait.ge [sflag:s30], $0x50  }
0x140: {  	[sflag:s30] =	ssyncset.done $0x0  }
0x141: {  	p0 =	seq.s32 s31, $0x7C;
	[sflag:s30] =	ssyncadd.s32 $0xFFFFFFB0  }
0x142: {  	s1 =	sadd.s32 @!p0 s1, s7;
	_ =	swait.ge [sflag:s30], $0x50  }
0x143: {  	s1 =	sshrl.u32 @!p0 s1, $0x3;
	[sflag:s30] =	ssyncset.done $0x0  }
0x144: {  	s8 =	sadd.s32 @!p0 s13, s1;
	s9 =	simm.s32 @!p0 $0x0;
	[sflag:s30] =	ssyncadd.s32 $0xFFFFFFB0  }
0x145: {  	[tilespmem:s9], [sflag:$0x1] =	stream.linear.gather @!p0 [hbm4b:s8+s9], $0x320, $0x38;
	[tilespmem:$0x126F0] =	vst v63  }
0x146: {  	s10 =	simm.s32 @!p0 $0x320;
	s8 =	sadd.s32 @!p0 s15, s1  }
0x147: {  	[tilespmem:s10], [sflag:$0x1] =	stream.linear.gather @!p0 [hbm4b:s8+s9], $0x320, $0x38;
	[tilespmem:$0x126F0] =	vst v63  }
0x148: {  	s8 =	sadd.s32 @!p0 s16, s1;
	s10 =	simm.s32 @!p0 $0x640  }
0x149: {  	[tilespmem:s10], [sflag:$0x1] =	stream.linear.gather @!p0 [hbm4b:s8+s9], $0x320, $0x38;
	[tilespmem:$0x126F0] =	vst v63  }
0x14a: {  	s1 =	sadd.s32 @!p0 s18, s1;
	s8 =	simm.s32 @!p0 $0x12C0  }
0x14b: {  	[tilespmem:s8], [sflag:$0x1] =	stream.linear.gather @!p0 [hbm4b:s1+s9], $0x50, $0x38;
	[tilespmem:$0x126F0] =	vst v63  }
0x14c: {  	s10 =	simm.s32 @!p0 $0x1310;
	s8 =	sadd.s32 @!p0 $0xA, s1  }
0x14d: {  	[tilespmem:s10], [sflag:$0x1] =	stream.linear.gather @!p0 [hbm4b:s8+s9], $0x50, $0x38;
	[tilespmem:$0x126F0] =	vst v63  }
0x14e: {  	s8 =	sadd.s32 @!p0 $0x14, s1;
	s10 =	simm.s32 @!p0 $0x1360  }
0x14f: {  	[tilespmem:s10], [sflag:$0x1] =	stream.linear.gather @!p0 [hbm4b:s8+s9], $0x50, $0x38;
	[tilespmem:$0x126F0] =	vst v63  }
0x150: {  	s8 =	sadd.s32 @!p0 $0x1E, s1;
	s10 =	simm.s32 @!p0 $0x13B0  }
0x151: {  	[tilespmem:s10], [sflag:$0x1] =	stream.linear.gather @!p0 [hbm4b:s8+s9], $0x50, $0x38;
	[tilespmem:$0x126F0] =	vst v63  }
0x152: {  	s8 =	sadd.s32 @!p0 $0x28, s1;
	s10 =	simm.s32 @!p0 $0x1400  }
0x153: {  	[tilespmem:s10], [sflag:$0x1] =	stream.linear.gather @!p0 [hbm4b:s8+s9], $0x50, $0x38;
	[tilespmem:$0x126F0] =	vst v63  }
0x154: {  	s8 =	sadd.s32 @!p0 $0x32, s1;
	s10 =	simm.s32 @!p0 $0x1450  }
0x155: {  	[tilespmem:s10], [sflag:$0x1] =	stream.linear.gather @!p0 [hbm4b:s8+s9], $0x50, $0x38;
	[tilespmem:$0x126F0] =	vst v63  }
0x156: {  	s8 =	sadd.s32 @!p0 $0x3C, s1;
	s10 =	simm.s32 @!p0 $0x14A0  }
0x157: {  	[tilespmem:s10], [sflag:$0x1] =	stream.linear.gather @!p0 [hbm4b:s8+s9], $0x50, $0x38;
	[tilespmem:$0x126F0] =	vst v63  }
0x158: {  	s8 =	sadd.s32 @!p0 $0x46, s1;
	s10 =	simm.s32 @!p0 $0x14F0  }
0x159: {  	[tilespmem:s10], [sflag:$0x1] =	stream.linear.gather @!p0 [hbm4b:s8+s9], $0x50, $0x38;
	[tilespmem:$0x126F0] =	vst v63  }
0x15a: {  	s8 =	sadd.s32 @!p0 $0x50, s1;
	s10 =	simm.s32 @!p0 $0x1540  }
0x15b: {  	[tilespmem:s10], [sflag:$0x1] =	stream.linear.gather @!p0 [hbm4b:s8+s9], $0x50, $0x38;
	[tilespmem:$0x126F0] =	vst v63  }
0x15c: {  	s11 =	simm.s32 $0x0;
	s1 =	sadd.s32 @!p0 $0x5A, s1;
	s8 =	simm.s32 @!p0 $0x1590  }
0x15d: {  	v1 =	vmov s11;
	[tilespmem:s8], [sflag:$0x1] =	stream.linear.gather @!p0 [hbm4b:s1+s9], $0x50, $0x38;
	[tilespmem:$0x126F0] =	vst v63  }
0x15e: {  	v1 =	vshll.u32 v1, $0x3;
	s1 =	simm.s32 $0x960  }
0x15f: {  	v3 =	vor.u32 v0, v1;
	v2 =	vld [tilespmem:s1+$0x0];
	_ =	sdelay $0x4  }
0x160: {  	s8 =	simm.s32 $0xC80;
	[tilespmem:v3+s25+$0x0] =	vst.idx.msk $0xffff, v2  }
0x161: {  	v2 =	vor.u32 $0x1, v3;
	v1 =	vld [tilespmem:s8+$0x0];
	_ =	sdelay $0x4  }
0x162: {  	s9 =	simm.s32 $0xFA0;
	[tilespmem:v2+s25+$0x0] =	vst.idx.msk $0xffff, v1  }
0x163: {  	v2 =	vor.u32 $0x2, v3;
	v1 =	vld [tilespmem:s9+$0x0];
	_ =	sdelay $0x2  }
0x164: {  	s17 =	simm.s32 $0x10  }
0x165: {  	s10 =	simm.s32 $0x20;
	v3 =	vmov s17  }
.LBB2_5:
0x166: {  	p0 =	sne.s32 s10, $0x310;
	v3 =	vshll.u32 v3, $0x3;
	[tilespmem:v2+s25+$0x0] =	vst.idx.msk $0xffff, v1;
	s1 =	sadd.s32 $0x10, s1  }
0x167: {  	v1 =	vld [tilespmem:s1+$0x0];
	v2 =	vor.u32 v0, v3;
	_ =	sdelay $0x4  }
0x168: {  	s8 =	sadd.s32 $0x10, s8;
	[tilespmem:v2+s25+$0x0] =	vst.idx.msk $0xffff, v1  }
0x169: {  	v3 =	vor.u32 $0x1, v2;
	v1 =	vld [tilespmem:s8+$0x0];
	_ =	sdelay $0x4  }
0x16a: {  	s9 =	sadd.s32 $0x10, s9;
	[tilespmem:v3+s25+$0x0] =	vst.idx.msk $0xffff, v1  }
.Ltmp1:
0x16b: {  	v2 =	vor.u32 $0x2, v2;
	v1 =	vld [tilespmem:s9+$0x0];
	(pc) =	sbr.rel @p0 .LBB2_5-.Ltmp1, $2  }
0x16c: {  	_ =	sdelay $0x2  }
0x16d: {  	v3 =	vmov s10;
	s10 =	sadd.s32 $0x10, s10  }
0x16e: {  	_ =	sdelay $0x3  }
0x16f: {  	v3 =	vshll.u32 v3, $0x3;
	[tilespmem:v2+s25+$0x0] =	vst.idx.msk $0xffff, v1;
	s1 =	sadd.s32 $0x10, s1  }
0x170: {  	v1 =	vld [tilespmem:s1+$0x0];
	v2 =	vor.u32 v0, v3;
	_ =	sdelay $0x4  }
0x171: {  	s17 =	sadd.s32 $0x10, s8;
	[tilespmem:v2+s25+$0x0] =	vst.idx.msk $0xffff, v1  }
0x172: {  	v3 =	vor.u32 $0x1, v2;
	v1 =	vld [tilespmem:s17+$0x0];
	_ =	sdelay $0x4  }
0x173: {  	s8 =	sadd.s32 $0x10, s9;
	[tilespmem:v3+s25+$0x0] =	vst.idx.msk $0xffff, v1  }
0x174: {  	v2 =	vor.u32 $0x2, v2;
	v1 =	vld [tilespmem:s8+$0x0];
	_ =	sdelay $0x4  }
0x175: {  	[tilespmem:v2+s25+$0x0] =	vst.idx.msk $0xffff, v1  }
0x176: {  	[spmem:s2] =	stream.indirect.scatter.add.f32 [tilespmem:s25], [sflag:$0x3], $0x8, s23, s28, $0xb8;
	[tilespmem:$0x126F0] =	vst v63  }
0x177: {  	s9 =	simm.s32 $0x3480  }
0x178: {  	[spmem:s2] =	stream.indirect.scatter.add.f32 [tilespmem:s9], [sflag:$0x3], $0x8, s0, s28, $0xb8;
	[tilespmem:$0x126F0] =	vst v63  }
0x179: {  	s10 =	simm.s32 $0x3700  }
0x17a: {  	[spmem:s2] =	stream.indirect.scatter.add.f32 [tilespmem:s10], [sflag:$0x3], $0x8, s4, s28, $0xb8;
	[tilespmem:$0x126F0] =	vst v63  }
0x17b: {  	s11 =	simm.s32 $0x3980  }
0x17c: {  	[spmem:s2] =	stream.indirect.scatter.add.f32 [tilespmem:s11], [sflag:$0x3], $0x8, s5, s28, $0xb8;
	[tilespmem:$0x126F0] =	vst v63  }
0x17d: {  	s17 =	simm.s32 $0x3C00  }
0x17e: {  	[spmem:s2] =	stream.indirect.scatter.add.f32 [tilespmem:s17], [sflag:$0x3], $0x8, s3, s28, $0xb8;
	[tilespmem:$0x126F0] =	vst v63  }
0x17f: {  	s8 =	simm.s32 $0x3E80  }
0x180: {  	[spmem:s2] =	stream.indirect.scatter.add.f32 [tilespmem:s8], [sflag:$0x3], $0x8, s12, s28, $0xb8;
	[tilespmem:$0x126F0] =	vst v63  }
0x181: {  	s9 =	simm.s32 $0x4100  }
0x182: {  	[spmem:s2] =	stream.indirect.scatter.add.f32 [tilespmem:s9], [sflag:$0x3], $0x8, s20, s28, $0xb8;
	[tilespmem:$0x126F0] =	vst v63  }
0x183: {  	s10 =	simm.s32 $0x4380  }
0x184: {  	[spmem:s2] =	stream.indirect.scatter.add.f32 [tilespmem:s10], [sflag:$0x3], $0x8, s21, s28, $0xb8;
	[tilespmem:$0x126F0] =	vst v63  }
0x185: {  	s11 =	simm.s32 $0x4600  }
0x186: {  	[spmem:s2] =	stream.indirect.scatter.add.f32 [tilespmem:s11], [sflag:$0x3], $0x8, s22, s28, $0xb8;
	[tilespmem:$0x126F0] =	vst v63  }
0x187: {  	s17 =	simm.s32 $0x4880  }
0x188: {  	[spmem:s2] =	stream.indirect.scatter.add.f32 [tilespmem:s17], [sflag:$0x3], $0x8, s26, s28, $0xb8;
	[tilespmem:$0x126F0] =	vst v63  }
0x189: {  	_ =	swait.ge [sflag:s29], $0x280  }
0x18a: {  	[sflag:s29] =	ssyncset.done $0x0  }
0x18b: {  	[sflag:s29] =	ssyncadd.s32 $0xFFFFFD80  }
0x18c: {  	_ =	swait.ge [sflag:s29], $0x280  }
0x18d: {  	[sflag:s29] =	ssyncset.done $0x0  }
0x18e: {  	[sflag:s29] =	ssyncadd.s32 $0xFFFFFD80  }
0x18f: {  	_ =	swait.ge [sflag:s29], $0x280  }
0x190: {  	[sflag:s29] =	ssyncset.done $0x0  }
0x191: {  	[sflag:s29] =	ssyncadd.s32 $0xFFFFFD80  }
0x192: {  	_ =	swait.ge [sflag:s29], $0x280  }
0x193: {  	[sflag:s29] =	ssyncset.done $0x0  }
0x194: {  	[sflag:s29] =	ssyncadd.s32 $0xFFFFFD80  }
0x195: {  	_ =	swait.ge [sflag:s29], $0x280  }
0x196: {  	[sflag:s29] =	ssyncset.done $0x0  }
0x197: {  	[sflag:s29] =	ssyncadd.s32 $0xFFFFFD80  }
0x198: {  	_ =	swait.ge [sflag:s29], $0x280  }
0x199: {  	[sflag:s29] =	ssyncset.done $0x0  }
0x19a: {  	[sflag:s29] =	ssyncadd.s32 $0xFFFFFD80  }
0x19b: {  	_ =	swait.ge [sflag:s29], $0x280  }
0x19c: {  	[sflag:s29] =	ssyncset.done $0x0  }
0x19d: {  	[sflag:s29] =	ssyncadd.s32 $0xFFFFFD80  }
0x19e: {  	_ =	swait.ge [sflag:s29], $0x280  }
0x19f: {  	[sflag:s29] =	ssyncset.done $0x0  }
0x1a0: {  	s31 =	sadd.s32 $0x1, s31;
	[sflag:s29] =	ssyncadd.s32 $0xFFFFFD80  }
0x1a1: {  	p0 =	sne.s32 s31, $0x7D;
	_ =	swait.ge [sflag:s29], $0x280  }
.Ltmp2:
0x1a2: {  	[sflag:s29] =	ssyncset.done $0x0;
	(pc) =	sbr.rel @p0 .LBB2_2-.Ltmp2, $4  }
0x1a3: {  	[sflag:s29] =	ssyncadd.s32 $0xFFFFFD80  }
0x1a4: {  	_ =	swait.ge [sflag:s29], $0x280  }
0x1a5: {  	[sflag:s29] =	ssyncset.done $0x0  }
0x1a6: {  	[sflag:s29] =	ssyncadd.s32 $0xFFFFFD80  }
0x1a7: {  	[bflag:$0x0] =	sbarrier.arrive $0xFFFF  }
0x1a8: {  	s7 =	simm.s32 $0x4B00;
	s1 =	rddreg [dreg:$0xd]  }
0x1a9: {  	[tilespmem:s7], [sflag:$0x4] =	stream.linear.gather [spmem:s1], $0x1870, $0x38;
	[tilespmem:$0x126F0] =	vst v63  }
0x1aa: {  	_ =	swait.ge [sflag:s14], $0x1870  }
0x1ab: {  	[sflag:s14] =	ssyncset.done $0x0  }
0x1ac: {  	s31 =	simm.s32 $0x0;
	s10 =	rddreg [dreg:$0x4];
	[sflag:s14] =	ssyncadd.s32 $0xFFFFE790  }
0x1ad: {  	[hbm4b:s10+s31] =	stream.linear.scatter [tilespmem:s7], [sflag:$0x4], $0x1870, $0x38;
	[tilespmem:$0x126F0] =	vst v63  }
0x1ae: {  	_ =	swait.ge [sflag:s14], $0x1870  }
0x1af: {  	[sflag:s14] =	ssyncset.done $0x0  }
0x1b0: {  	s11 =	rddreg [dreg:$0xe];
	[sflag:s14] =	ssyncadd.s32 $0xFFFFE790  }
0x1b1: {  	[tilespmem:s7], [sflag:$0x4] =	stream.linear.gather [spmem:s11], $0x1870, $0x38;
	[tilespmem:$0x126F0] =	vst v63  }
0x1b2: {  	_ =	swait.ge [sflag:s14], $0x1870  }
0x1b3: {  	[sflag:s14] =	ssyncset.done $0x0  }
0x1b4: {  	s9 =	rddreg [dreg:$0x12];
	[sflag:s14] =	ssyncadd.s32 $0xFFFFE790  }
0x1b5: {  	[hbm4b:s9+s31] =	stream.linear.scatter [tilespmem:s7], [sflag:$0x4], $0x1870, $0x38;
	[tilespmem:$0x126F0] =	vst v63  }
0x1b6: {  	_ =	swait.ge [sflag:s14], $0x1870  }
0x1b7: {  	[sflag:s14] =	ssyncset.done $0x0  }
0x1b8: {  	s17 =	rddreg [dreg:$0xf];
	[sflag:s14] =	ssyncadd.s32 $0xFFFFE790  }
0x1b9: {  	[tilespmem:s7], [sflag:$0x4] =	stream.linear.gather [spmem:s17], $0x1870, $0x38;
	[tilespmem:$0x126F0] =	vst v63  }
0x1ba: {  	_ =	swait.ge [sflag:s14], $0x1870  }
0x1bb: {  	[sflag:s14] =	ssyncset.done $0x0  }
0x1bc: {  	s10 =	rddreg [dreg:$0x13];
	[sflag:s14] =	ssyncadd.s32 $0xFFFFE790  }
0x1bd: {  	[hbm4b:s10+s31] =	stream.linear.scatter [tilespmem:s7], [sflag:$0x4], $0x1870, $0x38;
	[tilespmem:$0x126F0] =	vst v63  }
0x1be: {  	_ =	swait.ge [sflag:s14], $0x1870  }
0x1bf: {  	[sflag:s14] =	ssyncset.done $0x0  }
0x1c0: {  	s10 =	rddreg [dreg:$0x10];
	[sflag:s14] =	ssyncadd.s32 $0xFFFFE790  }
0x1c1: {  	[tilespmem:s7], [sflag:$0x4] =	stream.linear.gather [spmem:s10], $0x1870, $0x38;
	[tilespmem:$0x126F0] =	vst v63  }
0x1c2: {  	_ =	swait.ge [sflag:s14], $0x1870  }
0x1c3: {  	[sflag:s14] =	ssyncset.done $0x0  }
0x1c4: {  	s11 =	rddreg [dreg:$0x14];
	[sflag:s14] =	ssyncadd.s32 $0xFFFFE790  }
0x1c5: {  	[hbm4b:s11+s31] =	stream.linear.scatter [tilespmem:s7], [sflag:$0x4], $0x1870, $0x38;
	[tilespmem:$0x126F0] =	vst v63  }
0x1c6: {  	_ =	swait.ge [sflag:s14], $0x1870  }
0x1c7: {  	[sflag:s14] =	ssyncset.done $0x0  }
0x1c8: {  	s11 =	rddreg [dreg:$0x11];
	[sflag:s14] =	ssyncadd.s32 $0xFFFFE790  }
0x1c9: {  	[tilespmem:s7], [sflag:$0x4] =	stream.linear.gather [spmem:s11], $0x1870, $0x38;
	[tilespmem:$0x126F0] =	vst v63  }
0x1ca: {  	_ =	swait.ge [sflag:s14], $0x1870  }
0x1cb: {  	[sflag:s14] =	ssyncset.done $0x0  }
0x1cc: {  	s17 =	rddreg [dreg:$0x15];
	[sflag:s14] =	ssyncadd.s32 $0xFFFFE790  }
0x1cd: {  	[hbm4b:s17+s31] =	stream.linear.scatter [tilespmem:s7], [sflag:$0x4], $0x1870, $0x38;
	[tilespmem:$0x126F0] =	vst v63  }
0x1ce: {  	_ =	swait.ge [sflag:s14], $0x1870  }
0x1cf: {  	[sflag:s14] =	ssyncset.done $0x0  }
0x1d0: {  	s9 =	rddreg [dreg:$0x19];
	[sflag:s14] =	ssyncadd.s32 $0xFFFFE790  }
0x1d1: {  	[tilespmem:s7], [sflag:$0x4] =	stream.linear.gather [spmem:s9], $0x1870, $0x38;
	[tilespmem:$0x126F0] =	vst v63  }
0x1d2: {  	_ =	swait.ge [sflag:s14], $0x1870  }
0x1d3: {  	[sflag:s14] =	ssyncset.done $0x0  }
0x1d4: {  	s8 =	rddreg [dreg:$0x16];
	[sflag:s14] =	ssyncadd.s32 $0xFFFFE790  }
0x1d5: {  	[hbm4b:s8+s31] =	stream.linear.scatter [tilespmem:s7], [sflag:$0x4], $0x1870, $0x38;
	[tilespmem:$0x126F0] =	vst v63  }
0x1d6: {  	_ =	swait.ge [sflag:s14], $0x1870  }
0x1d7: {  	[sflag:s14] =	ssyncset.done $0x0  }
0x1d8: {  	s8 =	rddreg [dreg:$0x1a];
	[sflag:s14] =	ssyncadd.s32 $0xFFFFE790  }
0x1d9: {  	[tilespmem:s7], [sflag:$0x4] =	stream.linear.gather [spmem:s8], $0x1870, $0x38;
	[tilespmem:$0x126F0] =	vst v63  }
0x1da: {  	_ =	swait.ge [sflag:s14], $0x1870  }
0x1db: {  	[sflag:s14] =	ssyncset.done $0x0  }
0x1dc: {  	s1 =	rddreg [dreg:$0x17];
	[sflag:s14] =	ssyncadd.s32 $0xFFFFE790  }
0x1dd: {  	[hbm4b:s1+s31] =	stream.linear.scatter [tilespmem:s7], [sflag:$0x4], $0x1870, $0x38;
	[tilespmem:$0x126F0] =	vst v63  }
0x1de: {  	_ =	swait.ge [sflag:s14], $0x1870  }
0x1df: {  	[sflag:s14] =	ssyncset.done $0x0  }
0x1e0: {  	s1 =	rddreg [dreg:$0x1b];
	[sflag:s14] =	ssyncadd.s32 $0xFFFFE790  }
0x1e1: {  	[tilespmem:s7], [sflag:$0x4] =	stream.linear.gather [spmem:s1], $0x1870, $0x38;
	[tilespmem:$0x126F0] =	vst v63  }
0x1e2: {  	_ =	swait.ge [sflag:s14], $0x1870  }
0x1e3: {  	[sflag:s14] =	ssyncset.done $0x0  }
0x1e4: {  	s17 =	rddreg [dreg:$0x18];
	[sflag:s14] =	ssyncadd.s32 $0xFFFFE790  }
0x1e5: {  	[hbm4b:s17+s31] =	stream.linear.scatter [tilespmem:s7], [sflag:$0x4], $0x1870, $0x38;
	[tilespmem:$0x126F0] =	vst v63  }
0x1e6: {  	_ =	swait.ge [sflag:s14], $0x1870  }
0x1e7: {  	[sflag:s14] =	ssyncset.done $0x0  }
0x1e8: {  	[sflag:s14] =	ssyncadd.s32 $0xFFFFE790  }
0x1e9: {  	[bflag:$0x0] =	sbarrier.arrive $0xFFFF  }
0x1ea: {  	s17 =	rddreg [dreg:$0x1]  }
0x1eb: {  	[tilespmem:s7], [sflag:$0x4] =	stream.linear.gather [hbm4b:s17+s31], $0x1870, $0x38;
	[tilespmem:$0x126F0] =	vst v63  }
0x1ec: {  	_ =	swait.ge [sflag:s14], $0x1870  }
0x1ed: {  	[sflag:s14] =	ssyncset.done $0x0  }
0x1ee: {  	s17 =	rddreg [dreg:$0xd];
	[sflag:s14] =	ssyncadd.s32 $0xFFFFE790  }
0x1ef: {  	[spmem:s17] =	stream.linear.scatter [tilespmem:s7], [sflag:$0x4], $0x1870, $0x38;
	[tilespmem:$0x126F0] =	vst v63  }
0x1f0: {  	_ =	swait.ge [sflag:s14], $0x1870  }
0x1f1: {  	[sflag:s14] =	ssyncset.done $0x0  }
0x1f2: {  	s17 =	rddreg [dreg:$0xe];
	[sflag:s14] =	ssyncadd.s32 $0xFFFFE790  }
0x1f3: {  	[spmem:s17] =	stream.linear.scatter [tilespmem:s7], [sflag:$0x4], $0x1870, $0x38;
	[tilespmem:$0x126F0] =	vst v63  }
0x1f4: {  	_ =	swait.ge [sflag:s14], $0x1870  }
0x1f5: {  	[sflag:s14] =	ssyncset.done $0x0  }
0x1f6: {  	s17 =	rddreg [dreg:$0xf];
	[sflag:s14] =	ssyncadd.s32 $0xFFFFE790  }
0x1f7: {  	[spmem:s17] =	stream.linear.scatter [tilespmem:s7], [sflag:$0x4], $0x1870, $0x38;
	[tilespmem:$0x126F0] =	vst v63  }
0x1f8: {  	_ =	swait.ge [sflag:s14], $0x1870  }
0x1f9: {  	[sflag:s14] =	ssyncset.done $0x0  }
0x1fa: {  	[sflag:s14] =	ssyncadd.s32 $0xFFFFE790  }
0x1fb: {  	[spmem:s10] =	stream.linear.scatter [tilespmem:s7], [sflag:$0x4], $0x1870, $0x38;
	[tilespmem:$0x126F0] =	vst v63  }
0x1fc: {  	_ =	swait.ge [sflag:s14], $0x1870  }
0x1fd: {  	[sflag:s14] =	ssyncset.done $0x0  }
0x1fe: {  	[sflag:s14] =	ssyncadd.s32 $0xFFFFE790  }
0x1ff: {  	[spmem:s11] =	stream.linear.scatter [tilespmem:s7], [sflag:$0x4], $0x1870, $0x38;
	[tilespmem:$0x126F0] =	vst v63  }
0x200: {  	_ =	swait.ge [sflag:s14], $0x1870  }
0x201: {  	[sflag:s14] =	ssyncset.done $0x0  }
0x202: {  	[sflag:s14] =	ssyncadd.s32 $0xFFFFE790  }
0x203: {  	[spmem:s9] =	stream.linear.scatter [tilespmem:s7], [sflag:$0x4], $0x1870, $0x38;
	[tilespmem:$0x126F0] =	vst v63  }
0x204: {  	_ =	swait.ge [sflag:s14], $0x1870  }
0x205: {  	[sflag:s14] =	ssyncset.done $0x0  }
0x206: {  	[sflag:s14] =	ssyncadd.s32 $0xFFFFE790  }
0x207: {  	[spmem:s8] =	stream.linear.scatter [tilespmem:s7], [sflag:$0x4], $0x1870, $0x38;
	[tilespmem:$0x126F0] =	vst v63  }
0x208: {  	_ =	swait.ge [sflag:s14], $0x1870  }
0x209: {  	[sflag:s14] =	ssyncset.done $0x0  }
0x20a: {  	[sflag:s14] =	ssyncadd.s32 $0xFFFFE790  }
0x20b: {  	[spmem:s1] =	stream.linear.scatter [tilespmem:s7], [sflag:$0x4], $0x1870, $0x38;
	[tilespmem:$0x126F0] =	vst v63  }
0x20c: {  	s7 =	sld [smem:$0x7FD];
	_ =	swait.ge [sflag:s14], $0x1870  }
0x20d: {  	[sflag:s14] =	ssyncset.done $0x0  }
0x20e: {  	[sflag:s14] =	ssyncadd.s32 $0xFFFFE790  }
0x20f: {  	[bflag:$0x0] =	sbarrier.arrive $0xFFFF  }
0x210: {  	s8 =	rddreg [dreg:$0x1d]  }
0x211: {  	s9 =	rddreg [dreg:$0x1e]  }
0x212: {  	[tilespmem:s31], [sflag:$0x1] =	stream.linear.gather [hbm4b:s8+s31], $0x320, $0x38;
	[tilespmem:$0x126F0] =	vst v63  }
0x213: {  	s10 =	simm.s32 $0x320;
	s11 =	rddreg [dreg:$0x1f]  }
0x214: {  	[tilespmem:s10], [sflag:$0x1] =	stream.linear.gather [hbm4b:s9+s31], $0x320, $0x38;
	[tilespmem:$0x126F0] =	vst v63  }
0x215: {  	s17 =	simm.s32 $0x640;
	s9 =	sld [smem:$0x7E9]  }
0x216: {  	[tilespmem:s17], [sflag:$0x1] =	stream.linear.gather [hbm4b:s11+s31], $0x320, $0x38;
	[tilespmem:$0x126F0] =	vst v63  }
0x217: {  	s10 =	simm.s32 $0x12C0;
	s11 =	sld [smem:$0x7EB]  }
0x218: {  	[tilespmem:s10], [sflag:$0x1] =	stream.linear.gather [hbm4b:s9+s31], $0x50, $0x38;
	[tilespmem:$0x126F0] =	vst v63  }
0x219: {  	s17 =	simm.s32 $0x1310;
	s9 =	sld [smem:$0x7ED]  }
0x21a: {  	[tilespmem:s17], [sflag:$0x1] =	stream.linear.gather [hbm4b:s11+s31], $0x50, $0x38;
	[tilespmem:$0x126F0] =	vst v63  }
0x21b: {  	s10 =	simm.s32 $0x1360;
	s11 =	sld [smem:$0x7EF]  }
0x21c: {  	[tilespmem:s10], [sflag:$0x1] =	stream.linear.gather [hbm4b:s9+s31], $0x50, $0x38;
	[tilespmem:$0x126F0] =	vst v63  }
0x21d: {  	s17 =	simm.s32 $0x13B0;
	s9 =	sld [smem:$0x7F1]  }
0x21e: {  	[tilespmem:s17], [sflag:$0x1] =	stream.linear.gather [hbm4b:s11+s31], $0x50, $0x38;
	[tilespmem:$0x126F0] =	vst v63  }
0x21f: {  	s10 =	simm.s32 $0x1400;
	s11 =	sld [smem:$0x7F3]  }
0x220: {  	[tilespmem:s10], [sflag:$0x1] =	stream.linear.gather [hbm4b:s9+s31], $0x50, $0x38;
	[tilespmem:$0x126F0] =	vst v63  }
0x221: {  	s17 =	simm.s32 $0x1450;
	s9 =	sld [smem:$0x7F5]  }
0x222: {  	[tilespmem:s17], [sflag:$0x1] =	stream.linear.gather [hbm4b:s11+s31], $0x50, $0x38;
	[tilespmem:$0x126F0] =	vst v63  }
0x223: {  	s10 =	simm.s32 $0x14A0;
	s11 =	sld [smem:$0x7F7]  }
0x224: {  	[tilespmem:s10], [sflag:$0x1] =	stream.linear.gather [hbm4b:s9+s31], $0x50, $0x38;
	[tilespmem:$0x126F0] =	vst v63  }
0x225: {  	s17 =	simm.s32 $0x14F0;
	s9 =	sld [smem:$0x7F9]  }
0x226: {  	[tilespmem:s17], [sflag:$0x1] =	stream.linear.gather [hbm4b:s11+s31], $0x50, $0x38;
	[tilespmem:$0x126F0] =	vst v63  }
0x227: {  	s10 =	simm.s32 $0x1540;
	s11 =	sld [smem:$0x7FB]  }
0x228: {  	[tilespmem:s10], [sflag:$0x1] =	stream.linear.gather [hbm4b:s9+s31], $0x50, $0x38;
	[tilespmem:$0x126F0] =	vst v63  }
0x229: {  	s1 =	simm.s32 $0x0;
	s17 =	simm.s32 $0x1590  }
0x22a: {  	[tilespmem:s17], [sflag:$0x1] =	stream.linear.gather [hbm4b:s11+s31], $0x50, $0x38;
	[tilespmem:$0x126F0] =	vst v63  }
.LBB2_8:
0x22b: {  	_ =	swait.ge [sflag:s19], $0x320  }
0x22c: {  	[sflag:s19] =	ssyncset.done $0x0  }
0x22d: {  	[sflag:s19] =	ssyncadd.s32 $0xFFFFFCE0  }
0x22e: {  	_ =	swait.ge [sflag:s19], $0x320  }
0x22f: {  	[sflag:s19] =	ssyncset.done $0x0  }
0x230: {  	[sflag:s19] =	ssyncadd.s32 $0xFFFFFCE0  }
0x231: {  	_ =	swait.ge [sflag:s19], $0x320  }
0x232: {  	[sflag:s19] =	ssyncset.done $0x0  }
0x233: {  	[sflag:s19] =	ssyncadd.s32 $0xFFFFFCE0  }
0x234: {  	_ =	swait.ge [sflag:s19], $0x50  }
0x235: {  	[sflag:s19] =	ssyncset.done $0x0  }
0x236: {  	[sflag:s19] =	ssyncadd.s32 $0xFFFFFFB0  }
0x237: {  	_ =	swait.ge [sflag:s19], $0x50  }
0x238: {  	[sflag:s19] =	ssyncset.done $0x0  }
0x239: {  	[sflag:s19] =	ssyncadd.s32 $0xFFFFFFB0  }
0x23a: {  	_ =	swait.ge [sflag:s19], $0x50  }
0x23b: {  	[sflag:s19] =	ssyncset.done $0x0  }
0x23c: {  	[sflag:s19] =	ssyncadd.s32 $0xFFFFFFB0  }
0x23d: {  	_ =	swait.ge [sflag:s19], $0x50  }
0x23e: {  	[sflag:s19] =	ssyncset.done $0x0  }
0x23f: {  	[sflag:s19] =	ssyncadd.s32 $0xFFFFFFB0  }
0x240: {  	_ =	swait.ge [sflag:s19], $0x50  }
0x241: {  	[sflag:s19] =	ssyncset.done $0x0  }
0x242: {  	[sflag:s19] =	ssyncadd.s32 $0xFFFFFFB0  }
0x243: {  	_ =	swait.ge [sflag:s19], $0x50  }
0x244: {  	[sflag:s19] =	ssyncset.done $0x0  }
0x245: {  	[sflag:s19] =	ssyncadd.s32 $0xFFFFFFB0  }
0x246: {  	_ =	swait.ge [sflag:s19], $0x50  }
0x247: {  	[sflag:s19] =	ssyncset.done $0x0  }
0x248: {  	[sflag:s19] =	ssyncadd.s32 $0xFFFFFFB0  }
0x249: {  	_ =	swait.ge [sflag:s19], $0x50  }
0x24a: {  	[sflag:s19] =	ssyncset.done $0x0  }
0x24b: {  	[sflag:s19] =	ssyncadd.s32 $0xFFFFFFB0  }
0x24c: {  	_ =	swait.ge [sflag:s19], $0x50  }
0x24d: {  	[sflag:s19] =	ssyncset.done $0x0  }
0x24e: {  	[sflag:s19] =	ssyncadd.s32 $0xFFFFFFB0  }
0x24f: {  	s8 =	smul.u32 $0x640, s1;
	_ =	swait.ge [sflag:s19], $0x50  }
0x250: {  	s9 =	rddreg [dreg:$0x1c]  }
0x251: {  	s9 =	sadd.s32 s8, s9  }
0x252: {  	[sflag:s19] =	ssyncset.done $0x0;
	s9 =	sshrl.u32 s9, $0x3  }
0x253: {  	s11 =	simm.s32 $0x960;
	[sflag:s19] =	ssyncadd.s32 $0xFFFFFFB0;
	s10 =	sadd.s32 s13, s9  }
0x254: {  	[tilespmem:s11], [sflag:$0x2] =	stream.linear.gather [hbm4b:s10+s31], $0x320, $0x38;
	[tilespmem:$0x126F0] =	vst v63  }
0x255: {  	s17 =	simm.s32 $0xC80;
	s11 =	sadd.s32 s15, s9  }
0x256: {  	[tilespmem:s17], [sflag:$0x2] =	stream.linear.gather [hbm4b:s11+s31], $0x320, $0x38;
	[tilespmem:$0x126F0] =	vst v63  }
0x257: {  	s11 =	sadd.s32 s16, s9;
	s17 =	simm.s32 $0xFA0  }
0x258: {  	[tilespmem:s17], [sflag:$0x2] =	stream.linear.gather [hbm4b:s11+s31], $0x320, $0x38;
	[tilespmem:$0x126F0] =	vst v63  }
0x259: {  	s9 =	sadd.s32 s6, s9  }
0x25a: {  	[tilespmem:s23], [sflag:$0x2] =	stream.linear.gather [hbm4b:s9+s31], $0x50, $0x38;
	[tilespmem:$0x126F0] =	vst v63  }
0x25b: {  	s17 =	sadd.s32 $0xA, s9  }
0x25c: {  	[tilespmem:s0], [sflag:$0x2] =	stream.linear.gather [hbm4b:s17+s31], $0x50, $0x38;
	[tilespmem:$0x126F0] =	vst v63  }
0x25d: {  	s11 =	sadd.s32 $0x14, s9  }
0x25e: {  	[tilespmem:s4], [sflag:$0x2] =	stream.linear.gather [hbm4b:s11+s31], $0x50, $0x38;
	[tilespmem:$0x126F0] =	vst v63  }
0x25f: {  	s17 =	sadd.s32 $0x1E, s9  }
0x260: {  	[tilespmem:s5], [sflag:$0x2] =	stream.linear.gather [hbm4b:s17+s31], $0x50, $0x38;
	[tilespmem:$0x126F0] =	vst v63  }
0x261: {  	s11 =	sadd.s32 $0x28, s9  }
0x262: {  	[tilespmem:s3], [sflag:$0x2] =	stream.linear.gather [hbm4b:s11+s31], $0x50, $0x38;
	[tilespmem:$0x126F0] =	vst v63  }
0x263: {  	s17 =	sadd.s32 $0x32, s9  }
0x264: {  	[tilespmem:s12], [sflag:$0x2] =	stream.linear.gather [hbm4b:s17+s31], $0x50, $0x38;
	[tilespmem:$0x126F0] =	vst v63  }
0x265: {  	s11 =	sadd.s32 $0x3C, s9  }
0x266: {  	[tilespmem:s20], [sflag:$0x2] =	stream.linear.gather [hbm4b:s11+s31], $0x50, $0x38;
	[tilespmem:$0x126F0] =	vst v63  }
0x267: {  	s17 =	sadd.s32 $0x46, s9  }
0x268: {  	[tilespmem:s21], [sflag:$0x2] =	stream.linear.gather [hbm4b:s17+s31], $0x50, $0x38;
	[tilespmem:$0x126F0] =	vst v63  }
0x269: {  	s11 =	sadd.s32 $0x50, s9  }
0x26a: {  	[tilespmem:s22], [sflag:$0x2] =	stream.linear.gather [hbm4b:s11+s31], $0x50, $0x38;
	[tilespmem:$0x126F0] =	vst v63  }
0x26b: {  	v1 =	vmov s31;
	s9 =	sadd.s32 $0x5A, s9  }
0x26c: {  	v1 =	vshll.u32 v1, $0x3;
	[tilespmem:s26], [sflag:$0x2] =	stream.linear.gather [hbm4b:s9+s31], $0x50, $0x38;
	[tilespmem:$0x126F0] =	vst v63  }
0x26d: {  	v3 =	vor.u32 v0, v1;
	v2 =	vld [tilespmem:s31+$0x0];
	_ =	sdelay $0x4  }
0x26e: {  	s11 =	simm.s32 $0x320;
	[tilespmem:v3+s24+$0x0] =	vst.idx.msk $0xffff, v2  }
0x26f: {  	v2 =	vor.u32 $0x1, v3;
	v1 =	vld [tilespmem:s11+$0x0];
	_ =	sdelay $0x4  }
0x270: {  	s9 =	simm.s32 $0x640;
	[tilespmem:v2+s24+$0x0] =	vst.idx.msk $0xffff, v1  }
0x271: {  	v2 =	vor.u32 $0x2, v3;
	v1 =	vld [tilespmem:s9+$0x0];
	_ =	sdelay $0x2  }
0x272: {  	s17 =	simm.s32 $0x10  }
0x273: {  	s10 =	simm.s32 $0x0;
	v3 =	vmov s17;
	s17 =	simm.s32 $0x20  }
.LBB2_9:
0x274: {  	p0 =	sne.s32 s17, $0x310;
	v3 =	vshll.u32 v3, $0x3;
	[tilespmem:v2+s24+$0x0] =	vst.idx.msk $0xffff, v1;
	s10 =	sadd.s32 $0x10, s10  }
0x275: {  	v1 =	vld [tilespmem:s10+$0x0];
	v2 =	vor.u32 v0, v3;
	_ =	sdelay $0x4  }
0x276: {  	s11 =	sadd.s32 $0x10, s11;
	[tilespmem:v2+s24+$0x0] =	vst.idx.msk $0xffff, v1  }
0x277: {  	v3 =	vor.u32 $0x1, v2;
	v1 =	vld [tilespmem:s11+$0x0];
	_ =	sdelay $0x4  }
0x278: {  	s9 =	sadd.s32 $0x10, s9;
	[tilespmem:v3+s24+$0x0] =	vst.idx.msk $0xffff, v1  }
.Ltmp3:
0x279: {  	v2 =	vor.u32 $0x2, v2;
	v1 =	vld [tilespmem:s9+$0x0];
	(pc) =	sbr.rel @p0 .LBB2_9-.Ltmp3, $2  }
0x27a: {  	_ =	sdelay $0x2  }
0x27b: {  	v3 =	vmov s17;
	s17 =	sadd.s32 $0x10, s17  }
0x27c: {  	_ =	sdelay $0x3  }
0x27d: {  	v3 =	vshll.u32 v3, $0x3;
	[tilespmem:v2+s24+$0x0] =	vst.idx.msk $0xffff, v1;
	s10 =	sadd.s32 $0x10, s10  }
0x27e: {  	v1 =	vld [tilespmem:s10+$0x0];
	v2 =	vor.u32 v0, v3;
	_ =	sdelay $0x4  }
0x27f: {  	s17 =	sadd.s32 $0x10, s11;
	[tilespmem:v2+s24+$0x0] =	vst.idx.msk $0xffff, v1  }
0x280: {  	v3 =	vor.u32 $0x1, v2;
	v1 =	vld [tilespmem:s17+$0x0];
	_ =	sdelay $0x4  }
0x281: {  	s9 =	sadd.s32 $0x10, s9;
	[tilespmem:v3+s24+$0x0] =	vst.idx.msk $0xffff, v1  }
0x282: {  	v2 =	vor.u32 $0x2, v2;
	v1 =	vld [tilespmem:s9+$0x0];
	_ =	sdelay $0x4  }
0x283: {  	s10 =	simm.s32 $0x12C0;
	[tilespmem:v2+s24+$0x0] =	vst.idx.msk $0xffff, v1  }
0x284: {  	[spmem:s2] =	stream.indirect.scatter.add.f32 [tilespmem:s24], [sflag:$0x3], $0x8, s10, s28, $0xb8;
	[tilespmem:$0x126F0] =	vst v63  }
0x285: {  	s11 =	simm.s32 $0x1310;
	s17 =	simm.s32 $0x1B80  }
0x286: {  	[spmem:s2] =	stream.indirect.scatter.add.f32 [tilespmem:s17], [sflag:$0x3], $0x8, s11, s28, $0xb8;
	[tilespmem:$0x126F0] =	vst v63  }
0x287: {  	s11 =	simm.s32 $0x1360;
	s17 =	simm.s32 $0x1E00  }
0x288: {  	[spmem:s2] =	stream.indirect.scatter.add.f32 [tilespmem:s17], [sflag:$0x3], $0x8, s11, s28, $0xb8;
	[tilespmem:$0x126F0] =	vst v63  }
0x289: {  	s11 =	simm.s32 $0x13B0;
	s17 =	simm.s32 $0x2080  }
0x28a: {  	[spmem:s2] =	stream.indirect.scatter.add.f32 [tilespmem:s17], [sflag:$0x3], $0x8, s11, s28, $0xb8;
	[tilespmem:$0x126F0] =	vst v63  }
0x28b: {  	s11 =	simm.s32 $0x1400;
	s17 =	simm.s32 $0x2300  }
0x28c: {  	[spmem:s2] =	stream.indirect.scatter.add.f32 [tilespmem:s17], [sflag:$0x3], $0x8, s11, s28, $0xb8;
	[tilespmem:$0x126F0] =	vst v63  }
0x28d: {  	s11 =	simm.s32 $0x1450;
	s17 =	simm.s32 $0x2580  }
0x28e: {  	[spmem:s2] =	stream.indirect.scatter.add.f32 [tilespmem:s17], [sflag:$0x3], $0x8, s11, s28, $0xb8;
	[tilespmem:$0x126F0] =	vst v63  }
0x28f: {  	s11 =	simm.s32 $0x14A0;
	s17 =	simm.s32 $0x2800  }
0x290: {  	[spmem:s2] =	stream.indirect.scatter.add.f32 [tilespmem:s17], [sflag:$0x3], $0x8, s11, s28, $0xb8;
	[tilespmem:$0x126F0] =	vst v63  }
0x291: {  	s11 =	simm.s32 $0x14F0;
	s17 =	simm.s32 $0x2A80  }
0x292: {  	[spmem:s2] =	stream.indirect.scatter.add.f32 [tilespmem:s17], [sflag:$0x3], $0x8, s11, s28, $0xb8;
	[tilespmem:$0x126F0] =	vst v63  }
0x293: {  	s11 =	simm.s32 $0x1540;
	s17 =	simm.s32 $0x2D00  }
0x294: {  	[spmem:s2] =	stream.indirect.scatter.add.f32 [tilespmem:s17], [sflag:$0x3], $0x8, s11, s28, $0xb8;
	[tilespmem:$0x126F0] =	vst v63  }
0x295: {  	s10 =	simm.s32 $0x1590;
	s11 =	simm.s32 $0x2F80  }
0x296: {  	[spmem:s2] =	stream.indirect.scatter.add.f32 [tilespmem:s11], [sflag:$0x3], $0x8, s10, s28, $0xb8;
	[tilespmem:$0x126F0] =	vst v63  }
0x297: {  	_ =	swait.ge [sflag:s29], $0x280  }
0x298: {  	[sflag:s29] =	ssyncset.done $0x0  }
0x299: {  	[sflag:s29] =	ssyncadd.s32 $0xFFFFFD80  }
0x29a: {  	_ =	swait.ge [sflag:s29], $0x280  }
0x29b: {  	[sflag:s29] =	ssyncset.done $0x0  }
0x29c: {  	[sflag:s29] =	ssyncadd.s32 $0xFFFFFD80  }
0x29d: {  	_ =	swait.ge [sflag:s29], $0x280  }
0x29e: {  	[sflag:s29] =	ssyncset.done $0x0  }
0x29f: {  	[sflag:s29] =	ssyncadd.s32 $0xFFFFFD80  }
0x2a0: {  	_ =	swait.ge [sflag:s29], $0x280  }
0x2a1: {  	[sflag:s29] =	ssyncset.done $0x0  }
0x2a2: {  	[sflag:s29] =	ssyncadd.s32 $0xFFFFFD80  }
0x2a3: {  	_ =	swait.ge [sflag:s29], $0x280  }
0x2a4: {  	[sflag:s29] =	ssyncset.done $0x0  }
0x2a5: {  	[sflag:s29] =	ssyncadd.s32 $0xFFFFFD80  }
0x2a6: {  	_ =	swait.ge [sflag:s29], $0x280  }
0x2a7: {  	[sflag:s29] =	ssyncset.done $0x0  }
0x2a8: {  	[sflag:s29] =	ssyncadd.s32 $0xFFFFFD80  }
0x2a9: {  	_ =	swait.ge [sflag:s29], $0x280  }
0x2aa: {  	[sflag:s29] =	ssyncset.done $0x0  }
0x2ab: {  	[sflag:s29] =	ssyncadd.s32 $0xFFFFFD80  }
0x2ac: {  	_ =	swait.ge [sflag:s29], $0x280  }
0x2ad: {  	[sflag:s29] =	ssyncset.done $0x0  }
0x2ae: {  	[sflag:s29] =	ssyncadd.s32 $0xFFFFFD80  }
0x2af: {  	_ =	swait.ge [sflag:s29], $0x280  }
0x2b0: {  	[sflag:s29] =	ssyncset.done $0x0  }
0x2b1: {  	[sflag:s29] =	ssyncadd.s32 $0xFFFFFD80  }
0x2b2: {  	_ =	swait.ge [sflag:s29], $0x280  }
0x2b3: {  	[sflag:s29] =	ssyncset.done $0x0  }
0x2b4: {  	[sflag:s29] =	ssyncadd.s32 $0xFFFFFD80  }
0x2b5: {  	_ =	swait.ge [sflag:s30], $0x320  }
0x2b6: {  	[sflag:s30] =	ssyncset.done $0x0  }
0x2b7: {  	[sflag:s30] =	ssyncadd.s32 $0xFFFFFCE0  }
0x2b8: {  	_ =	swait.ge [sflag:s30], $0x320  }
0x2b9: {  	[sflag:s30] =	ssyncset.done $0x0  }
0x2ba: {  	[sflag:s30] =	ssyncadd.s32 $0xFFFFFCE0  }
0x2bb: {  	_ =	swait.ge [sflag:s30], $0x320  }
0x2bc: {  	[sflag:s30] =	ssyncset.done $0x0  }
0x2bd: {  	[sflag:s30] =	ssyncadd.s32 $0xFFFFFCE0  }
0x2be: {  	_ =	swait.ge [sflag:s30], $0x50  }
0x2bf: {  	[sflag:s30] =	ssyncset.done $0x0  }
0x2c0: {  	[sflag:s30] =	ssyncadd.s32 $0xFFFFFFB0  }
0x2c1: {  	_ =	swait.ge [sflag:s30], $0x50  }
0x2c2: {  	[sflag:s30] =	ssyncset.done $0x0  }
0x2c3: {  	[sflag:s30] =	ssyncadd.s32 $0xFFFFFFB0  }
0x2c4: {  	_ =	swait.ge [sflag:s30], $0x50  }
0x2c5: {  	[sflag:s30] =	ssyncset.done $0x0  }
0x2c6: {  	[sflag:s30] =	ssyncadd.s32 $0xFFFFFFB0  }
0x2c7: {  	_ =	swait.ge [sflag:s30], $0x50  }
0x2c8: {  	[sflag:s30] =	ssyncset.done $0x0  }
0x2c9: {  	[sflag:s30] =	ssyncadd.s32 $0xFFFFFFB0  }
0x2ca: {  	_ =	swait.ge [sflag:s30], $0x50  }
0x2cb: {  	[sflag:s30] =	ssyncset.done $0x0  }
0x2cc: {  	[sflag:s30] =	ssyncadd.s32 $0xFFFFFFB0  }
0x2cd: {  	_ =	swait.ge [sflag:s30], $0x50  }
0x2ce: {  	[sflag:s30] =	ssyncset.done $0x0  }
0x2cf: {  	[sflag:s30] =	ssyncadd.s32 $0xFFFFFFB0  }
0x2d0: {  	_ =	swait.ge [sflag:s30], $0x50  }
0x2d1: {  	[sflag:s30] =	ssyncset.done $0x0  }
0x2d2: {  	[sflag:s30] =	ssyncadd.s32 $0xFFFFFFB0  }
0x2d3: {  	_ =	swait.ge [sflag:s30], $0x50  }
0x2d4: {  	[sflag:s30] =	ssyncset.done $0x0  }
0x2d5: {  	[sflag:s30] =	ssyncadd.s32 $0xFFFFFFB0  }
0x2d6: {  	_ =	swait.ge [sflag:s30], $0x50  }
0x2d7: {  	[sflag:s30] =	ssyncset.done $0x0  }
0x2d8: {  	p0 =	seq.s32 s1, $0x7C;
	[sflag:s30] =	ssyncadd.s32 $0xFFFFFFB0  }
0x2d9: {  	s8 =	sadd.s32 @!p0 s8, s7;
	_ =	swait.ge [sflag:s30], $0x50  }
0x2da: {  	s8 =	sshrl.u32 @!p0 s8, $0x3;
	[sflag:s30] =	ssyncset.done $0x0  }
0x2db: {  	s9 =	sadd.s32 @!p0 s13, s8;
	s10 =	simm.s32 @!p0 $0x0;
	[sflag:s30] =	ssyncadd.s32 $0xFFFFFFB0  }
0x2dc: {  	[tilespmem:s10], [sflag:$0x1] =	stream.linear.gather @!p0 [hbm4b:s9+s10], $0x320, $0x38;
	[tilespmem:$0x126F0] =	vst v63  }
0x2dd: {  	s11 =	simm.s32 @!p0 $0x320;
	s9 =	sadd.s32 @!p0 s15, s8  }
0x2de: {  	[tilespmem:s11], [sflag:$0x1] =	stream.linear.gather @!p0 [hbm4b:s9+s10], $0x320, $0x38;
	[tilespmem:$0x126F0] =	vst v63  }
0x2df: {  	s9 =	sadd.s32 @!p0 s16, s8;
	s11 =	simm.s32 @!p0 $0x640  }
0x2e0: {  	[tilespmem:s11], [sflag:$0x1] =	stream.linear.gather @!p0 [hbm4b:s9+s10], $0x320, $0x38;
	[tilespmem:$0x126F0] =	vst v63  }
0x2e1: {  	s8 =	sadd.s32 @!p0 s6, s8;
	s9 =	simm.s32 @!p0 $0x12C0  }
0x2e2: {  	[tilespmem:s9], [sflag:$0x1] =	stream.linear.gather @!p0 [hbm4b:s8+s10], $0x50, $0x38;
	[tilespmem:$0x126F0] =	vst v63  }
0x2e3: {  	s11 =	simm.s32 @!p0 $0x1310;
	s9 =	sadd.s32 @!p0 $0xA, s8  }
0x2e4: {  	[tilespmem:s11], [sflag:$0x1] =	stream.linear.gather @!p0 [hbm4b:s9+s10], $0x50, $0x38;
	[tilespmem:$0x126F0] =	vst v63  }
0x2e5: {  	s9 =	sadd.s32 @!p0 $0x14, s8;
	s11 =	simm.s32 @!p0 $0x1360  }
0x2e6: {  	[tilespmem:s11], [sflag:$0x1] =	stream.linear.gather @!p0 [hbm4b:s9+s10], $0x50, $0x38;
	[tilespmem:$0x126F0] =	vst v63  }
0x2e7: {  	s9 =	sadd.s32 @!p0 $0x1E, s8;
	s11 =	simm.s32 @!p0 $0x13B0  }
0x2e8: {  	[tilespmem:s11], [sflag:$0x1] =	stream.linear.gather @!p0 [hbm4b:s9+s10], $0x50, $0x38;
	[tilespmem:$0x126F0] =	vst v63  }
0x2e9: {  	s9 =	sadd.s32 @!p0 $0x28, s8;
	s11 =	simm.s32 @!p0 $0x1400  }
0x2ea: {  	[tilespmem:s11], [sflag:$0x1] =	stream.linear.gather @!p0 [hbm4b:s9+s10], $0x50, $0x38;
	[tilespmem:$0x126F0] =	vst v63  }
0x2eb: {  	s9 =	sadd.s32 @!p0 $0x32, s8;
	s11 =	simm.s32 @!p0 $0x1450  }
0x2ec: {  	[tilespmem:s11], [sflag:$0x1] =	stream.linear.gather @!p0 [hbm4b:s9+s10], $0x50, $0x38;
	[tilespmem:$0x126F0] =	vst v63  }
0x2ed: {  	s9 =	sadd.s32 @!p0 $0x3C, s8;
	s11 =	simm.s32 @!p0 $0x14A0  }
0x2ee: {  	[tilespmem:s11], [sflag:$0x1] =	stream.linear.gather @!p0 [hbm4b:s9+s10], $0x50, $0x38;
	[tilespmem:$0x126F0] =	vst v63  }
0x2ef: {  	s9 =	sadd.s32 @!p0 $0x46, s8;
	s11 =	simm.s32 @!p0 $0x14F0  }
0x2f0: {  	[tilespmem:s11], [sflag:$0x1] =	stream.linear.gather @!p0 [hbm4b:s9+s10], $0x50, $0x38;
	[tilespmem:$0x126F0] =	vst v63  }
0x2f1: {  	s9 =	sadd.s32 @!p0 $0x50, s8;
	s11 =	simm.s32 @!p0 $0x1540  }
0x2f2: {  	[tilespmem:s11], [sflag:$0x1] =	stream.linear.gather @!p0 [hbm4b:s9+s10], $0x50, $0x38;
	[tilespmem:$0x126F0] =	vst v63  }
0x2f3: {  	s17 =	simm.s32 $0x0;
	s8 =	sadd.s32 @!p0 $0x5A, s8;
	s9 =	simm.s32 @!p0 $0x1590  }
0x2f4: {  	v1 =	vmov s17;
	[tilespmem:s9], [sflag:$0x1] =	stream.linear.gather @!p0 [hbm4b:s8+s10], $0x50, $0x38;
	[tilespmem:$0x126F0] =	vst v63  }
0x2f5: {  	v1 =	vshll.u32 v1, $0x3;
	s8 =	simm.s32 $0x960  }
0x2f6: {  	v3 =	vor.u32 v0, v1;
	v2 =	vld [tilespmem:s8+$0x0];
	_ =	sdelay $0x4  }
0x2f7: {  	s9 =	simm.s32 $0xC80;
	[tilespmem:v3+s25+$0x0] =	vst.idx.msk $0xffff, v2  }
0x2f8: {  	v2 =	vor.u32 $0x1, v3;
	v1 =	vld [tilespmem:s9+$0x0];
	_ =	sdelay $0x4  }
0x2f9: {  	s11 =	simm.s32 $0xFA0;
	[tilespmem:v2+s25+$0x0] =	vst.idx.msk $0xffff, v1  }
0x2fa: {  	v2 =	vor.u32 $0x2, v3;
	v1 =	vld [tilespmem:s11+$0x0];
	_ =	sdelay $0x2  }
0x2fb: {  	s17 =	simm.s32 $0x10  }
0x2fc: {  	s10 =	simm.s32 $0x20;
	v3 =	vmov s17  }
.LBB2_11:
0x2fd: {  	p0 =	sne.s32 s10, $0x310;
	v3 =	vshll.u32 v3, $0x3;
	[tilespmem:v2+s25+$0x0] =	vst.idx.msk $0xffff, v1;
	s8 =	sadd.s32 $0x10, s8  }
0x2fe: {  	v1 =	vld [tilespmem:s8+$0x0];
	v2 =	vor.u32 v0, v3;
	_ =	sdelay $0x4  }
0x2ff: {  	s9 =	sadd.s32 $0x10, s9;
	[tilespmem:v2+s25+$0x0] =	vst.idx.msk $0xffff, v1  }
0x300: {  	v3 =	vor.u32 $0x1, v2;
	v1 =	vld [tilespmem:s9+$0x0];
	_ =	sdelay $0x4  }
0x301: {  	s11 =	sadd.s32 $0x10, s11;
	[tilespmem:v3+s25+$0x0] =	vst.idx.msk $0xffff, v1  }
.Ltmp4:
0x302: {  	v2 =	vor.u32 $0x2, v2;
	v1 =	vld [tilespmem:s11+$0x0];
	(pc) =	sbr.rel @p0 .LBB2_11-.Ltmp4, $2  }
0x303: {  	_ =	sdelay $0x2  }
0x304: {  	v3 =	vmov s10;
	s10 =	sadd.s32 $0x10, s10  }
0x305: {  	_ =	sdelay $0x3  }
0x306: {  	v3 =	vshll.u32 v3, $0x3;
	[tilespmem:v2+s25+$0x0] =	vst.idx.msk $0xffff, v1;
	s8 =	sadd.s32 $0x10, s8  }
0x307: {  	v1 =	vld [tilespmem:s8+$0x0];
	v2 =	vor.u32 v0, v3;
	_ =	sdelay $0x4  }
0x308: {  	s10 =	sadd.s32 $0x10, s9;
	[tilespmem:v2+s25+$0x0] =	vst.idx.msk $0xffff, v1  }
0x309: {  	v3 =	vor.u32 $0x1, v2;
	v1 =	vld [tilespmem:s10+$0x0];
	_ =	sdelay $0x4  }
0x30a: {  	s11 =	sadd.s32 $0x10, s11;
	[tilespmem:v3+s25+$0x0] =	vst.idx.msk $0xffff, v1  }
0x30b: {  	v2 =	vor.u32 $0x2, v2;
	v1 =	vld [tilespmem:s11+$0x0];
	_ =	sdelay $0x4  }
0x30c: {  	[tilespmem:v2+s25+$0x0] =	vst.idx.msk $0xffff, v1  }
0x30d: {  	[spmem:s2] =	stream.indirect.scatter.add.f32 [tilespmem:s25], [sflag:$0x3], $0x8, s23, s28, $0xb8;
	[tilespmem:$0x126F0] =	vst v63  }
0x30e: {  	s17 =	simm.s32 $0x3480  }
0x30f: {  	[spmem:s2] =	stream.indirect.scatter.add.f32 [tilespmem:s17], [sflag:$0x3], $0x8, s0, s28, $0xb8;
	[tilespmem:$0x126F0] =	vst v63  }
0x310: {  	s9 =	simm.s32 $0x3700  }
0x311: {  	[spmem:s2] =	stream.indirect.scatter.add.f32 [tilespmem:s9], [sflag:$0x3], $0x8, s4, s28, $0xb8;
	[tilespmem:$0x126F0] =	vst v63  }
0x312: {  	s10 =	simm.s32 $0x3980  }
0x313: {  	[spmem:s2] =	stream.indirect.scatter.add.f32 [tilespmem:s10], [sflag:$0x3], $0x8, s5, s28, $0xb8;
	[tilespmem:$0x126F0] =	vst v63  }
0x314: {  	s11 =	simm.s32 $0x3C00  }
0x315: {  	[spmem:s2] =	stream.indirect.scatter.add.f32 [tilespmem:s11], [sflag:$0x3], $0x8, s3, s28, $0xb8;
	[tilespmem:$0x126F0] =	vst v63  }
0x316: {  	s17 =	simm.s32 $0x3E80  }
0x317: {  	[spmem:s2] =	stream.indirect.scatter.add.f32 [tilespmem:s17], [sflag:$0x3], $0x8, s12, s28, $0xb8;
	[tilespmem:$0x126F0] =	vst v63  }
0x318: {  	s9 =	simm.s32 $0x4100  }
0x319: {  	[spmem:s2] =	stream.indirect.scatter.add.f32 [tilespmem:s9], [sflag:$0x3], $0x8, s20, s28, $0xb8;
	[tilespmem:$0x126F0] =	vst v63  }
0x31a: {  	s10 =	simm.s32 $0x4380  }
0x31b: {  	[spmem:s2] =	stream.indirect.scatter.add.f32 [tilespmem:s10], [sflag:$0x3], $0x8, s21, s28, $0xb8;
	[tilespmem:$0x126F0] =	vst v63  }
0x31c: {  	s11 =	simm.s32 $0x4600  }
0x31d: {  	[spmem:s2] =	stream.indirect.scatter.add.f32 [tilespmem:s11], [sflag:$0x3], $0x8, s22, s28, $0xb8;
	[tilespmem:$0x126F0] =	vst v63  }
0x31e: {  	s17 =	simm.s32 $0x4880  }
0x31f: {  	[spmem:s2] =	stream.indirect.scatter.add.f32 [tilespmem:s17], [sflag:$0x3], $0x8, s26, s28, $0xb8;
	[tilespmem:$0x126F0] =	vst v63  }
0x320: {  	_ =	swait.ge [sflag:s29], $0x280  }
0x321: {  	[sflag:s29] =	ssyncset.done $0x0  }
0x322: {  	[sflag:s29] =	ssyncadd.s32 $0xFFFFFD80  }
0x323: {  	_ =	swait.ge [sflag:s29], $0x280  }
0x324: {  	[sflag:s29] =	ssyncset.done $0x0  }
0x325: {  	[sflag:s29] =	ssyncadd.s32 $0xFFFFFD80  }
0x326: {  	_ =	swait.ge [sflag:s29], $0x280  }
0x327: {  	[sflag:s29] =	ssyncset.done $0x0  }
0x328: {  	[sflag:s29] =	ssyncadd.s32 $0xFFFFFD80  }
0x329: {  	_ =	swait.ge [sflag:s29], $0x280  }
0x32a: {  	[sflag:s29] =	ssyncset.done $0x0  }
0x32b: {  	[sflag:s29] =	ssyncadd.s32 $0xFFFFFD80  }
0x32c: {  	_ =	swait.ge [sflag:s29], $0x280  }
0x32d: {  	[sflag:s29] =	ssyncset.done $0x0  }
0x32e: {  	[sflag:s29] =	ssyncadd.s32 $0xFFFFFD80  }
0x32f: {  	_ =	swait.ge [sflag:s29], $0x280  }
0x330: {  	[sflag:s29] =	ssyncset.done $0x0  }
0x331: {  	[sflag:s29] =	ssyncadd.s32 $0xFFFFFD80  }
0x332: {  	_ =	swait.ge [sflag:s29], $0x280  }
0x333: {  	[sflag:s29] =	ssyncset.done $0x0  }
0x334: {  	[sflag:s29] =	ssyncadd.s32 $0xFFFFFD80  }
0x335: {  	_ =	swait.ge [sflag:s29], $0x280  }
0x336: {  	[sflag:s29] =	ssyncset.done $0x0  }
0x337: {  	s1 =	sadd.s32 $0x1, s1;
	[sflag:s29] =	ssyncadd.s32 $0xFFFFFD80  }
0x338: {  	p0 =	sne.s32 s1, $0x7D;
	_ =	swait.ge [sflag:s29], $0x280  }
.Ltmp5:
0x339: {  	[sflag:s29] =	ssyncset.done $0x0;
	(pc) =	sbr.rel @p0 .LBB2_8-.Ltmp5, $4  }
0x33a: {  	[sflag:s29] =	ssyncadd.s32 $0xFFFFFD80  }
0x33b: {  	_ =	swait.ge [sflag:s29], $0x280  }
0x33c: {  	[sflag:s29] =	ssyncset.done $0x0  }
0x33d: {  	[sflag:s29] =	ssyncadd.s32 $0xFFFFFD80  }
0x33e: {  	[bflag:$0x0] =	sbarrier.arrive $0xFFFF  }
0x33f: {  	s7 =	simm.s32 $0x4B00;
	s1 =	rddreg [dreg:$0xd]  }
0x340: {  	[tilespmem:s7], [sflag:$0x4] =	stream.linear.gather [spmem:s1], $0x1870, $0x38;
	[tilespmem:$0x126F0] =	vst v63  }
0x341: {  	_ =	swait.ge [sflag:s14], $0x1870  }
0x342: {  	[sflag:s14] =	ssyncset.done $0x0  }
0x343: {  	s31 =	simm.s32 $0x0;
	s9 =	rddreg [dreg:$0x5];
	[sflag:s14] =	ssyncadd.s32 $0xFFFFE790  }
0x344: {  	[hbm4b:s9+s31] =	stream.linear.scatter [tilespmem:s7], [sflag:$0x4], $0x1870, $0x38;
	[tilespmem:$0x126F0] =	vst v63  }
0x345: {  	_ =	swait.ge [sflag:s14], $0x1870  }
0x346: {  	[sflag:s14] =	ssyncset.done $0x0  }
0x347: {  	s9 =	rddreg [dreg:$0xe];
	[sflag:s14] =	ssyncadd.s32 $0xFFFFE790  }
0x348: {  	[tilespmem:s7], [sflag:$0x4] =	stream.linear.gather [spmem:s9], $0x1870, $0x38;
	[tilespmem:$0x126F0] =	vst v63  }
0x349: {  	_ =	swait.ge [sflag:s14], $0x1870  }
0x34a: {  	[sflag:s14] =	ssyncset.done $0x0  }
0x34b: {  	s10 =	rddreg [dreg:$0x6];
	[sflag:s14] =	ssyncadd.s32 $0xFFFFE790  }
0x34c: {  	[hbm4b:s10+s31] =	stream.linear.scatter [tilespmem:s7], [sflag:$0x4], $0x1870, $0x38;
	[tilespmem:$0x126F0] =	vst v63  }
0x34d: {  	_ =	swait.ge [sflag:s14], $0x1870  }
0x34e: {  	[sflag:s14] =	ssyncset.done $0x0  }
0x34f: {  	s10 =	rddreg [dreg:$0xf];
	[sflag:s14] =	ssyncadd.s32 $0xFFFFE790  }
0x350: {  	[tilespmem:s7], [sflag:$0x4] =	stream.linear.gather [spmem:s10], $0x1870, $0x38;
	[tilespmem:$0x126F0] =	vst v63  }
0x351: {  	_ =	swait.ge [sflag:s14], $0x1870  }
0x352: {  	[sflag:s14] =	ssyncset.done $0x0  }
0x353: {  	s11 =	rddreg [dreg:$0x7];
	[sflag:s14] =	ssyncadd.s32 $0xFFFFE790  }
0x354: {  	[hbm4b:s11+s31] =	stream.linear.scatter [tilespmem:s7], [sflag:$0x4], $0x1870, $0x38;
	[tilespmem:$0x126F0] =	vst v63  }
0x355: {  	_ =	swait.ge [sflag:s14], $0x1870  }
0x356: {  	[sflag:s14] =	ssyncset.done $0x0  }
0x357: {  	s11 =	rddreg [dreg:$0x10];
	[sflag:s14] =	ssyncadd.s32 $0xFFFFE790  }
0x358: {  	[tilespmem:s7], [sflag:$0x4] =	stream.linear.gather [spmem:s11], $0x1870, $0x38;
	[tilespmem:$0x126F0] =	vst v63  }
0x359: {  	_ =	swait.ge [sflag:s14], $0x1870  }
0x35a: {  	[sflag:s14] =	ssyncset.done $0x0  }
0x35b: {  	s17 =	rddreg [dreg:$0x8];
	[sflag:s14] =	ssyncadd.s32 $0xFFFFE790  }
0x35c: {  	[hbm4b:s17+s31] =	stream.linear.scatter [tilespmem:s7], [sflag:$0x4], $0x1870, $0x38;
	[tilespmem:$0x126F0] =	vst v63  }
0x35d: {  	_ =	swait.ge [sflag:s14], $0x1870  }
0x35e: {  	[sflag:s14] =	ssyncset.done $0x0  }
0x35f: {  	s8 =	rddreg [dreg:$0x11];
	[sflag:s14] =	ssyncadd.s32 $0xFFFFE790  }
0x360: {  	[tilespmem:s7], [sflag:$0x4] =	stream.linear.gather [spmem:s8], $0x1870, $0x38;
	[tilespmem:$0x126F0] =	vst v63  }
0x361: {  	_ =	swait.ge [sflag:s14], $0x1870  }
0x362: {  	[sflag:s14] =	ssyncset.done $0x0  }
0x363: {  	s17 =	rddreg [dreg:$0x9];
	[sflag:s14] =	ssyncadd.s32 $0xFFFFE790  }
0x364: {  	[hbm4b:s17+s31] =	stream.linear.scatter [tilespmem:s7], [sflag:$0x4], $0x1870, $0x38;
	[tilespmem:$0x126F0] =	vst v63  }
0x365: {  	_ =	swait.ge [sflag:s14], $0x1870  }
0x366: {  	[sflag:s14] =	ssyncset.done $0x0  }
0x367: {  	s8 =	rddreg [dreg:$0x19];
	[sflag:s14] =	ssyncadd.s32 $0xFFFFE790  }
0x368: {  	[tilespmem:s7], [sflag:$0x4] =	stream.linear.gather [spmem:s8], $0x1870, $0x38;
	[tilespmem:$0x126F0] =	vst v63  }
0x369: {  	_ =	swait.ge [sflag:s14], $0x1870  }
0x36a: {  	[sflag:s14] =	ssyncset.done $0x0  }
0x36b: {  	s17 =	rddreg [dreg:$0xa];
	[sflag:s14] =	ssyncadd.s32 $0xFFFFE790  }
0x36c: {  	[hbm4b:s17+s31] =	stream.linear.scatter [tilespmem:s7], [sflag:$0x4], $0x1870, $0x38;
	[tilespmem:$0x126F0] =	vst v63  }
0x36d: {  	_ =	swait.ge [sflag:s14], $0x1870  }
0x36e: {  	[sflag:s14] =	ssyncset.done $0x0  }
0x36f: {  	s8 =	rddreg [dreg:$0x1a];
	[sflag:s14] =	ssyncadd.s32 $0xFFFFE790  }
0x370: {  	[tilespmem:s7], [sflag:$0x4] =	stream.linear.gather [spmem:s8], $0x1870, $0x38;
	[tilespmem:$0x126F0] =	vst v63  }
0x371: {  	_ =	swait.ge [sflag:s14], $0x1870  }
0x372: {  	[sflag:s14] =	ssyncset.done $0x0  }
0x373: {  	s17 =	rddreg [dreg:$0xb];
	[sflag:s14] =	ssyncadd.s32 $0xFFFFE790  }
0x374: {  	[hbm4b:s17+s31] =	stream.linear.scatter [tilespmem:s7], [sflag:$0x4], $0x1870, $0x38;
	[tilespmem:$0x126F0] =	vst v63  }
0x375: {  	_ =	swait.ge [sflag:s14], $0x1870  }
0x376: {  	[sflag:s14] =	ssyncset.done $0x0  }
0x377: {  	s8 =	rddreg [dreg:$0x1b];
	[sflag:s14] =	ssyncadd.s32 $0xFFFFE790  }
0x378: {  	[tilespmem:s7], [sflag:$0x4] =	stream.linear.gather [spmem:s8], $0x1870, $0x38;
	[tilespmem:$0x126F0] =	vst v63  }
0x379: {  	_ =	swait.ge [sflag:s14], $0x1870  }
0x37a: {  	[sflag:s14] =	ssyncset.done $0x0  }
0x37b: {  	s17 =	rddreg [dreg:$0xc];
	[sflag:s14] =	ssyncadd.s32 $0xFFFFE790  }
0x37c: {  	[hbm4b:s17+s31] =	stream.linear.scatter [tilespmem:s7], [sflag:$0x4], $0x1870, $0x38;
	[tilespmem:$0x126F0] =	vst v63  }
0x37d: {  	_ =	swait.ge [sflag:s14], $0x1870  }
0x37e: {  	[sflag:s14] =	ssyncset.done $0x0  }
0x37f: {  	[sflag:s14] =	ssyncadd.s32 $0xFFFFE790  }
0x380: {  	[bflag:$0x0] =	sbarrier.arrive $0xFFFF  }
0x381: {  	s17 =	rddreg [dreg:$0x1]  }
0x382: {  	[tilespmem:s7], [sflag:$0x4] =	stream.linear.gather [hbm4b:s17+s31], $0x1870, $0x38;
	[tilespmem:$0x126F0] =	vst v63  }
0x383: {  	s7 =	sld [smem:$0x7FD];
	_ =	swait.ge [sflag:s14], $0x1870  }
0x384: {  	s8 =	sld [smem:$0x7E7]  }
0x385: {  	s1 =	sld [smem:$0x7FC];
	_ =	sdelay $0x1  }
0x386: {  	s8 =	sadd.s32 $0x1, s8  }
0x387: {  	p0 =	sne.s32 s8, s1  }
.Ltmp6:
0x388: {  	_ = 	snop;
	(pc) =	sbr.rel @p0 .LBB2_1-.Ltmp6, $3  }
0x389: {  	_ =	sdelay $0x1  }
0x38a: {  	[sflag:s14] =	ssyncset.done $0x0  }
0x38b: {  	[sflag:s14] =	ssyncadd.s32 $0xFFFFE790;
	s1 =	simm.s32 $0x4B00  }
0x38c: {  	_ =	sfence.sel $0x180000  }
0x38d: {  	[bflag:$0x0] =	sbarrier.arrive $0xFFFF  }
0x38e: {  	_ =	strace $0x90000047  }
0x38f: {  	s0 =	stileid.u32;
	[bflag:$0x2] =	sbarrier.arrive $0xFFFF  }
0x390: {  	p0 =	sne.s32 s0, $0x0;
	s0 =	rddreg [dreg:$0x3]  }
0x391: {  	s0 =	sadd.s32 @!p0 $0x100000, s0  }
0x392: {  	[sflag:s0] =	ssyncadd.tile.s32 @!p0 $0x1;
	_ =	shalt  }
.Lfunc_end2:
_tile_overlayer_lowered:
.L_overlay_start_2:
0x393: {  	(tag) =	ssettag $0x2  }
0x394: {  	s0 =	rddreg [dreg:$0x0];
	s2 =	stileid.u32  }
0x395: {  	s1 =	rddreg [dreg:$0x1];
	p0 =	sne.s32 s2, $0x0  }
0x396: {  	s3 =	rddreg [dreg:$0x2];
	[bflag:$0x3] =	sbarrier.arrive $0xFFFF;
	s2 =	simm.s32 @!p0 $0x1C04  }
0x397: {  	[timem:s3], [sflag:s2] =	dma.local @!p0 [hbm:s0], s1  }
0x398: {  	s0 =	simm.s32 @!p0 $0x4  }
0x399: {  	_ =	swait.ge @!p0 [sflag:s0], s1  }
0x39a: {  	s1 =	ssub.s32 @!p0 $0x0, s1;
	[sflag:s0] =	ssyncset.done @!p0 $0x0  }
0x39b: {  	[sflag:s0] =	ssyncadd.s32 @!p0 s1  }
0x39c: {  	[bflag:$0x3] =	sbarrier.arrive $0xFFFF  }
0x39d: {  	_ =	shalt  }

</sc_bundles>
